<compile_context>
chip_gen: v7x
topology: tpu7x:2x2x1
jax: 0.10.2.dev20260603
libtpu: 0.0.44.dev20260713+nightly
codegen_flags: <defaults>
</compile_context>

<pallas_src>
import dataclasses

import jax
import jax.numpy as jnp
from jax.experimental import pallas as pl
from jax.experimental.pallas import tpu as pltpu
from jax.experimental.pallas import tpu_sc as plsc

N = 10000
E = 320000
D = 128
N_PAD = 10240
NC, NS = 2, 16
NW = NC * NS
EPW = E // NW
BLK = 40
NBLK = EPW // BLK
LANES = 16
ZCOPIES = N_PAD // NS // BLK


def _gates_body(x_ref, wsgt_ref, bsg_ref, wdgt_ref, bdg_ref, tsrc_ref, edst_ref):
    x = x_ref[...]
    es = jnp.dot(x, wsgt_ref[...], preferred_element_type=jnp.float32)
    tsrc_ref[:, :D] = es + bsg_ref[...]
    tsrc_ref[:, D:] = x
    ed = jnp.dot(x, wdgt_ref[...], preferred_element_type=jnp.float32)
    edst_ref[...] = ed + bdg_ref[...]


def _gates(node_feats, wsgt, bsg, wdgt, bdg):
    nb = 2000
    return pl.pallas_call(
        _gates_body,
        grid=(N // nb,),
        in_specs=[
            pl.BlockSpec((nb, D), lambda i: (i, 0)),
            pl.BlockSpec((D, D), lambda i: (0, 0)),
            pl.BlockSpec((1, D), lambda i: (0, 0)),
            pl.BlockSpec((D, D), lambda i: (0, 0)),
            pl.BlockSpec((1, D), lambda i: (0, 0)),
        ],
        out_specs=[
            pl.BlockSpec((nb, 2 * D), lambda i: (i, 0)),
            pl.BlockSpec((nb, D), lambda i: (i, 0)),
        ],
        out_shape=[
            jax.ShapeDtypeStruct((N, 2 * D), jnp.float32),
            jax.ShapeDtypeStruct((N, D), jnp.float32),
        ],
    )(node_feats, wsgt, bsg, wdgt, bdg)


def _edge_gate_body(ef_ref, wegt_ref, beg_ref, o_ref):
    o = jnp.dot(ef_ref[...], wegt_ref[...], preferred_element_type=jnp.float32)
    o_ref[...] = o + beg_ref[...]


def _edge_gate(edge_feats, wegt, beg):
    eb = 4000
    return pl.pallas_call(
        _edge_gate_body,
        grid=(E // eb,),
        in_specs=[
            pl.BlockSpec((eb, D), lambda i: (i, 0)),
            pl.BlockSpec((D, D), lambda i: (0, 0)),
            pl.BlockSpec((1, D), lambda i: (0, 0)),
        ],
        out_specs=pl.BlockSpec((eb, D), lambda i: (i, 0)),
        out_shape=jax.ShapeDtypeStruct((E, D), jnp.float32),
    )(edge_feats, wegt, beg)


def _sc_body(tsrc_hbm, edst_hbm, eedge_hbm, src_hbm, dst_hbm,
             m_hbm, part_hbm,
             sidx0, sidx1, didx0, didx1, gsrc0, gsrc1, gedge0, gedge1,
             msgbuf0, msgbuf1, acc, semg0, semg1, semw0, semw1,
             semi0, semi1):
    c = jax.lax.axis_index("c")
    s = jax.lax.axis_index("s")
    wid = s * NC + c
    base0 = wid * EPW
    sidx = (sidx0, sidx1)
    didx = (didx0, didx1)
    gsrc = (gsrc0, gsrc1)
    gedge = (gedge0, gedge1)
    msgbuf = (msgbuf0, msgbuf1)
    semg = (semg0, semg1)
    semw = (semw0, semw1)
    semi = (semi0, semi1)

    def load_idx(i, p):
        base = base0 + i * BLK
        pltpu.async_copy(src_hbm.at[pl.ds(base, BLK)], sidx[p], semi[p])
        pltpu.async_copy(dst_hbm.at[pl.ds(base, BLK)], didx[p], semi[p])

    def wait_idx(p):
        pltpu.make_async_copy(src_hbm.at[pl.ds(0, BLK)], sidx[p],
                              semi[p]).wait()
        pltpu.make_async_copy(dst_hbm.at[pl.ds(0, BLK)], didx[p],
                              semi[p]).wait()

    def issue_g(i, p):
        base = base0 + i * BLK
        pltpu.async_copy(tsrc_hbm.at[sidx[p]], gsrc[p], semg[p])
        pltpu.async_copy(edst_hbm.at[didx[p]], msgbuf[p], semg[p])
        pltpu.async_copy(eedge_hbm.at[pl.ds(base, BLK), :], gedge[p], semg[p])

    def wait_g(p):
        pltpu.make_async_copy(tsrc_hbm.at[pl.ds(0, BLK), :], gsrc[p],
                              semg[p]).wait()
        pltpu.make_async_copy(edst_hbm.at[pl.ds(0, BLK), :], msgbuf[p],
                              semg[p]).wait()
        pltpu.make_async_copy(eedge_hbm.at[pl.ds(0, BLK), :], gedge[p],
                              semg[p]).wait()

    def issue_w(i, p):
        base = base0 + i * BLK
        pltpu.async_copy(gedge[p], m_hbm.at[pl.ds(base, BLK), :], semw[p])
        pltpu.sync_copy(msgbuf[p], acc.at[didx[p]], add=True)

    def wait_w(p):
        pltpu.make_async_copy(gedge[p], m_hbm.at[pl.ds(0, BLK), :],
                              semw[p]).wait()

    def compute(p):
        gsr, ged, msg = gsrc[p], gedge[p], msgbuf[p]

        @plsc.parallel_loop(0, BLK, unroll=4)
        def _(e):
            for j in range(D // LANES):
                sl = pl.ds(j * LANES, LANES)
                gs = gsr[e, sl]
                nf = gsr[e, pl.ds(D + j * LANES, LANES)]
                gd = msg[e, sl]
                ge = ged[e, sl]
                mm = gs + gd + ge
                ged[e, sl] = mm
                sig = 1.0 / (1.0 + jnp.exp(-mm))
                msg[e, sl] = nf * sig

    @pl.loop(0, BLK)
    def _(r):
        for j in range(D // LANES):
            msgbuf0[r, pl.ds(j * LANES, LANES)] = jnp.zeros((LANES,),
                                                            jnp.float32)

    @pl.loop(0, ZCOPIES)
    def _(k):
        pltpu.sync_copy(msgbuf0,
                        acc.at[pl.ds((s * ZCOPIES + k) * BLK, BLK), :])

    load_idx(0, 0)
    wait_idx(0)
    issue_g(0, 0)
    load_idx(1, 1)
    plsc.subcore_barrier()

    @pl.loop(0, NBLK // 2)
    def _(t):
        for b in (0, 1):
            p, q = b, 1 - b
            i = 2 * t + b

            if b == 0:
                @pl.when(t >= 1)
                def _():
                    wait_w(q)
            else:
                wait_w(q)

            def advance():
                wait_idx(q)
                issue_g(i + 1, q)

            if b == 0:
                advance()
            else:
                @pl.when(t < NBLK // 2 - 1)
                def _():
                    advance()

            wait_g(p)
            compute(p)
            issue_w(i, p)

            @pl.when(i < NBLK - 2)
            def _():
                load_idx(i + 2, p)

    wait_w(1)
    plsc.subcore_barrier()
    rows = N_PAD // NS
    pltpu.sync_copy(acc.at[pl.ds(s * rows, rows), :],
                    part_hbm.at[c, pl.ds(s * rows, rows), :])


def _sc_msgpass(tsrc, edst, eedge, src, dst):
    mesh = plsc.VectorSubcoreMesh(core_axis_name="c", subcore_axis_name="s",
                                  num_cores=NC, num_subcores=NS)
    cp = pltpu.CompilerParams()
    if "needs_layout_passes" in pltpu.CompilerParams.__dataclass_fields__:
        cp = dataclasses.replace(cp, needs_layout_passes=False)
    f = pl.kernel(
        _sc_body,
        compiler_params=cp,
        out_type=(
            jax.ShapeDtypeStruct((E, D), jnp.float32),
            jax.ShapeDtypeStruct((NC, N_PAD, D), jnp.float32),
        ),
        mesh=mesh,
        scratch_types=[
            pltpu.VMEM((BLK,), jnp.int32),
            pltpu.VMEM((BLK,), jnp.int32),
            pltpu.VMEM((BLK,), jnp.int32),
            pltpu.VMEM((BLK,), jnp.int32),
            pltpu.VMEM((BLK, 2 * D), jnp.float32),
            pltpu.VMEM((BLK, 2 * D), jnp.float32),
            pltpu.VMEM((BLK, D), jnp.float32),
            pltpu.VMEM((BLK, D), jnp.float32),
            pltpu.VMEM((BLK, D), jnp.float32),
            pltpu.VMEM((BLK, D), jnp.float32),
            pltpu.VMEM_SHARED((N_PAD, D), jnp.float32),
            pltpu.SemaphoreType.DMA,
            pltpu.SemaphoreType.DMA,
            pltpu.SemaphoreType.DMA,
            pltpu.SemaphoreType.DMA,
            pltpu.SemaphoreType.DMA,
            pltpu.SemaphoreType.DMA,
        ],
    )
    return f(tsrc, edst, eedge, src, dst)


def _deg_body(dst2_hbm, degp_hbm, didx_l, deg):
    c = jax.lax.axis_index("c")
    s = jax.lax.axis_index("s")
    wid = s * NC + c

    @pl.loop(0, N_PAD // LANES)
    def _(i):
        deg[pl.ds(i * LANES, LANES)] = jnp.zeros((LANES,), jnp.float32)

    pltpu.sync_copy(dst2_hbm.at[wid], didx_l)
    one0 = (jax.lax.iota(jnp.int32, LANES) == 0).astype(jnp.float32)

    @pl.loop(0, EPW // LANES)
    def _(g):
        dv = didx_l[pl.ds(g * LANES, LANES)]
        for k in range(LANES):
            d = dv[k]
            deg[pl.ds(d, LANES)] = deg[pl.ds(d, LANES)] + one0

    pltpu.sync_copy(deg, degp_hbm.at[wid])


def _sc_deg(dst2):
    mesh = plsc.VectorSubcoreMesh(core_axis_name="c", subcore_axis_name="s",
                                  num_cores=NC, num_subcores=NS)
    cp = pltpu.CompilerParams()
    if "needs_layout_passes" in pltpu.CompilerParams.__dataclass_fields__:
        cp = dataclasses.replace(cp, needs_layout_passes=False)
    f = pl.kernel(
        _deg_body,
        compiler_params=cp,
        out_type=jax.ShapeDtypeStruct((NW, N_PAD), jnp.float32),
        mesh=mesh,
        scratch_types=[
            pltpu.VMEM((EPW,), jnp.int32),
            pltpu.VMEM((N_PAD,), jnp.float32),
        ],
    )
    return f(dst2)


def _final_body(x_ref, p_ref, dp_ref, wst_ref, wnt_ref, b_ref, o_ref):
    x = x_ref[...]
    p = p_ref[...]
    summed = jnp.sum(p, axis=0)
    deg = jnp.sum(dp_ref[...], axis=0)[:, None]
    hn = summed / jnp.maximum(deg, 1.0)
    out = x + jnp.dot(x, wst_ref[...], preferred_element_type=jnp.float32)
    out = out + jnp.dot(hn, wnt_ref[...], preferred_element_type=jnp.float32)
    o_ref[...] = out + b_ref[...]


def _final(node_feats, parts, degp, wst, wnt, b):
    nb = 2048
    return pl.pallas_call(
        _final_body,
        grid=(5,),
        in_specs=[
            pl.BlockSpec((nb, D), lambda i: (i, 0)),
            pl.BlockSpec((NC, nb, D), lambda i: (0, i, 0)),
            pl.BlockSpec((NW, nb), lambda i: (0, i)),
            pl.BlockSpec((D, D), lambda i: (0, 0)),
            pl.BlockSpec((D, D), lambda i: (0, 0)),
            pl.BlockSpec((1, D), lambda i: (0, 0)),
        ],
        out_specs=pl.BlockSpec((nb, D), lambda i: (i, 0)),
        out_shape=jax.ShapeDtypeStruct((N, D), jnp.float32),
    )(node_feats, parts, degp, wst, wnt, b)


def kernel(node_feats, edge_index, edge_feats,
           W_src_gate, b_src_gate, W_dst_gate, b_dst_gate,
           W_edge_gate, b_edge_gate, W_self, W_neigh, bias):
    src = edge_index[0].astype(jnp.int32)
    dst = edge_index[1].astype(jnp.int32)
    tsrc, edst = _gates(node_feats, W_src_gate.T, b_src_gate.reshape(1, D),
                        W_dst_gate.T, b_dst_gate.reshape(1, D))
    eedge = _edge_gate(edge_feats, W_edge_gate.T, b_edge_gate.reshape(1, D))
    degp = _sc_deg(dst.reshape(NW, EPW))
    m, parts = _sc_msgpass(tsrc, edst, eedge, src, dst)
    rst = _final(node_feats, parts, degp, W_self.T, W_neigh.T,
                 bias.reshape(1, D))
    return (rst, m)

# --- scband reference (transcript-rebuilt; emitter-appended) ---
"""Pipeline reference for scband-sageconv-edge-residual-32031866093818 (READ-ONLY COPY).

The authoritative reference and input builder live on the scoring server;
editing this copy changes nothing except your own understanding.
"""

import jax, jax.numpy as jnp
import numpy as np

N_NODES = 10000
N_EDGES = 320000
D = 128


def _xavier(key, shape, gain):
    fan_in, fan_out = shape[1], shape[0]
    a = gain * float(np.sqrt(6.0 / (fan_in + fan_out)))
    return jax.random.uniform(key, shape, dtype=jnp.float32, minval=-a, maxval=a)


def setup_inputs(seed: int = 0) -> dict:
    key = jax.random.key(seed)
    ks = jax.random.split(key, 12)
    gain = float(np.sqrt(2.0))  # relu gain
    node_feats = jax.random.normal(ks[0], (N_NODES, D), dtype=jnp.float32)
    edge_index = jax.random.randint(ks[1], (2, N_EDGES), 0, N_NODES, dtype=jnp.int64)
    edge_feats = jax.random.normal(ks[2], (N_EDGES, D), dtype=jnp.float32)
    # gate linears use default torch Linear init (kaiming-uniform-ish); any
    # deterministic init is fine for a numerical reference
    bound = 1.0 / float(np.sqrt(D))
    W_src_gate = jax.random.uniform(ks[3], (D, D), jnp.float32, -bound, bound)
    b_src_gate = jax.random.uniform(ks[4], (D,), jnp.float32, -bound, bound)
    W_dst_gate = jax.random.uniform(ks[5], (D, D), jnp.float32, -bound, bound)
    b_dst_gate = jax.random.uniform(ks[6], (D,), jnp.float32, -bound, bound)
    W_edge_gate = jax.random.uniform(ks[7], (D, D), jnp.float32, -bound, bound)
    b_edge_gate = jax.random.uniform(ks[8], (D,), jnp.float32, -bound, bound)
    W_self = _xavier(ks[9], (D, D), gain)   # fc_self, no bias
    W_neigh = _xavier(ks[10], (D, D), gain)  # fc_neigh, no bias
    bias = jnp.zeros((D,), dtype=jnp.float32)
    return {
        "node_feats": node_feats,
        "edge_index": edge_index,
        "edge_feats": edge_feats,
        "W_src_gate": W_src_gate, "b_src_gate": b_src_gate,
        "W_dst_gate": W_dst_gate, "b_dst_gate": b_dst_gate,
        "W_edge_gate": W_edge_gate, "b_edge_gate": b_edge_gate,
        "W_self": W_self, "W_neigh": W_neigh, "bias": bias,
    }


def reference(node_feats, edge_index, edge_feats,
              W_src_gate, b_src_gate, W_dst_gate, b_dst_gate,
              W_edge_gate, b_edge_gate, W_self, W_neigh, bias):
    src = edge_index[0]
    dst = edge_index[1]
    n = node_feats.shape[0]
    e = edge_feats.shape[0]

    # edge gating: u_add_v(src_gate(x), dst_gate(x)) + edge_gate(e)
    e_src = node_feats @ W_src_gate.T + b_src_gate
    e_dst = node_feats @ W_dst_gate.T + b_dst_gate
    e_edge = edge_feats @ W_edge_gate.T + b_edge_gate
    m = jnp.take(e_src, src, axis=0) + jnp.take(e_dst, dst, axis=0) + e_edge
    sigma = jax.nn.sigmoid(m)

    # feat_drop is identity (p=0.0); lin_before_mp: 128 > 128 -> False
    feat_src = node_feats
    h_self = node_feats

    # message: u_mul_e(h, sigma); reduce: mean over incoming edges
    msg = jnp.take(feat_src, src, axis=0) * sigma
    summed = jax.ops.segment_sum(msg, dst, num_segments=n)
    deg = jax.ops.segment_sum(jnp.ones((e,), dtype=jnp.float32), dst, num_segments=n)
    h_neigh = summed / jnp.maximum(deg, 1.0)[:, None]  # mean; 0 for isolated dst
    h_neigh = h_neigh @ W_neigh.T

    rst = h_self @ W_self.T + h_neigh
    rst = rst + bias
    # no activation, no norm; residual=True
    rst = node_feats + rst
    return (rst, m)

if __name__ == "__main__":
    import jax
    _d = setup_inputs()
    print(jax.jit(kernel)(*tuple(_d.values())))

</pallas_src>

<mosaic_0001>
#map = affine_map<(d0, d1) -> (0, 0)>
module attributes {stable_mosaic.version = 14 : i64} {
  func.func @_deg_body(%arg0: i32, %arg1: i32, %arg2: memref<32x10000xi32, #tpu.memory_space<hbm>>, %arg3: memref<32x10240xf32, #tpu.memory_space<hbm>>, %arg4: memref<10000xi32, #tpu.memory_space<vmem>>, %arg5: memref<10240xf32, #tpu.memory_space<vmem>>) attributes {dimension_semantics = [#tpu.dimension_semantics<core_parallel>, #tpu.dimension_semantics<subcore_parallel>], iteration_bounds = array<i64: 2, 16>, scalar_prefetch = 0 : i64, scratch_operands = 2 : i64, tpu.core_type = #tpu.core_type<sc_vector_subcore>, window_params = [{transform_indices = #map}, {transform_indices = #map}]} {
    %mul3A = arith.constant 2 : i32
    %mul3A_0 = arith.muli %arg1, %mul3A : i32
    %add3A = arith.addi %mul3A_0, %arg0 : i32
    %scan3A = arith.constant 0 : i32
    %scan3A_1 = arith.constant 640 : i32
    %scan3A_2 = arith.addi %scan3A, %scan3A_1 : i32
    %scan3A_3 = arith.constant 1 : i32
    scf.for %scan3A_13 = %scan3A to %scan3A_2 step %scan3A_3  : i32 {
      %mul3A_14 = arith.constant 1 : i32
      %mul3A_15 = arith.muli %scan3A_13, %mul3A_14 : i32
      %add3A_16 = arith.constant 0 : i32
      %add3A_17 = arith.addi %add3A_16, %mul3A_15 : i32
      %broadcast_in_dim3A = arith.constant 0.000000e+00 : f32
      %broadcast_in_dim3A_18 = vector.broadcast %broadcast_in_dim3A : f32 to vector<16xf32>
      %mul3A_19 = arith.constant 16 : i32
      %mul3A_20 = arith.muli %add3A_17, %mul3A_19 : i32
      %swap3A = arith.index_cast %mul3A_20 : i32 to index
      %swap3A_21 = tpu.vector_load %arg5[%swap3A] {strides = array<i32>} : memref<10240xf32, #tpu.memory_space<vmem>>, vector<16xf32>,
      tpu.vector_store %arg5[%swap3A], %broadcast_in_dim3A_18 {strides = array<i32>} : memref<10240xf32, #tpu.memory_space<vmem>>, vector<16xf32>,
    }
    %scan3A_4 = arith.constant 640 : i32
    "tpu.region"() ({
      %run_scoped3A = tpu.sem_alloc : memref<!tpu.dma_semaphore, #tpu.memory_space<semaphore_mem>>
      %dma_start3A = arith.constant 0 : i32
      %dma_start3A_13 = tpu.memref_slice %arg2[%add3A, %dma_start3A] : memref<32x10000xi32, #tpu.memory_space<hbm>> -> memref<1x10000xi32, #tpu.memory_space<hbm>>
      %dma_start3A_14 = tpu.memref_squeeze %dma_start3A_13 : memref<1x10000xi32, #tpu.memory_space<hbm>> -> memref<10000xi32, #tpu.memory_space<hbm>>
      %dma_start3A_15 = arith.constant 0 : i32
      %dma_start3A_16 = tpu.memref_slice %arg2[%add3A, %dma_start3A_15] : memref<32x10000xi32, #tpu.memory_space<hbm>> -> memref<1x10000xi32, #tpu.memory_space<hbm>>
      %dma_start3A_17 = tpu.memref_squeeze %dma_start3A_16 : memref<1x10000xi32, #tpu.memory_space<hbm>> -> memref<10000xi32, #tpu.memory_space<hbm>>
      tpu.enqueue_dma source(%dma_start3A_17 : memref<10000xi32, #tpu.memory_space<hbm>>) target(%arg4 : memref<10000xi32, #tpu.memory_space<vmem>>) target_semaphore(%run_scoped3A : memref<!tpu.dma_semaphore, #tpu.memory_space<semaphore_mem>>)
      %dma_wait3A = arith.constant 0 : i32
      %dma_wait3A_18 = tpu.memref_slice %arg2[%add3A, %dma_wait3A] : memref<32x10000xi32, #tpu.memory_space<hbm>> -> memref<1x10000xi32, #tpu.memory_space<hbm>>
      %dma_wait3A_19 = tpu.memref_squeeze %dma_wait3A_18 : memref<1x10000xi32, #tpu.memory_space<hbm>> -> memref<10000xi32, #tpu.memory_space<hbm>>
      %dma_wait3A_20 = arith.constant 0 : i32
      %dma_wait3A_21 = tpu.memref_slice %arg2[%add3A, %dma_wait3A_20] : memref<32x10000xi32, #tpu.memory_space<hbm>> -> memref<1x10000xi32, #tpu.memory_space<hbm>>
      %dma_wait3A_22 = tpu.memref_squeeze %dma_wait3A_21 : memref<1x10000xi32, #tpu.memory_space<hbm>> -> memref<10000xi32, #tpu.memory_space<hbm>>
      tpu.wait_dma2 semaphore(%run_scoped3A : memref<!tpu.dma_semaphore, #tpu.memory_space<semaphore_mem>>) src(%dma_wait3A_22 : memref<10000xi32, #tpu.memory_space<hbm>>) dst(%arg4 : memref<10000xi32, #tpu.memory_space<vmem>>)
      tpu.yield
    }) : () -> ()
    %iota3A = tpu.iota {dimensions = array<i32: 0>} : vector<16xi32>
    %eq3A = arith.constant 0 : i32
    %eq3A_5 = vector.broadcast %eq3A : i32 to vector<16xi32>
    %eq3A_6 = arith.cmpi eq, %iota3A, %eq3A_5 : vector<16xi32>
    %convert_element_type3A = arith.extui %eq3A_6 : vector<16xi1> to vector<16xi32>
    %convert_element_type3A_7 = arith.sitofp %convert_element_type3A : vector<16xi32> to vector<16xf32>
    %scan3A_8 = arith.constant 0 : i32
    %scan3A_9 = arith.constant 625 : i32
    %scan3A_10 = arith.addi %scan3A_8, %scan3A_9 : i32
    %scan3A_11 = arith.constant 1 : i32
    scf.for %scan3A_13 = %scan3A_8 to %scan3A_10 step %scan3A_11  : i32 {
      %mul3A_14 = arith.constant 1 : i32
      %mul3A_15 = arith.muli %scan3A_13, %mul3A_14 : i32
      %add3A_16 = arith.constant 0 : i32
      %add3A_17 = arith.addi %add3A_16, %mul3A_15 : i32
      %mul3A_18 = arith.constant 16 : i32
      %mul3A_19 = arith.muli %add3A_17, %mul3A_18 : i32
      %get3A = arith.index_cast %mul3A_19 : i32 to index
      %get3A_20 = tpu.vector_load %arg4[%get3A] {strides = array<i32>} : memref<10000xi32, #tpu.memory_space<vmem>>, vector<16xi32>,
      %slice3A = vector.extract_strided_slice %get3A_20 {offsets = [0], sizes = [1], strides = [1]} : vector<16xi32> to vector<1xi32>
      %squeeze3A = vector.extract %slice3A[0] : i32 from vector<1xi32>
      %get3A_21 = arith.index_cast %squeeze3A : i32 to index
      %get3A_22 = tpu.vector_load %arg5[%get3A_21] {strides = array<i32>} : memref<10240xf32, #tpu.memory_space<vmem>>, vector<16xf32>,
      %add3A_23 = arith.addf %get3A_22, %convert_element_type3A_7 : vector<16xf32>
      %swap3A = arith.index_cast %squeeze3A : i32 to index
      %swap3A_24 = tpu.vector_load %arg5[%swap3A] {strides = array<i32>} : memref<10240xf32, #tpu.memory_space<vmem>>, vector<16xf32>,
      tpu.vector_store %arg5[%swap3A], %add3A_23 {strides = array<i32>} : memref<10240xf32, #tpu.memory_space<vmem>>, vector<16xf32>,
      %slice3A_25 = vector.extract_strided_slice %get3A_20 {offsets = [1], sizes = [1], strides = [1]} : vector<16xi32> to vector<1xi32>
      %squeeze3A_26 = vector.extract %slice3A_25[0] : i32 from vector<1xi32>
      %get3A_27 = arith.index_cast %squeeze3A_26 : i32 to index
      %get3A_28 = tpu.vector_load %arg5[%get3A_27] {strides = array<i32>} : memref<10240xf32, #tpu.memory_space<vmem>>, vector<16xf32>,
      %add3A_29 = arith.addf %get3A_28, %convert_element_type3A_7 : vector<16xf32>
      %swap3A_30 = arith.index_cast %squeeze3A_26 : i32 to index
      %swap3A_31 = tpu.vector_load %arg5[%swap3A_30] {strides = array<i32>} : memref<10240xf32, #tpu.memory_space<vmem>>, vector<16xf32>,
      tpu.vector_store %arg5[%swap3A_30], %add3A_29 {strides = array<i32>} : memref<10240xf32, #tpu.memory_space<vmem>>, vector<16xf32>,
      %slice3A_32 = vector.extract_strided_slice %get3A_20 {offsets = [2], sizes = [1], strides = [1]} : vector<16xi32> to vector<1xi32>
      %squeeze3A_33 = vector.extract %slice3A_32[0] : i32 from vector<1xi32>
      %get3A_34 = arith.index_cast %squeeze3A_33 : i32 to index
      %get3A_35 = tpu.vector_load %arg5[%get3A_34] {strides = array<i32>} : memref<10240xf32, #tpu.memory_space<vmem>>, vector<16xf32>,
      %add3A_36 = arith.addf %get3A_35, %convert_element_type3A_7 : vector<16xf32>
      %swap3A_37 = arith.index_cast %squeeze3A_33 : i32 to index
      %swap3A_38 = tpu.vector_load %arg5[%swap3A_37] {strides = array<i32>} : memref<10240xf32, #tpu.memory_space<vmem>>, vector<16xf32>,
      tpu.vector_store %arg5[%swap3A_37], %add3A_36 {strides = array<i32>} : memref<10240xf32, #tpu.memory_space<vmem>>, vector<16xf32>,
      %slice3A_39 = vector.extract_strided_slice %get3A_20 {offsets = [3], sizes = [1], strides = [1]} : vector<16xi32> to vector<1xi32>
      %squeeze3A_40 = vector.extract %slice3A_39[0] : i32 from vector<1xi32>
      %get3A_41 = arith.index_cast %squeeze3A_40 : i32 to index
      %get3A_42 = tpu.vector_load %arg5[%get3A_41] {strides = array<i32>} : memref<10240xf32, #tpu.memory_space<vmem>>, vector<16xf32>,
      %add3A_43 = arith.addf %get3A_42, %convert_element_type3A_7 : vector<16xf32>
      %swap3A_44 = arith.index_cast %squeeze3A_40 : i32 to index
      %swap3A_45 = tpu.vector_load %arg5[%swap3A_44] {strides = array<i32>} : memref<10240xf32, #tpu.memory_space<vmem>>, vector<16xf32>,
      tpu.vector_store %arg5[%swap3A_44], %add3A_43 {strides = array<i32>} : memref<10240xf32, #tpu.memory_space<vmem>>, vector<16xf32>,
      %slice3A_46 = vector.extract_strided_slice %get3A_20 {offsets = [4], sizes = [1], strides = [1]} : vector<16xi32> to vector<1xi32>
      %squeeze3A_47 = vector.extract %slice3A_46[0] : i32 from vector<1xi32>
      %get3A_48 = arith.index_cast %squeeze3A_47 : i32 to index
      %get3A_49 = tpu.vector_load %arg5[%get3A_48] {strides = array<i32>} : memref<10240xf32, #tpu.memory_space<vmem>>, vector<16xf32>,
      %add3A_50 = arith.addf %get3A_49, %convert_element_type3A_7 : vector<16xf32>
      %swap3A_51 = arith.index_cast %squeeze3A_47 : i32 to index
      %swap3A_52 = tpu.vector_load %arg5[%swap3A_51] {strides = array<i32>} : memref<10240xf32, #tpu.memory_space<vmem>>, vector<16xf32>,
      tpu.vector_store %arg5[%swap3A_51], %add3A_50 {strides = array<i32>} : memref<10240xf32, #tpu.memory_space<vmem>>, vector<16xf32>,
      %slice3A_53 = vector.extract_strided_slice %get3A_20 {offsets = [5], sizes = [1], strides = [1]} : vector<16xi32> to vector<1xi32>
      %squeeze3A_54 = vector.extract %slice3A_53[0] : i32 from vector<1xi32>
      %get3A_55 = arith.index_cast %squeeze3A_54 : i32 to index
      %get3A_56 = tpu.vector_load %arg5[%get3A_55] {strides = array<i32>} : memref<10240xf32, #tpu.memory_space<vmem>>, vector<16xf32>,
      %add3A_57 = arith.addf %get3A_56, %convert_element_type3A_7 : vector<16xf32>
      %swap3A_58 = arith.index_cast %squeeze3A_54 : i32 to index
      %swap3A_59 = tpu.vector_load %arg5[%swap3A_58] {strides = array<i32>} : memref<10240xf32, #tpu.memory_space<vmem>>, vector<16xf32>,
      tpu.vector_store %arg5[%swap3A_58], %add3A_57 {strides = array<i32>} : memref<10240xf32, #tpu.memory_space<vmem>>, vector<16xf32>,
      %slice3A_60 = vector.extract_strided_slice %get3A_20 {offsets = [6], sizes = [1], strides = [1]} : vector<16xi32> to vector<1xi32>
      %squeeze3A_61 = vector.extract %slice3A_60[0] : i32 from vector<1xi32>
      %get3A_62 = arith.index_cast %squeeze3A_61 : i32 to index
      %get3A_63 = tpu.vector_load %arg5[%get3A_62] {strides = array<i32>} : memref<10240xf32, #tpu.memory_space<vmem>>, vector<16xf32>,
      %add3A_64 = arith.addf %get3A_63, %convert_element_type3A_7 : vector<16xf32>
      %swap3A_65 = arith.index_cast %squeeze3A_61 : i32 to index
      %swap3A_66 = tpu.vector_load %arg5[%swap3A_65] {strides = array<i32>} : memref<10240xf32, #tpu.memory_space<vmem>>, vector<16xf32>,
      tpu.vector_store %arg5[%swap3A_65], %add3A_64 {strides = array<i32>} : memref<10240xf32, #tpu.memory_space<vmem>>, vector<16xf32>,
      %slice3A_67 = vector.extract_strided_slice %get3A_20 {offsets = [7], sizes = [1], strides = [1]} : vector<16xi32> to vector<1xi32>
      %squeeze3A_68 = vector.extract %slice3A_67[0] : i32 from vector<1xi32>
      %get3A_69 = arith.index_cast %squeeze3A_68 : i32 to index
      %get3A_70 = tpu.vector_load %arg5[%get3A_69] {strides = array<i32>} : memref<10240xf32, #tpu.memory_space<vmem>>, vector<16xf32>,
      %add3A_71 = arith.addf %get3A_70, %convert_element_type3A_7 : vector<16xf32>
      %swap3A_72 = arith.index_cast %squeeze3A_68 : i32 to index
      %swap3A_73 = tpu.vector_load %arg5[%swap3A_72] {strides = array<i32>} : memref<10240xf32, #tpu.memory_space<vmem>>, vector<16xf32>,
      tpu.vector_store %arg5[%swap3A_72], %add3A_71 {strides = array<i32>} : memref<10240xf32, #tpu.memory_space<vmem>>, vector<16xf32>,
      %slice3A_74 = vector.extract_strided_slice %get3A_20 {offsets = [8], sizes = [1], strides = [1]} : vector<16xi32> to vector<1xi32>
      %squeeze3A_75 = vector.extract %slice3A_74[0] : i32 from vector<1xi32>
      %get3A_76 = arith.index_cast %squeeze3A_75 : i32 to index
      %get3A_77 = tpu.vector_load %arg5[%get3A_76] {strides = array<i32>} : memref<10240xf32, #tpu.memory_space<vmem>>, vector<16xf32>,
      %add3A_78 = arith.addf %get3A_77, %convert_element_type3A_7 : vector<16xf32>
      %swap3A_79 = arith.index_cast %squeeze3A_75 : i32 to index
      %swap3A_80 = tpu.vector_load %arg5[%swap3A_79] {strides = array<i32>} : memref<10240xf32, #tpu.memory_space<vmem>>, vector<16xf32>,
      tpu.vector_store %arg5[%swap3A_79], %add3A_78 {strides = array<i32>} : memref<10240xf32, #tpu.memory_space<vmem>>, vector<16xf32>,
      %slice3A_81 = vector.extract_strided_slice %get3A_20 {offsets = [9], sizes = [1], strides = [1]} : vector<16xi32> to vector<1xi32>
      %squeeze3A_82 = vector.extract %slice3A_81[0] : i32 from vector<1xi32>
      %get3A_83 = arith.index_cast %squeeze3A_82 : i32 to index
      %get3A_84 = tpu.vector_load %arg5[%get3A_83] {strides = array<i32>} : memref<10240xf32, #tpu.memory_space<vmem>>, vector<16xf32>,
      %add3A_85 = arith.addf %get3A_84, %convert_element_type3A_7 : vector<16xf32>
      %swap3A_86 = arith.index_cast %squeeze3A_82 : i32 to index
      %swap3A_87 = tpu.vector_load %arg5[%swap3A_86] {strides = array<i32>} : memref<10240xf32, #tpu.memory_space<vmem>>, vector<16xf32>,
      tpu.vector_store %arg5[%swap3A_86], %add3A_85 {strides = array<i32>} : memref<10240xf32, #tpu.memory_space<vmem>>, vector<16xf32>,
      %slice3A_88 = vector.extract_strided_slice %get3A_20 {offsets = [10], sizes = [1], strides = [1]} : vector<16xi32> to vector<1xi32>
      %squeeze3A_89 = vector.extract %slice3A_88[0] : i32 from vector<1xi32>
      %get3A_90 = arith.index_cast %squeeze3A_89 : i32 to index
      %get3A_91 = tpu.vector_load %arg5[%get3A_90] {strides = array<i32>} : memref<10240xf32, #tpu.memory_space<vmem>>, vector<16xf32>,
      %add3A_92 = arith.addf %get3A_91, %convert_element_type3A_7 : vector<16xf32>
      %swap3A_93 = arith.index_cast %squeeze3A_89 : i32 to index
      %swap3A_94 = tpu.vector_load %arg5[%swap3A_93] {strides = array<i32>} : memref<10240xf32, #tpu.memory_space<vmem>>, vector<16xf32>,
      tpu.vector_store %arg5[%swap3A_93], %add3A_92 {strides = array<i32>} : memref<10240xf32, #tpu.memory_space<vmem>>, vector<16xf32>,
      %slice3A_95 = vector.extract_strided_slice %get3A_20 {offsets = [11], sizes = [1], strides = [1]} : vector<16xi32> to vector<1xi32>
      %squeeze3A_96 = vector.extract %slice3A_95[0] : i32 from vector<1xi32>
      %get3A_97 = arith.index_cast %squeeze3A_96 : i32 to index
      %get3A_98 = tpu.vector_load %arg5[%get3A_97] {strides = array<i32>} : memref<10240xf32, #tpu.memory_space<vmem>>, vector<16xf32>,
      %add3A_99 = arith.addf %get3A_98, %convert_element_type3A_7 : vector<16xf32>
      %swap3A_100 = arith.index_cast %squeeze3A_96 : i32 to index
      %swap3A_101 = tpu.vector_load %arg5[%swap3A_100] {strides = array<i32>} : memref<10240xf32, #tpu.memory_space<vmem>>, vector<16xf32>,
      tpu.vector_store %arg5[%swap3A_100], %add3A_99 {strides = array<i32>} : memref<10240xf32, #tpu.memory_space<vmem>>, vector<16xf32>,
      %slice3A_102 = vector.extract_strided_slice %get3A_20 {offsets = [12], sizes = [1], strides = [1]} : vector<16xi32> to vector<1xi32>
      %squeeze3A_103 = vector.extract %slice3A_102[0] : i32 from vector<1xi32>
      %get3A_104 = arith.index_cast %squeeze3A_103 : i32 to index
      %get3A_105 = tpu.vector_load %arg5[%get3A_104] {strides = array<i32>} : memref<10240xf32, #tpu.memory_space<vmem>>, vector<16xf32>,
      %add3A_106 = arith.addf %get3A_105, %convert_element_type3A_7 : vector<16xf32>
      %swap3A_107 = arith.index_cast %squeeze3A_103 : i32 to index
      %swap3A_108 = tpu.vector_load %arg5[%swap3A_107] {strides = array<i32>} : memref<10240xf32, #tpu.memory_space<vmem>>, vector<16xf32>,
      tpu.vector_store %arg5[%swap3A_107], %add3A_106 {strides = array<i32>} : memref<10240xf32, #tpu.memory_space<vmem>>, vector<16xf32>,
      %slice3A_109 = vector.extract_strided_slice %get3A_20 {offsets = [13], sizes = [1], strides = [1]} : vector<16xi32> to vector<1xi32>
      %squeeze3A_110 = vector.extract %slice3A_109[0] : i32 from vector<1xi32>
      %get3A_111 = arith.index_cast %squeeze3A_110 : i32 to index
      %get3A_112 = tpu.vector_load %arg5[%get3A_111] {strides = array<i32>} : memref<10240xf32, #tpu.memory_space<vmem>>, vector<16xf32>,
      %add3A_113 = arith.addf %get3A_112, %convert_element_type3A_7 : vector<16xf32>
      %swap3A_114 = arith.index_cast %squeeze3A_110 : i32 to index
      %swap3A_115 = tpu.vector_load %arg5[%swap3A_114] {strides = array<i32>} : memref<10240xf32, #tpu.memory_space<vmem>>, vector<16xf32>,
      tpu.vector_store %arg5[%swap3A_114], %add3A_113 {strides = array<i32>} : memref<10240xf32, #tpu.memory_space<vmem>>, vector<16xf32>,
      %slice3A_116 = vector.extract_strided_slice %get3A_20 {offsets = [14], sizes = [1], strides = [1]} : vector<16xi32> to vector<1xi32>
      %squeeze3A_117 = vector.extract %slice3A_116[0] : i32 from vector<1xi32>
      %get3A_118 = arith.index_cast %squeeze3A_117 : i32 to index
      %get3A_119 = tpu.vector_load %arg5[%get3A_118] {strides = array<i32>} : memref<10240xf32, #tpu.memory_space<vmem>>, vector<16xf32>,
      %add3A_120 = arith.addf %get3A_119, %convert_element_type3A_7 : vector<16xf32>
      %swap3A_121 = arith.index_cast %squeeze3A_117 : i32 to index
      %swap3A_122 = tpu.vector_load %arg5[%swap3A_121] {strides = array<i32>} : memref<10240xf32, #tpu.memory_space<vmem>>, vector<16xf32>,
      tpu.vector_store %arg5[%swap3A_121], %add3A_120 {strides = array<i32>} : memref<10240xf32, #tpu.memory_space<vmem>>, vector<16xf32>,
      %slice3A_123 = vector.extract_strided_slice %get3A_20 {offsets = [15], sizes = [1], strides = [1]} : vector<16xi32> to vector<1xi32>
      %squeeze3A_124 = vector.extract %slice3A_123[0] : i32 from vector<1xi32>
      %get3A_125 = arith.index_cast %squeeze3A_124 : i32 to index
      %get3A_126 = tpu.vector_load %arg5[%get3A_125] {strides = array<i32>} : memref<10240xf32, #tpu.memory_space<vmem>>, vector<16xf32>,
      %add3A_127 = arith.addf %get3A_126, %convert_element_type3A_7 : vector<16xf32>
      %swap3A_128 = arith.index_cast %squeeze3A_124 : i32 to index
      %swap3A_129 = tpu.vector_load %arg5[%swap3A_128] {strides = array<i32>} : memref<10240xf32, #tpu.memory_space<vmem>>, vector<16xf32>,
      tpu.vector_store %arg5[%swap3A_128], %add3A_127 {strides = array<i32>} : memref<10240xf32, #tpu.memory_space<vmem>>, vector<16xf32>,
    }
    %scan3A_12 = arith.constant 625 : i32
    "tpu.region"() ({
      %run_scoped3A = tpu.sem_alloc : memref<!tpu.dma_semaphore, #tpu.memory_space<semaphore_mem>>
      %dma_start3A = arith.constant 0 : i32
      %dma_start3A_13 = tpu.memref_slice %arg3[%add3A, %dma_start3A] : memref<32x10240xf32, #tpu.memory_space<hbm>> -> memref<1x10240xf32, #tpu.memory_space<hbm>>
      %dma_start3A_14 = tpu.memref_squeeze %dma_start3A_13 : memref<1x10240xf32, #tpu.memory_space<hbm>> -> memref<10240xf32, #tpu.memory_space<hbm>>
      %dma_start3A_15 = arith.constant 0 : i32
      %dma_start3A_16 = tpu.memref_slice %arg3[%add3A, %dma_start3A_15] : memref<32x10240xf32, #tpu.memory_space<hbm>> -> memref<1x10240xf32, #tpu.memory_space<hbm>>
      %dma_start3A_17 = tpu.memref_squeeze %dma_start3A_16 : memref<1x10240xf32, #tpu.memory_space<hbm>> -> memref<10240xf32, #tpu.memory_space<hbm>>
      tpu.enqueue_dma source(%arg5 : memref<10240xf32, #tpu.memory_space<vmem>>) target(%dma_start3A_17 : memref<10240xf32, #tpu.memory_space<hbm>>) target_semaphore(%run_scoped3A : memref<!tpu.dma_semaphore, #tpu.memory_space<semaphore_mem>>)
      %dma_wait3A = arith.constant 0 : i32
      %dma_wait3A_18 = tpu.memref_slice %arg3[%add3A, %dma_wait3A] : memref<32x10240xf32, #tpu.memory_space<hbm>> -> memref<1x10240xf32, #tpu.memory_space<hbm>>
      %dma_wait3A_19 = tpu.memref_squeeze %dma_wait3A_18 : memref<1x10240xf32, #tpu.memory_space<hbm>> -> memref<10240xf32, #tpu.memory_space<hbm>>
      %dma_wait3A_20 = arith.constant 0 : i32
      %dma_wait3A_21 = tpu.memref_slice %arg3[%add3A, %dma_wait3A_20] : memref<32x10240xf32, #tpu.memory_space<hbm>> -> memref<1x10240xf32, #tpu.memory_space<hbm>>
      %dma_wait3A_22 = tpu.memref_squeeze %dma_wait3A_21 : memref<1x10240xf32, #tpu.memory_space<hbm>> -> memref<10240xf32, #tpu.memory_space<hbm>>
      tpu.wait_dma2 semaphore(%run_scoped3A : memref<!tpu.dma_semaphore, #tpu.memory_space<semaphore_mem>>) src(%arg5 : memref<10240xf32, #tpu.memory_space<vmem>>) dst(%dma_wait3A_22 : memref<10240xf32, #tpu.memory_space<hbm>>)
      tpu.yield
    }) : () -> ()
    return
  }
}

#map = affine_map<(d0, d1) -> (0, 0)>
#map1 = affine_map<(d0, d1) -> (0)>
#map2 = affine_map<(d0, d1) -> (0, 0, 0)>
module attributes {stable_mosaic.version = 14 : i64} {
  func.func @_sc_body(%arg0: i32, %arg1: i32, %arg2: memref<10000x256xf32, #tpu.memory_space<hbm>>, %arg3: memref<10000x128xf32, #tpu.memory_space<hbm>>, %arg4: memref<320000x128xf32, #tpu.memory_space<hbm>>, %arg5: memref<320000xi32, #tpu.memory_space<hbm>>, %arg6: memref<320000xi32, #tpu.memory_space<hbm>>, %arg7: memref<320000x128xf32, #tpu.memory_space<hbm>>, %arg8: memref<2x10240x128xf32, #tpu.memory_space<hbm>>, %arg9: memref<40xi32, #tpu.memory_space<vmem>>, %arg10: memref<40xi32, #tpu.memory_space<vmem>>, %arg11: memref<40xi32, #tpu.memory_space<vmem>>, %arg12: memref<40xi32, #tpu.memory_space<vmem>>, %arg13: memref<40x256xf32, #tpu.memory_space<vmem>>, %arg14: memref<40x256xf32, #tpu.memory_space<vmem>>, %arg15: memref<40x128xf32, #tpu.memory_space<vmem>>, %arg16: memref<40x128xf32, #tpu.memory_space<vmem>>, %arg17: memref<40x128xf32, #tpu.memory_space<vmem>>, %arg18: memref<40x128xf32, #tpu.memory_space<vmem>>, %arg19: memref<10240x128xf32, #tpu.memory_space<vmem_shared>>, %arg20: memref<!tpu.dma_semaphore, #tpu.memory_space<semaphore_mem>>, %arg21: memref<!tpu.dma_semaphore, #tpu.memory_space<semaphore_mem>>, %arg22: memref<!tpu.dma_semaphore, #tpu.memory_space<semaphore_mem>>, %arg23: memref<!tpu.dma_semaphore, #tpu.memory_space<semaphore_mem>>, %arg24: memref<!tpu.dma_semaphore, #tpu.memory_space<semaphore_mem>>, %arg25: memref<!tpu.dma_semaphore, #tpu.memory_space<semaphore_mem>>) attributes {dimension_semantics = [#tpu.dimension_semantics<core_parallel>, #tpu.dimension_semantics<subcore_parallel>], iteration_bounds = array<i64: 2, 16>, scalar_prefetch = 0 : i64, scratch_operands = 17 : i64, tpu.core_type = #tpu.core_type<sc_vector_subcore>, window_params = [{transform_indices = #map}, {transform_indices = #map}, {transform_indices = #map}, {transform_indices = #map1}, {transform_indices = #map1}, {transform_indices = #map}, {transform_indices = #map2}]} {
    %mul3A = arith.constant 2 : i32
    %mul3A_0 = arith.muli %arg1, %mul3A : i32
    %add3A = arith.addi %mul3A_0, %arg0 : i32
    %mul3A_1 = arith.constant 10000 : i32
    %mul3A_2 = arith.muli %add3A, %mul3A_1 : i32
    %scan3A = arith.constant 0 : i32
    %scan3A_3 = arith.constant 40 : i32
    %scan3A_4 = arith.addi %scan3A, %scan3A_3 : i32
    %scan3A_5 = arith.constant 1 : i32
    scf.for %scan3A_58 = %scan3A to %scan3A_4 step %scan3A_5  : i32 {
      %mul3A_59 = arith.constant 1 : i32
      %mul3A_60 = arith.muli %scan3A_58, %mul3A_59 : i32
      %add3A_61 = arith.constant 0 : i32
      %add3A_62 = arith.addi %add3A_61, %mul3A_60 : i32
      %broadcast_in_dim3A = arith.constant 0.000000e+00 : f32
      %broadcast_in_dim3A_63 = vector.broadcast %broadcast_in_dim3A : f32 to vector<16xf32>
      %swap3A = arith.index_cast %add3A_62 : i32 to index
      %swap3A_64 = arith.constant 0 : index
      %swap3A_65 = tpu.vector_load %arg17[%swap3A, %swap3A_64] {strides = array<i32>} : memref<40x128xf32, #tpu.memory_space<vmem>>, vector<16xf32>,
      tpu.vector_store %arg17[%swap3A, %swap3A_64], %broadcast_in_dim3A_63 {strides = array<i32>} : memref<40x128xf32, #tpu.memory_space<vmem>>, vector<16xf32>,
      %broadcast_in_dim3A_66 = arith.constant 0.000000e+00 : f32
      %broadcast_in_dim3A_67 = vector.broadcast %broadcast_in_dim3A_66 : f32 to vector<16xf32>
      %swap3A_68 = arith.index_cast %add3A_62 : i32 to index
      %swap3A_69 = arith.constant 16 : index
      %swap3A_70 = tpu.vector_load %arg17[%swap3A_68, %swap3A_69] {strides = array<i32>} : memref<40x128xf32, #tpu.memory_space<vmem>>, vector<16xf32>,
      tpu.vector_store %arg17[%swap3A_68, %swap3A_69], %broadcast_in_dim3A_67 {strides = array<i32>} : memref<40x128xf32, #tpu.memory_space<vmem>>, vector<16xf32>,
      %broadcast_in_dim3A_71 = arith.constant 0.000000e+00 : f32
      %broadcast_in_dim3A_72 = vector.broadcast %broadcast_in_dim3A_71 : f32 to vector<16xf32>
      %swap3A_73 = arith.index_cast %add3A_62 : i32 to index
      %swap3A_74 = arith.constant 32 : index
      %swap3A_75 = tpu.vector_load %arg17[%swap3A_73, %swap3A_74] {strides = array<i32>} : memref<40x128xf32, #tpu.memory_space<vmem>>, vector<16xf32>,
      tpu.vector_store %arg17[%swap3A_73, %swap3A_74], %broadcast_in_dim3A_72 {strides = array<i32>} : memref<40x128xf32, #tpu.memory_space<vmem>>, vector<16xf32>,
      %broadcast_in_dim3A_76 = arith.constant 0.000000e+00 : f32
      %broadcast_in_dim3A_77 = vector.broadcast %broadcast_in_dim3A_76 : f32 to vector<16xf32>
      %swap3A_78 = arith.index_cast %add3A_62 : i32 to index
      %swap3A_79 = arith.constant 48 : index
      %swap3A_80 = tpu.vector_load %arg17[%swap3A_78, %swap3A_79] {strides = array<i32>} : memref<40x128xf32, #tpu.memory_space<vmem>>, vector<16xf32>,
      tpu.vector_store %arg17[%swap3A_78, %swap3A_79], %broadcast_in_dim3A_77 {strides = array<i32>} : memref<40x128xf32, #tpu.memory_space<vmem>>, vector<16xf32>,
      %broadcast_in_dim3A_81 = arith.constant 0.000000e+00 : f32
      %broadcast_in_dim3A_82 = vector.broadcast %broadcast_in_dim3A_81 : f32 to vector<16xf32>
      %swap3A_83 = arith.index_cast %add3A_62 : i32 to index
      %swap3A_84 = arith.constant 64 : index
      %swap3A_85 = tpu.vector_load %arg17[%swap3A_83, %swap3A_84] {strides = array<i32>} : memref<40x128xf32, #tpu.memory_space<vmem>>, vector<16xf32>,
      tpu.vector_store %arg17[%swap3A_83, %swap3A_84], %broadcast_in_dim3A_82 {strides = array<i32>} : memref<40x128xf32, #tpu.memory_space<vmem>>, vector<16xf32>,
      %broadcast_in_dim3A_86 = arith.constant 0.000000e+00 : f32
      %broadcast_in_dim3A_87 = vector.broadcast %broadcast_in_dim3A_86 : f32 to vector<16xf32>
      %swap3A_88 = arith.index_cast %add3A_62 : i32 to index
      %swap3A_89 = arith.constant 80 : index
      %swap3A_90 = tpu.vector_load %arg17[%swap3A_88, %swap3A_89] {strides = array<i32>} : memref<40x128xf32, #tpu.memory_space<vmem>>, vector<16xf32>,
      tpu.vector_store %arg17[%swap3A_88, %swap3A_89], %broadcast_in_dim3A_87 {strides = array<i32>} : memref<40x128xf32, #tpu.memory_space<vmem>>, vector<16xf32>,
      %broadcast_in_dim3A_91 = arith.constant 0.000000e+00 : f32
      %broadcast_in_dim3A_92 = vector.broadcast %broadcast_in_dim3A_91 : f32 to vector<16xf32>
      %swap3A_93 = arith.index_cast %add3A_62 : i32 to index
      %swap3A_94 = arith.constant 96 : index
      %swap3A_95 = tpu.vector_load %arg17[%swap3A_93, %swap3A_94] {strides = array<i32>} : memref<40x128xf32, #tpu.memory_space<vmem>>, vector<16xf32>,
      tpu.vector_store %arg17[%swap3A_93, %swap3A_94], %broadcast_in_dim3A_92 {strides = array<i32>} : memref<40x128xf32, #tpu.memory_space<vmem>>, vector<16xf32>,
      %broadcast_in_dim3A_96 = arith.constant 0.000000e+00 : f32
      %broadcast_in_dim3A_97 = vector.broadcast %broadcast_in_dim3A_96 : f32 to vector<16xf32>
      %swap3A_98 = arith.index_cast %add3A_62 : i32 to index
      %swap3A_99 = arith.constant 112 : index
      %swap3A_100 = tpu.vector_load %arg17[%swap3A_98, %swap3A_99] {strides = array<i32>} : memref<40x128xf32, #tpu.memory_space<vmem>>, vector<16xf32>,
      tpu.vector_store %arg17[%swap3A_98, %swap3A_99], %broadcast_in_dim3A_97 {strides = array<i32>} : memref<40x128xf32, #tpu.memory_space<vmem>>, vector<16xf32>,
    }
    %scan3A_6 = arith.constant 40 : i32
    %scan3A_7 = arith.constant 0 : i32
    %scan3A_8 = arith.constant 16 : i32
    %scan3A_9 = arith.addi %scan3A_7, %scan3A_8 : i32
    %scan3A_10 = arith.constant 1 : i32
    scf.for %scan3A_58 = %scan3A_7 to %scan3A_9 step %scan3A_10  : i32 {
      %mul3A_59 = arith.constant 1 : i32
      %mul3A_60 = arith.muli %scan3A_58, %mul3A_59 : i32
      %add3A_61 = arith.constant 0 : i32
      %add3A_62 = arith.addi %add3A_61, %mul3A_60 : i32
      %mul3A_63 = arith.constant 16 : i32
      %mul3A_64 = arith.muli %arg1, %mul3A_63 : i32
      %add3A_65 = arith.addi %mul3A_64, %add3A_62 : i32
      %mul3A_66 = arith.constant 40 : i32
      %mul3A_67 = arith.muli %add3A_65, %mul3A_66 : i32
      "tpu.region"() ({
        %run_scoped3A = tpu.sem_alloc : memref<!tpu.dma_semaphore, #tpu.memory_space<semaphore_mem>>
        %dma_start3A_68 = arith.constant 0 : i32
        %dma_start3A_69 = tpu.memref_slice %arg19[%mul3A_67, %dma_start3A_68] : memref<10240x128xf32, #tpu.memory_space<vmem_shared>> -> memref<40x128xf32, #tpu.memory_space<vmem_shared>>
        %dma_start3A_70 = arith.constant 0 : i32
        %dma_start3A_71 = tpu.memref_slice %arg19[%mul3A_67, %dma_start3A_70] : memref<10240x128xf32, #tpu.memory_space<vmem_shared>> -> memref<40x128xf32, #tpu.memory_space<vmem_shared>>
        tpu.enqueue_dma source(%arg17 : memref<40x128xf32, #tpu.memory_space<vmem>>) target(%dma_start3A_71 : memref<40x128xf32, #tpu.memory_space<vmem_shared>>) target_semaphore(%run_scoped3A : memref<!tpu.dma_semaphore, #tpu.memory_space<semaphore_mem>>)
        %dma_wait3A_72 = arith.constant 0 : i32
        %dma_wait3A_73 = tpu.memref_slice %arg19[%mul3A_67, %dma_wait3A_72] : memref<10240x128xf32, #tpu.memory_space<vmem_shared>> -> memref<40x128xf32, #tpu.memory_space<vmem_shared>>
        %dma_wait3A_74 = arith.constant 0 : i32
        %dma_wait3A_75 = tpu.memref_slice %arg19[%mul3A_67, %dma_wait3A_74] : memref<10240x128xf32, #tpu.memory_space<vmem_shared>> -> memref<40x128xf32, #tpu.memory_space<vmem_shared>>
        tpu.wait_dma2 semaphore(%run_scoped3A : memref<!tpu.dma_semaphore, #tpu.memory_space<semaphore_mem>>) src(%arg17 : memref<40x128xf32, #tpu.memory_space<vmem>>) dst(%dma_wait3A_75 : memref<40x128xf32, #tpu.memory_space<vmem_shared>>)
        tpu.yield
      }) : () -> ()
    }
    %scan3A_11 = arith.constant 16 : i32
    %add3A_12 = arith.constant 0 : i32
    %add3A_13 = arith.addi %mul3A_2, %add3A_12 : i32
    %dma_start3A = tpu.memref_slice %arg5[%add3A_13] : memref<320000xi32, #tpu.memory_space<hbm>> -> memref<40xi32, #tpu.memory_space<hbm>>
    %dma_start3A_14 = tpu.memref_slice %arg5[%add3A_13] : memref<320000xi32, #tpu.memory_space<hbm>> -> memref<40xi32, #tpu.memory_space<hbm>>
    tpu.enqueue_dma source(%dma_start3A_14 : memref<40xi32, #tpu.memory_space<hbm>>) target(%arg9 : memref<40xi32, #tpu.memory_space<vmem>>) target_semaphore(%arg24 : memref<!tpu.dma_semaphore, #tpu.memory_space<semaphore_mem>>)
    %dma_start3A_15 = tpu.memref_slice %arg6[%add3A_13] : memref<320000xi32, #tpu.memory_space<hbm>> -> memref<40xi32, #tpu.memory_space<hbm>>
    %dma_start3A_16 = tpu.memref_slice %arg6[%add3A_13] : memref<320000xi32, #tpu.memory_space<hbm>> -> memref<40xi32, #tpu.memory_space<hbm>>
    tpu.enqueue_dma source(%dma_start3A_16 : memref<40xi32, #tpu.memory_space<hbm>>) target(%arg11 : memref<40xi32, #tpu.memory_space<vmem>>) target_semaphore(%arg24 : memref<!tpu.dma_semaphore, #tpu.memory_space<semaphore_mem>>)
    %dma_wait3A = arith.constant 0 : i32
    %dma_wait3A_17 = tpu.memref_slice %arg5[%dma_wait3A] : memref<320000xi32, #tpu.memory_space<hbm>> -> memref<40xi32, #tpu.memory_space<hbm>>
    %dma_wait3A_18 = arith.constant 0 : i32
    %dma_wait3A_19 = tpu.memref_slice %arg5[%dma_wait3A_18] : memref<320000xi32, #tpu.memory_space<hbm>> -> memref<40xi32, #tpu.memory_space<hbm>>
    tpu.wait_dma2 semaphore(%arg24 : memref<!tpu.dma_semaphore, #tpu.memory_space<semaphore_mem>>) src(%dma_wait3A_19 : memref<40xi32, #tpu.memory_space<hbm>>) dst(%arg9 : memref<40xi32, #tpu.memory_space<vmem>>)
    %dma_wait3A_20 = arith.constant 0 : i32
    %dma_wait3A_21 = tpu.memref_slice %arg6[%dma_wait3A_20] : memref<320000xi32, #tpu.memory_space<hbm>> -> memref<40xi32, #tpu.memory_space<hbm>>
    %dma_wait3A_22 = arith.constant 0 : i32
    %dma_wait3A_23 = tpu.memref_slice %arg6[%dma_wait3A_22] : memref<320000xi32, #tpu.memory_space<hbm>> -> memref<40xi32, #tpu.memory_space<hbm>>
    tpu.wait_dma2 semaphore(%arg24 : memref<!tpu.dma_semaphore, #tpu.memory_space<semaphore_mem>>) src(%dma_wait3A_23 : memref<40xi32, #tpu.memory_space<hbm>>) dst(%arg11 : memref<40xi32, #tpu.memory_space<vmem>>)
    %add3A_24 = arith.constant 0 : i32
    %add3A_25 = arith.addi %mul3A_2, %add3A_24 : i32
    %dma_start3A_26 = arith.constant 0 : i32
    %dma_start3A_27 = arith.constant 0 : i32
    %dma_start3A_28 = tpu.memref_slice %arg2[%dma_start3A_26, %dma_start3A_27] : memref<10000x256xf32, #tpu.memory_space<hbm>> -> memref<10000x256xf32, #tpu.memory_space<hbm>>
    tpu.enqueue_indirect_dma source(%dma_start3A_28 : memref<10000x256xf32, #tpu.memory_space<hbm>>) target(%arg13 : memref<40x256xf32, #tpu.memory_space<vmem>>) offsets(%arg9 : memref<40xi32, #tpu.memory_space<vmem>>) semaphore(%arg20 : memref<!tpu.dma_semaphore, #tpu.memory_space<semaphore_mem>>)
    %dma_start3A_29 = arith.constant 0 : i32
    %dma_start3A_30 = arith.constant 0 : i32
    %dma_start3A_31 = tpu.memref_slice %arg3[%dma_start3A_29, %dma_start3A_30] : memref<10000x128xf32, #tpu.memory_space<hbm>> -> memref<10000x128xf32, #tpu.memory_space<hbm>>
    tpu.enqueue_indirect_dma source(%dma_start3A_31 : memref<10000x128xf32, #tpu.memory_space<hbm>>) target(%arg17 : memref<40x128xf32, #tpu.memory_space<vmem>>) offsets(%arg11 : memref<40xi32, #tpu.memory_space<vmem>>) semaphore(%arg20 : memref<!tpu.dma_semaphore, #tpu.memory_space<semaphore_mem>>)
    %dma_start3A_32 = arith.constant 0 : i32
    %dma_start3A_33 = tpu.memref_slice %arg4[%add3A_25, %dma_start3A_32] : memref<320000x128xf32, #tpu.memory_space<hbm>> -> memref<40x128xf32, #tpu.memory_space<hbm>>
    %dma_start3A_34 = arith.constant 0 : i32
    %dma_start3A_35 = tpu.memref_slice %arg4[%add3A_25, %dma_start3A_34] : memref<320000x128xf32, #tpu.memory_space<hbm>> -> memref<40x128xf32, #tpu.memory_space<hbm>>
    tpu.enqueue_dma source(%dma_start3A_35 : memref<40x128xf32, #tpu.memory_space<hbm>>) target(%arg15 : memref<40x128xf32, #tpu.memory_space<vmem>>) target_semaphore(%arg20 : memref<!tpu.dma_semaphore, #tpu.memory_space<semaphore_mem>>)
    %add3A_36 = arith.constant 40 : i32
    %add3A_37 = arith.addi %mul3A_2, %add3A_36 : i32
    %dma_start3A_38 = tpu.memref_slice %arg5[%add3A_37] : memref<320000xi32, #tpu.memory_space<hbm>> -> memref<40xi32, #tpu.memory_space<hbm>>
    %dma_start3A_39 = tpu.memref_slice %arg5[%add3A_37] : memref<320000xi32, #tpu.memory_space<hbm>> -> memref<40xi32, #tpu.memory_space<hbm>>
    tpu.enqueue_dma source(%dma_start3A_39 : memref<40xi32, #tpu.memory_space<hbm>>) target(%arg10 : memref<40xi32, #tpu.memory_space<vmem>>) target_semaphore(%arg25 : memref<!tpu.dma_semaphore, #tpu.memory_space<semaphore_mem>>)
    %dma_start3A_40 = tpu.memref_slice %arg6[%add3A_37] : memref<320000xi32, #tpu.memory_space<hbm>> -> memref<40xi32, #tpu.memory_space<hbm>>
    %dma_start3A_41 = tpu.memref_slice %arg6[%add3A_37] : memref<320000xi32, #tpu.memory_space<hbm>> -> memref<40xi32, #tpu.memory_space<hbm>>
    tpu.enqueue_dma source(%dma_start3A_41 : memref<40xi32, #tpu.memory_space<hbm>>) target(%arg12 : memref<40xi32, #tpu.memory_space<vmem>>) target_semaphore(%arg25 : memref<!tpu.dma_semaphore, #tpu.memory_space<semaphore_mem>>)
    %barrier3A = arith.constant 0 : index
    tpu.barrier barrier_id(%barrier3A)
    %scan3A_42 = arith.constant 0 : i32
    %scan3A_43 = arith.constant 125 : i32
    %scan3A_44 = arith.addi %scan3A_42, %scan3A_43 : i32
    %scan3A_45 = arith.constant 1 : i32
    scf.for %scan3A_58 = %scan3A_42 to %scan3A_44 step %scan3A_45  : i32 {
      %mul3A_59 = arith.constant 1 : i32
      %mul3A_60 = arith.muli %scan3A_58, %mul3A_59 : i32
      %add3A_61 = arith.constant 0 : i32
      %add3A_62 = arith.addi %add3A_61, %mul3A_60 : i32
      %mul3A_63 = arith.constant 2 : i32
      %mul3A_64 = arith.muli %mul3A_63, %add3A_62 : i32
      %add3A_65 = arith.constant 0 : i32
      %add3A_66 = arith.addi %mul3A_64, %add3A_65 : i32
      %ge3A = arith.constant 1 : i32
      %ge3A_67 = arith.cmpi sge, %add3A_62, %ge3A : i32
      %convert_element_type3A = arith.extui %ge3A_67 : i1 to i32
      %cond3A = arith.constant 0 : i32
      %cond3A_68 = arith.cmpi ne, %convert_element_type3A, %cond3A : i32
      scf.if %cond3A_68 {
        %dma_wait3A_171 = arith.constant 0 : i32
        %dma_wait3A_172 = arith.constant 0 : i32
        %dma_wait3A_173 = tpu.memref_slice %arg7[%dma_wait3A_171, %dma_wait3A_172] : memref<320000x128xf32, #tpu.memory_space<hbm>> -> memref<40x128xf32, #tpu.memory_space<hbm>>
        %dma_wait3A_174 = arith.constant 0 : i32
        %dma_wait3A_175 = arith.constant 0 : i32
        %dma_wait3A_176 = tpu.memref_slice %arg7[%dma_wait3A_174, %dma_wait3A_175] : memref<320000x128xf32, #tpu.memory_space<hbm>> -> memref<40x128xf32, #tpu.memory_space<hbm>>
        tpu.wait_dma2 semaphore(%arg23 : memref<!tpu.dma_semaphore, #tpu.memory_space<semaphore_mem>>) src(%arg16 : memref<40x128xf32, #tpu.memory_space<vmem>>) dst(%dma_wait3A_176 : memref<40x128xf32, #tpu.memory_space<hbm>>)
      } else {
      }
      %dma_wait3A_69 = arith.constant 0 : i32
      %dma_wait3A_70 = tpu.memref_slice %arg5[%dma_wait3A_69] : memref<320000xi32, #tpu.memory_space<hbm>> -> memref<40xi32, #tpu.memory_space<hbm>>
      %dma_wait3A_71 = arith.constant 0 : i32
      %dma_wait3A_72 = tpu.memref_slice %arg5[%dma_wait3A_71] : memref<320000xi32, #tpu.memory_space<hbm>> -> memref<40xi32, #tpu.memory_space<hbm>>
      tpu.wait_dma2 semaphore(%arg25 : memref<!tpu.dma_semaphore, #tpu.memory_space<semaphore_mem>>) src(%dma_wait3A_72 : memref<40xi32, #tpu.memory_space<hbm>>) dst(%arg10 : memref<40xi32, #tpu.memory_space<vmem>>)
      %dma_wait3A_73 = arith.constant 0 : i32
      %dma_wait3A_74 = tpu.memref_slice %arg6[%dma_wait3A_73] : memref<320000xi32, #tpu.memory_space<hbm>> -> memref<40xi32, #tpu.memory_space<hbm>>
      %dma_wait3A_75 = arith.constant 0 : i32
      %dma_wait3A_76 = tpu.memref_slice %arg6[%dma_wait3A_75] : memref<320000xi32, #tpu.memory_space<hbm>> -> memref<40xi32, #tpu.memory_space<hbm>>
      tpu.wait_dma2 semaphore(%arg25 : memref<!tpu.dma_semaphore, #tpu.memory_space<semaphore_mem>>) src(%dma_wait3A_76 : memref<40xi32, #tpu.memory_space<hbm>>) dst(%arg12 : memref<40xi32, #tpu.memory_space<vmem>>)
      %add3A_77 = arith.constant 1 : i32
      %add3A_78 = arith.addi %add3A_66, %add3A_77 : i32
      %mul3A_79 = arith.constant 40 : i32
      %mul3A_80 = arith.muli %add3A_78, %mul3A_79 : i32
      %add3A_81 = arith.addi %mul3A_2, %mul3A_80 : i32
      %dma_start3A_82 = arith.constant 0 : i32
      %dma_start3A_83 = arith.constant 0 : i32
      %dma_start3A_84 = tpu.memref_slice %arg2[%dma_start3A_82, %dma_start3A_83] : memref<10000x256xf32, #tpu.memory_space<hbm>> -> memref<10000x256xf32, #tpu.memory_space<hbm>>
      tpu.enqueue_indirect_dma source(%dma_start3A_84 : memref<10000x256xf32, #tpu.memory_space<hbm>>) target(%arg14 : memref<40x256xf32, #tpu.memory_space<vmem>>) offsets(%arg10 : memref<40xi32, #tpu.memory_space<vmem>>) semaphore(%arg21 : memref<!tpu.dma_semaphore, #tpu.memory_space<semaphore_mem>>)
      %dma_start3A_85 = arith.constant 0 : i32
      %dma_start3A_86 = arith.constant 0 : i32
      %dma_start3A_87 = tpu.memref_slice %arg3[%dma_start3A_85, %dma_start3A_86] : memref<10000x128xf32, #tpu.memory_space<hbm>> -> memref<10000x128xf32, #tpu.memory_space<hbm>>
      tpu.enqueue_indirect_dma source(%dma_start3A_87 : memref<10000x128xf32, #tpu.memory_space<hbm>>) target(%arg18 : memref<40x128xf32, #tpu.memory_space<vmem>>) offsets(%arg12 : memref<40xi32, #tpu.memory_space<vmem>>) semaphore(%arg21 : memref<!tpu.dma_semaphore, #tpu.memory_space<semaphore_mem>>)
      %dma_start3A_88 = arith.constant 0 : i32
      %dma_start3A_89 = tpu.memref_slice %arg4[%add3A_81, %dma_start3A_88] : memref<320000x128xf32, #tpu.memory_space<hbm>> -> memref<40x128xf32, #tpu.memory_space<hbm>>
      %dma_start3A_90 = arith.constant 0 : i32
      %dma_start3A_91 = tpu.memref_slice %arg4[%add3A_81, %dma_start3A_90] : memref<320000x128xf32, #tpu.memory_space<hbm>> -> memref<40x128xf32, #tpu.memory_space<hbm>>
      tpu.enqueue_dma source(%dma_start3A_91 : memref<40x128xf32, #tpu.memory_space<hbm>>) target(%arg16 : memref<40x128xf32, #tpu.memory_space<vmem>>) target_semaphore(%arg21 : memref<!tpu.dma_semaphore, #tpu.memory_space<semaphore_mem>>)
      %dma_wait3A_92 = arith.constant 0 : i32
      %dma_wait3A_93 = arith.constant 0 : i32
      %dma_wait3A_94 = tpu.memref_slice %arg2[%dma_wait3A_92, %dma_wait3A_93] : memref<10000x256xf32, #tpu.memory_space<hbm>> -> memref<40x256xf32, #tpu.memory_space<hbm>>
      %dma_wait3A_95 = arith.constant 0 : i32
      %dma_wait3A_96 = arith.constant 0 : i32
      %dma_wait3A_97 = tpu.memref_slice %arg2[%dma_wait3A_95, %dma_wait3A_96] : memref<10000x256xf32, #tpu.memory_space<hbm>> -> memref<40x256xf32, #tpu.memory_space<hbm>>
      tpu.wait_dma2 semaphore(%arg20 : memref<!tpu.dma_semaphore, #tpu.memory_space<semaphore_mem>>) src(%dma_wait3A_97 : memref<40x256xf32, #tpu.memory_space<hbm>>) dst(%arg13 : memref<40x256xf32, #tpu.memory_space<vmem>>)
      %dma_wait3A_98 = arith.constant 0 : i32
      %dma_wait3A_99 = arith.constant 0 : i32
      %dma_wait3A_100 = tpu.memref_slice %arg3[%dma_wait3A_98, %dma_wait3A_99] : memref<10000x128xf32, #tpu.memory_space<hbm>> -> memref<40x128xf32, #tpu.memory_space<hbm>>
      %dma_wait3A_101 = arith.constant 0 : i32
      %dma_wait3A_102 = arith.constant 0 : i32
      %dma_wait3A_103 = tpu.memref_slice %arg3[%dma_wait3A_101, %dma_wait3A_102] : memref<10000x128xf32, #tpu.memory_space<hbm>> -> memref<40x128xf32, #tpu.memory_space<hbm>>
      tpu.wait_dma2 semaphore(%arg20 : memref<!tpu.dma_semaphore, #tpu.memory_space<semaphore_mem>>) src(%dma_wait3A_103 : memref<40x128xf32, #tpu.memory_space<hbm>>) dst(%arg17 : memref<40x128xf32, #tpu.memory_space<vmem>>)
      %dma_wait3A_104 = arith.constant 0 : i32
      %dma_wait3A_105 = arith.constant 0 : i32
      %dma_wait3A_106 = tpu.memref_slice %arg4[%dma_wait3A_104, %dma_wait3A_105] : memref<320000x128xf32, #tpu.memory_space<hbm>> -> memref<40x128xf32, #tpu.memory_space<hbm>>
      %dma_wait3A_107 = arith.constant 0 : i32
      %dma_wait3A_108 = arith.constant 0 : i32
      %dma_wait3A_109 = tpu.memref_slice %arg4[%dma_wait3A_107, %dma_wait3A_108] : memref<320000x128xf32, #tpu.memory_space<hbm>> -> memref<40x128xf32, #tpu.memory_space<hbm>>
      tpu.wait_dma2 semaphore(%arg20 : memref<!tpu.dma_semaphore, #tpu.memory_space<semaphore_mem>>) src(%dma_wait3A_109 : memref<40x128xf32, #tpu.memory_space<hbm>>) dst(%arg15 : memref<40x128xf32, #tpu.memory_space<vmem>>)
      %parallel_loop3A = arith.constant 0 : i32
      %parallel_loop3A_110 = arith.constant 40 : i32
      %parallel_loop3A_111 = arith.constant 1 : i32
      scf.for %parallel_loop3A_171 = %parallel_loop3A to %parallel_loop3A_110 step %parallel_loop3A_111  : i32 {
        %parallel_loop3A_172 = arith.index_cast %parallel_loop3A_171 : i32 to index
        %parallel_loop3A_173 = arith.constant 0 : index
        %parallel_loop3A_174 = tpu.vector_load %arg13[%parallel_loop3A_172, %parallel_loop3A_173] {strides = array<i32>} : memref<40x256xf32, #tpu.memory_space<vmem>>, vector<16xf32>,
        %parallel_loop3A_175 = arith.index_cast %parallel_loop3A_171 : i32 to index
        %parallel_loop3A_176 = arith.constant 128 : index
        %parallel_loop3A_177 = tpu.vector_load %arg13[%parallel_loop3A_175, %parallel_loop3A_176] {strides = array<i32>} : memref<40x256xf32, #tpu.memory_space<vmem>>, vector<16xf32>,
        %parallel_loop3A_178 = arith.index_cast %parallel_loop3A_171 : i32 to index
        %parallel_loop3A_179 = arith.constant 0 : index
        %parallel_loop3A_180 = tpu.vector_load %arg17[%parallel_loop3A_178, %parallel_loop3A_179] {strides = array<i32>} : memref<40x128xf32, #tpu.memory_space<vmem>>, vector<16xf32>,
        %parallel_loop3A_181 = arith.index_cast %parallel_loop3A_171 : i32 to index
        %parallel_loop3A_182 = arith.constant 0 : index
        %parallel_loop3A_183 = tpu.vector_load %arg15[%parallel_loop3A_181, %parallel_loop3A_182] {strides = array<i32>} : memref<40x128xf32, #tpu.memory_space<vmem>>, vector<16xf32>,
        %parallel_loop3A_184 = arith.addf %parallel_loop3A_174, %parallel_loop3A_180 : vector<16xf32>
        %parallel_loop3A_185 = arith.addf %parallel_loop3A_184, %parallel_loop3A_183 : vector<16xf32>
        %parallel_loop3A_186 = arith.index_cast %parallel_loop3A_171 : i32 to index
        %parallel_loop3A_187 = arith.constant 0 : index
        %parallel_loop3A_188 = tpu.vector_load %arg15[%parallel_loop3A_186, %parallel_loop3A_187] {strides = array<i32>} : memref<40x128xf32, #tpu.memory_space<vmem>>, vector<16xf32>,
        tpu.vector_store %arg15[%parallel_loop3A_186, %parallel_loop3A_187], %parallel_loop3A_185 {strides = array<i32>} : memref<40x128xf32, #tpu.memory_space<vmem>>, vector<16xf32>,
        %parallel_loop3A_189 = arith.constant 0.000000e+00 : f32
        %parallel_loop3A_190 = vector.broadcast %parallel_loop3A_189 : f32 to vector<16xf32>
        %parallel_loop3A_191 = arith.subf %parallel_loop3A_190, %parallel_loop3A_185 : vector<16xf32>
        %parallel_loop3A_192 = math.exp %parallel_loop3A_191 : vector<16xf32>
        %parallel_loop3A_193 = arith.constant 1.000000e+00 : f32
        %parallel_loop3A_194 = vector.broadcast %parallel_loop3A_193 : f32 to vector<16xf32>
        %parallel_loop3A_195 = arith.addf %parallel_loop3A_194, %parallel_loop3A_192 : vector<16xf32>
        %parallel_loop3A_196 = arith.constant 1.000000e+00 : f32
        %parallel_loop3A_197 = vector.broadcast %parallel_loop3A_196 : f32 to vector<16xf32>
        %parallel_loop3A_198 = arith.divf %parallel_loop3A_197, %parallel_loop3A_195 : vector<16xf32>
        %parallel_loop3A_199 = arith.mulf %parallel_loop3A_177, %parallel_loop3A_198 : vector<16xf32>
        %parallel_loop3A_200 = arith.index_cast %parallel_loop3A_171 : i32 to index
        %parallel_loop3A_201 = arith.constant 0 : index
        %parallel_loop3A_202 = tpu.vector_load %arg17[%parallel_loop3A_200, %parallel_loop3A_201] {strides = array<i32>} : memref<40x128xf32, #tpu.memory_space<vmem>>, vector<16xf32>,
        tpu.vector_store %arg17[%parallel_loop3A_200, %parallel_loop3A_201], %parallel_loop3A_199 {strides = array<i32>} : memref<40x128xf32, #tpu.memory_space<vmem>>, vector<16xf32>,
        %parallel_loop3A_203 = arith.index_cast %parallel_loop3A_171 : i32 to index
        %parallel_loop3A_204 = arith.constant 16 : index
        %parallel_loop3A_205 = tpu.vector_load %arg13[%parallel_loop3A_203, %parallel_loop3A_204] {strides = array<i32>} : memref<40x256xf32, #tpu.memory_space<vmem>>, vector<16xf32>,
        %parallel_loop3A_206 = arith.index_cast %parallel_loop3A_171 : i32 to index
        %parallel_loop3A_207 = arith.constant 144 : index
        %parallel_loop3A_208 = tpu.vector_load %arg13[%parallel_loop3A_206, %parallel_loop3A_207] {strides = array<i32>} : memref<40x256xf32, #tpu.memory_space<vmem>>, vector<16xf32>,
        %parallel_loop3A_209 = arith.index_cast %parallel_loop3A_171 : i32 to index
        %parallel_loop3A_210 = arith.constant 16 : index
        %parallel_loop3A_211 = tpu.vector_load %arg17[%parallel_loop3A_209, %parallel_loop3A_210] {strides = array<i32>} : memref<40x128xf32, #tpu.memory_space<vmem>>, vector<16xf32>,
        %parallel_loop3A_212 = arith.index_cast %parallel_loop3A_171 : i32 to index
        %parallel_loop3A_213 = arith.constant 16 : index
        %parallel_loop3A_214 = tpu.vector_load %arg15[%parallel_loop3A_212, %parallel_loop3A_213] {strides = array<i32>} : memref<40x128xf32, #tpu.memory_space<vmem>>, vector<16xf32>,
        %parallel_loop3A_215 = arith.addf %parallel_loop3A_205, %parallel_loop3A_211 : vector<16xf32>
        %parallel_loop3A_216 = arith.addf %parallel_loop3A_215, %parallel_loop3A_214 : vector<16xf32>
        %parallel_loop3A_217 = arith.index_cast %parallel_loop3A_171 : i32 to index
        %parallel_loop3A_218 = arith.constant 16 : index
        %parallel_loop3A_219 = tpu.vector_load %arg15[%parallel_loop3A_217, %parallel_loop3A_218] {strides = array<i32>} : memref<40x128xf32, #tpu.memory_space<vmem>>, vector<16xf32>,
        tpu.vector_store %arg15[%parallel_loop3A_217, %parallel_loop3A_218], %parallel_loop3A_216 {strides = array<i32>} : memref<40x128xf32, #tpu.memory_space<vmem>>, vector<16xf32>,
        %parallel_loop3A_220 = arith.constant 0.000000e+00 : f32
        %parallel_loop3A_221 = vector.broadcast %parallel_loop3A_220 : f32 to vector<16xf32>
        %parallel_loop3A_222 = arith.subf %parallel_loop3A_221, %parallel_loop3A_216 : vector<16xf32>
        %parallel_loop3A_223 = math.exp %parallel_loop3A_222 : vector<16xf32>
        %parallel_loop3A_224 = arith.constant 1.000000e+00 : f32
        %parallel_loop3A_225 = vector.broadcast %parallel_loop3A_224 : f32 to vector<16xf32>
        %parallel_loop3A_226 = arith.addf %parallel_loop3A_225, %parallel_loop3A_223 : vector<16xf32>
        %parallel_loop3A_227 = arith.constant 1.000000e+00 : f32
        %parallel_loop3A_228 = vector.broadcast %parallel_loop3A_227 : f32 to vector<16xf32>
        %parallel_loop3A_229 = arith.divf %parallel_loop3A_228, %parallel_loop3A_226 : vector<16xf32>
        %parallel_loop3A_230 = arith.mulf %parallel_loop3A_208, %parallel_loop3A_229 : vector<16xf32>
        %parallel_loop3A_231 = arith.index_cast %parallel_loop3A_171 : i32 to index
        %parallel_loop3A_232 = arith.constant 16 : index
        %parallel_loop3A_233 = tpu.vector_load %arg17[%parallel_loop3A_231, %parallel_loop3A_232] {strides = array<i32>} : memref<40x128xf32, #tpu.memory_space<vmem>>, vector<16xf32>,
        tpu.vector_store %arg17[%parallel_loop3A_231, %parallel_loop3A_232], %parallel_loop3A_230 {strides = array<i32>} : memref<40x128xf32, #tpu.memory_space<vmem>>, vector<16xf32>,
        %parallel_loop3A_234 = arith.index_cast %parallel_loop3A_171 : i32 to index
        %parallel_loop3A_235 = arith.constant 32 : index
        %parallel_loop3A_236 = tpu.vector_load %arg13[%parallel_loop3A_234, %parallel_loop3A_235] {strides = array<i32>} : memref<40x256xf32, #tpu.memory_space<vmem>>, vector<16xf32>,
        %parallel_loop3A_237 = arith.index_cast %parallel_loop3A_171 : i32 to index
        %parallel_loop3A_238 = arith.constant 160 : index
        %parallel_loop3A_239 = tpu.vector_load %arg13[%parallel_loop3A_237, %parallel_loop3A_238] {strides = array<i32>} : memref<40x256xf32, #tpu.memory_space<vmem>>, vector<16xf32>,
        %parallel_loop3A_240 = arith.index_cast %parallel_loop3A_171 : i32 to index
        %parallel_loop3A_241 = arith.constant 32 : index
        %parallel_loop3A_242 = tpu.vector_load %arg17[%parallel_loop3A_240, %parallel_loop3A_241] {strides = array<i32>} : memref<40x128xf32, #tpu.memory_space<vmem>>, vector<16xf32>,
        %parallel_loop3A_243 = arith.index_cast %parallel_loop3A_171 : i32 to index
        %parallel_loop3A_244 = arith.constant 32 : index
        %parallel_loop3A_245 = tpu.vector_load %arg15[%parallel_loop3A_243, %parallel_loop3A_244] {strides = array<i32>} : memref<40x128xf32, #tpu.memory_space<vmem>>, vector<16xf32>,
        %parallel_loop3A_246 = arith.addf %parallel_loop3A_236, %parallel_loop3A_242 : vector<16xf32>
        %parallel_loop3A_247 = arith.addf %parallel_loop3A_246, %parallel_loop3A_245 : vector<16xf32>
        %parallel_loop3A_248 = arith.index_cast %parallel_loop3A_171 : i32 to index
        %parallel_loop3A_249 = arith.constant 32 : index
        %parallel_loop3A_250 = tpu.vector_load %arg15[%parallel_loop3A_248, %parallel_loop3A_249] {strides = array<i32>} : memref<40x128xf32, #tpu.memory_space<vmem>>, vector<16xf32>,
        tpu.vector_store %arg15[%parallel_loop3A_248, %parallel_loop3A_249], %parallel_loop3A_247 {strides = array<i32>} : memref<40x128xf32, #tpu.memory_space<vmem>>, vector<16xf32>,
        %parallel_loop3A_251 = arith.constant 0.000000e+00 : f32
        %parallel_loop3A_252 = vector.broadcast %parallel_loop3A_251 : f32 to vector<16xf32>
        %parallel_loop3A_253 = arith.subf %parallel_loop3A_252, %parallel_loop3A_247 : vector<16xf32>
        %parallel_loop3A_254 = math.exp %parallel_loop3A_253 : vector<16xf32>
        %parallel_loop3A_255 = arith.constant 1.000000e+00 : f32
        %parallel_loop3A_256 = vector.broadcast %parallel_loop3A_255 : f32 to vector<16xf32>
        %parallel_loop3A_257 = arith.addf %parallel_loop3A_256, %parallel_loop3A_254 : vector<16xf32>
        %parallel_loop3A_258 = arith.constant 1.000000e+00 : f32
        %parallel_loop3A_259 = vector.broadcast %parallel_loop3A_258 : f32 to vector<16xf32>
        %parallel_loop3A_260 = arith.divf %parallel_loop3A_259, %parallel_loop3A_257 : vector<16xf32>
        %parallel_loop3A_261 = arith.mulf %parallel_loop3A_239, %parallel_loop3A_260 : vector<16xf32>
        %parallel_loop3A_262 = arith.index_cast %parallel_loop3A_171 : i32 to index
        %parallel_loop3A_263 = arith.constant 32 : index
        %parallel_loop3A_264 = tpu.vector_load %arg17[%parallel_loop3A_262, %parallel_loop3A_263] {strides = array<i32>} : memref<40x128xf32, #tpu.memory_space<vmem>>, vector<16xf32>,
        tpu.vector_store %arg17[%parallel_loop3A_262, %parallel_loop3A_263], %parallel_loop3A_261 {strides = array<i32>} : memref<40x128xf32, #tpu.memory_space<vmem>>, vector<16xf32>,
        %parallel_loop3A_265 = arith.index_cast %parallel_loop3A_171 : i32 to index
        %parallel_loop3A_266 = arith.constant 48 : index
        %parallel_loop3A_267 = tpu.vector_load %arg13[%parallel_loop3A_265, %parallel_loop3A_266] {strides = array<i32>} : memref<40x256xf32, #tpu.memory_space<vmem>>, vector<16xf32>,
        %parallel_loop3A_268 = arith.index_cast %parallel_loop3A_171 : i32 to index
        %parallel_loop3A_269 = arith.constant 176 : index
        %parallel_loop3A_270 = tpu.vector_load %arg13[%parallel_loop3A_268, %parallel_loop3A_269] {strides = array<i32>} : memref<40x256xf32, #tpu.memory_space<vmem>>, vector<16xf32>,
        %parallel_loop3A_271 = arith.index_cast %parallel_loop3A_171 : i32 to index
        %parallel_loop3A_272 = arith.constant 48 : index
        %parallel_loop3A_273 = tpu.vector_load %arg17[%parallel_loop3A_271, %parallel_loop3A_272] {strides = array<i32>} : memref<40x128xf32, #tpu.memory_space<vmem>>, vector<16xf32>,
        %parallel_loop3A_274 = arith.index_cast %parallel_loop3A_171 : i32 to index
        %parallel_loop3A_275 = arith.constant 48 : index
        %parallel_loop3A_276 = tpu.vector_load %arg15[%parallel_loop3A_274, %parallel_loop3A_275] {strides = array<i32>} : memref<40x128xf32, #tpu.memory_space<vmem>>, vector<16xf32>,
        %parallel_loop3A_277 = arith.addf %parallel_loop3A_267, %parallel_loop3A_273 : vector<16xf32>
        %parallel_loop3A_278 = arith.addf %parallel_loop3A_277, %parallel_loop3A_276 : vector<16xf32>
        %parallel_loop3A_279 = arith.index_cast %parallel_loop3A_171 : i32 to index
        %parallel_loop3A_280 = arith.constant 48 : index
        %parallel_loop3A_281 = tpu.vector_load %arg15[%parallel_loop3A_279, %parallel_loop3A_280] {strides = array<i32>} : memref<40x128xf32, #tpu.memory_space<vmem>>, vector<16xf32>,
        tpu.vector_store %arg15[%parallel_loop3A_279, %parallel_loop3A_280], %parallel_loop3A_278 {strides = array<i32>} : memref<40x128xf32, #tpu.memory_space<vmem>>, vector<16xf32>,
        %parallel_loop3A_282 = arith.constant 0.000000e+00 : f32
        %parallel_loop3A_283 = vector.broadcast %parallel_loop3A_282 : f32 to vector<16xf32>
        %parallel_loop3A_284 = arith.subf %parallel_loop3A_283, %parallel_loop3A_278 : vector<16xf32>
        %parallel_loop3A_285 = math.exp %parallel_loop3A_284 : vector<16xf32>
        %parallel_loop3A_286 = arith.constant 1.000000e+00 : f32
        %parallel_loop3A_287 = vector.broadcast %parallel_loop3A_286 : f32 to vector<16xf32>
        %parallel_loop3A_288 = arith.addf %parallel_loop3A_287, %parallel_loop3A_285 : vector<16xf32>
        %parallel_loop3A_289 = arith.constant 1.000000e+00 : f32
        %parallel_loop3A_290 = vector.broadcast %parallel_loop3A_289 : f32 to vector<16xf32>
        %parallel_loop3A_291 = arith.divf %parallel_loop3A_290, %parallel_loop3A_288 : vector<16xf32>
        %parallel_loop3A_292 = arith.mulf %parallel_loop3A_270, %parallel_loop3A_291 : vector<16xf32>
        %parallel_loop3A_293 = arith.index_cast %parallel_loop3A_171 : i32 to index
        %parallel_loop3A_294 = arith.constant 48 : index
        %parallel_loop3A_295 = tpu.vector_load %arg17[%parallel_loop3A_293, %parallel_loop3A_294] {strides = array<i32>} : memref<40x128xf32, #tpu.memory_space<vmem>>, vector<16xf32>,
        tpu.vector_store %arg17[%parallel_loop3A_293, %parallel_loop3A_294], %parallel_loop3A_292 {strides = array<i32>} : memref<40x128xf32, #tpu.memory_space<vmem>>, vector<16xf32>,
        %parallel_loop3A_296 = arith.index_cast %parallel_loop3A_171 : i32 to index
        %parallel_loop3A_297 = arith.constant 64 : index
        %parallel_loop3A_298 = tpu.vector_load %arg13[%parallel_loop3A_296, %parallel_loop3A_297] {strides = array<i32>} : memref<40x256xf32, #tpu.memory_space<vmem>>, vector<16xf32>,
        %parallel_loop3A_299 = arith.index_cast %parallel_loop3A_171 : i32 to index
        %parallel_loop3A_300 = arith.constant 192 : index
        %parallel_loop3A_301 = tpu.vector_load %arg13[%parallel_loop3A_299, %parallel_loop3A_300] {strides = array<i32>} : memref<40x256xf32, #tpu.memory_space<vmem>>, vector<16xf32>,
        %parallel_loop3A_302 = arith.index_cast %parallel_loop3A_171 : i32 to index
        %parallel_loop3A_303 = arith.constant 64 : index
        %parallel_loop3A_304 = tpu.vector_load %arg17[%parallel_loop3A_302, %parallel_loop3A_303] {strides = array<i32>} : memref<40x128xf32, #tpu.memory_space<vmem>>, vector<16xf32>,
        %parallel_loop3A_305 = arith.index_cast %parallel_loop3A_171 : i32 to index
        %parallel_loop3A_306 = arith.constant 64 : index
        %parallel_loop3A_307 = tpu.vector_load %arg15[%parallel_loop3A_305, %parallel_loop3A_306] {strides = array<i32>} : memref<40x128xf32, #tpu.memory_space<vmem>>, vector<16xf32>,
        %parallel_loop3A_308 = arith.addf %parallel_loop3A_298, %parallel_loop3A_304 : vector<16xf32>
        %parallel_loop3A_309 = arith.addf %parallel_loop3A_308, %parallel_loop3A_307 : vector<16xf32>
        %parallel_loop3A_310 = arith.index_cast %parallel_loop3A_171 : i32 to index
        %parallel_loop3A_311 = arith.constant 64 : index
        %parallel_loop3A_312 = tpu.vector_load %arg15[%parallel_loop3A_310, %parallel_loop3A_311] {strides = array<i32>} : memref<40x128xf32, #tpu.memory_space<vmem>>, vector<16xf32>,
        tpu.vector_store %arg15[%parallel_loop3A_310, %parallel_loop3A_311], %parallel_loop3A_309 {strides = array<i32>} : memref<40x128xf32, #tpu.memory_space<vmem>>, vector<16xf32>,
        %parallel_loop3A_313 = arith.constant 0.000000e+00 : f32
        %parallel_loop3A_314 = vector.broadcast %parallel_loop3A_313 : f32 to vector<16xf32>
        %parallel_loop3A_315 = arith.subf %parallel_loop3A_314, %parallel_loop3A_309 : vector<16xf32>
        %parallel_loop3A_316 = math.exp %parallel_loop3A_315 : vector<16xf32>
        %parallel_loop3A_317 = arith.constant 1.000000e+00 : f32
        %parallel_loop3A_318 = vector.broadcast %parallel_loop3A_317 : f32 to vector<16xf32>
        %parallel_loop3A_319 = arith.addf %parallel_loop3A_318, %parallel_loop3A_316 : vector<16xf32>
        %parallel_loop3A_320 = arith.constant 1.000000e+00 : f32
        %parallel_loop3A_321 = vector.broadcast %parallel_loop3A_320 : f32 to vector<16xf32>
        %parallel_loop3A_322 = arith.divf %parallel_loop3A_321, %parallel_loop3A_319 : vector<16xf32>
        %parallel_loop3A_323 = arith.mulf %parallel_loop3A_301, %parallel_loop3A_322 : vector<16xf32>
        %parallel_loop3A_324 = arith.index_cast %parallel_loop3A_171 : i32 to index
        %parallel_loop3A_325 = arith.constant 64 : index
        %parallel_loop3A_326 = tpu.vector_load %arg17[%parallel_loop3A_324, %parallel_loop3A_325] {strides = array<i32>} : memref<40x128xf32, #tpu.memory_space<vmem>>, vector<16xf32>,
        tpu.vector_store %arg17[%parallel_loop3A_324, %parallel_loop3A_325], %parallel_loop3A_323 {strides = array<i32>} : memref<40x128xf32, #tpu.memory_space<vmem>>, vector<16xf32>,
        %parallel_loop3A_327 = arith.index_cast %parallel_loop3A_171 : i32 to index
        %parallel_loop3A_328 = arith.constant 80 : index
        %parallel_loop3A_329 = tpu.vector_load %arg13[%parallel_loop3A_327, %parallel_loop3A_328] {strides = array<i32>} : memref<40x256xf32, #tpu.memory_space<vmem>>, vector<16xf32>,
        %parallel_loop3A_330 = arith.index_cast %parallel_loop3A_171 : i32 to index
        %parallel_loop3A_331 = arith.constant 208 : index
        %parallel_loop3A_332 = tpu.vector_load %arg13[%parallel_loop3A_330, %parallel_loop3A_331] {strides = array<i32>} : memref<40x256xf32, #tpu.memory_space<vmem>>, vector<16xf32>,
        %parallel_loop3A_333 = arith.index_cast %parallel_loop3A_171 : i32 to index
        %parallel_loop3A_334 = arith.constant 80 : index
        %parallel_loop3A_335 = tpu.vector_load %arg17[%parallel_loop3A_333, %parallel_loop3A_334] {strides = array<i32>} : memref<40x128xf32, #tpu.memory_space<vmem>>, vector<16xf32>,
        %parallel_loop3A_336 = arith.index_cast %parallel_loop3A_171 : i32 to index
        %parallel_loop3A_337 = arith.constant 80 : index
        %parallel_loop3A_338 = tpu.vector_load %arg15[%parallel_loop3A_336, %parallel_loop3A_337] {strides = array<i32>} : memref<40x128xf32, #tpu.memory_space<vmem>>, vector<16xf32>,
        %parallel_loop3A_339 = arith.addf %parallel_loop3A_329, %parallel_loop3A_335 : vector<16xf32>
        %parallel_loop3A_340 = arith.addf %parallel_loop3A_339, %parallel_loop3A_338 : vector<16xf32>
        %parallel_loop3A_341 = arith.index_cast %parallel_loop3A_171 : i32 to index
        %parallel_loop3A_342 = arith.constant 80 : index
        %parallel_loop3A_343 = tpu.vector_load %arg15[%parallel_loop3A_341, %parallel_loop3A_342] {strides = array<i32>} : memref<40x128xf32, #tpu.memory_space<vmem>>, vector<16xf32>,
        tpu.vector_store %arg15[%parallel_loop3A_341, %parallel_loop3A_342], %parallel_loop3A_340 {strides = array<i32>} : memref<40x128xf32, #tpu.memory_space<vmem>>, vector<16xf32>,
        %parallel_loop3A_344 = arith.constant 0.000000e+00 : f32
        %parallel_loop3A_345 = vector.broadcast %parallel_loop3A_344 : f32 to vector<16xf32>
        %parallel_loop3A_346 = arith.subf %parallel_loop3A_345, %parallel_loop3A_340 : vector<16xf32>
        %parallel_loop3A_347 = math.exp %parallel_loop3A_346 : vector<16xf32>
        %parallel_loop3A_348 = arith.constant 1.000000e+00 : f32
        %parallel_loop3A_349 = vector.broadcast %parallel_loop3A_348 : f32 to vector<16xf32>
        %parallel_loop3A_350 = arith.addf %parallel_loop3A_349, %parallel_loop3A_347 : vector<16xf32>
        %parallel_loop3A_351 = arith.constant 1.000000e+00 : f32
        %parallel_loop3A_352 = vector.broadcast %parallel_loop3A_351 : f32 to vector<16xf32>
        %parallel_loop3A_353 = arith.divf %parallel_loop3A_352, %parallel_loop3A_350 : vector<16xf32>
        %parallel_loop3A_354 = arith.mulf %parallel_loop3A_332, %parallel_loop3A_353 : vector<16xf32>
        %parallel_loop3A_355 = arith.index_cast %parallel_loop3A_171 : i32 to index
        %parallel_loop3A_356 = arith.constant 80 : index
        %parallel_loop3A_357 = tpu.vector_load %arg17[%parallel_loop3A_355, %parallel_loop3A_356] {strides = array<i32>} : memref<40x128xf32, #tpu.memory_space<vmem>>, vector<16xf32>,
        tpu.vector_store %arg17[%parallel_loop3A_355, %parallel_loop3A_356], %parallel_loop3A_354 {strides = array<i32>} : memref<40x128xf32, #tpu.memory_space<vmem>>, vector<16xf32>,
        %parallel_loop3A_358 = arith.index_cast %parallel_loop3A_171 : i32 to index
        %parallel_loop3A_359 = arith.constant 96 : index
        %parallel_loop3A_360 = tpu.vector_load %arg13[%parallel_loop3A_358, %parallel_loop3A_359] {strides = array<i32>} : memref<40x256xf32, #tpu.memory_space<vmem>>, vector<16xf32>,
        %parallel_loop3A_361 = arith.index_cast %parallel_loop3A_171 : i32 to index
        %parallel_loop3A_362 = arith.constant 224 : index
        %parallel_loop3A_363 = tpu.vector_load %arg13[%parallel_loop3A_361, %parallel_loop3A_362] {strides = array<i32>} : memref<40x256xf32, #tpu.memory_space<vmem>>, vector<16xf32>,
        %parallel_loop3A_364 = arith.index_cast %parallel_loop3A_171 : i32 to index
        %parallel_loop3A_365 = arith.constant 96 : index
        %parallel_loop3A_366 = tpu.vector_load %arg17[%parallel_loop3A_364, %parallel_loop3A_365] {strides = array<i32>} : memref<40x128xf32, #tpu.memory_space<vmem>>, vector<16xf32>,
        %parallel_loop3A_367 = arith.index_cast %parallel_loop3A_171 : i32 to index
        %parallel_loop3A_368 = arith.constant 96 : index
        %parallel_loop3A_369 = tpu.vector_load %arg15[%parallel_loop3A_367, %parallel_loop3A_368] {strides = array<i32>} : memref<40x128xf32, #tpu.memory_space<vmem>>, vector<16xf32>,
        %parallel_loop3A_370 = arith.addf %parallel_loop3A_360, %parallel_loop3A_366 : vector<16xf32>
        %parallel_loop3A_371 = arith.addf %parallel_loop3A_370, %parallel_loop3A_369 : vector<16xf32>
        %parallel_loop3A_372 = arith.index_cast %parallel_loop3A_171 : i32 to index
        %parallel_loop3A_373 = arith.constant 96 : index
        %parallel_loop3A_374 = tpu.vector_load %arg15[%parallel_loop3A_372, %parallel_loop3A_373] {strides = array<i32>} : memref<40x128xf32, #tpu.memory_space<vmem>>, vector<16xf32>,
        tpu.vector_store %arg15[%parallel_loop3A_372, %parallel_loop3A_373], %parallel_loop3A_371 {strides = array<i32>} : memref<40x128xf32, #tpu.memory_space<vmem>>, vector<16xf32>,
        %parallel_loop3A_375 = arith.constant 0.000000e+00 : f32
        %parallel_loop3A_376 = vector.broadcast %parallel_loop3A_375 : f32 to vector<16xf32>
        %parallel_loop3A_377 = arith.subf %parallel_loop3A_376, %parallel_loop3A_371 : vector<16xf32>
        %parallel_loop3A_378 = math.exp %parallel_loop3A_377 : vector<16xf32>
        %parallel_loop3A_379 = arith.constant 1.000000e+00 : f32
        %parallel_loop3A_380 = vector.broadcast %parallel_loop3A_379 : f32 to vector<16xf32>
        %parallel_loop3A_381 = arith.addf %parallel_loop3A_380, %parallel_loop3A_378 : vector<16xf32>
        %parallel_loop3A_382 = arith.constant 1.000000e+00 : f32
        %parallel_loop3A_383 = vector.broadcast %parallel_loop3A_382 : f32 to vector<16xf32>
        %parallel_loop3A_384 = arith.divf %parallel_loop3A_383, %parallel_loop3A_381 : vector<16xf32>
        %parallel_loop3A_385 = arith.mulf %parallel_loop3A_363, %parallel_loop3A_384 : vector<16xf32>
        %parallel_loop3A_386 = arith.index_cast %parallel_loop3A_171 : i32 to index
        %parallel_loop3A_387 = arith.constant 96 : index
        %parallel_loop3A_388 = tpu.vector_load %arg17[%parallel_loop3A_386, %parallel_loop3A_387] {strides = array<i32>} : memref<40x128xf32, #tpu.memory_space<vmem>>, vector<16xf32>,
        tpu.vector_store %arg17[%parallel_loop3A_386, %parallel_loop3A_387], %parallel_loop3A_385 {strides = array<i32>} : memref<40x128xf32, #tpu.memory_space<vmem>>, vector<16xf32>,
        %parallel_loop3A_389 = arith.index_cast %parallel_loop3A_171 : i32 to index
        %parallel_loop3A_390 = arith.constant 112 : index
        %parallel_loop3A_391 = tpu.vector_load %arg13[%parallel_loop3A_389, %parallel_loop3A_390] {strides = array<i32>} : memref<40x256xf32, #tpu.memory_space<vmem>>, vector<16xf32>,
        %parallel_loop3A_392 = arith.index_cast %parallel_loop3A_171 : i32 to index
        %parallel_loop3A_393 = arith.constant 240 : index
        %parallel_loop3A_394 = tpu.vector_load %arg13[%parallel_loop3A_392, %parallel_loop3A_393] {strides = array<i32>} : memref<40x256xf32, #tpu.memory_space<vmem>>, vector<16xf32>,
        %parallel_loop3A_395 = arith.index_cast %parallel_loop3A_171 : i32 to index
        %parallel_loop3A_396 = arith.constant 112 : index
        %parallel_loop3A_397 = tpu.vector_load %arg17[%parallel_loop3A_395, %parallel_loop3A_396] {strides = array<i32>} : memref<40x128xf32, #tpu.memory_space<vmem>>, vector<16xf32>,
        %parallel_loop3A_398 = arith.index_cast %parallel_loop3A_171 : i32 to index
        %parallel_loop3A_399 = arith.constant 112 : index
        %parallel_loop3A_400 = tpu.vector_load %arg15[%parallel_loop3A_398, %parallel_loop3A_399] {strides = array<i32>} : memref<40x128xf32, #tpu.memory_space<vmem>>, vector<16xf32>,
        %parallel_loop3A_401 = arith.addf %parallel_loop3A_391, %parallel_loop3A_397 : vector<16xf32>
        %parallel_loop3A_402 = arith.addf %parallel_loop3A_401, %parallel_loop3A_400 : vector<16xf32>
        %parallel_loop3A_403 = arith.index_cast %parallel_loop3A_171 : i32 to index
        %parallel_loop3A_404 = arith.constant 112 : index
        %parallel_loop3A_405 = tpu.vector_load %arg15[%parallel_loop3A_403, %parallel_loop3A_404] {strides = array<i32>} : memref<40x128xf32, #tpu.memory_space<vmem>>, vector<16xf32>,
        tpu.vector_store %arg15[%parallel_loop3A_403, %parallel_loop3A_404], %parallel_loop3A_402 {strides = array<i32>} : memref<40x128xf32, #tpu.memory_space<vmem>>, vector<16xf32>,
        %parallel_loop3A_406 = arith.constant 0.000000e+00 : f32
        %parallel_loop3A_407 = vector.broadcast %parallel_loop3A_406 : f32 to vector<16xf32>
        %parallel_loop3A_408 = arith.subf %parallel_loop3A_407, %parallel_loop3A_402 : vector<16xf32>
        %parallel_loop3A_409 = math.exp %parallel_loop3A_408 : vector<16xf32>
        %parallel_loop3A_410 = arith.constant 1.000000e+00 : f32
        %parallel_loop3A_411 = vector.broadcast %parallel_loop3A_410 : f32 to vector<16xf32>
        %parallel_loop3A_412 = arith.addf %parallel_loop3A_411, %parallel_loop3A_409 : vector<16xf32>
        %parallel_loop3A_413 = arith.constant 1.000000e+00 : f32
        %parallel_loop3A_414 = vector.broadcast %parallel_loop3A_413 : f32 to vector<16xf32>
        %parallel_loop3A_415 = arith.divf %parallel_loop3A_414, %parallel_loop3A_412 : vector<16xf32>
        %parallel_loop3A_416 = arith.mulf %parallel_loop3A_394, %parallel_loop3A_415 : vector<16xf32>
        %parallel_loop3A_417 = arith.index_cast %parallel_loop3A_171 : i32 to index
        %parallel_loop3A_418 = arith.constant 112 : index
        %parallel_loop3A_419 = tpu.vector_load %arg17[%parallel_loop3A_417, %parallel_loop3A_418] {strides = array<i32>} : memref<40x128xf32, #tpu.memory_space<vmem>>, vector<16xf32>,
        tpu.vector_store %arg17[%parallel_loop3A_417, %parallel_loop3A_418], %parallel_loop3A_416 {strides = array<i32>} : memref<40x128xf32, #tpu.memory_space<vmem>>, vector<16xf32>,
      } {sc.loop_unroll_factor = 4 : i64, sc.parallel_access}
      %mul3A_112 = arith.constant 40 : i32
      %mul3A_113 = arith.muli %add3A_66, %mul3A_112 : i32
      %add3A_114 = arith.addi %mul3A_2, %mul3A_113 : i32
      %dma_start3A_115 = arith.constant 0 : i32
      %dma_start3A_116 = tpu.memref_slice %arg7[%add3A_114, %dma_start3A_115] : memref<320000x128xf32, #tpu.memory_space<hbm>> -> memref<40x128xf32, #tpu.memory_space<hbm>>
      %dma_start3A_117 = arith.constant 0 : i32
      %dma_start3A_118 = tpu.memref_slice %arg7[%add3A_114, %dma_start3A_117] : memref<320000x128xf32, #tpu.memory_space<hbm>> -> memref<40x128xf32, #tpu.memory_space<hbm>>
      tpu.enqueue_dma source(%arg15 : memref<40x128xf32, #tpu.memory_space<vmem>>) target(%dma_start3A_118 : memref<40x128xf32, #tpu.memory_space<hbm>>) target_semaphore(%arg22 : memref<!tpu.dma_semaphore, #tpu.memory_space<semaphore_mem>>)
      "tpu.region"() ({
        %run_scoped3A = tpu.sem_alloc : memref<!tpu.dma_semaphore, #tpu.memory_space<semaphore_mem>>
        %dma_start3A_171 = arith.constant 0 : i32
        %dma_start3A_172 = arith.constant 0 : i32
        %dma_start3A_173 = tpu.memref_slice %arg19[%dma_start3A_171, %dma_start3A_172] : memref<10240x128xf32, #tpu.memory_space<vmem_shared>> -> memref<10240x128xf32, #tpu.memory_space<vmem_shared>>
        tpu.enqueue_indirect_dma source(%arg17 : memref<40x128xf32, #tpu.memory_space<vmem>>) target(%dma_start3A_173 : memref<10240x128xf32, #tpu.memory_space<vmem_shared>>) offsets(%arg11 : memref<40xi32, #tpu.memory_space<vmem>>) semaphore(%run_scoped3A : memref<!tpu.dma_semaphore, #tpu.memory_space<semaphore_mem>>) {add = true}
        %dma_wait3A_174 = arith.constant 0 : i32
        %dma_wait3A_175 = arith.constant 0 : i32
        %dma_wait3A_176 = tpu.memref_slice %arg19[%dma_wait3A_174, %dma_wait3A_175] : memref<10240x128xf32, #tpu.memory_space<vmem_shared>> -> memref<10240x128xf32, #tpu.memory_space<vmem_shared>>
        tpu.wait_indirect_dma semaphore(%run_scoped3A : memref<!tpu.dma_semaphore, #tpu.memory_space<semaphore_mem>>) src(%arg17 : memref<40x128xf32, #tpu.memory_space<vmem>>) dst(%dma_wait3A_176 : memref<10240x128xf32, #tpu.memory_space<vmem_shared>>)
        tpu.yield
      }) : () -> ()
      %lt3A = arith.constant 248 : i32
      %lt3A_119 = arith.cmpi slt, %add3A_66, %lt3A : i32
      %convert_element_type3A_120 = arith.extui %lt3A_119 : i1 to i32
      %cond3A_121 = arith.constant 0 : i32
      %cond3A_122 = arith.cmpi ne, %convert_element_type3A_120, %cond3A_121 : i32
      scf.if %cond3A_122 {
        %add3A_171 = arith.constant 2 : i32
        %add3A_172 = arith.addi %add3A_66, %add3A_171 : i32
        %mul3A_173 = arith.constant 40 : i32
        %mul3A_174 = arith.muli %add3A_172, %mul3A_173 : i32
        %add3A_175 = arith.addi %mul3A_2, %mul3A_174 : i32
        %dma_start3A_176 = tpu.memref_slice %arg5[%add3A_175] : memref<320000xi32, #tpu.memory_space<hbm>> -> memref<40xi32, #tpu.memory_space<hbm>>
        %dma_start3A_177 = tpu.memref_slice %arg5[%add3A_175] : memref<320000xi32, #tpu.memory_space<hbm>> -> memref<40xi32, #tpu.memory_space<hbm>>
        tpu.enqueue_dma source(%dma_start3A_177 : memref<40xi32, #tpu.memory_space<hbm>>) target(%arg9 : memref<40xi32, #tpu.memory_space<vmem>>) target_semaphore(%arg24 : memref<!tpu.dma_semaphore, #tpu.memory_space<semaphore_mem>>)
        %dma_start3A_178 = tpu.memref_slice %arg6[%add3A_175] : memref<320000xi32, #tpu.memory_space<hbm>> -> memref<40xi32, #tpu.memory_space<hbm>>
        %dma_start3A_179 = tpu.memref_slice %arg6[%add3A_175] : memref<320000xi32, #tpu.memory_space<hbm>> -> memref<40xi32, #tpu.memory_space<hbm>>
        tpu.enqueue_dma source(%dma_start3A_179 : memref<40xi32, #tpu.memory_space<hbm>>) target(%arg11 : memref<40xi32, #tpu.memory_space<vmem>>) target_semaphore(%arg24 : memref<!tpu.dma_semaphore, #tpu.memory_space<semaphore_mem>>)
      } else {
      }
      %mul3A_123 = arith.constant 2 : i32
      %mul3A_124 = arith.muli %mul3A_123, %add3A_62 : i32
      %add3A_125 = arith.constant 1 : i32
      %add3A_126 = arith.addi %mul3A_124, %add3A_125 : i32
      %dma_wait3A_127 = arith.constant 0 : i32
      %dma_wait3A_128 = arith.constant 0 : i32
      %dma_wait3A_129 = tpu.memref_slice %arg7[%dma_wait3A_127, %dma_wait3A_128] : memref<320000x128xf32, #tpu.memory_space<hbm>> -> memref<40x128xf32, #tpu.memory_space<hbm>>
      %dma_wait3A_130 = arith.constant 0 : i32
      %dma_wait3A_131 = arith.constant 0 : i32
      %dma_wait3A_132 = tpu.memref_slice %arg7[%dma_wait3A_130, %dma_wait3A_131] : memref<320000x128xf32, #tpu.memory_space<hbm>> -> memref<40x128xf32, #tpu.memory_space<hbm>>
      tpu.wait_dma2 semaphore(%arg22 : memref<!tpu.dma_semaphore, #tpu.memory_space<semaphore_mem>>) src(%arg15 : memref<40x128xf32, #tpu.memory_space<vmem>>) dst(%dma_wait3A_132 : memref<40x128xf32, #tpu.memory_space<hbm>>)
      %lt3A_133 = arith.constant 124 : i32
      %lt3A_134 = arith.cmpi slt, %add3A_62, %lt3A_133 : i32
      %convert_element_type3A_135 = arith.extui %lt3A_134 : i1 to i32
      %cond3A_136 = arith.constant 0 : i32
      %cond3A_137 = arith.cmpi ne, %convert_element_type3A_135, %cond3A_136 : i32
      scf.if %cond3A_137 {
        %dma_wait3A_171 = arith.constant 0 : i32
        %dma_wait3A_172 = tpu.memref_slice %arg5[%dma_wait3A_171] : memref<320000xi32, #tpu.memory_space<hbm>> -> memref<40xi32, #tpu.memory_space<hbm>>
        %dma_wait3A_173 = arith.constant 0 : i32
        %dma_wait3A_174 = tpu.memref_slice %arg5[%dma_wait3A_173] : memref<320000xi32, #tpu.memory_space<hbm>> -> memref<40xi32, #tpu.memory_space<hbm>>
        tpu.wait_dma2 semaphore(%arg24 : memref<!tpu.dma_semaphore, #tpu.memory_space<semaphore_mem>>) src(%dma_wait3A_174 : memref<40xi32, #tpu.memory_space<hbm>>) dst(%arg9 : memref<40xi32, #tpu.memory_space<vmem>>)
        %dma_wait3A_175 = arith.constant 0 : i32
        %dma_wait3A_176 = tpu.memref_slice %arg6[%dma_wait3A_175] : memref<320000xi32, #tpu.memory_space<hbm>> -> memref<40xi32, #tpu.memory_space<hbm>>
        %dma_wait3A_177 = arith.constant 0 : i32
        %dma_wait3A_178 = tpu.memref_slice %arg6[%dma_wait3A_177] : memref<320000xi32, #tpu.memory_space<hbm>> -> memref<40xi32, #tpu.memory_space<hbm>>
        tpu.wait_dma2 semaphore(%arg24 : memref<!tpu.dma_semaphore, #tpu.memory_space<semaphore_mem>>) src(%dma_wait3A_178 : memref<40xi32, #tpu.memory_space<hbm>>) dst(%arg11 : memref<40xi32, #tpu.memory_space<vmem>>)
        %add3A_179 = arith.constant 1 : i32
        %add3A_180 = arith.addi %add3A_126, %add3A_179 : i32
        %mul3A_181 = arith.constant 40 : i32
        %mul3A_182 = arith.muli %add3A_180, %mul3A_181 : i32
        %add3A_183 = arith.addi %mul3A_2, %mul3A_182 : i32
        %dma_start3A_184 = arith.constant 0 : i32
        %dma_start3A_185 = arith.constant 0 : i32
        %dma_start3A_186 = tpu.memref_slice %arg2[%dma_start3A_184, %dma_start3A_185] : memref<10000x256xf32, #tpu.memory_space<hbm>> -> memref<10000x256xf32, #tpu.memory_space<hbm>>
        tpu.enqueue_indirect_dma source(%dma_start3A_186 : memref<10000x256xf32, #tpu.memory_space<hbm>>) target(%arg13 : memref<40x256xf32, #tpu.memory_space<vmem>>) offsets(%arg9 : memref<40xi32, #tpu.memory_space<vmem>>) semaphore(%arg20 : memref<!tpu.dma_semaphore, #tpu.memory_space<semaphore_mem>>)
        %dma_start3A_187 = arith.constant 0 : i32
        %dma_start3A_188 = arith.constant 0 : i32
        %dma_start3A_189 = tpu.memref_slice %arg3[%dma_start3A_187, %dma_start3A_188] : memref<10000x128xf32, #tpu.memory_space<hbm>> -> memref<10000x128xf32, #tpu.memory_space<hbm>>
        tpu.enqueue_indirect_dma source(%dma_start3A_189 : memref<10000x128xf32, #tpu.memory_space<hbm>>) target(%arg17 : memref<40x128xf32, #tpu.memory_space<vmem>>) offsets(%arg11 : memref<40xi32, #tpu.memory_space<vmem>>) semaphore(%arg20 : memref<!tpu.dma_semaphore, #tpu.memory_space<semaphore_mem>>)
        %dma_start3A_190 = arith.constant 0 : i32
        %dma_start3A_191 = tpu.memref_slice %arg4[%add3A_183, %dma_start3A_190] : memref<320000x128xf32, #tpu.memory_space<hbm>> -> memref<40x128xf32, #tpu.memory_space<hbm>>
        %dma_start3A_192 = arith.constant 0 : i32
        %dma_start3A_193 = tpu.memref_slice %arg4[%add3A_183, %dma_start3A_192] : memref<320000x128xf32, #tpu.memory_space<hbm>> -> memref<40x128xf32, #tpu.memory_space<hbm>>
        tpu.enqueue_dma source(%dma_start3A_193 : memref<40x128xf32, #tpu.memory_space<hbm>>) target(%arg15 : memref<40x128xf32, #tpu.memory_space<vmem>>) target_semaphore(%arg20 : memref<!tpu.dma_semaphore, #tpu.memory_space<semaphore_mem>>)
      } else {
      }
      %dma_wait3A_138 = arith.constant 0 : i32
      %dma_wait3A_139 = arith.constant 0 : i32
      %dma_wait3A_140 = tpu.memref_slice %arg2[%dma_wait3A_138, %dma_wait3A_139] : memref<10000x256xf32, #tpu.memory_space<hbm>> -> memref<40x256xf32, #tpu.memory_space<hbm>>
      %dma_wait3A_141 = arith.constant 0 : i32
      %dma_wait3A_142 = arith.constant 0 : i32
      %dma_wait3A_143 = tpu.memref_slice %arg2[%dma_wait3A_141, %dma_wait3A_142] : memref<10000x256xf32, #tpu.memory_space<hbm>> -> memref<40x256xf32, #tpu.memory_space<hbm>>
      tpu.wait_dma2 semaphore(%arg21 : memref<!tpu.dma_semaphore, #tpu.memory_space<semaphore_mem>>) src(%dma_wait3A_143 : memref<40x256xf32, #tpu.memory_space<hbm>>) dst(%arg14 : memref<40x256xf32, #tpu.memory_space<vmem>>)
      %dma_wait3A_144 = arith.constant 0 : i32
      %dma_wait3A_145 = arith.constant 0 : i32
      %dma_wait3A_146 = tpu.memref_slice %arg3[%dma_wait3A_144, %dma_wait3A_145] : memref<10000x128xf32, #tpu.memory_space<hbm>> -> memref<40x128xf32, #tpu.memory_space<hbm>>
      %dma_wait3A_147 = arith.constant 0 : i32
      %dma_wait3A_148 = arith.constant 0 : i32
      %dma_wait3A_149 = tpu.memref_slice %arg3[%dma_wait3A_147, %dma_wait3A_148] : memref<10000x128xf32, #tpu.memory_space<hbm>> -> memref<40x128xf32, #tpu.memory_space<hbm>>
      tpu.wait_dma2 semaphore(%arg21 : memref<!tpu.dma_semaphore, #tpu.memory_space<semaphore_mem>>) src(%dma_wait3A_149 : memref<40x128xf32, #tpu.memory_space<hbm>>) dst(%arg18 : memref<40x128xf32, #tpu.memory_space<vmem>>)
      %dma_wait3A_150 = arith.constant 0 : i32
      %dma_wait3A_151 = arith.constant 0 : i32
      %dma_wait3A_152 = tpu.memref_slice %arg4[%dma_wait3A_150, %dma_wait3A_151] : memref<320000x128xf32, #tpu.memory_space<hbm>> -> memref<40x128xf32, #tpu.memory_space<hbm>>
      %dma_wait3A_153 = arith.constant 0 : i32
      %dma_wait3A_154 = arith.constant 0 : i32
      %dma_wait3A_155 = tpu.memref_slice %arg4[%dma_wait3A_153, %dma_wait3A_154] : memref<320000x128xf32, #tpu.memory_space<hbm>> -> memref<40x128xf32, #tpu.memory_space<hbm>>
      tpu.wait_dma2 semaphore(%arg21 : memref<!tpu.dma_semaphore, #tpu.memory_space<semaphore_mem>>) src(%dma_wait3A_155 : memref<40x128xf32, #tpu.memory_space<hbm>>) dst(%arg16 : memref<40x128xf32, #tpu.memory_space<vmem>>)
      %parallel_loop3A_156 = arith.constant 0 : i32
      %parallel_loop3A_157 = arith.constant 40 : i32
      %parallel_loop3A_158 = arith.constant 1 : i32
      scf.for %parallel_loop3A_171 = %parallel_loop3A_156 to %parallel_loop3A_157 step %parallel_loop3A_158  : i32 {
        %parallel_loop3A_172 = arith.index_cast %parallel_loop3A_171 : i32 to index
        %parallel_loop3A_173 = arith.constant 0 : index
        %parallel_loop3A_174 = tpu.vector_load %arg14[%parallel_loop3A_172, %parallel_loop3A_173] {strides = array<i32>} : memref<40x256xf32, #tpu.memory_space<vmem>>, vector<16xf32>,
        %parallel_loop3A_175 = arith.index_cast %parallel_loop3A_171 : i32 to index
        %parallel_loop3A_176 = arith.constant 128 : index
        %parallel_loop3A_177 = tpu.vector_load %arg14[%parallel_loop3A_175, %parallel_loop3A_176] {strides = array<i32>} : memref<40x256xf32, #tpu.memory_space<vmem>>, vector<16xf32>,
        %parallel_loop3A_178 = arith.index_cast %parallel_loop3A_171 : i32 to index
        %parallel_loop3A_179 = arith.constant 0 : index
        %parallel_loop3A_180 = tpu.vector_load %arg18[%parallel_loop3A_178, %parallel_loop3A_179] {strides = array<i32>} : memref<40x128xf32, #tpu.memory_space<vmem>>, vector<16xf32>,
        %parallel_loop3A_181 = arith.index_cast %parallel_loop3A_171 : i32 to index
        %parallel_loop3A_182 = arith.constant 0 : index
        %parallel_loop3A_183 = tpu.vector_load %arg16[%parallel_loop3A_181, %parallel_loop3A_182] {strides = array<i32>} : memref<40x128xf32, #tpu.memory_space<vmem>>, vector<16xf32>,
        %parallel_loop3A_184 = arith.addf %parallel_loop3A_174, %parallel_loop3A_180 : vector<16xf32>
        %parallel_loop3A_185 = arith.addf %parallel_loop3A_184, %parallel_loop3A_183 : vector<16xf32>
        %parallel_loop3A_186 = arith.index_cast %parallel_loop3A_171 : i32 to index
        %parallel_loop3A_187 = arith.constant 0 : index
        %parallel_loop3A_188 = tpu.vector_load %arg16[%parallel_loop3A_186, %parallel_loop3A_187] {strides = array<i32>} : memref<40x128xf32, #tpu.memory_space<vmem>>, vector<16xf32>,
        tpu.vector_store %arg16[%parallel_loop3A_186, %parallel_loop3A_187], %parallel_loop3A_185 {strides = array<i32>} : memref<40x128xf32, #tpu.memory_space<vmem>>, vector<16xf32>,
        %parallel_loop3A_189 = arith.constant 0.000000e+00 : f32
        %parallel_loop3A_190 = vector.broadcast %parallel_loop3A_189 : f32 to vector<16xf32>
        %parallel_loop3A_191 = arith.subf %parallel_loop3A_190, %parallel_loop3A_185 : vector<16xf32>
        %parallel_loop3A_192 = math.exp %parallel_loop3A_191 : vector<16xf32>
        %parallel_loop3A_193 = arith.constant 1.000000e+00 : f32
        %parallel_loop3A_194 = vector.broadcast %parallel_loop3A_193 : f32 to vector<16xf32>
        %parallel_loop3A_195 = arith.addf %parallel_loop3A_194, %parallel_loop3A_192 : vector<16xf32>
        %parallel_loop3A_196 = arith.constant 1.000000e+00 : f32
        %parallel_loop3A_197 = vector.broadcast %parallel_loop3A_196 : f32 to vector<16xf32>
        %parallel_loop3A_198 = arith.divf %parallel_loop3A_197, %parallel_loop3A_195 : vector<16xf32>
        %parallel_loop3A_199 = arith.mulf %parallel_loop3A_177, %parallel_loop3A_198 : vector<16xf32>
        %parallel_loop3A_200 = arith.index_cast %parallel_loop3A_171 : i32 to index
        %parallel_loop3A_201 = arith.constant 0 : index
        %parallel_loop3A_202 = tpu.vector_load %arg18[%parallel_loop3A_200, %parallel_loop3A_201] {strides = array<i32>} : memref<40x128xf32, #tpu.memory_space<vmem>>, vector<16xf32>,
        tpu.vector_store %arg18[%parallel_loop3A_200, %parallel_loop3A_201], %parallel_loop3A_199 {strides = array<i32>} : memref<40x128xf32, #tpu.memory_space<vmem>>, vector<16xf32>,
        %parallel_loop3A_203 = arith.index_cast %parallel_loop3A_171 : i32 to index
        %parallel_loop3A_204 = arith.constant 16 : index
        %parallel_loop3A_205 = tpu.vector_load %arg14[%parallel_loop3A_203, %parallel_loop3A_204] {strides = array<i32>} : memref<40x256xf32, #tpu.memory_space<vmem>>, vector<16xf32>,
        %parallel_loop3A_206 = arith.index_cast %parallel_loop3A_171 : i32 to index
        %parallel_loop3A_207 = arith.constant 144 : index
        %parallel_loop3A_208 = tpu.vector_load %arg14[%parallel_loop3A_206, %parallel_loop3A_207] {strides = array<i32>} : memref<40x256xf32, #tpu.memory_space<vmem>>, vector<16xf32>,
        %parallel_loop3A_209 = arith.index_cast %parallel_loop3A_171 : i32 to index
        %parallel_loop3A_210 = arith.constant 16 : index
        %parallel_loop3A_211 = tpu.vector_load %arg18[%parallel_loop3A_209, %parallel_loop3A_210] {strides = array<i32>} : memref<40x128xf32, #tpu.memory_space<vmem>>, vector<16xf32>,
        %parallel_loop3A_212 = arith.index_cast %parallel_loop3A_171 : i32 to index
        %parallel_loop3A_213 = arith.constant 16 : index
        %parallel_loop3A_214 = tpu.vector_load %arg16[%parallel_loop3A_212, %parallel_loop3A_213] {strides = array<i32>} : memref<40x128xf32, #tpu.memory_space<vmem>>, vector<16xf32>,
        %parallel_loop3A_215 = arith.addf %parallel_loop3A_205, %parallel_loop3A_211 : vector<16xf32>
        %parallel_loop3A_216 = arith.addf %parallel_loop3A_215, %parallel_loop3A_214 : vector<16xf32>
        %parallel_loop3A_217 = arith.index_cast %parallel_loop3A_171 : i32 to index
        %parallel_loop3A_218 = arith.constant 16 : index
        %parallel_loop3A_219 = tpu.vector_load %arg16[%parallel_loop3A_217, %parallel_loop3A_218] {strides = array<i32>} : memref<40x128xf32, #tpu.memory_space<vmem>>, vector<16xf32>,
        tpu.vector_store %arg16[%parallel_loop3A_217, %parallel_loop3A_218], %parallel_loop3A_216 {strides = array<i32>} : memref<40x128xf32, #tpu.memory_space<vmem>>, vector<16xf32>,
        %parallel_loop3A_220 = arith.constant 0.000000e+00 : f32
        %parallel_loop3A_221 = vector.broadcast %parallel_loop3A_220 : f32 to vector<16xf32>
        %parallel_loop3A_222 = arith.subf %parallel_loop3A_221, %parallel_loop3A_216 : vector<16xf32>
        %parallel_loop3A_223 = math.exp %parallel_loop3A_222 : vector<16xf32>
        %parallel_loop3A_224 = arith.constant 1.000000e+00 : f32
        %parallel_loop3A_225 = vector.broadcast %parallel_loop3A_224 : f32 to vector<16xf32>
        %parallel_loop3A_226 = arith.addf %parallel_loop3A_225, %parallel_loop3A_223 : vector<16xf32>
        %parallel_loop3A_227 = arith.constant 1.000000e+00 : f32
        %parallel_loop3A_228 = vector.broadcast %parallel_loop3A_227 : f32 to vector<16xf32>
        %parallel_loop3A_229 = arith.divf %parallel_loop3A_228, %parallel_loop3A_226 : vector<16xf32>
        %parallel_loop3A_230 = arith.mulf %parallel_loop3A_208, %parallel_loop3A_229 : vector<16xf32>
        %parallel_loop3A_231 = arith.index_cast %parallel_loop3A_171 : i32 to index
        %parallel_loop3A_232 = arith.constant 16 : index
        %parallel_loop3A_233 = tpu.vector_load %arg18[%parallel_loop3A_231, %parallel_loop3A_232] {strides = array<i32>} : memref<40x128xf32, #tpu.memory_space<vmem>>, vector<16xf32>,
        tpu.vector_store %arg18[%parallel_loop3A_231, %parallel_loop3A_232], %parallel_loop3A_230 {strides = array<i32>} : memref<40x128xf32, #tpu.memory_space<vmem>>, vector<16xf32>,
        %parallel_loop3A_234 = arith.index_cast %parallel_loop3A_171 : i32 to index
        %parallel_loop3A_235 = arith.constant 32 : index
        %parallel_loop3A_236 = tpu.vector_load %arg14[%parallel_loop3A_234, %parallel_loop3A_235] {strides = array<i32>} : memref<40x256xf32, #tpu.memory_space<vmem>>, vector<16xf32>,
        %parallel_loop3A_237 = arith.index_cast %parallel_loop3A_171 : i32 to index
        %parallel_loop3A_238 = arith.constant 160 : index
        %parallel_loop3A_239 = tpu.vector_load %arg14[%parallel_loop3A_237, %parallel_loop3A_238] {strides = array<i32>} : memref<40x256xf32, #tpu.memory_space<vmem>>, vector<16xf32>,
        %parallel_loop3A_240 = arith.index_cast %parallel_loop3A_171 : i32 to index
        %parallel_loop3A_241 = arith.constant 32 : index
        %parallel_loop3A_242 = tpu.vector_load %arg18[%parallel_loop3A_240, %parallel_loop3A_241] {strides = array<i32>} : memref<40x128xf32, #tpu.memory_space<vmem>>, vector<16xf32>,
        %parallel_loop3A_243 = arith.index_cast %parallel_loop3A_171 : i32 to index
        %parallel_loop3A_244 = arith.constant 32 : index
        %parallel_loop3A_245 = tpu.vector_load %arg16[%parallel_loop3A_243, %parallel_loop3A_244] {strides = array<i32>} : memref<40x128xf32, #tpu.memory_space<vmem>>, vector<16xf32>,
        %parallel_loop3A_246 = arith.addf %parallel_loop3A_236, %parallel_loop3A_242 : vector<16xf32>
        %parallel_loop3A_247 = arith.addf %parallel_loop3A_246, %parallel_loop3A_245 : vector<16xf32>
        %parallel_loop3A_248 = arith.index_cast %parallel_loop3A_171 : i32 to index
        %parallel_loop3A_249 = arith.constant 32 : index
        %parallel_loop3A_250 = tpu.vector_load %arg16[%parallel_loop3A_248, %parallel_loop3A_249] {strides = array<i32>} : memref<40x128xf32, #tpu.memory_space<vmem>>, vector<16xf32>,
        tpu.vector_store %arg16[%parallel_loop3A_248, %parallel_loop3A_249], %parallel_loop3A_247 {strides = array<i32>} : memref<40x128xf32, #tpu.memory_space<vmem>>, vector<16xf32>,
        %parallel_loop3A_251 = arith.constant 0.000000e+00 : f32
        %parallel_loop3A_252 = vector.broadcast %parallel_loop3A_251 : f32 to vector<16xf32>
        %parallel_loop3A_253 = arith.subf %parallel_loop3A_252, %parallel_loop3A_247 : vector<16xf32>
        %parallel_loop3A_254 = math.exp %parallel_loop3A_253 : vector<16xf32>
        %parallel_loop3A_255 = arith.constant 1.000000e+00 : f32
        %parallel_loop3A_256 = vector.broadcast %parallel_loop3A_255 : f32 to vector<16xf32>
        %parallel_loop3A_257 = arith.addf %parallel_loop3A_256, %parallel_loop3A_254 : vector<16xf32>
        %parallel_loop3A_258 = arith.constant 1.000000e+00 : f32
        %parallel_loop3A_259 = vector.broadcast %parallel_loop3A_258 : f32 to vector<16xf32>
        %parallel_loop3A_260 = arith.divf %parallel_loop3A_259, %parallel_loop3A_257 : vector<16xf32>
        %parallel_loop3A_261 = arith.mulf %parallel_loop3A_239, %parallel_loop3A_260 : vector<16xf32>
        %parallel_loop3A_262 = arith.index_cast %parallel_loop3A_171 : i32 to index
        %parallel_loop3A_263 = arith.constant 32 : index
        %parallel_loop3A_264 = tpu.vector_load %arg18[%parallel_loop3A_262, %parallel_loop3A_263] {strides = array<i32>} : memref<40x128xf32, #tpu.memory_space<vmem>>, vector<16xf32>,
        tpu.vector_store %arg18[%parallel_loop3A_262, %parallel_loop3A_263], %parallel_loop3A_261 {strides = array<i32>} : memref<40x128xf32, #tpu.memory_space<vmem>>, vector<16xf32>,
        %parallel_loop3A_265 = arith.index_cast %parallel_loop3A_171 : i32 to index
        %parallel_loop3A_266 = arith.constant 48 : index
        %parallel_loop3A_267 = tpu.vector_load %arg14[%parallel_loop3A_265, %parallel_loop3A_266] {strides = array<i32>} : memref<40x256xf32, #tpu.memory_space<vmem>>, vector<16xf32>,
        %parallel_loop3A_268 = arith.index_cast %parallel_loop3A_171 : i32 to index
        %parallel_loop3A_269 = arith.constant 176 : index
        %parallel_loop3A_270 = tpu.vector_load %arg14[%parallel_loop3A_268, %parallel_loop3A_269] {strides = array<i32>} : memref<40x256xf32, #tpu.memory_space<vmem>>, vector<16xf32>,
        %parallel_loop3A_271 = arith.index_cast %parallel_loop3A_171 : i32 to index
        %parallel_loop3A_272 = arith.constant 48 : index
        %parallel_loop3A_273 = tpu.vector_load %arg18[%parallel_loop3A_271, %parallel_loop3A_272] {strides = array<i32>} : memref<40x128xf32, #tpu.memory_space<vmem>>, vector<16xf32>,
        %parallel_loop3A_274 = arith.index_cast %parallel_loop3A_171 : i32 to index
        %parallel_loop3A_275 = arith.constant 48 : index
        %parallel_loop3A_276 = tpu.vector_load %arg16[%parallel_loop3A_274, %parallel_loop3A_275] {strides = array<i32>} : memref<40x128xf32, #tpu.memory_space<vmem>>, vector<16xf32>,
        %parallel_loop3A_277 = arith.addf %parallel_loop3A_267, %parallel_loop3A_273 : vector<16xf32>
        %parallel_loop3A_278 = arith.addf %parallel_loop3A_277, %parallel_loop3A_276 : vector<16xf32>
        %parallel_loop3A_279 = arith.index_cast %parallel_loop3A_171 : i32 to index
        %parallel_loop3A_280 = arith.constant 48 : index
        %parallel_loop3A_281 = tpu.vector_load %arg16[%parallel_loop3A_279, %parallel_loop3A_280] {strides = array<i32>} : memref<40x128xf32, #tpu.memory_space<vmem>>, vector<16xf32>,
        tpu.vector_store %arg16[%parallel_loop3A_279, %parallel_loop3A_280], %parallel_loop3A_278 {strides = array<i32>} : memref<40x128xf32, #tpu.memory_space<vmem>>, vector<16xf32>,
        %parallel_loop3A_282 = arith.constant 0.000000e+00 : f32
        %parallel_loop3A_283 = vector.broadcast %parallel_loop3A_282 : f32 to vector<16xf32>
        %parallel_loop3A_284 = arith.subf %parallel_loop3A_283, %parallel_loop3A_278 : vector<16xf32>
        %parallel_loop3A_285 = math.exp %parallel_loop3A_284 : vector<16xf32>
        %parallel_loop3A_286 = arith.constant 1.000000e+00 : f32
        %parallel_loop3A_287 = vector.broadcast %parallel_loop3A_286 : f32 to vector<16xf32>
        %parallel_loop3A_288 = arith.addf %parallel_loop3A_287, %parallel_loop3A_285 : vector<16xf32>
        %parallel_loop3A_289 = arith.constant 1.000000e+00 : f32
        %parallel_loop3A_290 = vector.broadcast %parallel_loop3A_289 : f32 to vector<16xf32>
        %parallel_loop3A_291 = arith.divf %parallel_loop3A_290, %parallel_loop3A_288 : vector<16xf32>
        %parallel_loop3A_292 = arith.mulf %parallel_loop3A_270, %parallel_loop3A_291 : vector<16xf32>
        %parallel_loop3A_293 = arith.index_cast %parallel_loop3A_171 : i32 to index
        %parallel_loop3A_294 = arith.constant 48 : index
        %parallel_loop3A_295 = tpu.vector_load %arg18[%parallel_loop3A_293, %parallel_loop3A_294] {strides = array<i32>} : memref<40x128xf32, #tpu.memory_space<vmem>>, vector<16xf32>,
        tpu.vector_store %arg18[%parallel_loop3A_293, %parallel_loop3A_294], %parallel_loop3A_292 {strides = array<i32>} : memref<40x128xf32, #tpu.memory_space<vmem>>, vector<16xf32>,
        %parallel_loop3A_296 = arith.index_cast %parallel_loop3A_171 : i32 to index
        %parallel_loop3A_297 = arith.constant 64 : index
        %parallel_loop3A_298 = tpu.vector_load %arg14[%parallel_loop3A_296, %parallel_loop3A_297] {strides = array<i32>} : memref<40x256xf32, #tpu.memory_space<vmem>>, vector<16xf32>,
        %parallel_loop3A_299 = arith.index_cast %parallel_loop3A_171 : i32 to index
        %parallel_loop3A_300 = arith.constant 192 : index
        %parallel_loop3A_301 = tpu.vector_load %arg14[%parallel_loop3A_299, %parallel_loop3A_300] {strides = array<i32>} : memref<40x256xf32, #tpu.memory_space<vmem>>, vector<16xf32>,
        %parallel_loop3A_302 = arith.index_cast %parallel_loop3A_171 : i32 to index
        %parallel_loop3A_303 = arith.constant 64 : index
        %parallel_loop3A_304 = tpu.vector_load %arg18[%parallel_loop3A_302, %parallel_loop3A_303] {strides = array<i32>} : memref<40x128xf32, #tpu.memory_space<vmem>>, vector<16xf32>,
        %parallel_loop3A_305 = arith.index_cast %parallel_loop3A_171 : i32 to index
        %parallel_loop3A_306 = arith.constant 64 : index
        %parallel_loop3A_307 = tpu.vector_load %arg16[%parallel_loop3A_305, %parallel_loop3A_306] {strides = array<i32>} : memref<40x128xf32, #tpu.memory_space<vmem>>, vector<16xf32>,
        %parallel_loop3A_308 = arith.addf %parallel_loop3A_298, %parallel_loop3A_304 : vector<16xf32>
        %parallel_loop3A_309 = arith.addf %parallel_loop3A_308, %parallel_loop3A_307 : vector<16xf32>
        %parallel_loop3A_310 = arith.index_cast %parallel_loop3A_171 : i32 to index
        %parallel_loop3A_311 = arith.constant 64 : index
        %parallel_loop3A_312 = tpu.vector_load %arg16[%parallel_loop3A_310, %parallel_loop3A_311] {strides = array<i32>} : memref<40x128xf32, #tpu.memory_space<vmem>>, vector<16xf32>,
        tpu.vector_store %arg16[%parallel_loop3A_310, %parallel_loop3A_311], %parallel_loop3A_309 {strides = array<i32>} : memref<40x128xf32, #tpu.memory_space<vmem>>, vector<16xf32>,
        %parallel_loop3A_313 = arith.constant 0.000000e+00 : f32
        %parallel_loop3A_314 = vector.broadcast %parallel_loop3A_313 : f32 to vector<16xf32>
        %parallel_loop3A_315 = arith.subf %parallel_loop3A_314, %parallel_loop3A_309 : vector<16xf32>
        %parallel_loop3A_316 = math.exp %parallel_loop3A_315 : vector<16xf32>
        %parallel_loop3A_317 = arith.constant 1.000000e+00 : f32
        %parallel_loop3A_318 = vector.broadcast %parallel_loop3A_317 : f32 to vector<16xf32>
        %parallel_loop3A_319 = arith.addf %parallel_loop3A_318, %parallel_loop3A_316 : vector<16xf32>
        %parallel_loop3A_320 = arith.constant 1.000000e+00 : f32
        %parallel_loop3A_321 = vector.broadcast %parallel_loop3A_320 : f32 to vector<16xf32>
        %parallel_loop3A_322 = arith.divf %parallel_loop3A_321, %parallel_loop3A_319 : vector<16xf32>
        %parallel_loop3A_323 = arith.mulf %parallel_loop3A_301, %parallel_loop3A_322 : vector<16xf32>
        %parallel_loop3A_324 = arith.index_cast %parallel_loop3A_171 : i32 to index
        %parallel_loop3A_325 = arith.constant 64 : index
        %parallel_loop3A_326 = tpu.vector_load %arg18[%parallel_loop3A_324, %parallel_loop3A_325] {strides = array<i32>} : memref<40x128xf32, #tpu.memory_space<vmem>>, vector<16xf32>,
        tpu.vector_store %arg18[%parallel_loop3A_324, %parallel_loop3A_325], %parallel_loop3A_323 {strides = array<i32>} : memref<40x128xf32, #tpu.memory_space<vmem>>, vector<16xf32>,
        %parallel_loop3A_327 = arith.index_cast %parallel_loop3A_171 : i32 to index
        %parallel_loop3A_328 = arith.constant 80 : index
        %parallel_loop3A_329 = tpu.vector_load %arg14[%parallel_loop3A_327, %parallel_loop3A_328] {strides = array<i32>} : memref<40x256xf32, #tpu.memory_space<vmem>>, vector<16xf32>,
        %parallel_loop3A_330 = arith.index_cast %parallel_loop3A_171 : i32 to index
        %parallel_loop3A_331 = arith.constant 208 : index
        %parallel_loop3A_332 = tpu.vector_load %arg14[%parallel_loop3A_330, %parallel_loop3A_331] {strides = array<i32>} : memref<40x256xf32, #tpu.memory_space<vmem>>, vector<16xf32>,
        %parallel_loop3A_333 = arith.index_cast %parallel_loop3A_171 : i32 to index
        %parallel_loop3A_334 = arith.constant 80 : index
        %parallel_loop3A_335 = tpu.vector_load %arg18[%parallel_loop3A_333, %parallel_loop3A_334] {strides = array<i32>} : memref<40x128xf32, #tpu.memory_space<vmem>>, vector<16xf32>,
        %parallel_loop3A_336 = arith.index_cast %parallel_loop3A_171 : i32 to index
        %parallel_loop3A_337 = arith.constant 80 : index
        %parallel_loop3A_338 = tpu.vector_load %arg16[%parallel_loop3A_336, %parallel_loop3A_337] {strides = array<i32>} : memref<40x128xf32, #tpu.memory_space<vmem>>, vector<16xf32>,
        %parallel_loop3A_339 = arith.addf %parallel_loop3A_329, %parallel_loop3A_335 : vector<16xf32>
        %parallel_loop3A_340 = arith.addf %parallel_loop3A_339, %parallel_loop3A_338 : vector<16xf32>
        %parallel_loop3A_341 = arith.index_cast %parallel_loop3A_171 : i32 to index
        %parallel_loop3A_342 = arith.constant 80 : index
        %parallel_loop3A_343 = tpu.vector_load %arg16[%parallel_loop3A_341, %parallel_loop3A_342] {strides = array<i32>} : memref<40x128xf32, #tpu.memory_space<vmem>>, vector<16xf32>,
        tpu.vector_store %arg16[%parallel_loop3A_341, %parallel_loop3A_342], %parallel_loop3A_340 {strides = array<i32>} : memref<40x128xf32, #tpu.memory_space<vmem>>, vector<16xf32>,
        %parallel_loop3A_344 = arith.constant 0.000000e+00 : f32
        %parallel_loop3A_345 = vector.broadcast %parallel_loop3A_344 : f32 to vector<16xf32>
        %parallel_loop3A_346 = arith.subf %parallel_loop3A_345, %parallel_loop3A_340 : vector<16xf32>
        %parallel_loop3A_347 = math.exp %parallel_loop3A_346 : vector<16xf32>
        %parallel_loop3A_348 = arith.constant 1.000000e+00 : f32
        %parallel_loop3A_349 = vector.broadcast %parallel_loop3A_348 : f32 to vector<16xf32>
        %parallel_loop3A_350 = arith.addf %parallel_loop3A_349, %parallel_loop3A_347 : vector<16xf32>
        %parallel_loop3A_351 = arith.constant 1.000000e+00 : f32
        %parallel_loop3A_352 = vector.broadcast %parallel_loop3A_351 : f32 to vector<16xf32>
        %parallel_loop3A_353 = arith.divf %parallel_loop3A_352, %parallel_loop3A_350 : vector<16xf32>
        %parallel_loop3A_354 = arith.mulf %parallel_loop3A_332, %parallel_loop3A_353 : vector<16xf32>
        %parallel_loop3A_355 = arith.index_cast %parallel_loop3A_171 : i32 to index
        %parallel_loop3A_356 = arith.constant 80 : index
        %parallel_loop3A_357 = tpu.vector_load %arg18[%parallel_loop3A_355, %parallel_loop3A_356] {strides = array<i32>} : memref<40x128xf32, #tpu.memory_space<vmem>>, vector<16xf32>,
        tpu.vector_store %arg18[%parallel_loop3A_355, %parallel_loop3A_356], %parallel_loop3A_354 {strides = array<i32>} : memref<40x128xf32, #tpu.memory_space<vmem>>, vector<16xf32>,
        %parallel_loop3A_358 = arith.index_cast %parallel_loop3A_171 : i32 to index
        %parallel_loop3A_359 = arith.constant 96 : index
        %parallel_loop3A_360 = tpu.vector_load %arg14[%parallel_loop3A_358, %parallel_loop3A_359] {strides = array<i32>} : memref<40x256xf32, #tpu.memory_space<vmem>>, vector<16xf32>,
        %parallel_loop3A_361 = arith.index_cast %parallel_loop3A_171 : i32 to index
        %parallel_loop3A_362 = arith.constant 224 : index
        %parallel_loop3A_363 = tpu.vector_load %arg14[%parallel_loop3A_361, %parallel_loop3A_362] {strides = array<i32>} : memref<40x256xf32, #tpu.memory_space<vmem>>, vector<16xf32>,
        %parallel_loop3A_364 = arith.index_cast %parallel_loop3A_171 : i32 to index
        %parallel_loop3A_365 = arith.constant 96 : index
        %parallel_loop3A_366 = tpu.vector_load %arg18[%parallel_loop3A_364, %parallel_loop3A_365] {strides = array<i32>} : memref<40x128xf32, #tpu.memory_space<vmem>>, vector<16xf32>,
        %parallel_loop3A_367 = arith.index_cast %parallel_loop3A_171 : i32 to index
        %parallel_loop3A_368 = arith.constant 96 : index
        %parallel_loop3A_369 = tpu.vector_load %arg16[%parallel_loop3A_367, %parallel_loop3A_368] {strides = array<i32>} : memref<40x128xf32, #tpu.memory_space<vmem>>, vector<16xf32>,
        %parallel_loop3A_370 = arith.addf %parallel_loop3A_360, %parallel_loop3A_366 : vector<16xf32>
        %parallel_loop3A_371 = arith.addf %parallel_loop3A_370, %parallel_loop3A_369 : vector<16xf32>
        %parallel_loop3A_372 = arith.index_cast %parallel_loop3A_171 : i32 to index
        %parallel_loop3A_373 = arith.constant 96 : index
        %parallel_loop3A_374 = tpu.vector_load %arg16[%parallel_loop3A_372, %parallel_loop3A_373] {strides = array<i32>} : memref<40x128xf32, #tpu.memory_space<vmem>>, vector<16xf32>,
        tpu.vector_store %arg16[%parallel_loop3A_372, %parallel_loop3A_373], %parallel_loop3A_371 {strides = array<i32>} : memref<40x128xf32, #tpu.memory_space<vmem>>, vector<16xf32>,
        %parallel_loop3A_375 = arith.constant 0.000000e+00 : f32
        %parallel_loop3A_376 = vector.broadcast %parallel_loop3A_375 : f32 to vector<16xf32>
        %parallel_loop3A_377 = arith.subf %parallel_loop3A_376, %parallel_loop3A_371 : vector<16xf32>
        %parallel_loop3A_378 = math.exp %parallel_loop3A_377 : vector<16xf32>
        %parallel_loop3A_379 = arith.constant 1.000000e+00 : f32
        %parallel_loop3A_380 = vector.broadcast %parallel_loop3A_379 : f32 to vector<16xf32>
        %parallel_loop3A_381 = arith.addf %parallel_loop3A_380, %parallel_loop3A_378 : vector<16xf32>
        %parallel_loop3A_382 = arith.constant 1.000000e+00 : f32
        %parallel_loop3A_383 = vector.broadcast %parallel_loop3A_382 : f32 to vector<16xf32>
        %parallel_loop3A_384 = arith.divf %parallel_loop3A_383, %parallel_loop3A_381 : vector<16xf32>
        %parallel_loop3A_385 = arith.mulf %parallel_loop3A_363, %parallel_loop3A_384 : vector<16xf32>
        %parallel_loop3A_386 = arith.index_cast %parallel_loop3A_171 : i32 to index
        %parallel_loop3A_387 = arith.constant 96 : index
        %parallel_loop3A_388 = tpu.vector_load %arg18[%parallel_loop3A_386, %parallel_loop3A_387] {strides = array<i32>} : memref<40x128xf32, #tpu.memory_space<vmem>>, vector<16xf32>,
        tpu.vector_store %arg18[%parallel_loop3A_386, %parallel_loop3A_387], %parallel_loop3A_385 {strides = array<i32>} : memref<40x128xf32, #tpu.memory_space<vmem>>, vector<16xf32>,
        %parallel_loop3A_389 = arith.index_cast %parallel_loop3A_171 : i32 to index
        %parallel_loop3A_390 = arith.constant 112 : index
        %parallel_loop3A_391 = tpu.vector_load %arg14[%parallel_loop3A_389, %parallel_loop3A_390] {strides = array<i32>} : memref<40x256xf32, #tpu.memory_space<vmem>>, vector<16xf32>,
        %parallel_loop3A_392 = arith.index_cast %parallel_loop3A_171 : i32 to index
        %parallel_loop3A_393 = arith.constant 240 : index
        %parallel_loop3A_394 = tpu.vector_load %arg14[%parallel_loop3A_392, %parallel_loop3A_393] {strides = array<i32>} : memref<40x256xf32, #tpu.memory_space<vmem>>, vector<16xf32>,
        %parallel_loop3A_395 = arith.index_cast %parallel_loop3A_171 : i32 to index
        %parallel_loop3A_396 = arith.constant 112 : index
        %parallel_loop3A_397 = tpu.vector_load %arg18[%parallel_loop3A_395, %parallel_loop3A_396] {strides = array<i32>} : memref<40x128xf32, #tpu.memory_space<vmem>>, vector<16xf32>,
        %parallel_loop3A_398 = arith.index_cast %parallel_loop3A_171 : i32 to index
        %parallel_loop3A_399 = arith.constant 112 : index
        %parallel_loop3A_400 = tpu.vector_load %arg16[%parallel_loop3A_398, %parallel_loop3A_399] {strides = array<i32>} : memref<40x128xf32, #tpu.memory_space<vmem>>, vector<16xf32>,
        %parallel_loop3A_401 = arith.addf %parallel_loop3A_391, %parallel_loop3A_397 : vector<16xf32>
        %parallel_loop3A_402 = arith.addf %parallel_loop3A_401, %parallel_loop3A_400 : vector<16xf32>
        %parallel_loop3A_403 = arith.index_cast %parallel_loop3A_171 : i32 to index
        %parallel_loop3A_404 = arith.constant 112 : index
        %parallel_loop3A_405 = tpu.vector_load %arg16[%parallel_loop3A_403, %parallel_loop3A_404] {strides = array<i32>} : memref<40x128xf32, #tpu.memory_space<vmem>>, vector<16xf32>,
        tpu.vector_store %arg16[%parallel_loop3A_403, %parallel_loop3A_404], %parallel_loop3A_402 {strides = array<i32>} : memref<40x128xf32, #tpu.memory_space<vmem>>, vector<16xf32>,
        %parallel_loop3A_406 = arith.constant 0.000000e+00 : f32
        %parallel_loop3A_407 = vector.broadcast %parallel_loop3A_406 : f32 to vector<16xf32>
        %parallel_loop3A_408 = arith.subf %parallel_loop3A_407, %parallel_loop3A_402 : vector<16xf32>
        %parallel_loop3A_409 = math.exp %parallel_loop3A_408 : vector<16xf32>
        %parallel_loop3A_410 = arith.constant 1.000000e+00 : f32
        %parallel_loop3A_411 = vector.broadcast %parallel_loop3A_410 : f32 to vector<16xf32>
        %parallel_loop3A_412 = arith.addf %parallel_loop3A_411, %parallel_loop3A_409 : vector<16xf32>
        %parallel_loop3A_413 = arith.constant 1.000000e+00 : f32
        %parallel_loop3A_414 = vector.broadcast %parallel_loop3A_413 : f32 to vector<16xf32>
        %parallel_loop3A_415 = arith.divf %parallel_loop3A_414, %parallel_loop3A_412 : vector<16xf32>
        %parallel_loop3A_416 = arith.mulf %parallel_loop3A_394, %parallel_loop3A_415 : vector<16xf32>
        %parallel_loop3A_417 = arith.index_cast %parallel_loop3A_171 : i32 to index
        %parallel_loop3A_418 = arith.constant 112 : index
        %parallel_loop3A_419 = tpu.vector_load %arg18[%parallel_loop3A_417, %parallel_loop3A_418] {strides = array<i32>} : memref<40x128xf32, #tpu.memory_space<vmem>>, vector<16xf32>,
        tpu.vector_store %arg18[%parallel_loop3A_417, %parallel_loop3A_418], %parallel_loop3A_416 {strides = array<i32>} : memref<40x128xf32, #tpu.memory_space<vmem>>, vector<16xf32>,
      } {sc.loop_unroll_factor = 4 : i64, sc.parallel_access}
      %mul3A_159 = arith.constant 40 : i32
      %mul3A_160 = arith.muli %add3A_126, %mul3A_159 : i32
      %add3A_161 = arith.addi %mul3A_2, %mul3A_160 : i32
      %dma_start3A_162 = arith.constant 0 : i32
      %dma_start3A_163 = tpu.memref_slice %arg7[%add3A_161, %dma_start3A_162] : memref<320000x128xf32, #tpu.memory_space<hbm>> -> memref<40x128xf32, #tpu.memory_space<hbm>>
      %dma_start3A_164 = arith.constant 0 : i32
      %dma_start3A_165 = tpu.memref_slice %arg7[%add3A_161, %dma_start3A_164] : memref<320000x128xf32, #tpu.memory_space<hbm>> -> memref<40x128xf32, #tpu.memory_space<hbm>>
      tpu.enqueue_dma source(%arg16 : memref<40x128xf32, #tpu.memory_space<vmem>>) target(%dma_start3A_165 : memref<40x128xf32, #tpu.memory_space<hbm>>) target_semaphore(%arg23 : memref<!tpu.dma_semaphore, #tpu.memory_space<semaphore_mem>>)
      "tpu.region"() ({
        %run_scoped3A = tpu.sem_alloc : memref<!tpu.dma_semaphore, #tpu.memory_space<semaphore_mem>>
        %dma_start3A_171 = arith.constant 0 : i32
        %dma_start3A_172 = arith.constant 0 : i32
        %dma_start3A_173 = tpu.memref_slice %arg19[%dma_start3A_171, %dma_start3A_172] : memref<10240x128xf32, #tpu.memory_space<vmem_shared>> -> memref<10240x128xf32, #tpu.memory_space<vmem_shared>>
        tpu.enqueue_indirect_dma source(%arg18 : memref<40x128xf32, #tpu.memory_space<vmem>>) target(%dma_start3A_173 : memref<10240x128xf32, #tpu.memory_space<vmem_shared>>) offsets(%arg12 : memref<40xi32, #tpu.memory_space<vmem>>) semaphore(%run_scoped3A : memref<!tpu.dma_semaphore, #tpu.memory_space<semaphore_mem>>) {add = true}
        %dma_wait3A_174 = arith.constant 0 : i32
        %dma_wait3A_175 = arith.constant 0 : i32
        %dma_wait3A_176 = tpu.memref_slice %arg19[%dma_wait3A_174, %dma_wait3A_175] : memref<10240x128xf32, #tpu.memory_space<vmem_shared>> -> memref<10240x128xf32, #tpu.memory_space<vmem_shared>>
        tpu.wait_indirect_dma semaphore(%run_scoped3A : memref<!tpu.dma_semaphore, #tpu.memory_space<semaphore_mem>>) src(%arg18 : memref<40x128xf32, #tpu.memory_space<vmem>>) dst(%dma_wait3A_176 : memref<10240x128xf32, #tpu.memory_space<vmem_shared>>)
        tpu.yield
      }) : () -> ()
      %lt3A_166 = arith.constant 248 : i32
      %lt3A_167 = arith.cmpi slt, %add3A_126, %lt3A_166 : i32
      %convert_element_type3A_168 = arith.extui %lt3A_167 : i1 to i32
      %cond3A_169 = arith.constant 0 : i32
      %cond3A_170 = arith.cmpi ne, %convert_element_type3A_168, %cond3A_169 : i32
      scf.if %cond3A_170 {
        %add3A_171 = arith.constant 2 : i32
        %add3A_172 = arith.addi %add3A_126, %add3A_171 : i32
        %mul3A_173 = arith.constant 40 : i32
        %mul3A_174 = arith.muli %add3A_172, %mul3A_173 : i32
        %add3A_175 = arith.addi %mul3A_2, %mul3A_174 : i32
        %dma_start3A_176 = tpu.memref_slice %arg5[%add3A_175] : memref<320000xi32, #tpu.memory_space<hbm>> -> memref<40xi32, #tpu.memory_space<hbm>>
        %dma_start3A_177 = tpu.memref_slice %arg5[%add3A_175] : memref<320000xi32, #tpu.memory_space<hbm>> -> memref<40xi32, #tpu.memory_space<hbm>>
        tpu.enqueue_dma source(%dma_start3A_177 : memref<40xi32, #tpu.memory_space<hbm>>) target(%arg10 : memref<40xi32, #tpu.memory_space<vmem>>) target_semaphore(%arg25 : memref<!tpu.dma_semaphore, #tpu.memory_space<semaphore_mem>>)
        %dma_start3A_178 = tpu.memref_slice %arg6[%add3A_175] : memref<320000xi32, #tpu.memory_space<hbm>> -> memref<40xi32, #tpu.memory_space<hbm>>
        %dma_start3A_179 = tpu.memref_slice %arg6[%add3A_175] : memref<320000xi32, #tpu.memory_space<hbm>> -> memref<40xi32, #tpu.memory_space<hbm>>
        tpu.enqueue_dma source(%dma_start3A_179 : memref<40xi32, #tpu.memory_space<hbm>>) target(%arg12 : memref<40xi32, #tpu.memory_space<vmem>>) target_semaphore(%arg25 : memref<!tpu.dma_semaphore, #tpu.memory_space<semaphore_mem>>)
      } else {
      }
    }
    %scan3A_46 = arith.constant 125 : i32
    %dma_wait3A_47 = arith.constant 0 : i32
    %dma_wait3A_48 = arith.constant 0 : i32
    %dma_wait3A_49 = tpu.memref_slice %arg7[%dma_wait3A_47, %dma_wait3A_48] : memref<320000x128xf32, #tpu.memory_space<hbm>> -> memref<40x128xf32, #tpu.memory_space<hbm>>
    %dma_wait3A_50 = arith.constant 0 : i32
    %dma_wait3A_51 = arith.constant 0 : i32
    %dma_wait3A_52 = tpu.memref_slice %arg7[%dma_wait3A_50, %dma_wait3A_51] : memref<320000x128xf32, #tpu.memory_space<hbm>> -> memref<40x128xf32, #tpu.memory_space<hbm>>
    tpu.wait_dma2 semaphore(%arg23 : memref<!tpu.dma_semaphore, #tpu.memory_space<semaphore_mem>>) src(%arg16 : memref<40x128xf32, #tpu.memory_space<vmem>>) dst(%dma_wait3A_52 : memref<40x128xf32, #tpu.memory_space<hbm>>)
    %barrier3A_53 = arith.constant 0 : index
    tpu.barrier barrier_id(%barrier3A_53)
    %mul3A_54 = arith.constant 640 : i32
    %mul3A_55 = arith.muli %arg1, %mul3A_54 : i32
    %mul3A_56 = arith.constant 640 : i32
    %mul3A_57 = arith.muli %arg1, %mul3A_56 : i32
    "tpu.region"() ({
      %run_scoped3A = tpu.sem_alloc : memref<!tpu.dma_semaphore, #tpu.memory_space<semaphore_mem>>
      %dma_start3A_58 = arith.constant 0 : i32
      %dma_start3A_59 = tpu.memref_slice %arg8[%arg0, %mul3A_57, %dma_start3A_58] : memref<2x10240x128xf32, #tpu.memory_space<hbm>> -> memref<1x640x128xf32, #tpu.memory_space<hbm>>
      %dma_start3A_60 = tpu.memref_squeeze %dma_start3A_59 : memref<1x640x128xf32, #tpu.memory_space<hbm>> -> memref<640x128xf32, #tpu.memory_space<hbm>>
      %dma_start3A_61 = arith.constant 0 : i32
      %dma_start3A_62 = tpu.memref_slice %arg19[%mul3A_55, %dma_start3A_61] : memref<10240x128xf32, #tpu.memory_space<vmem_shared>> -> memref<640x128xf32, #tpu.memory_space<vmem_shared>>
      tpu.enqueue_dma source(%dma_start3A_62 : memref<640x128xf32, #tpu.memory_space<vmem_shared>>) target(%dma_start3A_60 : memref<640x128xf32, #tpu.memory_space<hbm>>) target_semaphore(%run_scoped3A : memref<!tpu.dma_semaphore, #tpu.memory_space<semaphore_mem>>)
      %dma_wait3A_63 = arith.constant 0 : i32
      %dma_wait3A_64 = tpu.memref_slice %arg8[%arg0, %mul3A_57, %dma_wait3A_63] : memref<2x10240x128xf32, #tpu.memory_space<hbm>> -> memref<1x640x128xf32, #tpu.memory_space<hbm>>
      %dma_wait3A_65 = tpu.memref_squeeze %dma_wait3A_64 : memref<1x640x128xf32, #tpu.memory_space<hbm>> -> memref<640x128xf32, #tpu.memory_space<hbm>>
      %dma_wait3A_66 = arith.constant 0 : i32
      %dma_wait3A_67 = tpu.memref_slice %arg19[%mul3A_55, %dma_wait3A_66] : memref<10240x128xf32, #tpu.memory_space<vmem_shared>> -> memref<640x128xf32, #tpu.memory_space<vmem_shared>>
      tpu.wait_dma2 semaphore(%run_scoped3A : memref<!tpu.dma_semaphore, #tpu.memory_space<semaphore_mem>>) src(%dma_wait3A_67 : memref<640x128xf32, #tpu.memory_space<vmem_shared>>) dst(%dma_wait3A_65 : memref<640x128xf32, #tpu.memory_space<hbm>>)
      tpu.yield
    }) : () -> ()
    return
  }
}

module attributes {stable_mosaic.version = 14 : i64} {
  func.func @_edge_gate_body(%arg0: i32, %arg1: memref<4000x128xf32, #tpu.memory_space<vmem>>, %arg2: memref<128x128xf32, #tpu.memory_space<vmem>>, %arg3: memref<1x128xf32, #tpu.memory_space<vmem>>, %arg4: memref<4000x128xf32, #tpu.memory_space<vmem>>) attributes {dimension_semantics = [#tpu.dimension_semantics<arbitrary>], iteration_bounds = array<i64: 80>, scalar_prefetch = 0 : i64, scratch_operands = 0 : i64, tpu.core_type = #tpu.core_type<tc>, window_params = [{transform_indices = @transform_0, window_bounds = array<i64: 4000, 128>}, {pipeline_mode = #tpu.pipeline_mode<synchronous>, transform_indices = @transform_1, window_bounds = array<i64: 128, 128>}, {pipeline_mode = #tpu.pipeline_mode<synchronous>, transform_indices = @transform_2, window_bounds = array<i64: 1, 128>}, {transform_indices = @transform_3, window_bounds = array<i64: 4000, 128>}]} {
    %get3A = arith.constant 0 : index
    %get3A_0 = arith.constant 0 : index
    %get3A_1 = vector.load %arg1[%get3A, %get3A_0] : memref<4000x128xf32, #tpu.memory_space<vmem>>, vector<4000x128xf32>
    %get3A_2 = arith.constant 0 : index
    %get3A_3 = arith.constant 0 : index
    %get3A_4 = vector.load %arg2[%get3A_2, %get3A_3] : memref<128x128xf32, #tpu.memory_space<vmem>>, vector<128x128xf32>
    %dot_general3A = arith.constant dense<0.000000e+00> : vector<4000x128xf32>
    %dot_general3A_5 = tpu.matmul %get3A_1, %get3A_4, %dot_general3A {dimension_numbers = #tpu.dot_dimension_numbers<[1], [0], [0], [1], [0, 0, 1, 1], [], []>, transpose_lhs_hint = false} : vector<4000x128xf32>, vector<128x128xf32>, vector<4000x128xf32> -> vector<4000x128xf32>
    %get3A_6 = arith.constant 0 : index
    %get3A_7 = arith.constant 0 : index
    %get3A_8 = vector.load %arg3[%get3A_6, %get3A_7] : memref<1x128xf32, #tpu.memory_space<vmem>>, vector<1x128xf32>
    %add3A = vector.broadcast %get3A_8 : vector<1x128xf32> to vector<4000x128xf32>
    %add3A_9 = arith.addf %dot_general3A_5, %add3A : vector<4000x128xf32>
    %swap3A = arith.constant 0 : index
    %swap3A_10 = arith.constant 0 : index
    %swap3A_11 = vector.load %arg4[%swap3A, %swap3A_10] : memref<4000x128xf32, #tpu.memory_space<vmem>>, vector<4000x128xf32>
    tpu.vector_store %arg4[%swap3A, %swap3A_10], %add3A_9 {strides = array<i32>} : memref<4000x128xf32, #tpu.memory_space<vmem>>, vector<4000x128xf32>,
    return
  }
  func.func @transform_0(%arg0: i32) -> (i32, i32) {
    %c0_i32 = arith.constant 0 : i32
    %c0_i32_0 = arith.constant 0 : i32
    return %arg0, %c0_i32 : i32, i32
  }
  func.func @transform_1(%arg0: i32) -> (i32, i32) {
    %c0_i32 = arith.constant 0 : i32
    %c0_i32_0 = arith.constant 0 : i32
    %c0_i32_1 = arith.constant 0 : i32
    return %c0_i32, %c0_i32_0 : i32, i32
  }
  func.func @transform_2(%arg0: i32) -> (i32, i32) {
    %c0_i32 = arith.constant 0 : i32
    %c0_i32_0 = arith.constant 0 : i32
    %c0_i32_1 = arith.constant 0 : i32
    return %c0_i32, %c0_i32_0 : i32, i32
  }
  func.func @transform_3(%arg0: i32) -> (i32, i32) {
    %c0_i32 = arith.constant 0 : i32
    %c0_i32_0 = arith.constant 0 : i32
    return %arg0, %c0_i32 : i32, i32
  }
}

module attributes {stable_mosaic.version = 14 : i64} {
  func.func @_gates_body(%arg0: i32, %arg1: memref<2000x128xf32, #tpu.memory_space<vmem>>, %arg2: memref<128x128xf32, #tpu.memory_space<vmem>>, %arg3: memref<1x128xf32, #tpu.memory_space<vmem>>, %arg4: memref<128x128xf32, #tpu.memory_space<vmem>>, %arg5: memref<1x128xf32, #tpu.memory_space<vmem>>, %arg6: memref<2000x256xf32, #tpu.memory_space<vmem>>, %arg7: memref<2000x128xf32, #tpu.memory_space<vmem>>) attributes {dimension_semantics = [#tpu.dimension_semantics<arbitrary>], iteration_bounds = array<i64: 5>, scalar_prefetch = 0 : i64, scratch_operands = 0 : i64, tpu.core_type = #tpu.core_type<tc>, window_params = [{transform_indices = @transform_0, window_bounds = array<i64: 2000, 128>}, {pipeline_mode = #tpu.pipeline_mode<synchronous>, transform_indices = @transform_1, window_bounds = array<i64: 128, 128>}, {pipeline_mode = #tpu.pipeline_mode<synchronous>, transform_indices = @transform_2, window_bounds = array<i64: 1, 128>}, {pipeline_mode = #tpu.pipeline_mode<synchronous>, transform_indices = @transform_3, window_bounds = array<i64: 128, 128>}, {pipeline_mode = #tpu.pipeline_mode<synchronous>, transform_indices = @transform_4, window_bounds = array<i64: 1, 128>}, {transform_indices = @transform_5, window_bounds = array<i64: 2000, 256>}, {transform_indices = @transform_6, window_bounds = array<i64: 2000, 128>}]} {
    %get3A = arith.constant 0 : index
    %get3A_0 = arith.constant 0 : index
    %get3A_1 = vector.load %arg1[%get3A, %get3A_0] : memref<2000x128xf32, #tpu.memory_space<vmem>>, vector<2000x128xf32>
    %get3A_2 = arith.constant 0 : index
    %get3A_3 = arith.constant 0 : index
    %get3A_4 = vector.load %arg2[%get3A_2, %get3A_3] : memref<128x128xf32, #tpu.memory_space<vmem>>, vector<128x128xf32>
    %dot_general3A = arith.constant dense<0.000000e+00> : vector<2000x128xf32>
    %dot_general3A_5 = tpu.matmul %get3A_1, %get3A_4, %dot_general3A {dimension_numbers = #tpu.dot_dimension_numbers<[1], [0], [0], [1], [0, 0, 1, 1], [], []>, transpose_lhs_hint = false} : vector<2000x128xf32>, vector<128x128xf32>, vector<2000x128xf32> -> vector<2000x128xf32>
    %get3A_6 = arith.constant 0 : index
    %get3A_7 = arith.constant 0 : index
    %get3A_8 = vector.load %arg3[%get3A_6, %get3A_7] : memref<1x128xf32, #tpu.memory_space<vmem>>, vector<1x128xf32>
    %add3A = vector.broadcast %get3A_8 : vector<1x128xf32> to vector<2000x128xf32>
    %add3A_9 = arith.addf %dot_general3A_5, %add3A : vector<2000x128xf32>
    %swap3A = arith.constant 0 : index
    %swap3A_10 = arith.constant 0 : index
    %swap3A_11 = vector.load %arg6[%swap3A, %swap3A_10] : memref<2000x256xf32, #tpu.memory_space<vmem>>, vector<2000x128xf32>
    tpu.vector_store %arg6[%swap3A, %swap3A_10], %add3A_9 {strides = array<i32>} : memref<2000x256xf32, #tpu.memory_space<vmem>>, vector<2000x128xf32>,
    %swap3A_12 = arith.constant 0 : index
    %swap3A_13 = arith.constant 128 : index
    %swap3A_14 = vector.load %arg6[%swap3A_12, %swap3A_13] : memref<2000x256xf32, #tpu.memory_space<vmem>>, vector<2000x128xf32>
    tpu.vector_store %arg6[%swap3A_12, %swap3A_13], %get3A_1 {strides = array<i32>} : memref<2000x256xf32, #tpu.memory_space<vmem>>, vector<2000x128xf32>,
    %get3A_15 = arith.constant 0 : index
    %get3A_16 = arith.constant 0 : index
    %get3A_17 = vector.load %arg4[%get3A_15, %get3A_16] : memref<128x128xf32, #tpu.memory_space<vmem>>, vector<128x128xf32>
    %dot_general3A_18 = arith.constant dense<0.000000e+00> : vector<2000x128xf32>
    %dot_general3A_19 = tpu.matmul %get3A_1, %get3A_17, %dot_general3A_18 {dimension_numbers = #tpu.dot_dimension_numbers<[1], [0], [0], [1], [0, 0, 1, 1], [], []>, transpose_lhs_hint = false} : vector<2000x128xf32>, vector<128x128xf32>, vector<2000x128xf32> -> vector<2000x128xf32>
    %get3A_20 = arith.constant 0 : index
    %get3A_21 = arith.constant 0 : index
    %get3A_22 = vector.load %arg5[%get3A_20, %get3A_21] : memref<1x128xf32, #tpu.memory_space<vmem>>, vector<1x128xf32>
    %add3A_23 = vector.broadcast %get3A_22 : vector<1x128xf32> to vector<2000x128xf32>
    %add3A_24 = arith.addf %dot_general3A_19, %add3A_23 : vector<2000x128xf32>
    %swap3A_25 = arith.constant 0 : index
    %swap3A_26 = arith.constant 0 : index
    %swap3A_27 = vector.load %arg7[%swap3A_25, %swap3A_26] : memref<2000x128xf32, #tpu.memory_space<vmem>>, vector<2000x128xf32>
    tpu.vector_store %arg7[%swap3A_25, %swap3A_26], %add3A_24 {strides = array<i32>} : memref<2000x128xf32, #tpu.memory_space<vmem>>, vector<2000x128xf32>,
    return
  }
  func.func @transform_0(%arg0: i32) -> (i32, i32) {
    %c0_i32 = arith.constant 0 : i32
    %c0_i32_0 = arith.constant 0 : i32
    return %arg0, %c0_i32 : i32, i32
  }
  func.func @transform_1(%arg0: i32) -> (i32, i32) {
    %c0_i32 = arith.constant 0 : i32
    %c0_i32_0 = arith.constant 0 : i32
    %c0_i32_1 = arith.constant 0 : i32
    return %c0_i32, %c0_i32_0 : i32, i32
  }
  func.func @transform_2(%arg0: i32) -> (i32, i32) {
    %c0_i32 = arith.constant 0 : i32
    %c0_i32_0 = arith.constant 0 : i32
    %c0_i32_1 = arith.constant 0 : i32
    return %c0_i32, %c0_i32_0 : i32, i32
  }
  func.func @transform_3(%arg0: i32) -> (i32, i32) {
    %c0_i32 = arith.constant 0 : i32
    %c0_i32_0 = arith.constant 0 : i32
    %c0_i32_1 = arith.constant 0 : i32
    return %c0_i32, %c0_i32_0 : i32, i32
  }
  func.func @transform_4(%arg0: i32) -> (i32, i32) {
    %c0_i32 = arith.constant 0 : i32
    %c0_i32_0 = arith.constant 0 : i32
    %c0_i32_1 = arith.constant 0 : i32
    return %c0_i32, %c0_i32_0 : i32, i32
  }
  func.func @transform_5(%arg0: i32) -> (i32, i32) {
    %c0_i32 = arith.constant 0 : i32
    %c0_i32_0 = arith.constant 0 : i32
    return %arg0, %c0_i32 : i32, i32
  }
  func.func @transform_6(%arg0: i32) -> (i32, i32) {
    %c0_i32 = arith.constant 0 : i32
    %c0_i32_0 = arith.constant 0 : i32
    return %arg0, %c0_i32 : i32, i32
  }
}

module attributes {stable_mosaic.version = 14 : i64} {
  func.func @_final_body(%arg0: i32, %arg1: memref<2048x128xf32, #tpu.memory_space<vmem>>, %arg2: memref<2x2048x128xf32, #tpu.memory_space<vmem>>, %arg3: memref<32x2048xf32, #tpu.memory_space<vmem>>, %arg4: memref<128x128xf32, #tpu.memory_space<vmem>>, %arg5: memref<128x128xf32, #tpu.memory_space<vmem>>, %arg6: memref<1x128xf32, #tpu.memory_space<vmem>>, %arg7: memref<2048x128xf32, #tpu.memory_space<vmem>>) attributes {dimension_semantics = [#tpu.dimension_semantics<arbitrary>], iteration_bounds = array<i64: 5>, scalar_prefetch = 0 : i64, scratch_operands = 0 : i64, tpu.core_type = #tpu.core_type<tc>, window_params = [{transform_indices = @transform_0, window_bounds = array<i64: 2048, 128>}, {transform_indices = @transform_1, window_bounds = array<i64: 2, 2048, 128>}, {transform_indices = @transform_2, window_bounds = array<i64: 32, 2048>}, {pipeline_mode = #tpu.pipeline_mode<synchronous>, transform_indices = @transform_3, window_bounds = array<i64: 128, 128>}, {pipeline_mode = #tpu.pipeline_mode<synchronous>, transform_indices = @transform_4, window_bounds = array<i64: 128, 128>}, {pipeline_mode = #tpu.pipeline_mode<synchronous>, transform_indices = @transform_5, window_bounds = array<i64: 1, 128>}, {transform_indices = @transform_6, window_bounds = array<i64: 2048, 128>}]} {
    %get3A = arith.constant 0 : index
    %get3A_0 = arith.constant 0 : index
    %get3A_1 = vector.load %arg1[%get3A, %get3A_0] : memref<2048x128xf32, #tpu.memory_space<vmem>>, vector<2048x128xf32>
    %get3A_2 = arith.constant 0 : index
    %get3A_3 = arith.constant 0 : index
    %get3A_4 = arith.constant 0 : index
    %get3A_5 = vector.load %arg2[%get3A_2, %get3A_3, %get3A_4] : memref<2x2048x128xf32, #tpu.memory_space<vmem>>, vector<2x2048x128xf32>
    %reduce_sum3A = arith.constant dense<0.000000e+00> : vector<2048x128xf32>
    %reduce_sum3A_6 = vector.multi_reduction <add>, %get3A_5, %reduce_sum3A [0] : vector<2x2048x128xf32> to vector<2048x128xf32>
    %get3A_7 = arith.constant 0 : index
    %get3A_8 = arith.constant 0 : index
    %get3A_9 = vector.load %arg3[%get3A_7, %get3A_8] : memref<32x2048xf32, #tpu.memory_space<vmem>>, vector<32x2048xf32>
    %reduce_sum3A_10 = arith.constant dense<0.000000e+00> : vector<2048xf32>
    %reduce_sum3A_11 = vector.multi_reduction <add>, %get3A_9, %reduce_sum3A_10 [0] : vector<32x2048xf32> to vector<2048xf32>
    %broadcast_in_dim3A = vector.shape_cast %reduce_sum3A_11 : vector<2048xf32> to vector<2048x1xf32>
    %max3A = arith.constant 1.000000e+00 : f32
    %max3A_12 = vector.broadcast %max3A : f32 to vector<2048x1xf32>
    %max3A_13 = arith.maximumf %broadcast_in_dim3A, %max3A_12 : vector<2048x1xf32>
    %div3A = vector.broadcast %max3A_13 : vector<2048x1xf32> to vector<2048x128xf32>
    %div3A_14 = arith.divf %reduce_sum3A_6, %div3A : vector<2048x128xf32>
    %get3A_15 = arith.constant 0 : index
    %get3A_16 = arith.constant 0 : index
    %get3A_17 = vector.load %arg4[%get3A_15, %get3A_16] : memref<128x128xf32, #tpu.memory_space<vmem>>, vector<128x128xf32>
    %dot_general3A = arith.constant dense<0.000000e+00> : vector<2048x128xf32>
    %dot_general3A_18 = tpu.matmul %get3A_1, %get3A_17, %dot_general3A {dimension_numbers = #tpu.dot_dimension_numbers<[1], [0], [0], [1], [0, 0, 1, 1], [], []>, transpose_lhs_hint = false} : vector<2048x128xf32>, vector<128x128xf32>, vector<2048x128xf32> -> vector<2048x128xf32>
    %add3A = arith.addf %get3A_1, %dot_general3A_18 : vector<2048x128xf32>
    %get3A_19 = arith.constant 0 : index
    %get3A_20 = arith.constant 0 : index
    %get3A_21 = vector.load %arg5[%get3A_19, %get3A_20] : memref<128x128xf32, #tpu.memory_space<vmem>>, vector<128x128xf32>
    %dot_general3A_22 = arith.constant dense<0.000000e+00> : vector<2048x128xf32>
    %dot_general3A_23 = tpu.matmul %div3A_14, %get3A_21, %dot_general3A_22 {dimension_numbers = #tpu.dot_dimension_numbers<[1], [0], [0], [1], [0, 0, 1, 1], [], []>, transpose_lhs_hint = false} : vector<2048x128xf32>, vector<128x128xf32>, vector<2048x128xf32> -> vector<2048x128xf32>
    %add3A_24 = arith.addf %add3A, %dot_general3A_23 : vector<2048x128xf32>
    %get3A_25 = arith.constant 0 : index
    %get3A_26 = arith.constant 0 : index
    %get3A_27 = vector.load %arg6[%get3A_25, %get3A_26] : memref<1x128xf32, #tpu.memory_space<vmem>>, vector<1x128xf32>
    %add3A_28 = vector.broadcast %get3A_27 : vector<1x128xf32> to vector<2048x128xf32>
    %add3A_29 = arith.addf %add3A_24, %add3A_28 : vector<2048x128xf32>
    %swap3A = arith.constant 0 : index
    %swap3A_30 = arith.constant 0 : index
    %swap3A_31 = vector.load %arg7[%swap3A, %swap3A_30] : memref<2048x128xf32, #tpu.memory_space<vmem>>, vector<2048x128xf32>
    tpu.vector_store %arg7[%swap3A, %swap3A_30], %add3A_29 {strides = array<i32>} : memref<2048x128xf32, #tpu.memory_space<vmem>>, vector<2048x128xf32>,
    return
  }
  func.func @transform_0(%arg0: i32) -> (i32, i32) {
    %c0_i32 = arith.constant 0 : i32
    %c0_i32_0 = arith.constant 0 : i32
    return %arg0, %c0_i32 : i32, i32
  }
  func.func @transform_1(%arg0: i32) -> (i32, i32, i32) {
    %c0_i32 = arith.constant 0 : i32
    %c0_i32_0 = arith.constant 0 : i32
    %c0_i32_1 = arith.constant 0 : i32
    return %c0_i32, %arg0, %c0_i32_0 : i32, i32, i32
  }
  func.func @transform_2(%arg0: i32) -> (i32, i32) {
    %c0_i32 = arith.constant 0 : i32
    %c0_i32_0 = arith.constant 0 : i32
    return %c0_i32, %arg0 : i32, i32
  }
  func.func @transform_3(%arg0: i32) -> (i32, i32) {
    %c0_i32 = arith.constant 0 : i32
    %c0_i32_0 = arith.constant 0 : i32
    %c0_i32_1 = arith.constant 0 : i32
    return %c0_i32, %c0_i32_0 : i32, i32
  }
  func.func @transform_4(%arg0: i32) -> (i32, i32) {
    %c0_i32 = arith.constant 0 : i32
    %c0_i32_0 = arith.constant 0 : i32
    %c0_i32_1 = arith.constant 0 : i32
    return %c0_i32, %c0_i32_0 : i32, i32
  }
  func.func @transform_5(%arg0: i32) -> (i32, i32) {
    %c0_i32 = arith.constant 0 : i32
    %c0_i32_0 = arith.constant 0 : i32
    %c0_i32_1 = arith.constant 0 : i32
    return %c0_i32, %c0_i32_0 : i32, i32
  }
  func.func @transform_6(%arg0: i32) -> (i32, i32) {
    %c0_i32 = arith.constant 0 : i32
    %c0_i32_0 = arith.constant 0 : i32
    return %arg0, %c0_i32 : i32, i32
  }
}

</mosaic_0001>

<sc_bundles>
// kernel: kernel.10.cloned.1.call-start
scs
__scs_entry_jumppad:
0x0: {  	(pc) =	sbr.rel $0x88, $3  }
0x1: {  	(tag) =	ssettag $0x0;
	lr =	simm.s32 $0x1  }
0x2: {  	[smem:$0x3F95] =	sst lr;
	_ =	strace $0xD0000000  }
0x3: {  	_ = 	snop  }
0x4: {  	_ = 	snop  }
0x5: {  	_ = 	snop  }
0x6: {  	_ = 	snop  }
0x7: {  	_ = 	snop  }
__scs_overlays_trampoline_lowered:
0x8: {  	[smem:$0x3FA4] =	sst s0  }
0x9: {  	[smem:$0x3FA5] =	sst s1  }
0xa: {  	[smem:$0x3FA6] =	sst s2  }
0xb: {  	[smem:$0x3FA7] =	sst s3  }
0xc: {  	[smem:$0x3FA8] =	sst s4  }
0xd: {  	[smem:$0x3FA9] =	sst s5  }
0xe: {  	[smem:$0x3FAA] =	sst s6  }
0xf: {  	[smem:$0x3FAB] =	sst s7  }
0x10: {  	[smem:$0x3FAC] =	sst s8  }
0x11: {  	[smem:$0x3FAD] =	sst s9;
	s0 =	simm.s32 @!p0 $0x0  }
0x12: {  	s1 =	sld [smem:$0x3F93];
	s0 =	simm.s32 @p0 $0x1  }
0x13: {  	[smem:$0x3FAE] =	sst s0;
	s0 =	simm.s32 @!p1 $0x0  }
0x14: {  	s2 =	sld [smem:$0x3F92];
	s0 =	simm.s32 @p1 $0x1  }
0x15: {  	[smem:$0x3FAF] =	sst s0;
	s0 =	simm.s32 @!p2 $0x0  }
0x16: {  	s3 =	sld [smem:$0x3FDB];
	s0 =	simm.s32 @p2 $0x1  }
0x17: {  	s4 =	simm.s32 $0x1BF5;
	[smem:$0x3FB1] =	sst s0  }
0x18: {  	s0 =	sld [smem:$0x3F94];
	_ =	swait.ge [sflag:s4], $0x0  }
0x19: {  	s7 =	sld [smem:$0x3F95]  }
0x1a: {  	s8 =	sadd.s32 $0xFFFFE003, lr  }
0x1b: {  	s9 =	sadd.s32 $0xFFFFFEF7, lr;
	s5 =	simm.s32 $0xFFFFFFFF;
	p2 =	slt.u32 s8, $0xFFFFF086  }
0x1c: {  	p1 =	slt.u32 s9, $0xF7A;
	s5 =	simm.s32 @!p2 $0x0  }
0x1d: {  	s5 =	simm.s32 @p1 $0x1;
	p0 =	seq.s32 s7, s2  }
0x1e: {  	s7 =	smul.u32 @!p0 $0xF7A, s2;
	p2 =	seq.s32 @!p0 s5, $0x0  }
0x1f: {  	s9 =	smul.u32 $0xF7A, s1;
	s8 =	simm.s32 @!p0 $0x1BF5;
	p2 =	por !p2, p0  }
0x20: {  	[sflag:s8] =	ssyncset.s32 @!p0 $0xFFFFF086;
	s6 =	sadd.s32 @!p0 s3, s7;
	s7 =	simm.s32 @!p0 $0x108  }
0x21: {  	s3 =	sadd.s32 s3, s9;
	s6 =	sadd.s32 @!p0 $0x88, s6;
	s7 =	simm.s32 @p2 $0x1082  }
0x22: {  	[simem:s7], [sflag:s8] =	dma.local @!p0 [hbm:s6], $0xF7A  }
0x23: {  	s9 =	sor.u32 $0xD0000000, s2;
	s6 =	simm.s32 $0x108;
	_ =	swait.ge @!p0 [sflag:s8], $0x0  }
0x24: {  	s3 =	sadd.s32 $0x88, s3;
	s6 =	simm.s32 @!p1 $0x1082;
	[sflag:s4] =	ssyncset.s32 $0xFFFFF086  }
0x25: {  	[simem:s6], [sflag:s4] =	dma.local [hbm:s3], $0xF7A  }
0x26: {  	[smem:$0x3F95] =	sst s1;
	(tag) =	ssettag s2;
	_ =	strace s9  }
0x27: {  	s1 =	sld [smem:$0x3FA5]  }
0x28: {  	s2 =	sld [smem:$0x3FA6]  }
0x29: {  	s4 =	sld [smem:$0x3FA8]  }
0x2a: {  	p0 =	seq.s32 s5, $0x0;
	s5 =	sld [smem:$0x3FA9]  }
0x2b: {  	s6 =	sld [smem:$0x3FAA]  }
0x2c: {  	s7 =	sld [smem:$0x3FAB]  }
0x2d: {  	s3 =	simm.s32 $0x108;
	s8 =	sld [smem:$0x3FAC]  }
0x2e: {  	s3 =	simm.s32 @!p0 $0x1082;
	s9 =	sld [smem:$0x3FAD]  }
0x2f: {  	lr =	sadd.s32 s0, s3;
	s0 =	sld [smem:$0x3FA4]  }
0x30: {  	s3 =	sld [smem:$0x3FA7]  }
0x31: {  	[smem:$0x3FB0] =	sst s10  }
0x32: {  	s10 =	sld [smem:$0x3FAE];
	_ =	sdelay $0x3  }
0x33: {  	p0 =	seq.s32 s10, $0x1;
	s10 =	sld [smem:$0x3FB0];
	_ =	sdelay $0x3  }
0x34: {  	[smem:$0x3FB0] =	sst s10  }
0x35: {  	s10 =	sld [smem:$0x3FAF];
	_ =	sdelay $0x3  }
0x36: {  	p1 =	seq.s32 s10, $0x1;
	s10 =	sld [smem:$0x3FB0];
	_ =	sdelay $0x3  }
0x37: {  	[smem:$0x3FB0] =	sst s10  }
0x38: {  	s10 =	sld [smem:$0x3FB1]  }
0x39: {  	_ = 	snop;
	(pc) =	sbr.ind lr, $3  }
0x3a: {  	_ = 	snop  }
0x3b: {  	_ = 	snop  }
0x3c: {  	p2 =	seq.s32 s10, $0x1;
	s10 =	sld [smem:$0x3FB0]  }
0x3d: {  	_ =	shalt  }
0x3e: {  	_ =	shalt  }
0x3f: {  	_ =	shalt  }
0x40: {  	_ =	shalt  }
0x41: {  	_ =	shalt  }
0x42: {  	_ =	shalt  }
0x43: {  	_ =	shalt  }
0x44: {  	_ =	shalt  }
0x45: {  	_ =	shalt  }
0x46: {  	_ =	shalt  }
0x47: {  	_ =	shalt  }
0x48: {  	_ =	shalt  }
0x49: {  	_ =	shalt  }
0x4a: {  	_ =	shalt  }
0x4b: {  	_ =	shalt  }
0x4c: {  	_ =	shalt  }
0x4d: {  	_ =	shalt  }
0x4e: {  	_ =	shalt  }
0x4f: {  	_ =	shalt  }
0x50: {  	_ =	shalt  }
0x51: {  	_ =	shalt  }
0x52: {  	_ =	shalt  }
0x53: {  	_ =	shalt  }
0x54: {  	_ =	shalt  }
0x55: {  	_ =	shalt  }
0x56: {  	_ =	shalt  }
0x57: {  	_ =	shalt  }
0x58: {  	_ =	shalt  }
0x59: {  	_ =	shalt  }
0x5a: {  	_ =	shalt  }
0x5b: {  	_ =	shalt  }
0x5c: {  	_ =	shalt  }
0x5d: {  	_ =	shalt  }
0x5e: {  	_ =	shalt  }
0x5f: {  	_ =	shalt  }
0x60: {  	_ =	shalt  }
0x61: {  	_ =	shalt  }
0x62: {  	_ =	shalt  }
0x63: {  	_ =	shalt  }
0x64: {  	_ =	shalt  }
0x65: {  	_ =	shalt  }
0x66: {  	_ =	shalt  }
0x67: {  	_ =	shalt  }
0x68: {  	_ =	shalt  }
0x69: {  	_ =	shalt  }
0x6a: {  	_ =	shalt  }
0x6b: {  	_ =	shalt  }
0x6c: {  	_ =	shalt  }
0x6d: {  	_ =	shalt  }
0x6e: {  	_ =	shalt  }
0x6f: {  	_ =	shalt  }
0x70: {  	_ =	shalt  }
0x71: {  	_ =	shalt  }
0x72: {  	_ =	shalt  }
0x73: {  	_ =	shalt  }
0x74: {  	_ =	shalt  }
0x75: {  	_ =	shalt  }
0x76: {  	_ =	shalt  }
0x77: {  	_ =	shalt  }
0x78: {  	_ =	shalt  }
0x79: {  	_ =	shalt  }
0x7a: {  	_ =	shalt  }
0x7b: {  	_ =	shalt  }
0x7c: {  	_ =	shalt  }
0x7d: {  	_ =	shalt  }
0x7e: {  	_ =	shalt  }
0x7f: {  	_ =	shalt  }
0x80: {  	_ =	shalt  }
0x81: {  	_ =	shalt  }
0x82: {  	_ =	shalt  }
0x83: {  	_ =	shalt  }
0x84: {  	_ =	shalt  }
0x85: {  	_ =	shalt  }
0x86: {  	_ =	shalt  }
0x87: {  	_ =	shalt  }
.Lfunc_end0:
.L_simem_size_0:
called_computation.1_lowered:
.L_overlay_start_0:
0x88: {  	s2 =	sld [smem:$0x3FD9]  }
0x89: {  	s3 =	sld [smem:$0x3FFE];
	_ =	sdelay $0x1  }
0x8a: {  	s1 =	srdreg.scid  }
0x8b: {  	s0 =	sand.u32 $0x1, s1  }
0x8c: {  	s14 =	sshll.u32 s0, $0xA;
	s2 =	sadd.s32 s3, s2  }
0x8d: {  	s2 =	sadd.s32 s2, s14  }
0x8e: {  	[smem:$0x3FBC] =	sst s2  }
0x8f: {  	_ = 	snop  }
0x90: {  	s2 =	sld [smem:$0x3FD0];
	_ =	sdelay $0x2  }
0x91: {  	s15 =	simm.s32 $0xB;
	s4 =	simm.s32 $0x10  }
0x92: {  	[smem:s4], [sflag:s15] =	dma.local [hbm:s2], $0x1  }
0x93: {  	_ =	swait.eq [sflag:s15], $0x1  }
0x94: {  	[sflag:s15] =	ssyncset.done $0x0  }
0x95: {  	s16 =	sld [smem:$0x10];
	[sflag:s15] =	ssyncadd.s32 $0xFFFFFFFF  }
0x96: {  	s17 =	sld [smem:$0x11];
	(tm) =	ssettm $0x1  }
0x97: {  	s18 =	sld [smem:$0x3FFB];
	_ =	sdelay $0x3  }
0x98: {  	_ =	strace s18  }
0x99: {  	s4 =	sld [smem:$0x3FFC];
	_ =	sdelay $0x3  }
0x9a: {  	_ =	strace s4  }
0x9b: {  	s4 =	sld [smem:$0x3FFD];
	_ =	sdelay $0x3  }
0x9c: {  	_ =	strace s4  }
0x9d: {  	_ =	strace $0x8FFFFFFF  }
0x9e: {  	s19 =	sld [smem:$0x3FDB];
	_ =	sdelay $0x1  }
0x9f: {  	s5 =	simm.s32 $_scs_section_size  }
0xa0: {  	s6 =	simm.s32 $_size__tile_overlayer_lowered;
	s7 =	simm.s32 $_tile_overlayer_lowered  }
0xa1: {  	s22 =	simm.s32 $0x1BFF;
	s21 =	sshll.u32 s7, $0x1;
	s4 =	sadd.s32 s5, s19  }
0xa2: {  	s8 =	simm.s32 $0x0;
	s20 =	sshll.u32 s6, $0x1;
	s6 =	sadd.s32 s21, s4  }
0xa3: {  	[timem:s8], [sflag:s22] =	dma.local [hbm:s6], s20  }
0xa4: {  	_ =	swait.ge [sflag:s22], s20  }
0xa5: {  	s5 =	ssub.s32 $0x0, s20;
	[sflag:s22] =	ssyncset.done $0x0  }
0xa6: {  	[sflag:s22] =	ssyncadd.s32 s5;
	_ =	sdelay $0x1  }
0xa7: {  	s23 =	simm.s32 $0x1B8B  }
0xa8: {  	_ =	swait.ge [sflag:s23], $0x1  }
0xa9: {  	[sflag:s23] =	ssyncset.done $0x0  }
0xaa: {  	s25 =	simm.s32 $0x1B8E;
	s24 =	sld [smem:$0x3FFE];
	[sflag:s23] =	ssyncadd.s32 $0xFFFFFFFF  }
0xab: {  	s26 =	simm.s32 $execute0_lowered;
	[smem:$0x3FD2] =	sst s25  }
0xac: {  	s6 =	sshll.u32 s26, $0x1;
	_ =	strace $0x80000046;
	[dreg:$0x1] =	wrdreg $0xFFFFFFFF  }
0xad: {  	s28 =	simm.s32 $_size_execute0_lowered;
	s4 =	sadd.s32 s4, s6;
	[dreg:$0x0] =	wrdreg $0x0  }
0xae: {  	s6 =	sshll.u32 s28, $0x1;
	[dreg:$0x2] =	wrdreg s4  }
0xaf: {  	[dreg:$0x3] =	wrdreg s6  }
0xb0: {  	[dreg:$0x4] =	wrdreg $0xC0  }
0xb1: {  	_ =	task [dreg:s8], $0x5FFFF  }
0xb2: {  	[dreg:$0x1] =	wrdreg $0xFFFFFFFF  }
0xb3: {  	[dreg:$0x0] =	wrdreg $0x60  }
0xb4: {  	[dreg:$0x2] =	wrdreg s24  }
0xb5: {  	[dreg:$0x3] =	wrdreg s16  }
0xb6: {  	[dreg:$0x4] =	wrdreg s17  }
0xb7: {  	[dreg:$0x5] =	wrdreg $0xA2000  }
0xb8: {  	[dreg:$0x6] =	wrdreg $0xA  }
0xb9: {  	_ =	task.clear_ibuf [dreg:s8], $0x7FFFF;
	_ =	strace $0x90000046  }
0xba: {  	s29 =	simm.s32 $0xA;
	_ =	strace $0x80000048  }
0xbb: {  	_ =	swait.ge [sflag:s29], $0x1  }
0xbc: {  	[sflag:s29] =	ssyncadd.s32 $0xFFFFFFFF  }
0xbd: {  	_ =	strace $0x90000048  }
0xbe: {  	_ =	sfence  }
0xbf: {  	s30 =	sld [smem:$0x0];
	_ =	sdelay $0x2  }
0xc0: {  	s31 =	sshll.u32 s1, $0xD;
	s1 =	sshrl.u32 s1, $0x2  }
0xc1: {  	s3 =	sand.u32 $0x4000, s31;
	s1 =	sadd.s32 s1, s30  }
0xc2: {  	s0 =	sor.u32 s3, s0;
	s1 =	sshll.u32 s1, $0x11  }
0xc3: {  	s0 =	sor.u32 s1, s0  }
0xc4: {  	s0 =	sadd.s32 $0x8F2B, s0  }
0xc5: {  	[sflag:s0] =	ssyncadd.remote.s32 $0x1  }
0xc6: {  	_ =	sfence.sel $0xFFFF  }
0xc7: {  	[dreg:$0x0] =	wrdreg $0xFFFFFFFF;
	(pc) =	sbr.abs _section_cstart, $3  }
0xc8: {  	[dreg:$0x1] =	wrdreg $0xFFFFFFFF  }
0xc9: {  	_ =	task.clear_ibuf [dreg:s8], $0x2FFFF;
	_ =	strace $0x9FFFFFFF  }
0xca: {  	(tm) =	ssettm $0x7FFFFFFF  }
0xcb: {  	_ =	shalt  }
tec
execute0_lowered:
.L_overlay_start_1:
0x0: {  	(tag) =	ssettag $0x1  }
0x1: {  	s0 =	rddreg [dreg:$0x0]  }
0x2: {  	s6 =	rddreg [dreg:$0x3]  }
0x3: {  	s2 =	simm.s32 $0x0;
	s1 =	srdreg.scid;
	s5 =	stileid.u32  }
0x4: {  	[smem:$0x7FF] =	sst s2;
	s1 =	sand.u32 $0x1, s1;
	s3 =	sadd.s32 $0x4F8E00, s0  }
0x5: {  	s7 =	sadd.s32 $0x16E00, s0;
	s8 =	sadd.s32 $0xD000, s0;
	s4 =	sshll.u32 s5, $0x1  }
0x6: {  	_ =	strace $0x80000047;
	s24 =	smul.u32 $0x140000, s1;
	[smem:$0x7DF] =	sst s3  }
0x7: {  	s26 =	ssub.s32 $0x2, s1;
	s1 =	sor.u32 s1, s4;
	[smem:$0x7E3] =	sst s7  }
0x8: {  	s10 =	sadd.s32 $0x3200, s0;
	[smem:$0x7E5] =	sst s8;
	s9 =	smul.u32 $0x2710, s1  }
0x9: {  	[smem:$0x7E7] =	sst s10;
	s1 =	smul.u32 $0x27100, s1  }
0xa: {  	s25 =	smul.u32 $0x14000, s5;
	s31 =	sadd.s32 $0x28, s9;
	[smem:$0x7EA] =	sst s9  }
0xb: {  	s5 =	smul.u32 $0x50000, s5;
	s1 =	sadd.s32 s7, s1;
	[smem:$0x7E1] =	sst s31  }
0xc: {  	s28 =	sshrl.u32 s26, $0x1;
	s12 =	sadd.s32 $0x50, s9;
	[smem:$0x7E4] =	sst s1  }
0xd: {  	s29 =	ssub.s32 s26, s28;
	s14 =	sadd.s32 $0x78, s9;
	[smem:$0x7E9] =	sst s12  }
0xe: {  	s30 =	sshrl.u32 s9, $0x3;
	s15 =	smax.u32 s29, $0x1;
	[smem:$0x7EB] =	sst s14  }
0xf: {  	s2 =	sadd.s32 s25, s24;
	s11 =	sadd.s32 s8, s30;
	[smem:$0x7ED] =	sst s15  }
0x10: {  	s4 =	sshrl.u32 s31, $0x3;
	s3 =	sadd.s32 s10, s30;
	[smem:$0x7E0] =	sst s11  }
0x11: {  	s2 =	sshrl.u32 s2, $0x3;
	[smem:$0x7E2] =	sst s3;
	s8 =	sadd.s32 s8, s4  }
0x12: {  	s0 =	sadd.s32 s2, s0;
	s11 =	sadd.s32 s10, s4;
	[smem:$0x7E6] =	sst s8  }
0x13: {  	s13 =	sshrl.u32 s5, $0x2;
	s0 =	sadd.s32 $0x547000, s0;
	[smem:$0x7E8] =	sst s11  }
0x14: {  	s3 =	sadd.s32 s13, s6;
	[smem:$0x7EC] =	sst s0  }
0x15: {  	s16 =	sadd.s32 $0x1400, s3;
	[smem:$0x7FD] =	sst s3  }
0x16: {  	s17 =	sadd.s32 $0x2800, s3;
	[smem:$0x7EE] =	sst s16  }
0x17: {  	s18 =	sadd.s32 $0x3C00, s3;
	[smem:$0x7EF] =	sst s17  }
0x18: {  	s19 =	sadd.s32 $0x5000, s3;
	[smem:$0x7F0] =	sst s18  }
0x19: {  	s20 =	sadd.s32 $0x6400, s3;
	[smem:$0x7F1] =	sst s19  }
0x1a: {  	s21 =	sadd.s32 $0x7800, s3;
	[smem:$0x7F2] =	sst s20  }
0x1b: {  	s22 =	sadd.s32 $0x8C00, s3;
	[smem:$0x7F3] =	sst s21  }
0x1c: {  	s23 =	sadd.s32 $0xA000, s3;
	[smem:$0x7F4] =	sst s22  }
0x1d: {  	s5 =	simm.s32 $0x28;
	s24 =	sadd.s32 $0xB400, s3;
	[smem:$0x7F5] =	sst s23  }
0x1e: {  	s7 =	simm.s32 $0x180;
	s25 =	sadd.s32 $0xC800, s3;
	[smem:$0x7F6] =	sst s24  }
0x1f: {  	s9 =	simm.s32 $0x6600;
	s26 =	sadd.s32 $0xDC00, s3;
	[smem:$0x7F7] =	sst s25  }
.Ltmp0:
0x20: {  	s28 =	sadd.s32 $0xF000, s3;
	[smem:$0x7F8] =	sst s26;
	(pc) =	sbr.rel .LBB2_1-.Ltmp0, $4  }
0x21: {  	s2 =	simm.s32 $0x7A00;
	s29 =	sadd.s32 $0x10400, s3;
	[smem:$0x7F9] =	sst s28  }
0x22: {  	v3 =	vlaneseq.u32;
	s4 =	simm.s32 $0x100;
	s30 =	sadd.s32 $0x11800, s3;
	[smem:$0x7FA] =	sst s29  }
0x23: {  	v0 =	vimm.f32 $0.0e+00;
	vm0 =	vmmov $0xffff;
	v2 =	vshrl.u32 v3, $0x3;
	s6 =	simm.s32 $0x5200;
	s31 =	sadd.s32 $0x12C00, s3;
	[smem:$0x7FB] =	sst s30  }
0x24: {  	v1 =	vand.u32 $0x7, v3;
	v3 =	vor.u32 $0x8, v3;
	v2 =	vmul.u32 $0x8, v2;
	s10 =	simm.s32 $0x0;
	s8 =	simm.s32 $0x8E00;
	[smem:$0x7FC] =	sst s31  }
.LBB2_13:
0x25: {  	s0 =	simm.s32 $0x4  }
0x26: {  	_ =	swait.ge [sflag:s0], $0x1400  }
0x27: {  	[sflag:s0] =	ssyncset.done $0x0  }
0x28: {  	[sflag:s0] =	ssyncadd.s32 $0xFFFFEC00  }
0x29: {  	[bflag:$0x0] =	sbarrier.arrive $0xFFFF  }
0x2a: {  	s3 =	sld [smem:$0x7FD]  }
0x2b: {  	s29 =	stileid.u32;
	s2 =	sld [smem:$0x7EC]  }
0x2c: {  	s0 =	sshll.u32 s29, $0x6  }
0x2d: {  	s30 =	simm.s32 $0x7;
	s0 =	sor.u32 $0x1C07, s0;
	s1 =	sshrl.u32 s3, $0x3  }
0x2e: {  	[hbm:s2], [sflag:s0] =	dma.local [spmem:s1], $0x2800  }
0x2f: {  	_ =	swait.ge [sflag:s30], $0x2800  }
0x30: {  	s10 =	sld [smem:$0x7DE]  }
0x31: {  	s31 =	sld [smem:$0x7ED];
	_ =	sdelay $0x1  }
0x32: {  	s10 =	sadd.s32 $0x1, s10  }
0x33: {  	p0 =	sne.s32 s10, s31  }
.Ltmp1:
0x34: {  	_ = 	snop;
	(pc) =	sbr.rel @!p0 .LBB2_14-.Ltmp1, $3  }
0x35: {  	_ =	sdelay $0x1  }
0x36: {  	s4 =	simm.s32 $0x100;
	[sflag:s30] =	ssyncset.done $0x0  }
0x37: {  	s6 =	simm.s32 $0x5200;
	s2 =	simm.s32 $0x7A00;
	[sflag:s30] =	ssyncadd.s32 $0xFFFFD800  }
.LBB2_1:
0x38: {  	s0 =	simm.s32 $0x0;
	s1 =	simm.s32 $0x200  }
.LBB2_2:
0x39: {  	p0 =	sne.s32 s1, $0x4E00;
	[tilespmem:s0+$0x7A70] =	vst v0  }
0x3a: {  	[tilespmem:s0+$0x7A00] =	vst v0  }
0x3b: {  	[tilespmem:s0+$0x7A10] =	vst v0  }
.Ltmp2:
0x3c: {  	[tilespmem:s0+$0x7A20] =	vst v0;
	(pc) =	sbr.rel @p0 .LBB2_2-.Ltmp2, $4  }
0x3d: {  	[tilespmem:s0+$0x7A30] =	vst v0  }
0x3e: {  	[tilespmem:s0+$0x7A40] =	vst v0  }
0x3f: {  	[tilespmem:s0+$0x7A50] =	vst v0  }
0x40: {  	[tilespmem:s0+$0x7A60] =	vst v0;
	s0 =	sshra.s32 s1, $0x2;
	s1 =	sadd.s32 $0x200, s1  }
0x41: {  	[tilespmem:s0+$0x7A70] =	vst v0  }
0x42: {  	[tilespmem:s0+$0x7A00] =	vst v0  }
0x43: {  	[tilespmem:s0+$0x7A10] =	vst v0  }
0x44: {  	[tilespmem:s0+$0x7A20] =	vst v0  }
0x45: {  	[tilespmem:s0+$0x7A30] =	vst v0  }
0x46: {  	[tilespmem:s0+$0x7A40] =	vst v0  }
0x47: {  	[tilespmem:s0+$0x7A50] =	vst v0  }
0x48: {  	[smem:$0x7DE] =	sst s10;
	[tilespmem:s0+$0x7A60] =	vst v0;
	s1 =	simm.s32 $0x7  }
0x49: {  	[spmem:s3] =	stream.linear.scatter [tilespmem:s2], [sflag:$0x7], $0x1400, $0x38;
	[tilespmem:$0x1E200] =	vst v63  }
0x4a: {  	_ =	swait.ge [sflag:s1], $0x1400  }
0x4b: {  	s23 =	sld [smem:$0x7EE]  }
0x4c: {  	[sflag:s1] =	ssyncset.done $0x0  }
0x4d: {  	[sflag:s1] =	ssyncadd.s32 $0xFFFFEC00  }
0x4e: {  	[spmem:s23] =	stream.linear.scatter [tilespmem:s2], [sflag:$0x7], $0x1400, $0x38;
	[tilespmem:$0x1E200] =	vst v63  }
0x4f: {  	_ =	swait.ge [sflag:s1], $0x1400  }
0x50: {  	s24 =	sld [smem:$0x7EF]  }
0x51: {  	[sflag:s1] =	ssyncset.done $0x0  }
0x52: {  	[sflag:s1] =	ssyncadd.s32 $0xFFFFEC00  }
0x53: {  	[spmem:s24] =	stream.linear.scatter [tilespmem:s2], [sflag:$0x7], $0x1400, $0x38;
	[tilespmem:$0x1E200] =	vst v63  }
0x54: {  	_ =	swait.ge [sflag:s1], $0x1400  }
0x55: {  	s25 =	sld [smem:$0x7F0]  }
0x56: {  	[sflag:s1] =	ssyncset.done $0x0  }
0x57: {  	[sflag:s1] =	ssyncadd.s32 $0xFFFFEC00  }
0x58: {  	[spmem:s25] =	stream.linear.scatter [tilespmem:s2], [sflag:$0x7], $0x1400, $0x38;
	[tilespmem:$0x1E200] =	vst v63  }
0x59: {  	_ =	swait.ge [sflag:s1], $0x1400  }
0x5a: {  	s26 =	sld [smem:$0x7F1]  }
0x5b: {  	[sflag:s1] =	ssyncset.done $0x0  }
0x5c: {  	[sflag:s1] =	ssyncadd.s32 $0xFFFFEC00  }
0x5d: {  	[spmem:s26] =	stream.linear.scatter [tilespmem:s2], [sflag:$0x7], $0x1400, $0x38;
	[tilespmem:$0x1E200] =	vst v63  }
0x5e: {  	_ =	swait.ge [sflag:s1], $0x1400  }
0x5f: {  	s28 =	sld [smem:$0x7F2]  }
0x60: {  	[sflag:s1] =	ssyncset.done $0x0  }
0x61: {  	[sflag:s1] =	ssyncadd.s32 $0xFFFFEC00  }
0x62: {  	[spmem:s28] =	stream.linear.scatter [tilespmem:s2], [sflag:$0x7], $0x1400, $0x38;
	[tilespmem:$0x1E200] =	vst v63  }
0x63: {  	_ =	swait.ge [sflag:s1], $0x1400  }
0x64: {  	s29 =	sld [smem:$0x7F3]  }
0x65: {  	[sflag:s1] =	ssyncset.done $0x0  }
0x66: {  	[sflag:s1] =	ssyncadd.s32 $0xFFFFEC00  }
0x67: {  	[spmem:s29] =	stream.linear.scatter [tilespmem:s2], [sflag:$0x7], $0x1400, $0x38;
	[tilespmem:$0x1E200] =	vst v63  }
0x68: {  	_ =	swait.ge [sflag:s1], $0x1400  }
0x69: {  	s30 =	sld [smem:$0x7F4]  }
0x6a: {  	[sflag:s1] =	ssyncset.done $0x0  }
0x6b: {  	[sflag:s1] =	ssyncadd.s32 $0xFFFFEC00  }
0x6c: {  	[spmem:s30] =	stream.linear.scatter [tilespmem:s2], [sflag:$0x7], $0x1400, $0x38;
	[tilespmem:$0x1E200] =	vst v63  }
0x6d: {  	_ =	swait.ge [sflag:s1], $0x1400  }
0x6e: {  	s31 =	sld [smem:$0x7F5]  }
0x6f: {  	[sflag:s1] =	ssyncset.done $0x0  }
0x70: {  	[sflag:s1] =	ssyncadd.s32 $0xFFFFEC00  }
0x71: {  	[spmem:s31] =	stream.linear.scatter [tilespmem:s2], [sflag:$0x7], $0x1400, $0x38;
	[tilespmem:$0x1E200] =	vst v63  }
0x72: {  	_ =	swait.ge [sflag:s1], $0x1400  }
0x73: {  	s3 =	sld [smem:$0x7F6]  }
0x74: {  	[sflag:s1] =	ssyncset.done $0x0  }
0x75: {  	[sflag:s1] =	ssyncadd.s32 $0xFFFFEC00  }
0x76: {  	[spmem:s3] =	stream.linear.scatter [tilespmem:s2], [sflag:$0x7], $0x1400, $0x38;
	[tilespmem:$0x1E200] =	vst v63  }
0x77: {  	_ =	swait.ge [sflag:s1], $0x1400  }
0x78: {  	s10 =	sld [smem:$0x7F7]  }
0x79: {  	[sflag:s1] =	ssyncset.done $0x0  }
0x7a: {  	[sflag:s1] =	ssyncadd.s32 $0xFFFFEC00  }
0x7b: {  	[spmem:s10] =	stream.linear.scatter [tilespmem:s2], [sflag:$0x7], $0x1400, $0x38;
	[tilespmem:$0x1E200] =	vst v63  }
0x7c: {  	_ =	swait.ge [sflag:s1], $0x1400  }
0x7d: {  	s11 =	sld [smem:$0x7F8]  }
0x7e: {  	[sflag:s1] =	ssyncset.done $0x0  }
0x7f: {  	[sflag:s1] =	ssyncadd.s32 $0xFFFFEC00  }
0x80: {  	[spmem:s11] =	stream.linear.scatter [tilespmem:s2], [sflag:$0x7], $0x1400, $0x38;
	[tilespmem:$0x1E200] =	vst v63  }
0x81: {  	_ =	swait.ge [sflag:s1], $0x1400  }
0x82: {  	s12 =	sld [smem:$0x7F9]  }
0x83: {  	[sflag:s1] =	ssyncset.done $0x0  }
0x84: {  	[sflag:s1] =	ssyncadd.s32 $0xFFFFEC00  }
0x85: {  	[spmem:s12] =	stream.linear.scatter [tilespmem:s2], [sflag:$0x7], $0x1400, $0x38;
	[tilespmem:$0x1E200] =	vst v63  }
0x86: {  	_ =	swait.ge [sflag:s1], $0x1400  }
0x87: {  	s13 =	sld [smem:$0x7FA]  }
0x88: {  	[sflag:s1] =	ssyncset.done $0x0  }
0x89: {  	[sflag:s1] =	ssyncadd.s32 $0xFFFFEC00  }
0x8a: {  	[spmem:s13] =	stream.linear.scatter [tilespmem:s2], [sflag:$0x7], $0x1400, $0x38;
	[tilespmem:$0x1E200] =	vst v63  }
0x8b: {  	_ =	swait.ge [sflag:s1], $0x1400  }
0x8c: {  	s14 =	sld [smem:$0x7FB]  }
0x8d: {  	[sflag:s1] =	ssyncset.done $0x0  }
0x8e: {  	[sflag:s1] =	ssyncadd.s32 $0xFFFFEC00  }
0x8f: {  	[spmem:s14] =	stream.linear.scatter [tilespmem:s2], [sflag:$0x7], $0x1400, $0x38;
	[tilespmem:$0x1E200] =	vst v63  }
0x90: {  	_ =	swait.ge [sflag:s1], $0x1400  }
0x91: {  	s15 =	sld [smem:$0x7FC]  }
0x92: {  	[sflag:s1] =	ssyncset.done $0x0  }
0x93: {  	[sflag:s1] =	ssyncadd.s32 $0xFFFFEC00  }
0x94: {  	[spmem:s15] =	stream.linear.scatter [tilespmem:s2], [sflag:$0x7], $0x1400, $0x38;
	[tilespmem:$0x1E200] =	vst v63  }
0x95: {  	_ =	swait.ge [sflag:s1], $0x1400  }
0x96: {  	s17 =	sld [smem:$0x7E0]  }
0x97: {  	[sflag:s1] =	ssyncset.done $0x0  }
0x98: {  	s16 =	simm.s32 $0x0;
	s18 =	sld [smem:$0x7E2];
	[sflag:s1] =	ssyncadd.s32 $0xFFFFEC00  }
0x99: {  	[tilespmem:s16], [sflag:$0x5] =	stream.linear.gather [hbm4b:s17+s16], $0x28, $0x38;
	[tilespmem:$0x1E200] =	vst v63  }
0x9a: {  	s19 =	simm.s32 $0x5  }
0x9b: {  	[tilespmem:s4], [sflag:$0x5] =	stream.linear.gather [hbm4b:s18+s16], $0x28, $0x38;
	[tilespmem:$0x1E200] =	vst v63  }
0x9c: {  	_ =	swait.ge [sflag:s19], $0x28  }
0x9d: {  	[sflag:s19] =	ssyncset.done $0x0  }
0x9e: {  	[sflag:s19] =	ssyncadd.s32 $0xFFFFFFD8  }
0x9f: {  	_ =	swait.ge [sflag:s19], $0x28  }
0xa0: {  	[sflag:s19] =	ssyncset.done $0x0  }
0xa1: {  	[sflag:s19] =	ssyncadd.s32 $0xFFFFFFD8  }
0xa2: {  	v4 =	vld [tilespmem:$0x0];
	_ =	sdelay $0x4  }
0xa3: {  	v5 =	vshll.u32 v4, $0x1  }
0xa4: {  	v4 =	vand.u32 $0x7, v4;
	v5 =	vand.u32 $0xFFFFFFF0, v5  }
0xa5: {  	v4 =	vor.u32 v4, v5  }
0xa6: {  	v5 =	vperm.xlane v4, v1;
	_ =	sdelay $0x1  }
0xa7: {  	v4 =	vperm.xlane v4, v3;
	v5 =	vadd.s32 v2, v5;
	_ =	sdelay $0x1  }
0xa8: {  	s20 =	sld [smem:$0x7DF];
	v4 =	vadd.s32 v2, v4;
	_ =	sdelay $0x1  }
0xa9: {  	s21 =	simm.s32 $0x200  }
0xaa: {  	[tilespmem:s21], [sflag:$0x1] =	stream.indirect_vreg.gather [hbm4b:s20+s16], $0x80, v5, vm0, $0xb8;
	[tilespmem:$0x1E200] =	vst v63  }
0xab: {  	s22 =	simm.s32 $0xA00  }
0xac: {  	[tilespmem:s22], [sflag:$0x1] =	stream.indirect_vreg.gather [hbm4b:s20+s16], $0x80, v4, vm0, $0xb8;
	[tilespmem:$0x1E200] =	vst v63  }
0xad: {  	v4 =	vld [tilespmem:$0x10];
	_ =	sdelay $0x4  }
0xae: {  	v5 =	vshll.u32 v4, $0x1  }
0xaf: {  	v4 =	vand.u32 $0x7, v4;
	v5 =	vand.u32 $0xFFFFFFF0, v5  }
0xb0: {  	v4 =	vor.u32 v4, v5  }
0xb1: {  	v5 =	vperm.xlane v4, v1;
	_ =	sdelay $0x1  }
0xb2: {  	v4 =	vperm.xlane v4, v3;
	v5 =	vadd.s32 v2, v5;
	_ =	sdelay $0x1  }
0xb3: {  	v4 =	vadd.s32 v2, v4;
	_ =	sdelay $0x1  }
0xb4: {  	s23 =	simm.s32 $0x1200  }
0xb5: {  	[tilespmem:s23], [sflag:$0x1] =	stream.indirect_vreg.gather [hbm4b:s20+s16], $0x80, v5, vm0, $0xb8;
	[tilespmem:$0x1E200] =	vst v63  }
0xb6: {  	s24 =	simm.s32 $0x1A00  }
0xb7: {  	[tilespmem:s24], [sflag:$0x1] =	stream.indirect_vreg.gather [hbm4b:s20+s16], $0x80, v4, vm0, $0xb8;
	[tilespmem:$0x1E200] =	vst v63  }
0xb8: {  	v4 =	vld.msk [tilespmem:$0x20], $0xff;
	_ =	sdelay $0x4  }
0xb9: {  	v5 =	vshll.u32 v4, $0x1  }
0xba: {  	v4 =	vand.u32 $0x7, v4;
	v5 =	vand.u32 $0xFFFFFFF0, v5  }
0xbb: {  	v4 =	vor.u32 v4, v5  }
0xbc: {  	v4 =	vperm.xlane v4, v1;
	_ =	sdelay $0x1  }
0xbd: {  	v4 =	vadd.s32 v2, v4;
	_ =	sdelay $0x3  }
0xbe: {  	s25 =	simm.s32 $0x2200;
	s28 =	sld [smem:$0x7E4]  }
0xbf: {  	[tilespmem:s25], [sflag:$0x1] =	stream.indirect_vreg.gather [hbm4b:s20+s16], $0x80, v4, vm0, $0xb8;
	[tilespmem:$0x1E200] =	vst v63  }
0xc0: {  	s26 =	rddreg [dreg:$0x1]  }
0xc1: {  	[tilespmem:s2], [sflag:$0x1] =	stream.indirect.gather [hbm4b:s26+s5], $0x80, s4, s5, $0xb8;
	[tilespmem:$0x1E200] =	vst v63  }
0xc2: {  	s29 =	sld [smem:$0x7E6]  }
0xc3: {  	[tilespmem:s6], [sflag:$0x1] =	stream.linear.gather [hbm4b:s28+s16], $0x1400, $0x38;
	[tilespmem:$0x1E200] =	vst v63  }
0xc4: {  	s30 =	simm.s32 $0x80;
	s31 =	sld [smem:$0x7E8]  }
0xc5: {  	[tilespmem:s30], [sflag:$0x6] =	stream.linear.gather [hbm4b:s29+s16], $0x28, $0x38;
	[tilespmem:$0x1E200] =	vst v63  }
0xc6: {  	_ = 	snop  }
0xc7: {  	[tilespmem:s7], [sflag:$0x6] =	stream.linear.gather [hbm4b:s31+s16], $0x28, $0x38;
	[tilespmem:$0x1E200] =	vst v63  }
0xc8: {  	s4 =	simm.s32 $0x0;
	[bflag:$0x0] =	sbarrier.arrive $0xFFFF  }
.LBB2_4:
0xc9: {  	p0 =	seq.s32 s4, $0x0  }
0xca: {  	s0 =	simm.s32 @!p0 $0x4  }
0xcb: {  	_ =	swait.ge @!p0 [sflag:s0], $0x1400  }
0xcc: {  	[sflag:s0] =	ssyncset.done @!p0 $0x0  }
0xcd: {  	s7 =	simm.s32 $0x6;
	[sflag:s0] =	ssyncadd.s32 @!p0 $0xFFFFEC00  }
0xce: {  	_ =	swait.ge [sflag:s7], $0x28  }
0xcf: {  	[sflag:s7] =	ssyncset.done $0x0  }
0xd0: {  	[sflag:s7] =	ssyncadd.s32 $0xFFFFFFD8  }
0xd1: {  	_ =	swait.ge [sflag:s7], $0x28  }
0xd2: {  	[sflag:s7] =	ssyncset.done $0x0  }
0xd3: {  	[sflag:s7] =	ssyncadd.s32 $0xFFFFFFD8  }
0xd4: {  	v4 =	vld [tilespmem:$0x80];
	_ =	sdelay $0x4  }
0xd5: {  	v5 =	vshll.u32 v4, $0x1  }
0xd6: {  	v4 =	vand.u32 $0x7, v4;
	v5 =	vand.u32 $0xFFFFFFF0, v5  }
0xd7: {  	v4 =	vor.u32 v4, v5  }
0xd8: {  	v5 =	vperm.xlane v4, v1;
	_ =	sdelay $0x1  }
0xd9: {  	v4 =	vperm.xlane v4, v3;
	v5 =	vadd.s32 v2, v5;
	_ =	sdelay $0x1  }
0xda: {  	s10 =	sld [smem:$0x7DF];
	v4 =	vadd.s32 v2, v4;
	_ =	sdelay $0x1  }
0xdb: {  	s1 =	simm.s32 $0x2A00;
	s6 =	simm.s32 $0x0  }
0xdc: {  	[tilespmem:s1], [sflag:$0x2] =	stream.indirect_vreg.gather [hbm4b:s10+s6], $0x80, v5, vm0, $0xb8;
	[tilespmem:$0x1E200] =	vst v63  }
0xdd: {  	s11 =	simm.s32 $0x3200  }
0xde: {  	[tilespmem:s11], [sflag:$0x2] =	stream.indirect_vreg.gather [hbm4b:s10+s6], $0x80, v4, vm0, $0xb8;
	[tilespmem:$0x1E200] =	vst v63  }
0xdf: {  	v4 =	vld [tilespmem:$0x90];
	_ =	sdelay $0x4  }
0xe0: {  	v5 =	vshll.u32 v4, $0x1  }
0xe1: {  	v4 =	vand.u32 $0x7, v4;
	v5 =	vand.u32 $0xFFFFFFF0, v5  }
0xe2: {  	v4 =	vor.u32 v4, v5  }
0xe3: {  	v5 =	vperm.xlane v4, v1;
	_ =	sdelay $0x1  }
0xe4: {  	v4 =	vperm.xlane v4, v3;
	v5 =	vadd.s32 v2, v5;
	_ =	sdelay $0x1  }
0xe5: {  	v4 =	vadd.s32 v2, v4;
	_ =	sdelay $0x1  }
0xe6: {  	s12 =	simm.s32 $0x3A00  }
0xe7: {  	[tilespmem:s12], [sflag:$0x2] =	stream.indirect_vreg.gather [hbm4b:s10+s6], $0x80, v5, vm0, $0xb8;
	[tilespmem:$0x1E200] =	vst v63  }
0xe8: {  	s13 =	simm.s32 $0x4200  }
0xe9: {  	[tilespmem:s13], [sflag:$0x2] =	stream.indirect_vreg.gather [hbm4b:s10+s6], $0x80, v4, vm0, $0xb8;
	[tilespmem:$0x1E200] =	vst v63  }
0xea: {  	v4 =	vld.msk [tilespmem:$0xA0], $0xff;
	_ =	sdelay $0x4  }
0xeb: {  	v5 =	vshll.u32 v4, $0x1  }
0xec: {  	v4 =	vand.u32 $0x7, v4;
	v5 =	vand.u32 $0xFFFFFFF0, v5  }
0xed: {  	v4 =	vor.u32 v4, v5  }
0xee: {  	v4 =	vperm.xlane v4, v1;
	_ =	sdelay $0x1  }
0xef: {  	v4 =	vadd.s32 v2, v4  }
0xf0: {  	s2 =	smul.u32 $0x50, s4;
	s17 =	sld [smem:$0x7E1]  }
0xf1: {  	[smem:$0x7DA] =	sst s4  }
0xf2: {  	[smem:$0x7DB] =	sst s2  }
0xf3: {  	s14 =	simm.s32 $0x4A00;
	s18 =	sld [smem:$0x7E3];
	s1 =	sadd.s32 s2, s17  }
0xf4: {  	[tilespmem:s14], [sflag:$0x2] =	stream.indirect_vreg.gather [hbm4b:s10+s6], $0x80, v4, vm0, $0xb8;
	[tilespmem:$0x1E200] =	vst v63  }
0xf5: {  	s15 =	simm.s32 $0x180;
	s16 =	rddreg [dreg:$0x1];
	s2 =	sshll.u32 s1, $0x4  }
0xf6: {  	[tilespmem:s8], [sflag:$0x2] =	stream.indirect.gather [hbm4b:s16+s5], $0x80, s15, s5, $0xb8;
	[tilespmem:$0x1E200] =	vst v63  }
0xf7: {  	s19 =	simm.s32 $0x1;
	[smem:$0x7DC] =	sst s2;
	s1 =	sadd.s32 s18, s2  }
0xf8: {  	[tilespmem:s9], [sflag:$0x2] =	stream.linear.gather [hbm4b:s1+s6], $0x1400, $0x38;
	[tilespmem:$0x1E200] =	vst v63  }
0xf9: {  	_ =	swait.ge [sflag:s19], $0x2800  }
0xfa: {  	[sflag:s19] =	ssyncset.done $0x0  }
0xfb: {  	[sflag:s19] =	ssyncadd.s32 $0xFFFFD800  }
0xfc: {  	_ =	swait.ge [sflag:s19], $0x1400  }
0xfd: {  	[sflag:s19] =	ssyncset.done $0x0  }
0xfe: {  	[sflag:s19] =	ssyncadd.s32 $0xFFFFEC00  }
0xff: {  	_ =	swait.ge [sflag:s19], $0x1400  }
0x100: {  	s20 =	sand.u32 $0x3800, s6;
	s0 =	sand.u32 $0x380, s15;
	[sflag:s19] =	ssyncset.done $0x0  }
0x101: {  	s14 =	simm.s32 $0x7B00;
	s1 =	sor.u32 $0x200, s20;
	[sflag:s19] =	ssyncadd.s32 $0xFFFFEC00  }
0x102: {  	s16 =	sadd.s32 s0, s1;
	v4 =	vld [tilespmem:s14+$0x80]  }
0x103: {  	s21 =	simm.s32 $0x0;
	s7 =	simm.s32 $0x5300;
	v5 =	vld [tilespmem:s16+$0x0]  }
0x104: {  	s3 =	simm.s32 $0x100;
	s0 =	sand.u32 $0x200, s21;
	v6 =	vld [tilespmem:s7+$0x80]  }
0x105: {  	s23 =	sand.u32 $0x300, s3;
	s4 =	sadd.s32 s0, s1;
	v7 =	vld [tilespmem:s14+$0xFFFFFF00]  }
0x106: {  	s8 =	sadd.s32 s23, s1;
	v8 =	vld [tilespmem:s4+$0x0]  }
0x107: {  	s22 =	simm.s32 $0x80;
	v9 =	vld [tilespmem:s8+$0x0]  }
0x108: {  	s2 =	sand.u32 $0x280, s22;
	v12 =	vld [tilespmem:s7+$0xFFFFFF00];
	v4 =	vadd.f32 v4, v5  }
0x109: {  	s24 =	sadd.s32 s2, s1;
	v5 =	vld [tilespmem:s14+$0xFFFFFF80]  }
0x10a: {  	v4 =	vadd.f32 v6, v4;
	v6 =	vld [tilespmem:s24+$0x0]  }
0x10b: {  	v11 =	vld [tilespmem:s14+$0x0]  }
0x10c: {  	v13 =	vld [tilespmem:s7+$0xFFFFFF80];
	v10 =	vsub.f32 $0.0e+00, v4  }
0x10d: {  	v14 =	vld [tilespmem:s7+$0x0];
	v7 =	vadd.f32 v7, v8  }
0x10e: {  	v10 =	vmul.f32 $1.442695020e+00, v10  }
0x10f: {  	v7 =	vadd.f32 v12, v7;
	v5 =	vadd.f32 v5, v6  }
0x110: {  	v6 =	vadd.f32 v11, v9;
	(erf) = vpow2.f32 v10  }
0x111: {  	v8 =	vsub.f32 $0.0e+00, v7;
	v5 =	vadd.f32 v13, v5  }
0x112: {  	v6 =	vadd.f32 v14, v6  }
0x113: {  	v8 =	vmul.f32 $1.442695020e+00, v8;
	v9 =	vsub.f32 $0.0e+00, v5  }
0x114: {  	v10 =	vsub.f32 $0.0e+00, v6  }
0x115: {  	(erf) = vpow2.f32 v8;
	v9 =	vmul.f32 $1.442695020e+00, v9  }
0x116: {  	v8 =	vmul.f32 $1.442695020e+00, v10  }
0x117: {  	(erf) = vpow2.f32 v9  }
0x118: {  	(erf) = vpow2.f32 v8  }
0x119: {  	v10 =	vpop (erf)  }
0x11a: {  	v9 =	vadd.f32 $1.000000000e+00, v10;
	_ =	sdelay $0x2  }
0x11b: {  	s25 =	sand.u32 $0x7, s6;
	(erf) = vrcp.f32 v9  }
0x11c: {  	s0 =	sshll.u32 s25, $0x7;
	v9 =	vpop (erf)  }
0x11d: {  	s0 =	sadd.s32 $0x0, s0;
	v9 =	vadd.f32 $1.000000000e+00, v9  }
0x11e: {  	s22 =	sadd.s32 $0x180, s0;
	v10 =	vpop (erf)  }
0x11f: {  	p0 =	por $0x0, $0x0;
	s1 =	simm.s32 $0x1;
	s26 =	sor.u32 $0x400, s22;
	v11 =	vpop (erf);
	(erf) = vrcp.f32 v9  }
0x120: {  	s1 =	simm.s32 @!p0 $0x0;
	v8 =	vld [tilespmem:s26+$0x200];
	v10 =	vadd.f32 $1.000000000e+00, v10  }
0x121: {  	s1 =	sshll.u32 s1, $0x9  }
0x122: {  	s29 =	sadd.s32 $0x0, s1;
	(erf) = vrcp.f32 v10;
	v10 =	vadd.f32 $1.000000000e+00, v11  }
0x123: {  	s1 =	sor.u32 $0x400, s29  }
0x124: {  	s28 =	sand.u32 $0x3, s6;
	s19 =	sadd.s32 $0x80, s0;
	[tilespmem:s7+$0x80] =	vst v4;
	v4 =	vld [tilespmem:s1+$0x200];
	v9 =	vpop (erf);
	(erf) = vrcp.f32 v10  }
0x125: {  	s2 =	sshll.u32 s28, $0x8;
	s6 =	sor.u32 $0x400, s19;
	v8 =	vmul.f32 v9, v8  }
0x126: {  	s3 =	sadd.s32 $0x0, s2;
	v10 =	vld [tilespmem:s6+$0x200]  }
0x127: {  	s13 =	sadd.s32 $0x100, s3;
	[tilespmem:s14+$0x80] =	vst v8;
	v8 =	vld [tilespmem:s14+$0x90]  }
0x128: {  	s9 =	sor.u32 $0x400, s13;
	[tilespmem:s7+$0xFFFFFF00] =	vst v7;
	v9 =	vld [tilespmem:s16+$0x10];
	v7 =	vpop (erf)  }
0x129: {  	v12 =	vld [tilespmem:s9+$0x200];
	v4 =	vmul.f32 v7, v4  }
0x12a: {  	[tilespmem:s7+$0x0] =	vst v6;
	v11 =	vld [tilespmem:s7+$0x90]  }
0x12b: {  	v13 =	vld [tilespmem:s14+$0xFFFFFF10];
	[tilespmem:s7+$0xFFFFFF80] =	vst v5;
	v6 =	vpop (erf)  }
0x12c: {  	v5 =	vmul.f32 v6, v10;
	v6 =	vld [tilespmem:s14+$0xFFFFFF90]  }
0x12d: {  	[tilespmem:s14+$0xFFFFFF00] =	vst v4;
	v7 =	vadd.f32 v8, v9;
	v8 =	vld [tilespmem:s14+$0x10];
	v4 =	vpop (erf)  }
0x12e: {  	v9 =	vld [tilespmem:s4+$0x10];
	[tilespmem:s14+$0xFFFFFF80] =	vst v5;
	v4 =	vmul.f32 v4, v12  }
0x12f: {  	v7 =	vadd.f32 v11, v7;
	v5 =	vld [tilespmem:s24+$0x10]  }
0x130: {  	v11 =	vld [tilespmem:s7+$0xFFFFFF10];
	[tilespmem:s14+$0x0] =	vst v4  }
0x131: {  	v10 =	vsub.f32 $0.0e+00, v7;
	v4 =	vld [tilespmem:s8+$0x10];
	_ =	sdelay $0x1  }
0x132: {  	v14 =	vld [tilespmem:s7+$0x10];
	v10 =	vmul.f32 $1.442695020e+00, v10  }
0x133: {  	v12 =	vld [tilespmem:s7+$0xFFFFFF90];
	v9 =	vadd.f32 v13, v9  }
0x134: {  	v5 =	vadd.f32 v6, v5;
	(erf) = vpow2.f32 v10  }
0x135: {  	v6 =	vadd.f32 v11, v9;
	v4 =	vadd.f32 v8, v4;
	_ =	sdelay $0x1  }
0x136: {  	v8 =	vsub.f32 $0.0e+00, v6;
	v4 =	vadd.f32 v14, v4  }
0x137: {  	v5 =	vadd.f32 v12, v5  }
0x138: {  	v8 =	vmul.f32 $1.442695020e+00, v8;
	v10 =	vsub.f32 $0.0e+00, v4  }
0x139: {  	v9 =	vsub.f32 $0.0e+00, v5  }
0x13a: {  	(erf) = vpow2.f32 v8  }
0x13b: {  	v9 =	vmul.f32 $1.442695020e+00, v9  }
0x13c: {  	v8 =	vmul.f32 $1.442695020e+00, v10;
	v10 =	vpop (erf)  }
0x13d: {  	(erf) = vpow2.f32 v9;
	v9 =	vadd.f32 $1.000000000e+00, v10  }
0x13e: {  	(erf) = vpow2.f32 v8  }
0x13f: {  	(erf) = vrcp.f32 v9;
	_ =	sdelay $0x3  }
0x140: {  	s10 =	sor.u32 $0x410, s22;
	v9 =	vpop (erf)  }
0x141: {  	v8 =	vld [tilespmem:s10+$0x200];
	v9 =	vadd.f32 $1.000000000e+00, v9;
	_ =	sdelay $0x1  }
0x142: {  	v10 =	vpop (erf)  }
0x143: {  	(erf) = vrcp.f32 v9;
	v11 =	vpop (erf)  }
0x144: {  	v10 =	vadd.f32 $1.000000000e+00, v10;
	v9 =	vpop (erf)  }
0x145: {  	s11 =	sor.u32 $0x410, s29;
	v8 =	vmul.f32 v9, v8  }
0x146: {  	[tilespmem:s7+$0x90] =	vst v7;
	v7 =	vld [tilespmem:s11+$0x200];
	(erf) = vrcp.f32 v10;
	v10 =	vadd.f32 $1.000000000e+00, v11  }
0x147: {  	[tilespmem:s14+$0x90] =	vst v8;
	v8 =	vld [tilespmem:s14+$0xA0]  }
0x148: {  	(erf) = vrcp.f32 v10;
	v9 =	vld [tilespmem:s16+$0x20];
	_ =	sdelay $0x1  }
0x149: {  	s12 =	sor.u32 $0x410, s19  }
0x14a: {  	v10 =	vld [tilespmem:s12+$0x200]  }
0x14b: {  	s15 =	sor.u32 $0x410, s13;
	[tilespmem:s7+$0xFFFFFF10] =	vst v6;
	v11 =	vld [tilespmem:s7+$0xA0];
	v6 =	vpop (erf)  }
0x14c: {  	v12 =	vld [tilespmem:s15+$0x200];
	[tilespmem:s7+$0xFFFFFF90] =	vst v5;
	v5 =	vmul.f32 v6, v7;
	v7 =	vadd.f32 v8, v9;
	_ =	sdelay $0x1  }
0x14d: {  	[tilespmem:s7+$0x10] =	vst v4;
	v13 =	vld [tilespmem:s14+$0xFFFFFF20];
	v6 =	vpop (erf)  }
0x14e: {  	v4 =	vmul.f32 v6, v10;
	v6 =	vld [tilespmem:s14+$0x20]  }
0x14f: {  	[tilespmem:s14+$0xFFFFFF10] =	vst v5;
	v8 =	vld [tilespmem:s14+$0xFFFFFFA0];
	v5 =	vadd.f32 v11, v7;
	v7 =	vpop (erf)  }
0x150: {  	v9 =	vld [tilespmem:s4+$0x20];
	[tilespmem:s14+$0xFFFFFF90] =	vst v4;
	v4 =	vmul.f32 v7, v12  }
0x151: {  	v11 =	vld [tilespmem:s7+$0xFFFFFF20]  }
0x152: {  	v7 =	vld [tilespmem:s24+$0x20];
	[tilespmem:s14+$0x10] =	vst v4  }
0x153: {  	v10 =	vsub.f32 $0.0e+00, v5;
	v4 =	vld [tilespmem:s8+$0x20]  }
0x154: {  	v12 =	vld [tilespmem:s7+$0xFFFFFFA0]  }
0x155: {  	v10 =	vmul.f32 $1.442695020e+00, v10;
	v14 =	vld [tilespmem:s7+$0x20]  }
0x156: {  	v9 =	vadd.f32 v13, v9  }
0x157: {  	(erf) = vpow2.f32 v10;
	v7 =	vadd.f32 v8, v7  }
0x158: {  	v8 =	vadd.f32 v11, v9;
	v4 =	vadd.f32 v6, v4  }
0x159: {  	v6 =	vadd.f32 v12, v7  }
0x15a: {  	v7 =	vsub.f32 $0.0e+00, v8;
	v4 =	vadd.f32 v14, v4;
	_ =	sdelay $0x1  }
0x15b: {  	v7 =	vmul.f32 $1.442695020e+00, v7;
	v10 =	vsub.f32 $0.0e+00, v4  }
0x15c: {  	v9 =	vsub.f32 $0.0e+00, v6  }
0x15d: {  	(erf) = vpow2.f32 v7  }
0x15e: {  	v9 =	vmul.f32 $1.442695020e+00, v9  }
0x15f: {  	v7 =	vmul.f32 $1.442695020e+00, v10;
	v10 =	vpop (erf)  }
0x160: {  	(erf) = vpow2.f32 v9;
	v9 =	vadd.f32 $1.000000000e+00, v10  }
0x161: {  	(erf) = vpow2.f32 v7  }
0x162: {  	(erf) = vrcp.f32 v9;
	_ =	sdelay $0x3  }
0x163: {  	s17 =	sor.u32 $0x420, s22;
	v9 =	vpop (erf)  }
0x164: {  	v7 =	vld [tilespmem:s17+$0x200];
	v9 =	vadd.f32 $1.000000000e+00, v9;
	_ =	sdelay $0x1  }
0x165: {  	v10 =	vpop (erf);
	(erf) = vrcp.f32 v9  }
0x166: {  	v10 =	vadd.f32 $1.000000000e+00, v10;
	v11 =	vpop (erf)  }
0x167: {  	v9 =	vpop (erf)  }
0x168: {  	s18 =	sor.u32 $0x420, s29;
	(erf) = vrcp.f32 v10;
	v7 =	vmul.f32 v9, v7  }
0x169: {  	[tilespmem:s7+$0xA0] =	vst v5;
	v5 =	vld [tilespmem:s18+$0x200]  }
0x16a: {  	[tilespmem:s14+$0xA0] =	vst v7;
	v7 =	vld [tilespmem:s14+$0xB0]  }
0x16b: {  	s20 =	sor.u32 $0x420, s19;
	v9 =	vld [tilespmem:s16+$0x30]  }
0x16c: {  	v12 =	vld [tilespmem:s20+$0x200]  }
0x16d: {  	v10 =	vld [tilespmem:s7+$0xB0]  }
0x16e: {  	v13 =	vpop (erf)  }
0x16f: {  	v5 =	vmul.f32 v13, v5  }
0x170: {  	[tilespmem:s7+$0xFFFFFF20] =	vst v8;
	v7 =	vadd.f32 v7, v9  }
0x171: {  	v8 =	vld [tilespmem:s14+$0xFFFFFF30];
	[tilespmem:s14+$0xFFFFFF20] =	vst v5;
	v9 =	vpop (erf)  }
0x172: {  	s21 =	simm.s32 $0x400;
	[tilespmem:s7+$0xFFFFFFA0] =	vst v6;
	v6 =	vmul.f32 v9, v12;
	v5 =	vadd.f32 v10, v7;
	v7 =	vld [tilespmem:s4+$0x30]  }
0x173: {  	s23 =	simm.s32 $0x380;
	s1 =	sand.u32 $0x3800, s21  }
0x174: {  	s2 =	sand.u32 $0x380, s23;
	s25 =	simm.s32 $0x200;
	s1 =	sor.u32 $0x200, s1;
	[tilespmem:s14+$0xFFFFFFA0] =	vst v6;
	v6 =	vld [tilespmem:s7+$0xFFFFFF30]  }
0x175: {  	s26 =	sadd.s32 s2, s1;
	s2 =	sand.u32 $0x200, s25;
	v9 =	vld [tilespmem:s14+$0xFFFFFFB0];
	v10 =	vsub.f32 $0.0e+00, v5  }
0x176: {  	s23 =	sadd.s32 s2, s1;
	v11 =	vadd.f32 $1.000000000e+00, v11;
	v12 =	vld [tilespmem:s24+$0x30]  }
0x177: {  	v15 =	vld [tilespmem:s23+$0x0];
	v10 =	vmul.f32 $1.442695020e+00, v10;
	v7 =	vadd.f32 v8, v7  }
0x178: {  	s15 =	simm.s32 $0x7D00;
	(erf) = vrcp.f32 v11;
	v11 =	vld [tilespmem:s7+$0xFFFFFFB0]  }
0x179: {  	v8 =	vld [tilespmem:s15+$0x80];
	(erf) = vpow2.f32 v10;
	v6 =	vadd.f32 v6, v7  }
0x17a: {  	s20 =	simm.s32 $0x5500;
	v10 =	vld [tilespmem:s26+$0x0]  }
0x17b: {  	v18 =	vld [tilespmem:s20+$0xFFFFFF00];
	v7 =	vadd.f32 v9, v12;
	v13 =	vsub.f32 $0.0e+00, v6  }
0x17c: {  	v9 =	vld [tilespmem:s20+$0x80]  }
0x17d: {  	s28 =	simm.s32 $0x280;
	s0 =	smov.u32 s24;
	v14 =	vld [tilespmem:s15+$0xFFFFFF00];
	s24 =	sor.u32 $0x420, s13;
	v7 =	vadd.f32 v11, v7;
	v13 =	vmul.f32 $1.442695020e+00, v13  }
0x17e: {  	s3 =	sand.u32 $0x280, s28;
	v12 =	vld [tilespmem:s24+$0x200]  }
0x17f: {  	s5 =	simm.s32 $0x300;
	s24 =	sadd.s32 s3, s1;
	[tilespmem:s7+$0x20] =	vst v4;
	v4 =	vld [tilespmem:s15+$0x0];
	v8 =	vadd.f32 v8, v10;
	v10 =	vsub.f32 $0.0e+00, v7;
	(erf) = vpow2.f32 v13  }
0x180: {  	s9 =	sand.u32 $0x300, s5;
	v17 =	vld [tilespmem:s24+$0x0]  }
0x181: {  	s5 =	sadd.s32 s9, s1;
	v16 =	vpop (erf);
	v11 =	vld [tilespmem:s15+$0xFFFFFF80];
	v8 =	vadd.f32 v9, v8;
	v9 =	vmul.f32 $1.442695020e+00, v10  }
0x182: {  	v10 =	vld [tilespmem:s5+$0x0];
	v13 =	vpop (erf)  }
0x183: {  	(erf) = vpow2.f32 v9;
	v9 =	vld [tilespmem:s20+$0xFFFFFF80];
	v13 =	vadd.f32 $1.000000000e+00, v13  }
0x184: {  	v14 =	vadd.f32 v14, v15  }
0x185: {  	v19 =	vsub.f32 $0.0e+00, v8;
	(erf) = vrcp.f32 v13  }
0x186: {  	v14 =	vadd.f32 v18, v14;
	v11 =	vadd.f32 v11, v17  }
0x187: {  	v15 =	vld [tilespmem:s20+$0x0];
	v19 =	vmul.f32 $1.442695020e+00, v19;
	v4 =	vadd.f32 v4, v10  }
0x188: {  	p0 =	por !p0, !p0;
	s3 =	simm.s32 $0x1;
	v9 =	vadd.f32 v9, v11;
	v11 =	vmul.f32 v16, v12;
	v12 =	vsub.f32 $0.0e+00, v14;
	v10 =	vpop (erf)  }
0x189: {  	s17 =	sor.u32 $0x430, s22;
	s3 =	simm.s32 @!p0 $0x0;
	(erf) = vpow2.f32 v19;
	v10 =	vadd.f32 $1.000000000e+00, v10  }
0x18a: {  	s10 =	simm.s32 $0x2;
	s3 =	sshll.u32 s3, $0x9;
	v16 =	vld [tilespmem:s17+$0x200];
	v12 =	vmul.f32 $1.442695020e+00, v12  }
0x18b: {  	s1 =	sand.u32 $0x3, s10;
	s6 =	sadd.s32 $0x400, s3;
	v20 =	vsub.f32 $0.0e+00, v9;
	(erf) = vrcp.f32 v10  }
0x18c: {  	s1 =	sshll.u32 s1, $0x8;
	s21 =	sor.u32 $0x400, s6;
	v13 =	vld [tilespmem:s14+$0x30];
	v4 =	vadd.f32 v15, v4;
	[tilespmem:s14+$0x20] =	vst v11  }
0x18d: {  	s1 =	sadd.s32 $0x400, s1;
	v11 =	vld [tilespmem:s21+$0x200];
	[tilespmem:s20+$0xFFFFFF00] =	vst v14;
	v14 =	vpop (erf);
	v15 =	vmul.f32 $1.442695020e+00, v20  }
0x18e: {  	s11 =	sor.u32 $0x430, s29;
	s2 =	sadd.s32 $0x100, s1;
	v21 =	vsub.f32 $0.0e+00, v4;
	v20 =	vld [tilespmem:s8+$0x30];
	v14 =	vadd.f32 $1.000000000e+00, v14;
	(erf) = vpow2.f32 v12;
	v12 =	vpop (erf)  }
0x18f: {  	s28 =	simm.s32 $0x4;
	s18 =	sor.u32 $0x400, s2;
	v17 =	vld [tilespmem:s11+$0x200];
	(erf) = vpow2.f32 v15;
	v12 =	vmul.f32 v12, v16  }
0x190: {  	s1 =	sand.u32 $0x7, s28;
	v19 =	vld [tilespmem:s18+$0x200];
	v16 =	vmul.f32 $1.442695020e+00, v21;
	(erf) = vrcp.f32 v14  }
0x191: {  	s12 =	sor.u32 $0x430, s19;
	s1 =	sshll.u32 s1, $0x7;
	[tilespmem:s20+$0x0] =	vst v4;
	v4 =	vld [tilespmem:s7+$0x30]  }
0x192: {  	v18 =	vld [tilespmem:s12+$0x200];
	s1 =	sadd.s32 $0x400, s1;
	[tilespmem:s7+$0xB0] =	vst v5;
	v14 =	vpop (erf)  }
0x193: {  	s17 =	sadd.s32 $0x180, s1;
	v14 =	vadd.f32 $1.000000000e+00, v14;
	[tilespmem:s14+$0xB0] =	vst v12;
	v12 =	vadd.f32 v13, v20;
	v13 =	vld [tilespmem:s14+$0xC0]  }
0x194: {  	[tilespmem:s7+$0xFFFFFF30] =	vst v6;
	s3 =	sor.u32 $0x400, s17;
	(erf) = vpow2.f32 v16;
	v6 =	vld [tilespmem:s16+$0x40];
	v16 =	vpop (erf)  }
0x195: {  	s25 =	sor.u32 $0x430, s13;
	v22 =	vld [tilespmem:s3+$0x200];
	(erf) = vrcp.f32 v14;
	v16 =	vmul.f32 v16, v17  }
0x196: {  	v5 =	vld [tilespmem:s25+$0x200];
	v4 =	vadd.f32 v4, v12  }
0x197: {  	[tilespmem:s7+$0xFFFFFFB0] =	vst v7;
	v10 =	vld [tilespmem:s15+$0xFFFFFF10];
	v20 =	vpop (erf)  }
0x198: {  	s18 =	sadd.s32 $0x80, s1;
	v7 =	vld [tilespmem:s7+$0xC0];
	[tilespmem:s7+$0x30] =	vst v4;
	v21 =	vpop (erf)  }
0x199: {  	s9 =	sor.u32 $0x400, s18;
	v15 =	vld [tilespmem:s15+$0x10];
	v6 =	vadd.f32 v13, v6;
	v13 =	vadd.f32 $1.000000000e+00, v20;
	[tilespmem:s14+$0xFFFFFF30] =	vst v16;
	v16 =	vpop (erf)  }
0x19a: {  	v4 =	vsub.f32 $0.0e+00, v4;
	v20 =	vld [tilespmem:s9+$0x200];
	[tilespmem:s20+$0xFFFFFF80] =	vst v9;
	v9 =	vmul.f32 v16, v18  }
0x19b: {  	v14 =	vld [tilespmem:s14+$0xFFFFFF40];
	v21 =	vadd.f32 $1.000000000e+00, v21;
	(erf) = vrcp.f32 v13  }
0x19c: {  	v12 =	vld [tilespmem:s14+$0xFFFFFFC0];
	v4 =	vmul.f32 $1.442695020e+00, v4  }
0x19d: {  	v6 =	vadd.f32 v7, v6;
	v13 =	vld [tilespmem:s4+$0x40];
	(erf) = vrcp.f32 v21;
	v7 =	vpop (erf)  }
0x19e: {  	v17 =	vld [tilespmem:s14+$0x40];
	v7 =	vadd.f32 $1.000000000e+00, v7;
	[tilespmem:s14+$0xFFFFFFB0] =	vst v9;
	v9 =	vpop (erf);
	(erf) = vpow2.f32 v4  }
0x19f: {  	v16 =	vsub.f32 $0.0e+00, v6;
	v4 =	vld [tilespmem:s0+$0x40];
	v9 =	vmul.f32 v9, v22  }
0x1a0: {  	[tilespmem:s20+$0x80] =	vst v8;
	(erf) = vrcp.f32 v7;
	v7 =	vld [tilespmem:s7+$0xFFFFFF40]  }
0x1a1: {  	v16 =	vmul.f32 $1.442695020e+00, v16;
	v8 =	vld [tilespmem:s7+$0xFFFFFFC0];
	[tilespmem:s15+$0x80] =	vst v9  }
0x1a2: {  	v13 =	vadd.f32 v14, v13;
	v9 =	vld [tilespmem:s15+$0x90]  }
0x1a3: {  	(erf) = vpow2.f32 v16;
	v16 =	vld [tilespmem:s26+$0x10]  }
0x1a4: {  	v14 =	vpop (erf)  }
0x1a5: {  	v4 =	vadd.f32 v12, v4;
	v12 =	vld [tilespmem:s20+$0x90];
	v11 =	vmul.f32 v14, v11;
	v7 =	vadd.f32 v7, v13  }
0x1a6: {  	v13 =	vpop (erf)  }
0x1a7: {  	v4 =	vadd.f32 v8, v4;
	v8 =	vmul.f32 v13, v20;
	[tilespmem:s15+$0xFFFFFF00] =	vst v11;
	v13 =	vsub.f32 $0.0e+00, v7;
	v14 =	vpop (erf)  }
0x1a8: {  	v20 =	vld [tilespmem:s23+$0x10];
	v9 =	vadd.f32 v9, v16;
	v14 =	vadd.f32 $1.000000000e+00, v14  }
0x1a9: {  	v16 =	vld [tilespmem:s15+$0xFFFFFF90];
	v11 =	vsub.f32 $0.0e+00, v4;
	[tilespmem:s15+$0xFFFFFF80] =	vst v8;
	v18 =	vpop (erf)  }
0x1aa: {  	v8 =	vmul.f32 $1.442695020e+00, v13;
	v13 =	vmul.f32 v18, v19;
	v9 =	vadd.f32 v12, v9;
	v12 =	vld [tilespmem:s24+$0x10]  }
0x1ab: {  	v11 =	vmul.f32 $1.442695020e+00, v11;
	v18 =	vld [tilespmem:s20+$0xFFFFFF10];
	(erf) = vrcp.f32 v14  }
0x1ac: {  	v19 =	vld [tilespmem:s20+$0xFFFFFF90];
	(erf) = vpow2.f32 v8;
	[tilespmem:s15+$0x0] =	vst v13;
	v14 =	vpop (erf)  }
0x1ad: {  	v8 =	vsub.f32 $0.0e+00, v9;
	(erf) = vpow2.f32 v11;
	v11 =	vld [tilespmem:s5+$0x10];
	v14 =	vadd.f32 $1.000000000e+00, v14  }
0x1ae: {  	v10 =	vadd.f32 v10, v20  }
0x1af: {  	v8 =	vmul.f32 $1.442695020e+00, v8;
	v12 =	vadd.f32 v16, v12;
	(erf) = vrcp.f32 v14;
	_ =	sdelay $0x1  }
0x1b0: {  	v13 =	vld [tilespmem:s20+$0x10];
	(erf) = vpow2.f32 v8;
	v8 =	vadd.f32 v18, v10;
	v10 =	vadd.f32 v19, v12  }
0x1b1: {  	v11 =	vadd.f32 v15, v11  }
0x1b2: {  	s10 =	sor.u32 $0x440, s22;
	v12 =	vsub.f32 $0.0e+00, v8;
	v15 =	vsub.f32 $0.0e+00, v10  }
0x1b3: {  	v14 =	vld [tilespmem:s10+$0x200]  }
0x1b4: {  	v16 =	vpop (erf);
	v12 =	vmul.f32 $1.442695020e+00, v12  }
0x1b5: {  	v11 =	vadd.f32 v13, v11;
	v18 =	vpop (erf);
	v5 =	vmul.f32 v16, v5;
	v13 =	vmul.f32 $1.442695020e+00, v15  }
0x1b6: {  	v15 =	vpop (erf);
	(erf) = vpow2.f32 v12;
	v12 =	vadd.f32 $1.000000000e+00, v18  }
0x1b7: {  	v16 =	vsub.f32 $0.0e+00, v11;
	[tilespmem:s14+$0x30] =	vst v5;
	(erf) = vpow2.f32 v13;
	v5 =	vadd.f32 $1.000000000e+00, v15;
	v18 =	vpop (erf)  }
0x1b8: {  	(erf) = vrcp.f32 v12;
	v13 =	vmul.f32 v18, v14;
	v14 =	vld [tilespmem:s8+$0x40]  }
0x1b9: {  	[tilespmem:s7+$0xC0] =	vst v6;
	v6 =	vld [tilespmem:s7+$0x40];
	v12 =	vmul.f32 $1.442695020e+00, v16;
	v15 =	vpop (erf);
	(erf) = vrcp.f32 v5  }
0x1ba: {  	v5 =	vadd.f32 $1.000000000e+00, v15;
	[tilespmem:s14+$0xC0] =	vst v13;
	v13 =	vld [tilespmem:s14+$0xD0]  }
0x1bb: {  	s12 =	sor.u32 $0x440, s19;
	(erf) = vpow2.f32 v12;
	v12 =	vld [tilespmem:s16+$0x50]  }
0x1bc: {  	s11 =	sor.u32 $0x440, s29;
	v16 =	vld [tilespmem:s12+$0x200];
	(erf) = vrcp.f32 v5  }
0x1bd: {  	v5 =	vld [tilespmem:s11+$0x200];
	v14 =	vadd.f32 v17, v14  }
0x1be: {  	v15 =	vld [tilespmem:s7+$0xD0]  }
0x1bf: {  	s25 =	sor.u32 $0x410, s6;
	v14 =	vadd.f32 v6, v14;
	v6 =	vpop (erf)  }
0x1c0: {  	s21 =	sor.u32 $0x410, s17;
	v20 =	vld [tilespmem:s25+$0x200];
	[tilespmem:s7+$0xFFFFFF40] =	vst v7;
	v7 =	vpop (erf);
	v12 =	vadd.f32 v13, v12  }
0x1c1: {  	s28 =	sor.u32 $0x410, s18;
	v13 =	vld [tilespmem:s21+$0x200];
	v6 =	vadd.f32 $1.000000000e+00, v6;
	v19 =	vpop (erf);
	v7 =	vadd.f32 $1.000000000e+00, v7  }
0x1c2: {  	[tilespmem:s7+$0xFFFFFFC0] =	vst v4;
	v4 =	vld [tilespmem:s28+$0x200];
	v18 =	vsub.f32 $0.0e+00, v14;
	v21 =	vpop (erf);
	v5 =	vmul.f32 v19, v5  }
0x1c3: {  	v17 =	vld [tilespmem:s14+$0xFFFFFF50];
	v12 =	vadd.f32 v15, v12;
	(erf) = vrcp.f32 v6;
	v6 =	vmul.f32 v21, v16  }
0x1c4: {  	v15 =	vpop (erf);
	v16 =	vld [tilespmem:s14+$0xFFFFFFD0];
	[tilespmem:s14+$0xFFFFFF40] =	vst v5  }
0x1c5: {  	v18 =	vmul.f32 $1.442695020e+00, v18;
	(erf) = vrcp.f32 v7;
	v5 =	vsub.f32 $0.0e+00, v12;
	v7 =	vpop (erf);
	v19 =	vld [tilespmem:s4+$0x50];
	[tilespmem:s14+$0xFFFFFFC0] =	vst v6  }
0x1c6: {  	v15 =	vadd.f32 $1.000000000e+00, v15;
	v6 =	vmul.f32 v7, v13;
	v7 =	vld [tilespmem:s0+$0x50];
	[smem:$0x7DD] =	sst s0  }
0x1c7: {  	(erf) = vpow2.f32 v18;
	v5 =	vmul.f32 $1.442695020e+00, v5;
	[tilespmem:s20+$0x90] =	vst v9;
	v9 =	vld [tilespmem:s7+$0xFFFFFF50]  }
0x1c8: {  	(erf) = vrcp.f32 v15;
	[tilespmem:s15+$0x90] =	vst v6;
	v6 =	vld [tilespmem:s15+$0xA0]  }
0x1c9: {  	(erf) = vpow2.f32 v5;
	v5 =	vld [tilespmem:s26+$0x20];
	_ =	sdelay $0x2  }
0x1ca: {  	v13 =	vld [tilespmem:s7+$0xFFFFFFD0];
	v15 =	vadd.f32 v17, v19  }
0x1cb: {  	s3 =	sor.u32 $0x410, s2;
	[tilespmem:s20+$0xFFFFFF10] =	vst v8;
	v17 =	vld [tilespmem:s20+$0xA0];
	v8 =	vpop (erf)  }
0x1cc: {  	v18 =	vld [tilespmem:s3+$0x200];
	[tilespmem:s20+$0xFFFFFF90] =	vst v10;
	v8 =	vmul.f32 v8, v20;
	v10 =	vpop (erf);
	v9 =	vadd.f32 v9, v15;
	v5 =	vadd.f32 v6, v5  }
0x1cd: {  	[tilespmem:s20+$0x10] =	vst v11;
	v19 =	vld [tilespmem:s15+$0xFFFFFF20];
	v7 =	vadd.f32 v16, v7;
	v4 =	vmul.f32 v10, v4  }
0x1ce: {  	v15 =	vld [tilespmem:s15+$0xFFFFFFA0];
	v10 =	vpop (erf);
	[tilespmem:s15+$0xFFFFFF10] =	vst v8;
	v8 =	vsub.f32 $0.0e+00, v9  }
0x1cf: {  	v11 =	vadd.f32 v13, v7;
	v7 =	vadd.f32 $1.000000000e+00, v10;
	v10 =	vld [tilespmem:s23+$0x20];
	[tilespmem:s15+$0xFFFFFF90] =	vst v4  }
0x1d0: {  	v4 =	vadd.f32 v17, v5;
	v13 =	vld [tilespmem:s24+$0x20];
	v8 =	vmul.f32 $1.442695020e+00, v8;
	v5 =	vpop (erf)  }
0x1d1: {  	v16 =	vsub.f32 $0.0e+00, v11;
	(erf) = vrcp.f32 v7;
	v7 =	vld [tilespmem:s20+$0xFFFFFF20];
	v5 =	vmul.f32 v5, v18;
	v17 =	vpop (erf)  }
0x1d2: {  	v6 =	vld [tilespmem:s15+$0x20];
	v17 =	vadd.f32 $1.000000000e+00, v17  }
0x1d3: {  	v20 =	vld [tilespmem:s20+$0xFFFFFFA0];
	(erf) = vpow2.f32 v8;
	[tilespmem:s15+$0x10] =	vst v5;
	v5 =	vmul.f32 $1.442695020e+00, v16  }
0x1d4: {  	v10 =	vadd.f32 v19, v10;
	v8 =	vld [tilespmem:s5+$0x20];
	(erf) = vrcp.f32 v17  }
0x1d5: {  	s10 =	sor.u32 $0x440, s13;
	v18 =	vsub.f32 $0.0e+00, v4;
	(erf) = vpow2.f32 v5;
	v5 =	vadd.f32 v15, v13;
	v13 =	vld [tilespmem:s20+$0x20]  }
0x1d6: {  	v10 =	vadd.f32 v7, v10;
	v15 =	vld [tilespmem:s10+$0x200]  }
0x1d7: {  	v16 =	vmul.f32 $1.442695020e+00, v18  }
0x1d8: {  	v7 =	vsub.f32 $0.0e+00, v10;
	v5 =	vadd.f32 v20, v5  }
0x1d9: {  	(erf) = vpow2.f32 v16;
	v6 =	vadd.f32 v6, v8  }
0x1da: {  	v17 =	vpop (erf);
	v7 =	vmul.f32 $1.442695020e+00, v7;
	v16 =	vsub.f32 $0.0e+00, v5  }
0x1db: {  	s11 =	sor.u32 $0x450, s22;
	v6 =	vadd.f32 v13, v6;
	v13 =	vmul.f32 v17, v15  }
0x1dc: {  	[tilespmem:s7+$0x40] =	vst v14;
	v8 =	vld [tilespmem:s11+$0x200];
	(erf) = vpow2.f32 v7;
	v16 =	vmul.f32 $1.442695020e+00, v16  }
0x1dd: {  	v15 =	vld [tilespmem:s14+$0x50];
	[tilespmem:s14+$0x40] =	vst v13  }
0x1de: {  	v14 =	vpop (erf);
	v7 =	vsub.f32 $0.0e+00, v6;
	(erf) = vpow2.f32 v16;
	v16 =	vld [tilespmem:s8+$0x50]  }
0x1df: {  	v13 =	vadd.f32 $1.000000000e+00, v14  }
0x1e0: {  	[tilespmem:s7+$0xD0] =	vst v12;
	v17 =	vpop (erf);
	v12 =	vld [tilespmem:s7+$0x50];
	v7 =	vmul.f32 $1.442695020e+00, v7  }
0x1e1: {  	v8 =	vmul.f32 v17, v8;
	v14 =	vpop (erf);
	(erf) = vrcp.f32 v13  }
0x1e2: {  	v17 =	vpop (erf);
	(erf) = vpow2.f32 v7  }
0x1e3: {  	v13 =	vadd.f32 $1.000000000e+00, v17;
	[tilespmem:s14+$0xD0] =	vst v8;
	v8 =	vld [tilespmem:s14+$0xE0];
	v7 =	vadd.f32 v15, v16  }
0x1e4: {  	v17 =	vld [tilespmem:s16+$0x60]  }
0x1e5: {  	(erf) = vrcp.f32 v13;
	v13 =	vadd.f32 $1.000000000e+00, v14;
	v7 =	vadd.f32 v12, v7;
	v12 =	vpop (erf)  }
0x1e6: {  	s12 =	sor.u32 $0x450, s29;
	v14 =	vld [tilespmem:s7+$0xE0];
	v12 =	vadd.f32 $1.000000000e+00, v12  }
0x1e7: {  	v15 =	vld [tilespmem:s12+$0x200];
	(erf) = vrcp.f32 v13;
	_ =	sdelay $0x1  }
0x1e8: {  	s21 =	sor.u32 $0x420, s17;
	v8 =	vadd.f32 v8, v17;
	v16 =	vpop (erf)  }
0x1e9: {  	[tilespmem:s7+$0xFFFFFF50] =	vst v9;
	v13 =	vld [tilespmem:s21+$0x200];
	v9 =	vadd.f32 $1.000000000e+00, v16;
	(erf) = vrcp.f32 v12;
	v12 =	vpop (erf)  }
0x1ea: {  	s25 =	sor.u32 $0x450, s19;
	v18 =	vsub.f32 $0.0e+00, v7;
	v19 =	vadd.f32 v14, v8;
	v14 =	vpop (erf)  }
0x1eb: {  	s9 =	smov.u32 s0;
	s0 =	smov.u32 s8;
	s8 =	sor.u32 $0x420, s18;
	v17 =	vld [tilespmem:s25+$0x200];
	(erf) = vrcp.f32 v9;
	v12 =	vmul.f32 v12, v15;
	v9 =	vadd.f32 $1.000000000e+00, v14  }
0x1ec: {  	v21 =	vld [tilespmem:s8+$0x200];
	v16 =	vmul.f32 $1.442695020e+00, v18  }
0x1ed: {  	v18 =	vsub.f32 $0.0e+00, v19;
	v15 =	vld [tilespmem:s14+$0xFFFFFF60];
	v20 =	vpop (erf);
	[tilespmem:s14+$0xFFFFFF50] =	vst v12  }
0x1ee: {  	s28 =	sor.u32 $0x420, s6;
	(erf) = vpow2.f32 v16;
	v12 =	vmul.f32 v20, v13;
	v13 =	vld [tilespmem:s4+$0x60]  }
0x1ef: {  	v8 =	vld [tilespmem:s28+$0x200];
	v14 =	vmul.f32 $1.442695020e+00, v18;
	(erf) = vrcp.f32 v9;
	v9 =	vpop (erf)  }
0x1f0: {  	[tilespmem:s20+$0xA0] =	vst v4;
	v4 =	vld [tilespmem:s7+$0xFFFFFF60];
	v9 =	vmul.f32 v9, v17  }
0x1f1: {  	[tilespmem:s15+$0xA0] =	vst v12;
	v12 =	vld [tilespmem:s15+$0xB0];
	(erf) = vpow2.f32 v14  }
0x1f2: {  	[tilespmem:s7+$0xFFFFFFD0] =	vst v11;
	v11 =	vld [tilespmem:s26+$0x30]  }
0x1f3: {  	[tilespmem:s20+$0xFFFFFFA0] =	vst v5;
	v14 =	vld [tilespmem:s14+$0xFFFFFFE0];
	v13 =	vadd.f32 v15, v13  }
0x1f4: {  	[tilespmem:s14+$0xFFFFFFD0] =	vst v9;
	v15 =	vld [tilespmem:s20+$0xB0];
	v9 =	vpop (erf)  }
0x1f5: {  	[tilespmem:s20+$0xFFFFFF20] =	vst v10;
	v10 =	vld [tilespmem:s9+$0x60];
	v8 =	vmul.f32 v9, v8  }
0x1f6: {  	v17 =	vld [tilespmem:s15+$0xFFFFFFB0];
	v4 =	vadd.f32 v4, v13  }
0x1f7: {  	v16 =	vld [tilespmem:s7+$0xFFFFFFE0];
	v13 =	vpop (erf);
	[tilespmem:s15+$0xFFFFFF20] =	vst v8;
	v8 =	vadd.f32 v12, v11  }
0x1f8: {  	v9 =	vld [tilespmem:s15+$0xFFFFFF30];
	v5 =	vpop (erf);
	v12 =	vsub.f32 $0.0e+00, v4;
	v18 =	vmul.f32 v13, v21  }
0x1f9: {  	s12 =	simm.s32 $0x7F00;
	s21 =	simm.s32 $0x800;
	v11 =	vld [tilespmem:s23+$0x30];
	v5 =	vadd.f32 $1.000000000e+00, v5;
	v13 =	vadd.f32 v15, v8;
	v15 =	vpop (erf)  }
0x1fa: {  	s28 =	simm.s32 $0x480;
	s9 =	sand.u32 $0x3800, s21;
	v8 =	vadd.f32 v14, v10;
	v10 =	vld [tilespmem:s20+$0xFFFFFF30];
	v12 =	vmul.f32 $1.442695020e+00, v12;
	[tilespmem:s15+$0xFFFFFFA0] =	vst v18;
	v14 =	vpop (erf)  }
0x1fb: {  	s25 =	simm.s32 $0x400;
	s1 =	sor.u32 $0x200, s9;
	s9 =	sand.u32 $0x280, s28;
	(erf) = vrcp.f32 v5;
	v20 =	vld [tilespmem:s24+$0x30];
	v18 =	vsub.f32 $0.0e+00, v13;
	v14 =	vadd.f32 $1.000000000e+00, v14  }
0x1fc: {  	v26 =	vld [tilespmem:s12+$0x0];
	s3 =	sand.u32 $0x200, s25;
	s25 =	sadd.s32 s9, s1;
	v5 =	vadd.f32 v16, v8;
	(erf) = vpow2.f32 v12  }
0x1fd: {  	s8 =	simm.s32 $0x580;
	v23 =	vld [tilespmem:s25+$0x0];
	v12 =	vmul.f32 $1.442695020e+00, v18;
	(erf) = vrcp.f32 v14  }
0x1fe: {  	s11 =	sand.u32 $0x380, s8;
	v8 =	vld [tilespmem:s20+$0xFFFFFFB0];
	v9 =	vadd.f32 v9, v11;
	v14 =	vsub.f32 $0.0e+00, v5  }
0x1ff: {  	s31 =	sadd.s32 s11, s1;
	v18 =	vld [tilespmem:s12+$0x80];
	(erf) = vpow2.f32 v12  }
0x200: {  	s10 =	sor.u32 $0x460, s22;
	s11 =	simm.s32 $0x500;
	v11 =	vadd.f32 v10, v9;
	v9 =	vld [tilespmem:s31+$0x0];
	v12 =	vadd.f32 v17, v20;
	v17 =	vmul.f32 $1.442695020e+00, v14  }
0x201: {  	s30 =	sadd.s32 s3, s1;
	s3 =	sand.u32 $0x300, s11;
	v16 =	vld [tilespmem:s10+$0x200];
	s10 =	simm.s32 $0x5700  }
0x202: {  	s28 =	sadd.s32 s3, s1;
	v21 =	vld [tilespmem:s10+$0x80];
	v20 =	vsub.f32 $0.0e+00, v11  }
0x203: {  	s3 =	sor.u32 $0x430, s17;
	v24 =	vld [tilespmem:s28+$0x0];
	v14 =	vadd.f32 v8, v12  }
0x204: {  	v49 =	vld [tilespmem:s3+$0x200];
	(erf) = vpow2.f32 v17;
	v8 =	vmul.f32 $1.442695020e+00, v20;
	v17 =	vpop (erf)  }
0x205: {  	v10 =	vld [tilespmem:s12+$0xFFFFFF00];
	v22 =	vsub.f32 $0.0e+00, v14;
	v9 =	vadd.f32 v18, v9;
	v18 =	vpop (erf)  }
0x206: {  	v20 =	vld [tilespmem:s30+$0x0];
	(erf) = vpow2.f32 v8;
	v25 =	vpop (erf)  }
0x207: {  	[tilespmem:s7+$0xE0] =	vst v19;
	v19 =	vld [tilespmem:s10+$0xFFFFFF80];
	v22 =	vmul.f32 $1.442695020e+00, v22;
	v8 =	vadd.f32 v21, v9;
	v9 =	vmul.f32 v25, v16  }
0x208: {  	v12 =	vld [tilespmem:s12+$0xFFFFFF80];
	v16 =	vadd.f32 $1.000000000e+00, v18;
	v21 =	vpop (erf)  }
0x209: {  	v18 =	vld [tilespmem:s10+$0xFFFFFF00];
	(erf) = vpow2.f32 v22;
	v22 =	vsub.f32 $0.0e+00, v8;
	v21 =	vadd.f32 $1.000000000e+00, v21;
	[tilespmem:s14+$0xE0] =	vst v9  }
0x20a: {  	(erf) = vrcp.f32 v16;
	v9 =	vld [tilespmem:s16+$0x70]  }
0x20b: {  	v10 =	vadd.f32 v10, v20;
	s16 =	simm.s32 $0x7B00;
	v20 =	vmul.f32 $1.442695020e+00, v22;
	v22 =	vld [tilespmem:s10+$0x0];
	(erf) = vrcp.f32 v21  }
0x20c: {  	s14 =	sor.u32 $0x420, s2;
	v16 =	vld [tilespmem:s16+$0xF0]  }
0x20d: {  	p0 =	por !p0, !p0;
	s3 =	simm.s32 $0x1;
	v21 =	vadd.f32 v12, v23;
	v12 =	vpop (erf);
	(erf) = vpow2.f32 v20;
	v20 =	vld [tilespmem:s14+$0x200]  }
0x20e: {  	s3 =	simm.s32 @!p0 $0x0;
	v23 =	vadd.f32 $1.000000000e+00, v12;
	v12 =	vadd.f32 v18, v10  }
0x20f: {  	v24 =	vadd.f32 v26, v24;
	v18 =	vld [tilespmem:s7+$0xF0];
	s14 =	sshll.u32 s3, $0x9;
	v10 =	vadd.f32 v19, v21;
	v19 =	vpop (erf)  }
0x210: {  	s11 =	sor.u32 $0x430, s6;
	s1 =	sadd.s32 $0x800, s14;
	v21 =	vsub.f32 $0.0e+00, v12;
	v19 =	vadd.f32 $1.000000000e+00, v19  }
0x211: {  	(erf) = vrcp.f32 v23;
	v23 =	vld [tilespmem:s11+$0x200];
	s11 =	sor.u32 $0x400, s1;
	v50 =	vsub.f32 $0.0e+00, v10;
	v22 =	vadd.f32 v22, v24  }
0x212: {  	s9 =	sor.u32 $0x450, s13;
	v27 =	vld [tilespmem:s11+$0x200];
	v9 =	vadd.f32 v16, v9;
	v21 =	vmul.f32 $1.442695020e+00, v21;
	v51 =	vpop (erf);
	v15 =	vmul.f32 v15, v20  }
0x213: {  	[tilespmem:s20+$0x20] =	vst v6;
	v16 =	vld [tilespmem:s9+$0x200];
	(erf) = vrcp.f32 v19;
	v19 =	vsub.f32 $0.0e+00, v22;
	v6 =	vpop (erf)  }
0x214: {  	v26 =	vmul.f32 $1.442695020e+00, v50;
	v20 =	vld [tilespmem:s15+$0x30];
	v9 =	vadd.f32 v18, v9;
	(erf) = vpow2.f32 v21;
	[tilespmem:s15+$0x20] =	vst v15;
	v53 =	vpop (erf)  }
0x215: {  	s9 =	sor.u32 $0x430, s18;
	v21 =	vadd.f32 $1.000000000e+00, v51;
	v15 =	vmul.f32 $1.442695020e+00, v19;
	v54 =	vld [tilespmem:s5+$0x30];
	v19 =	vmul.f32 v53, v49  }
0x216: {  	[tilespmem:s20+$0xB0] =	vst v13;
	v18 =	vld [tilespmem:s9+$0x200];
	(erf) = vpow2.f32 v26  }
0x217: {  	s11 =	simm.s32 $0x8;
	v52 =	vsub.f32 $0.0e+00, v9;
	(erf) = vrcp.f32 v21;
	v13 =	vld [tilespmem:s20+$0x30];
	[tilespmem:s15+$0xB0] =	vst v19  }
0x218: {  	s14 =	simm.s32 $0x8;
	(erf) = vpow2.f32 v15;
	v15 =	vld [tilespmem:s15+$0xC0];
	v16 =	vmul.f32 v17, v16;
	[dreg:$0x7] =	wrdreg s11  }
0x219: {  	s14 =	sand.u32 $0x7, s14;
	v21 =	vpop (erf);
	v24 =	vmul.f32 $1.442695020e+00, v52;
	[tilespmem:s7+$0x50] =	vst v7  }
0x21a: {  	s3 =	sshll.u32 s14, $0x7;
	v21 =	vadd.f32 $1.000000000e+00, v21;
	[tilespmem:s16+$0x50] =	vst v16;
	v16 =	vadd.f32 v20, v54  }
0x21b: {  	s3 =	sadd.s32 $0x800, s3;
	(erf) = vpow2.f32 v24;
	v17 =	vld [tilespmem:s26+$0x40]  }
0x21c: {  	s11 =	sadd.s32 $0x180, s3;
	(erf) = vrcp.f32 v21;
	v7 =	vpop (erf);
	v19 =	vld [tilespmem:s16+$0x60]  }
0x21d: {  	s9 =	sor.u32 $0x400, s11;
	v20 =	vld [tilespmem:s20+$0xC0];
	v55 =	vpop (erf)  }
0x21e: {  	s14 =	sadd.s32 $0x80, s3;
	v56 =	vld [tilespmem:s9+$0x200];
	v13 =	vadd.f32 v13, v16;
	v16 =	vpop (erf)  }
0x21f: {  	[tilespmem:s20+$0xFFFFFF30] =	vst v11;
	s9 =	sor.u32 $0x400, s14;
	v21 =	vld [tilespmem:s0+$0x60];
	v11 =	vpop (erf)  }
0x220: {  	v57 =	vld [tilespmem:s9+$0x200];
	v23 =	vmul.f32 v55, v23;
	v28 =	vsub.f32 $0.0e+00, v13;
	v16 =	vadd.f32 $1.000000000e+00, v16;
	v58 =	vpop (erf)  }
0x221: {  	[tilespmem:s20+$0xFFFFFFB0] =	vst v14;
	v14 =	vld [tilespmem:s7+$0x60];
	v15 =	vadd.f32 v15, v17;
	v11 =	vadd.f32 $1.000000000e+00, v11;
	v18 =	vmul.f32 v58, v18  }
0x222: {  	v17 =	vld [tilespmem:s15+$0xFFFFFF40];
	v28 =	vmul.f32 $1.442695020e+00, v28;
	(erf) = vrcp.f32 v16  }
0x223: {  	[tilespmem:s15+$0xFFFFFF30] =	vst v23;
	v15 =	vadd.f32 v20, v15;
	v20 =	vld [tilespmem:s15+$0xFFFFFFC0];
	v59 =	vpop (erf);
	(erf) = vrcp.f32 v11  }
0x224: {  	v16 =	vadd.f32 v19, v21;
	v21 =	vld [tilespmem:s23+$0x40];
	v19 =	vpop (erf);
	v11 =	vadd.f32 $1.000000000e+00, v59;
	[tilespmem:s15+$0xFFFFFFB0] =	vst v18;
	(erf) = vpow2.f32 v28  }
0x225: {  	v23 =	vsub.f32 $0.0e+00, v15;
	v60 =	vld [tilespmem:s24+$0x40];
	v18 =	vpop (erf)  }
0x226: {  	[tilespmem:s10+$0x80] =	vst v8;
	s9 =	simm.s32 $0x4;
	v19 =	vadd.f32 $1.000000000e+00, v19;
	(erf) = vrcp.f32 v11;
	v11 =	vld [tilespmem:s20+$0xFFFFFF40];
	v18 =	vmul.f32 v18, v56  }
0x227: {  	s3 =	sand.u32 $0x3, s9;
	v8 =	vadd.f32 v14, v16;
	v16 =	vld [tilespmem:s12+$0x90];
	v23 =	vmul.f32 $1.442695020e+00, v23  }
0x228: {  	s3 =	sshll.u32 s3, $0x8;
	v14 =	vld [tilespmem:s20+$0xFFFFFFC0];
	(erf) = vrcp.f32 v19;
	[tilespmem:s12+$0x80] =	vst v18  }
0x229: {  	s3 =	sadd.s32 $0x800, s3;
	(erf) = vpow2.f32 v23;
	v17 =	vadd.f32 v17, v21;
	v19 =	vld [tilespmem:s31+$0x10]  }
0x22a: {  	s3 =	sadd.s32 $0x100, s3;
	v18 =	vsub.f32 $0.0e+00, v8  }
0x22b: {  	[tilespmem:s10+$0xFFFFFF00] =	vst v12;
	s9 =	sor.u32 $0x400, s3;
	v20 =	vadd.f32 v20, v60;
	v21 =	vld [tilespmem:s10+$0x90];
	v17 =	vadd.f32 v11, v17;
	v12 =	vpop (erf)  }
0x22c: {  	v23 =	vld [tilespmem:s9+$0x200];
	[tilespmem:s10+$0x0] =	vst v22;
	v18 =	vmul.f32 $1.442695020e+00, v18;
	v12 =	vmul.f32 v12, v27;
	v22 =	vpop (erf)  }
0x22d: {  	[tilespmem:s10+$0xFFFFFF80] =	vst v10;
	v11 =	vld [tilespmem:s12+$0xFFFFFF10];
	v20 =	vadd.f32 v14, v20;
	v14 =	vsub.f32 $0.0e+00, v17;
	v10 =	vmul.f32 v22, v57;
	v22 =	vpop (erf)  }
0x22e: {  	(erf) = vpow2.f32 v18;
	[tilespmem:s12+$0xFFFFFF00] =	vst v12;
	v22 =	vadd.f32 $1.000000000e+00, v22;
	v16 =	vadd.f32 v16, v19;
	v19 =	vld [tilespmem:s12+$0xFFFFFF90]  }
0x22f: {  	v62 =	vld [tilespmem:s30+$0x10];
	[tilespmem:s12+$0xFFFFFF80] =	vst v10  }
0x230: {  	v12 =	vsub.f32 $0.0e+00, v20;
	v61 =	vpop (erf);
	v10 =	vmul.f32 $1.442695020e+00, v14;
	v16 =	vadd.f32 v21, v16;
	v21 =	vld [tilespmem:s25+$0x10]  }
0x231: {  	v23 =	vmul.f32 v61, v23;
	v63 =	vld [tilespmem:s10+$0xFFFFFF10];
	v14 =	vpop (erf);
	(erf) = vrcp.f32 v22  }
0x232: {  	v12 =	vmul.f32 $1.442695020e+00, v12;
	v28 =	vld [tilespmem:s10+$0xFFFFFF90];
	(erf) = vpow2.f32 v10;
	v22 =	vpop (erf);
	v10 =	vsub.f32 $0.0e+00, v16  }
0x233: {  	v18 =	vld [tilespmem:s12+$0x10];
	[tilespmem:s12+$0x0] =	vst v23;
	v22 =	vadd.f32 $1.000000000e+00, v22  }
0x234: {  	(erf) = vpow2.f32 v12;
	v12 =	vld [tilespmem:s28+$0x10];
	v11 =	vadd.f32 v11, v62;
	v10 =	vmul.f32 $1.442695020e+00, v10  }
0x235: {  	s9 =	sor.u32 $0x430, s2;
	(erf) = vrcp.f32 v22;
	v19 =	vadd.f32 v19, v21  }
0x236: {  	v23 =	vadd.f32 v63, v11;
	(erf) = vpow2.f32 v10;
	v10 =	vld [tilespmem:s9+$0x200]  }
0x237: {  	v21 =	vld [tilespmem:s10+$0x10];
	v22 =	vpop (erf);
	v19 =	vadd.f32 v28, v19  }
0x238: {  	v11 =	vadd.f32 $1.000000000e+00, v22;
	v24 =	vsub.f32 $0.0e+00, v23  }
0x239: {  	s9 =	sor.u32 $0x440, s17;
	v12 =	vadd.f32 v18, v12;
	v18 =	vsub.f32 $0.0e+00, v19  }
0x23a: {  	v22 =	vld [tilespmem:s9+$0x200];
	v29 =	vpop (erf);
	(erf) = vrcp.f32 v11;
	v11 =	vmul.f32 $1.442695020e+00, v24  }
0x23b: {  	[tilespmem:s20+$0x30] =	vst v13;
	v10 =	vmul.f32 v29, v10;
	v13 =	vmul.f32 $1.442695020e+00, v18  }
0x23c: {  	v30 =	vpop (erf);
	v12 =	vadd.f32 v21, v12;
	(erf) = vpow2.f32 v11  }
0x23d: {  	v21 =	vld [tilespmem:s15+$0x40];
	v11 =	vadd.f32 $1.000000000e+00, v30;
	v18 =	vpop (erf);
	[tilespmem:s15+$0x30] =	vst v10;
	(erf) = vpow2.f32 v13  }
0x23e: {  	s9 =	sor.u32 $0x460, s29;
	v31 =	vsub.f32 $0.0e+00, v12;
	v32 =	vpop (erf);
	v10 =	vadd.f32 $1.000000000e+00, v18;
	v18 =	vld [tilespmem:s5+$0x40]  }
0x23f: {  	v33 =	vld [tilespmem:s9+$0x200];
	v13 =	vmul.f32 v32, v22  }
0x240: {  	[tilespmem:s20+$0xC0] =	vst v15;
	(erf) = vrcp.f32 v11;
	v11 =	vmul.f32 $1.442695020e+00, v31;
	v15 =	vld [tilespmem:s20+$0x40];
	v22 =	vpop (erf)  }
0x241: {  	(erf) = vrcp.f32 v10;
	v10 =	vadd.f32 $1.000000000e+00, v22;
	[tilespmem:s15+$0xC0] =	vst v13;
	v13 =	vld [tilespmem:s15+$0xD0]  }
0x242: {  	s9 =	sor.u32 $0x440, s6;
	(erf) = vpow2.f32 v11;
	v22 =	vld [tilespmem:s26+$0x50]  }
0x243: {  	(erf) = vrcp.f32 v10;
	v10 =	vld [tilespmem:s9+$0x200];
	v11 =	vadd.f32 v21, v18  }
0x244: {  	s9 =	sor.u32 $0x440, s18;
	v34 =	vpop (erf);
	v18 =	vld [tilespmem:s20+$0xD0]  }
0x245: {  	v21 =	vld [tilespmem:s9+$0x200];
	s9 =	sor.u32 $0x460, s19;
	v11 =	vadd.f32 v15, v11;
	v15 =	vpop (erf)  }
0x246: {  	[tilespmem:s20+$0xFFFFFFC0] =	vst v20;
	v35 =	vld [tilespmem:s9+$0x200];
	v37 =	vpop (erf);
	v15 =	vadd.f32 $1.000000000e+00, v15  }
0x247: {  	[tilespmem:s20+$0xFFFFFF40] =	vst v17;
	s9 =	sor.u32 $0x410, s11;
	v20 =	vld [tilespmem:s15+$0xFFFFFFD0];
	v17 =	vadd.f32 $1.000000000e+00, v37  }
0x248: {  	v36 =	vld [tilespmem:s9+$0x200];
	s9 =	sor.u32 $0x410, s1;
	v13 =	vadd.f32 v13, v22;
	(erf) = vrcp.f32 v15  }
0x249: {  	v22 =	vld [tilespmem:s9+$0x200];
	v29 =	vsub.f32 $0.0e+00, v11;
	v30 =	vpop (erf);
	s9 =	sor.u32 $0x410, s14;
	(erf) = vrcp.f32 v17  }
0x24a: {  	v31 =	vld [tilespmem:s9+$0x200];
	v30 =	vmul.f32 v30, v10;
	v38 =	vpop (erf);
	v10 =	vadd.f32 v18, v13  }
0x24b: {  	s9 =	sor.u32 $0x410, s3;
	v13 =	vld [tilespmem:s15+$0xFFFFFF50];
	v15 =	vmul.f32 v38, v21;
	v18 =	vpop (erf);
	v21 =	vmul.f32 $1.442695020e+00, v29  }
0x24c: {  	v42 =	vld [tilespmem:s9+$0x200];
	[tilespmem:s15+$0xFFFFFF40] =	vst v30;
	v17 =	vsub.f32 $0.0e+00, v10;
	v39 =	vpop (erf);
	v18 =	vadd.f32 $1.000000000e+00, v18  }
0x24d: {  	v40 =	vld [tilespmem:s23+$0x50];
	[tilespmem:s15+$0xFFFFFFC0] =	vst v15;
	v15 =	vmul.f32 v39, v36;
	(erf) = vpow2.f32 v21  }
0x24e: {  	[tilespmem:s10+$0x90] =	vst v16;
	v16 =	vld [tilespmem:s20+$0xFFFFFF50];
	v17 =	vmul.f32 $1.442695020e+00, v17;
	(erf) = vrcp.f32 v18  }
0x24f: {  	v21 =	vld [tilespmem:s24+$0x50]  }
0x250: {  	[tilespmem:s12+$0x90] =	vst v15;
	v15 =	vld [tilespmem:s12+$0xA0];
	(erf) = vpow2.f32 v17  }
0x251: {  	[tilespmem:s10+$0xFFFFFF10] =	vst v23;
	v17 =	vld [tilespmem:s31+$0x20];
	v23 =	vpop (erf)  }
0x252: {  	[tilespmem:s10+$0xFFFFFF90] =	vst v19;
	v18 =	vld [tilespmem:s20+$0xFFFFFFD0];
	v13 =	vadd.f32 v13, v40;
	v19 =	vmul.f32 v23, v22;
	v22 =	vpop (erf)  }
0x253: {  	[tilespmem:s10+$0x10] =	vst v12;
	v41 =	vld [tilespmem:s10+$0xA0];
	v12 =	vmul.f32 v22, v31  }
0x254: {  	v43 =	vld [tilespmem:s12+$0xFFFFFF20];
	v13 =	vadd.f32 v16, v13  }
0x255: {  	v20 =	vadd.f32 v20, v21;
	v21 =	vld [tilespmem:s12+$0xFFFFFFA0]  }
0x256: {  	v15 =	vadd.f32 v15, v17;
	v17 =	vld [tilespmem:s12+$0x20];
	[tilespmem:s12+$0xFFFFFF10] =	vst v19;
	v19 =	vsub.f32 $0.0e+00, v13;
	v16 =	vpop (erf)  }
0x257: {  	v18 =	vadd.f32 v18, v20;
	v22 =	vld [tilespmem:s30+$0x20];
	[tilespmem:s12+$0xFFFFFF90] =	vst v12;
	v20 =	vadd.f32 $1.000000000e+00, v16;
	v12 =	vpop (erf)  }
0x258: {  	v16 =	vadd.f32 v41, v15;
	v15 =	vld [tilespmem:s25+$0x20];
	v12 =	vmul.f32 v12, v42  }
0x259: {  	v19 =	vmul.f32 $1.442695020e+00, v19;
	v23 =	vsub.f32 $0.0e+00, v18;
	v44 =	vpop (erf);
	(erf) = vrcp.f32 v20;
	v20 =	vld [tilespmem:s10+$0xFFFFFF20]  }
0x25a: {  	v46 =	vld [tilespmem:s10+$0xFFFFFFA0];
	v27 =	vadd.f32 $1.000000000e+00, v44;
	[tilespmem:s12+$0x10] =	vst v12  }
0x25b: {  	s9 =	sor.u32 $0x460, s13;
	v45 =	vsub.f32 $0.0e+00, v16;
	(erf) = vpow2.f32 v19;
	v12 =	vmul.f32 $1.442695020e+00, v23;
	v19 =	vld [tilespmem:s28+$0x20]  }
0x25c: {  	[tilespmem:s7+$0xFFFFFF60] =	vst v4;
	v4 =	vmul.f32 v6, v33;
	v47 =	vld [tilespmem:s9+$0x200];
	v22 =	vadd.f32 v43, v22;
	(erf) = vrcp.f32 v27  }
0x25d: {  	v23 =	vmul.f32 $1.442695020e+00, v45;
	(erf) = vpow2.f32 v12;
	v12 =	vadd.f32 v21, v15;
	v15 =	vld [tilespmem:s10+$0x20]  }
0x25e: {  	[tilespmem:s16+$0xFFFFFF60] =	vst v4;
	v20 =	vadd.f32 v20, v22  }
0x25f: {  	v48 =	vld [tilespmem:s4+$0x70];
	[tilespmem:s7+$0xFFFFFFE0] =	vst v5;
	v5 =	vmul.f32 v7, v35;
	(erf) = vpow2.f32 v23;
	v21 =	vadd.f32 v46, v12  }
0x260: {  	v38 =	vld [tilespmem:s7+$0xFFFFFF70];
	v6 =	vsub.f32 $0.0e+00, v20;
	v7 =	vadd.f32 v17, v19  }
0x261: {  	s9 =	sor.u32 $0x470, s22;
	[tilespmem:s16+$0xFFFFFFE0] =	vst v5;
	v36 =	vld [tilespmem:s16+$0xFFFFFF70];
	v5 =	vmul.f32 v34, v47;
	v4 =	vsub.f32 $0.0e+00, v21  }
0x262: {  	[tilespmem:s7+$0x60] =	vst v8;
	v19 =	vld [tilespmem:s9+$0x200];
	s9 =	sor.u32 $0x440, s2;
	v6 =	vmul.f32 $1.442695020e+00, v6;
	v23 =	vadd.f32 v15, v7  }
0x263: {  	v17 =	vld [tilespmem:s9+$0x200];
	s9 =	sld [smem:$0x7DD];
	[tilespmem:s16+$0x60] =	vst v5;
	v4 =	vmul.f32 $1.442695020e+00, v4  }
0x264: {  	v22 =	vpop (erf);
	v50 =	vld [tilespmem:s0+$0x70];
	s0 =	sor.u32 $0x450, s18;
	(erf) = vpow2.f32 v6;
	v6 =	vsub.f32 $0.0e+00, v23  }
0x265: {  	v8 =	vld [tilespmem:s0+$0x200];
	v7 =	vpop (erf)  }
0x266: {  	s0 =	sor.u32 $0x420, s14;
	v49 =	vld [tilespmem:s9+$0x70];
	v5 =	vadd.f32 $1.000000000e+00, v7;
	v15 =	vpop (erf)  }
0x267: {  	[tilespmem:s20+$0xFFFFFFD0] =	vst v18;
	(erf) = vpow2.f32 v4;
	v52 =	vld [tilespmem:s0+$0x200];
	v4 =	vpop (erf)  }
0x268: {  	v35 =	vld [tilespmem:s15+$0xFFFFFFE0];
	(erf) = vrcp.f32 v5;
	v5 =	vmul.f32 $1.442695020e+00, v6;
	v6 =	vpop (erf)  }
0x269: {  	s9 =	sor.u32 $0x450, s6;
	[tilespmem:s10+$0xFFFFFFA0] =	vst v21;
	v21 =	vld [tilespmem:s7+$0x70];
	v6 =	vadd.f32 $1.000000000e+00, v6  }
0x26a: {  	v7 =	vld [tilespmem:s9+$0x200];
	s9 =	sor.u32 $0x420, s1;
	v4 =	vadd.f32 $1.000000000e+00, v4;
	(erf) = vpow2.f32 v5  }
0x26b: {  	[tilespmem:s20+$0xFFFFFF50] =	vst v13;
	v51 =	vld [tilespmem:s9+$0x200];
	(erf) = vrcp.f32 v6  }
0x26c: {  	s9 =	sor.u32 $0x420, s3;
	v32 =	vld [tilespmem:s15+$0xFFFFFF60];
	(erf) = vrcp.f32 v4  }
0x26d: {  	[tilespmem:s20+$0x40] =	vst v11;
	v12 =	vld [tilespmem:s9+$0x200]  }
0x26e: {  	s0 =	sor.u32 $0x450, s17;
	v5 =	vmul.f32 v22, v17;
	v17 =	vld [tilespmem:s15+$0x50]  }
0x26f: {  	v22 =	vld [tilespmem:s0+$0x200];
	s0 =	sor.u32 $0x420, s11  }
0x270: {  	v54 =	vld [tilespmem:s0+$0x200];
	s0 =	sor.u32 $0x470, s19;
	v53 =	vpop (erf)  }
0x271: {  	s9 =	sor.u32 $0x450, s2;
	[tilespmem:s15+$0x40] =	vst v5;
	v5 =	vld [tilespmem:s0+$0x200];
	v55 =	vpop (erf)  }
0x272: {  	v11 =	vld [tilespmem:s9+$0x200];
	v4 =	vpop (erf)  }
0x273: {  	s9 =	sor.u32 $0x470, s29;
	v18 =	vld [tilespmem:s5+$0x50];
	v33 =	vpop (erf)  }
0x274: {  	v6 =	vld [tilespmem:s9+$0x200];
	v34 =	vpop (erf)  }
0x275: {  	[tilespmem:s10+$0xFFFFFF20] =	vst v20;
	v15 =	vmul.f32 v15, v22;
	v22 =	vld [tilespmem:s16+$0xFFFFFFF0];
	v13 =	vpop (erf)  }
0x276: {  	[tilespmem:s20+$0xD0] =	vst v10;
	v8 =	vmul.f32 v13, v8;
	v13 =	vld [tilespmem:s20+$0x50]  }
0x277: {  	s9 =	sor.u32 $0x470, s13;
	[tilespmem:s15+$0xD0] =	vst v15;
	v15 =	vld [tilespmem:s12+$0xFFFFFF30]  }
0x278: {  	v7 =	vmul.f32 v4, v7;
	v4 =	vld [tilespmem:s9+$0x200]  }
0x279: {  	v10 =	vadd.f32 v17, v18;
	v18 =	vld [tilespmem:s16+$0x70]  }
0x27a: {  	v17 =	vld [tilespmem:s15+$0xE0]  }
0x27b: {  	[tilespmem:s7+$0xF0] =	vst v9;
	v56 =	vld [tilespmem:s20+$0xE0];
	v37 =	vadd.f32 v13, v10  }
0x27c: {  	v9 =	vadd.f32 v36, v48;
	s13 =	sor.u32 $0x460, s6;
	[tilespmem:s15+$0xFFFFFF50] =	vst v7;
	v10 =	vld [tilespmem:s26+$0x60]  }
0x27d: {  	v7 =	vld [tilespmem:s13+$0x200];
	v13 =	vadd.f32 $1.000000000e+00, v53;
	v20 =	vsub.f32 $0.0e+00, v37  }
0x27e: {  	v58 =	vld [tilespmem:s23+$0x60];
	v18 =	vadd.f32 v18, v50  }
0x27f: {  	v9 =	vadd.f32 v38, v9;
	[tilespmem:s10+$0xA0] =	vst v16;
	(erf) = vrcp.f32 v13;
	v13 =	vmul.f32 $1.442695020e+00, v20;
	v20 =	vld [tilespmem:s7+$0xFFFFFFF0]  }
0x280: {  	s19 =	sor.u32 $0x460, s18;
	v31 =	vadd.f32 $1.000000000e+00, v55;
	[tilespmem:s15+$0xFFFFFFD0] =	vst v8;
	v18 =	vadd.f32 v21, v18;
	v21 =	vld [tilespmem:s12+$0xB0]  }
0x281: {  	[tilespmem:s10+$0x20] =	vst v23;
	v57 =	vmul.f32 v34, v54;
	v8 =	vld [tilespmem:s19+$0x200];
	v10 =	vadd.f32 v17, v10  }
0x282: {  	[tilespmem:s7+$0xFFFFFF70] =	vst v9;
	v22 =	vadd.f32 v22, v49;
	(erf) = vrcp.f32 v31;
	v17 =	vld [tilespmem:s12+$0xFFFFFFB0]  }
0x283: {  	s4 =	sor.u32 $0x460, s2;
	[tilespmem:s12+$0xA0] =	vst v57;
	(erf) = vpow2.f32 v13;
	v13 =	vadd.f32 v56, v10;
	v10 =	vld [tilespmem:s12+$0x30]  }
0x284: {  	v23 =	vadd.f32 $1.000000000e+00, v33;
	v16 =	vadd.f32 v20, v22;
	v22 =	vld [tilespmem:s20+$0xFFFFFF60];
	[dreg:$0x14] =	wrdreg s4  }
0x285: {  	[tilespmem:s7+$0x70] =	vst v18  }
0x286: {  	s29 =	smov.u32 s5;
	s5 =	sor.u32 $0x430, s1;
	v9 =	vsub.f32 $0.0e+00, v9;
	(erf) = vrcp.f32 v23;
	v23 =	vld [tilespmem:s31+$0x30];
	[tilespmem:s7+$0xFFFFFFF0] =	vst v16  }
0x287: {  	v60 =	vld [tilespmem:s24+$0x60];
	s7 =	sor.u32 $0x440, s1;
	[dreg:$0x1e] =	wrdreg s5  }
0x288: {  	v20 =	vsub.f32 $0.0e+00, v13;
	[dreg:$0x17] =	wrdreg s7  }
0x289: {  	v19 =	vmul.f32 v14, v19;
	s13 =	sor.u32 $0x450, s1;
	[tilespmem:s20+$0x50] =	vst v37  }
0x28a: {  	s22 =	smov.u32 s31;
	v14 =	vmul.f32 $1.442695020e+00, v20;
	v20 =	vmul.f32 $1.442695020e+00, v9;
	v9 =	vpop (erf);
	[dreg:$0x11] =	wrdreg s13  }
0x28b: {  	s9 =	sor.u32 $0x470, s2;
	s2 =	sor.u32 $0x470, s1;
	s19 =	sor.u32 $0x440, s3;
	v61 =	vmul.f32 v9, v51;
	v9 =	vpop (erf);
	v62 =	vld [tilespmem:s10+$0xB0]  }
0x28c: {  	s31 =	sor.u32 $0x460, s1;
	s1 =	sor.u32 $0x450, s3;
	v28 =	vmul.f32 v9, v52;
	v9 =	vld [tilespmem:s15+$0x60];
	[dreg:$0x15] =	wrdreg s19  }
0x28d: {  	s4 =	sor.u32 $0x460, s3;
	[dreg:$0xd] =	wrdreg s1  }
0x28e: {  	s5 =	sor.u32 $0x430, s3;
	[dreg:$0xa] =	wrdreg s4  }
0x28f: {  	[dreg:$0x1b] =	wrdreg s5  }
0x290: {  	v59 =	vadd.f32 v32, v58;
	v16 =	vsub.f32 $0.0e+00, v16;
	[tilespmem:s12+$0xFFFFFF20] =	vst v61  }
0x291: {  	p0 =	por !p0, !p0;
	v18 =	vsub.f32 $0.0e+00, v18;
	s7 =	sor.u32 $0x440, s14;
	(erf) = vpow2.f32 v14;
	v14 =	vld [tilespmem:s20+$0xFFFFFFE0];
	[tilespmem:s12+$0xFFFFFFA0] =	vst v28  }
0x292: {  	s18 =	sor.u32 $0x470, s18;
	v16 =	vmul.f32 $1.442695020e+00, v16;
	v24 =	vadd.f32 v22, v59;
	s13 =	sor.u32 $0x450, s14;
	v22 =	vpop (erf);
	(erf) = vpow2.f32 v20;
	v20 =	vld [tilespmem:s30+$0x30];
	[dreg:$0x19] =	wrdreg s7  }
0x293: {  	s6 =	sor.u32 $0x470, s6;
	v18 =	vmul.f32 $1.442695020e+00, v18;
	s19 =	sor.u32 $0x460, s14;
	v63 =	vadd.f32 $1.000000000e+00, v22;
	[dreg:$0xf] =	wrdreg s13  }
0x294: {  	s3 =	sor.u32 $0x470, s3;
	s1 =	sor.u32 $0x430, s14;
	(erf) = vpow2.f32 v16;
	v16 =	vadd.f32 v21, v23;
	v23 =	vsub.f32 $0.0e+00, v24;
	[dreg:$0xc] =	wrdreg s19  }
0x295: {  	s5 =	simm.s32 $0x8;
	s4 =	simm.s32 $0x5700;
	s7 =	sor.u32 $0x470, s14;
	(erf) = vpow2.f32 v18;
	v18 =	vadd.f32 v35, v60;
	[tilespmem:s16+$0xF0] =	vst v19;
	v22 =	vld [tilespmem:s25+$0x30]  }
0x296: {  	s14 =	smov.u32 s28;
	s13 =	simm.s32 $0x6;
	s19 =	simm.s32 $0x7F00;
	[tilespmem:s20+$0xFFFFFF60] =	vst v24;
	(erf) = vrcp.f32 v63;
	v21 =	vld [tilespmem:s10+$0xFFFFFF30];
	v19 =	vpop (erf);
	v23 =	vmul.f32 $1.442695020e+00, v23;
	v16 =	vadd.f32 v62, v16  }
.LBB2_5:
0x297: {  	[smem:$0x7CA] =	sst s23  }
0x298: {  	[smem:$0x7CB] =	sst s24  }
0x299: {  	[smem:$0x7D4] =	sst s7  }
0x29a: {  	[smem:$0x7D0] =	sst s6;
	v24 =	vld [tilespmem:s10+$0xFFFFFFB0];
	v19 =	vmul.f32 v19, v12;
	s19 =	sadd.s32 $0x200, s19;
	v12 =	vpop (erf);
	v28 =	vadd.f32 v14, v18  }
0x29b: {  	[dreg:$0x1f] =	wrdreg s3;
	s21 =	sadd.s32 $0x400, s21;
	v25 =	vsub.f32 $0.0e+00, v16;
	v27 =	vld [tilespmem:s19+$0xFFFFFF00];
	v26 =	vadd.f32 $1.000000000e+00, v12  }
0x29c: {  	s3 =	sand.u32 $0x3, s13;
	s8 =	sadd.s32 $0x200, s8;
	(erf) = vpow2.f32 v23;
	s6 =	sand.u32 $0x3800, s21;
	v43 =	vld [tilespmem:s19+$0x80];
	v23 =	vpop (erf);
	[tilespmem:s12+$0x20] =	vst v19;
	v15 =	vadd.f32 v15, v20;
	v19 =	vsub.f32 $0.0e+00, v28  }
0x29d: {  	s28 =	rddreg [dreg:$0x1e];
	s7 =	sand.u32 $0x380, s8;
	v12 =	vld [tilespmem:s1+$0x200];
	s1 =	sor.u32 $0x200, s6;
	v20 =	vpop (erf);
	v17 =	vadd.f32 v17, v22;
	v22 =	vmul.f32 $1.442695020e+00, v25;
	(erf) = vrcp.f32 v26  }
0x29e: {  	[smem:$0x7D1] =	sst s2;
	s2 =	sshll.u32 s3, $0x8;
	v14 =	vld [tilespmem:s28+$0x200];
	s3 =	sadd.s32 s7, s1;
	v15 =	vadd.f32 v21, v15;
	v19 =	vmul.f32 $1.442695020e+00, v19  }
0x29f: {  	[smem:$0x7D3] =	sst s18;
	[tilespmem:s20+$0xFFFFFFE0] =	vst v28;
	v18 =	vpop (erf);
	v21 =	vadd.f32 $1.000000000e+00, v23;
	v23 =	vld [tilespmem:s3+$0x0];
	(erf) = vpow2.f32 v22  }
0x2a0: {  	[smem:$0x7D5] =	sst s9;
	s10 =	sadd.s32 $0x200, s10;
	s9 =	sadd.s32 $0xFFFFFE80, s8;
	v17 =	vadd.f32 v24, v17;
	v22 =	vld [tilespmem:s19+$0xFFFFFF80];
	[tilespmem:s4+$0xFFFFFF30] =	vst v15;
	v15 =	vsub.f32 $0.0e+00, v15;
	(erf) = vpow2.f32 v19  }
0x2a1: {  	s24 =	sor.u32 $0x460, s17;
	s18 =	sadd.s32 $0xFFFFFF00, s8;
	s6 =	sand.u32 $0x200, s9;
	v20 =	vadd.f32 $1.000000000e+00, v20;
	v19 =	vld [tilespmem:s10+$0x80];
	v44 =	vpop (erf);
	(erf) = vrcp.f32 v21  }
0x2a2: {  	s23 =	sadd.s32 $0xFFFFFF80, s8;
	s7 =	sand.u32 $0x280, s18;
	s6 =	sadd.s32 s6, s1;
	[tilespmem:s4+$0xFFFFFFB0] =	vst v17;
	v17 =	vsub.f32 $0.0e+00, v17;
	v15 =	vmul.f32 $1.442695020e+00, v15;
	v45 =	vmul.f32 v44, v11;
	v21 =	vld [tilespmem:s24+$0x200]  }
0x2a3: {  	s9 =	sand.u32 $0x300, s23;
	s28 =	sadd.s32 s7, s1;
	v46 =	vld [tilespmem:s6+$0x0];
	(erf) = vrcp.f32 v20  }
0x2a4: {  	[smem:$0x7D7] =	sst s31;
	s31 =	sadd.s32 s9, s1;
	v17 =	vmul.f32 $1.442695020e+00, v17;
	v20 =	vld [tilespmem:s28+$0x0];
	v23 =	vadd.f32 v43, v23;
	(erf) = vpow2.f32 v15;
	[tilespmem:s15+$0x50] =	vst v45  }
0x2a5: {  	s0 =	simm.s32 $0x1;
	v18 =	vadd.f32 $1.000000000e+00, v18;
	v11 =	vpop (erf);
	v47 =	vld [tilespmem:s31+$0x0]  }
0x2a6: {  	s0 =	simm.s32 @!p0 $0x0;
	v11 =	vadd.f32 $1.000000000e+00, v11;
	(erf) = vpow2.f32 v17;
	v17 =	vld [tilespmem:s19+$0x0];
	v15 =	vadd.f32 v19, v23;
	v19 =	vpop (erf)  }
0x2a7: {  	s0 =	sshll.u32 s0, $0x9;
	(erf) = vrcp.f32 v18;
	v18 =	vld [tilespmem:s10+$0xFFFFFF00];
	v19 =	vmul.f32 v19, v21  }
0x2a8: {  	s2 =	sadd.s32 s21, s2;
	s18 =	sadd.s32 s0, s21;
	[tilespmem:s20+$0xE0] =	vst v13;
	(erf) = vrcp.f32 v11;
	v21 =	vld [tilespmem:s10+$0xFFFFFF80];
	v23 =	vsub.f32 $0.0e+00, v15;
	v48 =	vpop (erf)  }
0x2a9: {  	s7 =	sadd.s32 $0x100, s2;
	s1 =	sor.u32 $0x420, s18;
	v13 =	vadd.f32 v22, v20;
	v20 =	vadd.f32 $1.000000000e+00, v48;
	[tilespmem:s15+$0xE0] =	vst v19;
	v19 =	vld [tilespmem:s15+$0xF0];
	v22 =	vpop (erf)  }
0x2aa: {  	s2 =	sor.u32 $0x410, s7;
	[smem:$0x7CD] =	sst s1;
	v11 =	vadd.f32 v27, v46;
	v23 =	vmul.f32 $1.442695020e+00, v23;
	v49 =	vld [tilespmem:s26+$0x70];
	v50 =	vpop (erf)  }
0x2ab: {  	[smem:$0x7C7] =	sst s2;
	s2 =	sor.u32 $0x430, s18;
	v51 =	vld [tilespmem:s10+$0x0];
	v22 =	vadd.f32 $1.000000000e+00, v22;
	(erf) = vrcp.f32 v20;
	v6 =	vmul.f32 v50, v6  }
0x2ac: {  	[dreg:$0x1e] =	wrdreg s2;
	s2 =	sor.u32 $0x440, s7;
	v25 =	vadd.f32 v17, v47;
	v18 =	vadd.f32 v18, v11;
	v20 =	vld [tilespmem:s20+$0xF0];
	(erf) = vpow2.f32 v23;
	v17 =	vpop (erf)  }
0x2ad: {  	s9 =	sor.u32 $0x400, s18;
	[smem:$0x7C9] =	sst s2;
	v21 =	vadd.f32 v21, v13;
	v13 =	vpop (erf);
	(erf) = vrcp.f32 v22;
	[tilespmem:s16+$0xFFFFFF70] =	vst v6  }
0x2ae: {  	s2 =	smov.u32 s3;
	s3 =	rddreg [dreg:$0x7];
	s24 =	sor.u32 $0x420, s7;
	v5 =	vmul.f32 v17, v5;
	v13 =	vadd.f32 $1.000000000e+00, v13;
	v17 =	vld [tilespmem:s9+$0x200];
	[tilespmem:s10+$0xFFFFFF00] =	vst v18;
	v18 =	vsub.f32 $0.0e+00, v18  }
0x2af: {  	s23 =	sor.u32 $0x400, s7;
	[smem:$0x7CE] =	sst s24;
	v55 =	vld [tilespmem:s14+$0x30];
	v23 =	vsub.f32 $0.0e+00, v21;
	v22 =	vpop (erf);
	v19 =	vadd.f32 v19, v49  }
0x2b0: {  	s24 =	sor.u32 $0x450, s7;
	s26 =	smov.u32 s22;
	s22 =	sor.u32 $0x430, s11;
	v11 =	vld [tilespmem:s23+$0x200];
	[tilespmem:s16+$0xFFFFFFF0] =	vst v5;
	v52 =	vpop (erf);
	v22 =	vadd.f32 $1.000000000e+00, v22;
	v5 =	vmul.f32 $1.442695020e+00, v18;
	v18 =	vadd.f32 v51, v25  }
0x2b1: {  	[smem:$0x7CF] =	sst s24;
	s24 =	sor.u32 $0x450, s18;
	v53 =	vld [tilespmem:s22+$0x200];
	v23 =	vmul.f32 $1.442695020e+00, v23;
	v54 =	vpop (erf);
	(erf) = vrcp.f32 v13;
	v13 =	vadd.f32 v20, v19  }
0x2b2: {  	[smem:$0x7CC] =	sst s24;
	s24 =	sor.u32 $0x460, s18;
	v6 =	vld [tilespmem:s19+$0xFFFFFF10];
	v26 =	vmul.f32 v54, v7;
	[tilespmem:s10+$0x0] =	vst v18;
	v18 =	vsub.f32 $0.0e+00, v18;
	(erf) = vpow2.f32 v5  }
0x2b3: {  	[smem:$0x7D8] =	sst s24;
	v20 =	vsub.f32 $0.0e+00, v13;
	v19 =	vld [tilespmem:s4+$0x30];
	(erf) = vpow2.f32 v23;
	v23 =	vmul.f32 v52, v4  }
0x2b4: {  	s24 =	sor.u32 $0x460, s7;
	s23 =	rddreg [dreg:$0x1b];
	v5 =	vld [tilespmem:s19+$0x10];
	v18 =	vmul.f32 $1.442695020e+00, v18;
	(erf) = vrcp.f32 v22;
	v22 =	vpop (erf)  }
0x2b5: {  	s1 =	sor.u32 $0x430, s7;
	[smem:$0x7C8] =	sst s24;
	v10 =	vadd.f32 v10, v55;
	v4 =	vld [tilespmem:s23+$0x200];
	[tilespmem:s15+$0xFFFFFF60] =	vst v26;
	v20 =	vmul.f32 $1.442695020e+00, v20;
	v7 =	vpop (erf)  }
0x2b6: {  	s24 =	sor.u32 $0x470, s18;
	v56 =	vld [tilespmem:s12+$0xFFFFFF40];
	v22 =	vmul.f32 v22, v53;
	[tilespmem:s16+$0x70] =	vst v23;
	s16 =	smov.u32 s15;
	s15 =	smov.u32 s12;
	v7 =	vadd.f32 $1.000000000e+00, v7;
	(erf) = vpow2.f32 v18  }
0x2b7: {  	[smem:$0x7D2] =	sst s24;
	s24 =	smov.u32 s1;
	s1 =	sadd.s32 $0x4, s3;
	[tilespmem:s4+$0xB0] =	vst v16;
	v18 =	vld [tilespmem:s15+$0xFFFFFFC0];
	v16 =	vpop (erf);
	(erf) = vpow2.f32 v20  }
0x2b8: {  	[dreg:$0x7] =	wrdreg s1;
	s1 =	sand.u32 $0x7, s1;
	[tilespmem:s15+$0xB0] =	vst v22;
	v22 =	vld [tilespmem:s15+$0xC0];
	v8 =	vmul.f32 v16, v8;
	(erf) = vrcp.f32 v7;
	v23 =	vadd.f32 v19, v10  }
0x2b9: {  	s0 =	sor.u32 $0x410, s18;
	s1 =	sshll.u32 s1, $0x7;
	v10 =	vld [tilespmem:s26+$0x40]  }
0x2ba: {  	[smem:$0x7C6] =	sst s0;
	s1 =	sadd.s32 s1, s21;
	[tilespmem:s16+$0xFFFFFFE0] =	vst v8;
	v8 =	vld [tilespmem:s29+$0x60];
	v7 =	vpop (erf)  }
0x2bb: {  	s0 =	sor.u32 $0x440, s18;
	s18 =	sor.u32 $0x470, s7;
	s7 =	sadd.s32 $0x180, s1;
	v19 =	vld [tilespmem:s4+$0xC0];
	[tilespmem:s4+$0x30] =	vst v23;
	v16 =	vsub.f32 $0.0e+00, v23;
	v20 =	vpop (erf)  }
0x2bc: {  	s22 =	smov.u32 s17;
	s3 =	sadd.s32 $0x80, s1;
	s17 =	sor.u32 $0x400, s7;
	v59 =	vld [tilespmem:s20+$0x60];
	v20 =	vadd.f32 $1.000000000e+00, v20;
	v23 =	vpop (erf)  }
0x2bd: {  	s9 =	sor.u32 $0x400, s3;
	v57 =	vmul.f32 v7, v14;
	v58 =	vmul.f32 $1.442695020e+00, v16;
	v16 =	vadd.f32 $1.000000000e+00, v23;
	v23 =	vld [tilespmem:s17+$0x200];
	v14 =	vpop (erf)  }
0x2be: {  	v10 =	vadd.f32 v22, v10;
	v22 =	vld [tilespmem:s9+$0x200];
	[tilespmem:s10+$0xFFFFFF80] =	vst v21;
	(erf) = vrcp.f32 v20;
	v21 =	vmul.f32 v14, v12  }
0x2bf: {  	[tilespmem:s15+$0xFFFFFF30] =	vst v57;
	v8 =	vadd.f32 v9, v8;
	v20 =	vld [tilespmem:s19+$0xFFFFFF90];
	(erf) = vrcp.f32 v16;
	v9 =	vpop (erf)  }
0x2c0: {  	v16 =	vadd.f32 v19, v10;
	v10 =	vld [tilespmem:s30+$0x40];
	[tilespmem:s15+$0xFFFFFFB0] =	vst v21;
	(erf) = vpow2.f32 v58;
	v12 =	vpop (erf)  }
0x2c1: {  	v9 =	vadd.f32 $1.000000000e+00, v9;
	v14 =	vpop (erf);
	v19 =	vld [tilespmem:s25+$0x40]  }
0x2c2: {  	v21 =	vsub.f32 $0.0e+00, v16;
	v14 =	vmul.f32 v14, v23;
	v23 =	vld [tilespmem:s4+$0xFFFFFF40]  }
0x2c3: {  	v60 =	vadd.f32 v59, v8;
	v12 =	vadd.f32 $1.000000000e+00, v12;
	(erf) = vrcp.f32 v9  }
0x2c4: {  	v7 =	vld [tilespmem:s15+$0x40];
	v21 =	vmul.f32 $1.442695020e+00, v21  }
0x2c5: {  	s17 =	sor.u32 $0x460, s3;
	[tilespmem:s10+$0x80] =	vst v15;
	v8 =	vld [tilespmem:s4+$0xFFFFFFC0];
	(erf) = vrcp.f32 v12;
	v12 =	vsub.f32 $0.0e+00, v60;
	v10 =	vadd.f32 v56, v10  }
0x2c6: {  	[smem:$0x7D9] =	sst s17;
	[tilespmem:s19+$0x80] =	vst v14;
	v14 =	vld [tilespmem:s19+$0x90];
	(erf) = vpow2.f32 v21  }
0x2c7: {  	s17 =	rddreg [dreg:$0x17];
	v21 =	vld [tilespmem:s2+$0x10];
	v12 =	vmul.f32 $1.442695020e+00, v12;
	v15 =	vadd.f32 v18, v19;
	v19 =	vpop (erf);
	v10 =	vadd.f32 v23, v10  }
0x2c8: {  	v9 =	vld [tilespmem:s17+$0x200];
	s17 =	smov.u32 s0;
	v17 =	vmul.f32 v19, v17;
	v19 =	vpop (erf)  }
0x2c9: {  	s0 =	sor.u32 $0x470, s22;
	[dreg:$0x17] =	wrdreg s17;
	v18 =	vld [tilespmem:s10+$0x90];
	(erf) = vpow2.f32 v12;
	v12 =	vmul.f32 v19, v22;
	[tilespmem:s4+$0xFFFFFF40] =	vst v10;
	v19 =	vpop (erf)  }
0x2ca: {  	s17 =	smov.u32 s11;
	s11 =	smov.u32 s7;
	s7 =	rddreg [dreg:$0x19];
	v61 =	vld [tilespmem:s0+$0x200];
	[tilespmem:s19+$0xFFFFFF00] =	vst v17;
	v17 =	vadd.f32 $1.000000000e+00, v19  }
0x2cb: {  	v23 =	vadd.f32 v8, v15;
	v15 =	vld [tilespmem:s7+$0x200];
	v10 =	vsub.f32 $0.0e+00, v10  }
0x2cc: {  	v19 =	vld [tilespmem:s6+$0x10];
	[tilespmem:s19+$0xFFFFFF80] =	vst v12;
	v12 =	vadd.f32 v14, v21;
	v14 =	vpop (erf);
	(erf) = vrcp.f32 v17  }
0x2cd: {  	v22 =	vsub.f32 $0.0e+00, v23;
	v21 =	vld [tilespmem:s28+$0x10]  }
0x2ce: {  	s7 =	sld [smem:$0x7C6];
	v62 =	vmul.f32 $1.442695020e+00, v10;
	v11 =	vmul.f32 v14, v11;
	[tilespmem:s4+$0xFFFFFFC0] =	vst v23;
	v14 =	vpop (erf);
	v23 =	vld [tilespmem:s10+$0xFFFFFF10];
	v17 =	vadd.f32 v18, v12  }
0x2cf: {  	v18 =	vmul.f32 $1.442695020e+00, v22;
	v22 =	vld [tilespmem:s10+$0xFFFFFF90];
	v10 =	vpop (erf)  }
0x2d0: {  	[tilespmem:s20+$0xF0] =	vst v13;
	v8 =	vld [tilespmem:s15+$0xFFFFFF50];
	(erf) = vpow2.f32 v62;
	v13 =	vsub.f32 $0.0e+00, v17;
	v63 =	vadd.f32 $1.000000000e+00, v10  }
0x2d1: {  	v14 =	vmul.f32 v14, v61;
	v12 =	vld [tilespmem:s7+$0x200];
	[tilespmem:s19+$0x0] =	vst v11;
	(erf) = vpow2.f32 v18;
	v6 =	vadd.f32 v6, v19  }
0x2d2: {  	[dreg:$0x1b] =	wrdreg s24;
	s24 =	sor.u32 $0x440, s3;
	s23 =	sor.u32 $0x410, s3;
	v18 =	vld [tilespmem:s31+$0x10];
	v11 =	vadd.f32 v20, v21;
	v13 =	vmul.f32 $1.442695020e+00, v13;
	(erf) = vrcp.f32 v63  }
0x2d3: {  	s22 =	smov.u32 s2;
	s2 =	smov.u32 s24;
	s24 =	sld [smem:$0x7C7];
	[tilespmem:s16+$0xF0] =	vst v14;
	v14 =	vld [tilespmem:s23+$0x200];
	v10 =	vpop (erf);
	v6 =	vadd.f32 v23, v6  }
0x2d4: {  	v19 =	vld [tilespmem:s10+$0x10];
	v23 =	vadd.f32 $1.000000000e+00, v10;
	v11 =	vadd.f32 v22, v11;
	(erf) = vpow2.f32 v13  }
0x2d5: {  	v20 =	vld [tilespmem:s15+$0xFFFFFFD0];
	v13 =	vsub.f32 $0.0e+00, v6;
	v21 =	vpop (erf)  }
0x2d6: {  	[dreg:$0x19] =	wrdreg s2;
	s2 =	sor.u32 $0x440, s17;
	v10 =	vld [tilespmem:s24+$0x200];
	(erf) = vrcp.f32 v23;
	[tilespmem:s10+$0xFFFFFF90] =	vst v11;
	v11 =	vsub.f32 $0.0e+00, v11;
	v23 =	vmul.f32 v21, v4  }
0x2d7: {  	[tilespmem:s10+$0xFFFFFF10] =	vst v6;
	v18 =	vadd.f32 v5, v18;
	v13 =	vmul.f32 $1.442695020e+00, v13;
	v21 =	vld [tilespmem:s2+$0x200]  }
0x2d8: {  	s7 =	rddreg [dreg:$0x14];
	v6 =	vld [tilespmem:s19+$0xFFFFFF20];
	v11 =	vmul.f32 $1.442695020e+00, v11;
	[tilespmem:s15+$0x30] =	vst v23  }
0x2d9: {  	v22 =	vpop (erf);
	v18 =	vadd.f32 v19, v18;
	(erf) = vpow2.f32 v13;
	v19 =	vld [tilespmem:s7+$0x200]  }
0x2da: {  	s0 =	sld [smem:$0x7C8];
	v28 =	vadd.f32 $1.000000000e+00, v22;
	v4 =	vpop (erf);
	(erf) = vpow2.f32 v11;
	v22 =	vld [tilespmem:s14+$0x40];
	[tilespmem:s20+$0x60] =	vst v60  }
0x2db: {  	s23 =	rddreg [dreg:$0xa];
	v5 =	vld [tilespmem:s19+$0xFFFFFFA0];
	v11 =	vadd.f32 $1.000000000e+00, v4;
	[tilespmem:s10+$0x10] =	vst v18;
	v18 =	vsub.f32 $0.0e+00, v18;
	v13 =	vpop (erf)  }
0x2dc: {  	s24 =	smov.u32 s23;
	s23 =	sld [smem:$0x7C9];
	v23 =	vld [tilespmem:s4+$0x40];
	(erf) = vrcp.f32 v28;
	v29 =	vmul.f32 v13, v21  }
0x2dd: {  	[dreg:$0x14] =	wrdreg s24;
	s2 =	smov.u32 s0;
	[tilespmem:s4+$0xC0] =	vst v16;
	v4 =	vld [tilespmem:s19+$0x20];
	(erf) = vrcp.f32 v11;
	v18 =	vmul.f32 $1.442695020e+00, v18;
	v21 =	vpop (erf)  }
0x2de: {  	[dreg:$0xa] =	wrdreg s2;
	v16 =	vadd.f32 $1.000000000e+00, v21;
	[tilespmem:s15+$0xC0] =	vst v29;
	v21 =	vld [tilespmem:s15+$0xD0]  }
0x2df: {  	s7 =	rddreg [dreg:$0x15];
	v13 =	vpop (erf);
	(erf) = vpow2.f32 v18;
	v7 =	vadd.f32 v7, v22;
	v18 =	vld [tilespmem:s26+$0x50]  }
0x2e0: {  	s24 =	smov.u32 s23;
	s23 =	smov.u32 s30;
	s2 =	sld [smem:$0x7CA];
	v11 =	vld [tilespmem:s7+$0x200];
	v22 =	vmul.f32 v13, v19;
	(erf) = vrcp.f32 v16  }
0x2e1: {  	s30 =	smov.u32 s6;
	s6 =	sld [smem:$0x7CB];
	s7 =	sor.u32 $0x410, s11;
	v19 =	vld [tilespmem:s4+$0xD0];
	v7 =	vadd.f32 v23, v7  }
0x2e2: {  	v33 =	vld [tilespmem:s7+$0x200];
	[tilespmem:s16+$0x60] =	vst v22;
	v13 =	vpop (erf)  }
0x2e3: {  	v16 =	vld [tilespmem:s2+$0x70];
	v30 =	vadd.f32 $1.000000000e+00, v13;
	v13 =	vpop (erf);
	[tilespmem:s4+$0x40] =	vst v7;
	v7 =	vsub.f32 $0.0e+00, v7  }
0x2e4: {  	v22 =	vld [tilespmem:s6+$0x70];
	v32 =	vadd.f32 $1.000000000e+00, v13;
	v18 =	vadd.f32 v21, v18  }
0x2e5: {  	v31 =	vld [tilespmem:s29+$0x70];
	v21 =	vpop (erf);
	(erf) = vrcp.f32 v30;
	v7 =	vmul.f32 $1.442695020e+00, v7  }
0x2e6: {  	v23 =	vpop (erf);
	v21 =	vmul.f32 v21, v9;
	(erf) = vrcp.f32 v32;
	v9 =	vadd.f32 v19, v18;
	v18 =	vld [tilespmem:s16+$0xFFFFFF70]  }
0x2e7: {  	v15 =	vmul.f32 v23, v15;
	v23 =	vld [tilespmem:s16+$0x70];
	(erf) = vpow2.f32 v7  }
0x2e8: {  	v7 =	vld [tilespmem:s16+$0xFFFFFFF0];
	v19 =	vpop (erf);
	[tilespmem:s15+$0xFFFFFF40] =	vst v21;
	v21 =	vsub.f32 $0.0e+00, v9  }
0x2e9: {  	[tilespmem:s10+$0x90] =	vst v17;
	v19 =	vadd.f32 $1.000000000e+00, v19;
	v35 =	vld [tilespmem:s23+$0x50];
	v34 =	vpop (erf)  }
0x2ea: {  	[dreg:$0x15] =	wrdreg s24;
	s24 =	smov.u32 s25;
	[tilespmem:s15+$0xFFFFFFC0] =	vst v15;
	v17 =	vld [tilespmem:s4+$0xFFFFFF50];
	v15 =	vmul.f32 v34, v33;
	v21 =	vmul.f32 $1.442695020e+00, v21  }
0x2eb: {  	v36 =	vld [tilespmem:s24+$0x50];
	(erf) = vrcp.f32 v19  }
0x2ec: {  	[tilespmem:s19+$0x90] =	vst v15;
	v15 =	vld [tilespmem:s19+$0xA0];
	(erf) = vpow2.f32 v21  }
0x2ed: {  	v19 =	vadd.f32 v18, v16;
	v18 =	vadd.f32 v7, v22;
	v16 =	vld [tilespmem:s22+$0x20]  }
0x2ee: {  	v7 =	vadd.f32 v23, v31;
	v23 =	vld [tilespmem:s4+$0xFFFFFFD0];
	v8 =	vadd.f32 v8, v35;
	v21 =	vpop (erf)  }
0x2ef: {  	s25 =	smov.u32 s28;
	s28 =	rddreg [dreg:$0x11];
	v12 =	vmul.f32 v21, v12;
	v21 =	vld [tilespmem:s10+$0xA0];
	v22 =	vpop (erf)  }
0x2f0: {  	v17 =	vadd.f32 v17, v8;
	v14 =	vmul.f32 v22, v14;
	v22 =	vld [tilespmem:s28+$0x200];
	v37 =	vpop (erf);
	s28 =	rddreg [dreg:$0xf]  }
0x2f1: {  	s0 =	sld [smem:$0x7CC];
	v20 =	vadd.f32 v20, v36;
	[tilespmem:s19+$0xFFFFFF10] =	vst v12;
	v8 =	vld [tilespmem:s28+$0x200];
	v12 =	vadd.f32 $1.000000000e+00, v37  }
0x2f2: {  	v38 =	vld [tilespmem:s30+$0x20];
	[tilespmem:s19+$0xFFFFFF90] =	vst v14;
	v39 =	vadd.f32 v15, v16;
	v15 =	vsub.f32 $0.0e+00, v17  }
0x2f3: {  	[tilespmem:s4+$0xFFFFFF50] =	vst v17;
	v40 =	vld [tilespmem:s25+$0x20];
	(erf) = vrcp.f32 v12  }
0x2f4: {  	s7 =	smov.u32 s0;
	v23 =	vadd.f32 v23, v20;
	v12 =	vld [tilespmem:s10+$0xFFFFFF20];
	v14 =	vpop (erf);
	v15 =	vmul.f32 $1.442695020e+00, v15  }
0x2f5: {  	[dreg:$0x11] =	wrdreg s7;
	v17 =	vld [tilespmem:s10+$0xFFFFFFA0];
	v20 =	vadd.f32 v21, v39;
	v10 =	vmul.f32 v14, v10;
	v16 =	vpop (erf)  }
0x2f6: {  	s7 =	sld [smem:$0x7CD];
	v13 =	vld [tilespmem:s15+$0x50];
	[tilespmem:s4+$0xFFFFFFD0] =	vst v23;
	v21 =	vsub.f32 $0.0e+00, v23;
	v41 =	vadd.f32 $1.000000000e+00, v16;
	(erf) = vpow2.f32 v15  }
0x2f7: {  	s2 =	smov.u32 s14;
	s14 =	smov.u32 s31;
	v50 =	vld [tilespmem:s20+$0xFFFFFFF0];
	v23 =	vsub.f32 $0.0e+00, v20;
	v6 =	vadd.f32 v6, v38;
	[tilespmem:s19+$0x10] =	vst v10  }
0x2f8: {  	s9 =	sor.u32 $0x450, s3;
	v10 =	vmul.f32 $1.442695020e+00, v21;
	v5 =	vadd.f32 v5, v40;
	v21 =	vld [tilespmem:s14+$0x20];
	(erf) = vrcp.f32 v41  }
0x2f9: {  	s6 =	smov.u32 s9;
	s9 =	sld [smem:$0x7CE];
	v14 =	vld [tilespmem:s7+$0x200];
	v15 =	vmul.f32 $1.442695020e+00, v23;
	v6 =	vadd.f32 v12, v6  }
0x2fa: {  	[smem:$0x7D6] =	sst s18;
	s18 =	sor.u32 $0x420, s3;
	v42 =	vld [tilespmem:s10+$0x20];
	(erf) = vpow2.f32 v10;
	v5 =	vadd.f32 v17, v5  }
0x2fb: {  	v16 =	vld [tilespmem:s18+$0x200];
	(erf) = vpow2.f32 v15;
	[tilespmem:s10+$0xFFFFFF20] =	vst v6;
	v6 =	vsub.f32 $0.0e+00, v6  }
0x2fc: {  	s18 =	sor.u32 $0x450, s17;
	v12 =	vld [tilespmem:s9+$0x200];
	[tilespmem:s10+$0xFFFFFFA0] =	vst v5;
	v5 =	vsub.f32 $0.0e+00, v5;
	v10 =	vpop (erf)  }
0x2fd: {  	v43 =	vmul.f32 $1.442695020e+00, v6;
	v4 =	vadd.f32 v4, v21;
	v10 =	vmul.f32 v10, v11;
	v11 =	vld [tilespmem:s18+$0x200]  }
0x2fe: {  	v23 =	vld [tilespmem:s15+$0xFFFFFF60];
	v5 =	vmul.f32 $1.442695020e+00, v5  }
0x2ff: {  	v15 =	vld [tilespmem:s19+$0xFFFFFF30];
	v4 =	vadd.f32 v42, v4;
	(erf) = vpow2.f32 v43;
	[tilespmem:s15+$0x40] =	vst v10;
	v6 =	vpop (erf)  }
0x300: {  	(erf) = vpow2.f32 v5;
	v44 =	vadd.f32 $1.000000000e+00, v6;
	v6 =	vld [tilespmem:s2+$0x50]  }
0x301: {  	v17 =	vld [tilespmem:s19+$0xFFFFFFB0];
	[tilespmem:s10+$0x20] =	vst v4;
	v4 =	vsub.f32 $0.0e+00, v4;
	v46 =	vpop (erf)  }
0x302: {  	[tilespmem:s4+$0xD0] =	vst v9;
	v45 =	vld [tilespmem:s4+$0x50];
	v25 =	vmul.f32 v46, v11  }
0x303: {  	s28 =	rddreg [dreg:$0xd];
	v48 =	vld [tilespmem:s15+$0xE0];
	(erf) = vrcp.f32 v44;
	v5 =	vpop (erf);
	v4 =	vmul.f32 $1.442695020e+00, v4  }
0x304: {  	v11 =	vld [tilespmem:s28+$0x200];
	v47 =	vpop (erf);
	v5 =	vadd.f32 $1.000000000e+00, v5;
	[tilespmem:s15+$0xD0] =	vst v25  }
0x305: {  	s0 =	sld [smem:$0x7CF];
	v9 =	vadd.f32 $1.000000000e+00, v47;
	(erf) = vpow2.f32 v4;
	v4 =	vadd.f32 v13, v6;
	v6 =	vld [tilespmem:s26+$0x60]  }
0x306: {  	[dreg:$0xf] =	wrdreg s6;
	v13 =	vld [tilespmem:s20+$0xFFFFFF70]  }
0x307: {  	s28 =	sld [smem:$0x7D2];
	v49 =	vld [tilespmem:s4+$0xE0];
	(erf) = vrcp.f32 v9;
	v4 =	vadd.f32 v45, v4  }
0x308: {  	s9 =	sld [smem:$0x7D0];
	v21 =	vld [tilespmem:s15+$0xFFFFFFE0];
	(erf) = vrcp.f32 v5;
	v5 =	vpop (erf)  }
0x309: {  	s7 =	sor.u32 $0x420, s11;
	s18 =	sld [smem:$0x7D1];
	v10 =	vld [tilespmem:s19+$0x30];
	v29 =	vadd.f32 $1.000000000e+00, v5;
	v9 =	vpop (erf);
	[tilespmem:s4+$0x50] =	vst v4;
	v4 =	vsub.f32 $0.0e+00, v4  }
0x30a: {  	s29 =	smov.u32 s2;
	v53 =	vld [tilespmem:s7+$0x200];
	s2 =	smov.u32 s28;
	s28 =	sld [smem:$0x7D5];
	v52 =	vadd.f32 $1.000000000e+00, v9;
	v6 =	vadd.f32 v48, v6  }
0x30b: {  	s7 =	sld [smem:$0x7D3];
	v51 =	vld [tilespmem:s20+$0x70];
	(erf) = vrcp.f32 v29;
	v4 =	vmul.f32 $1.442695020e+00, v4  }
0x30c: {  	v19 =	vadd.f32 v13, v19;
	v5 =	vpop (erf);
	(erf) = vrcp.f32 v52;
	v13 =	vadd.f32 v49, v6;
	v6 =	vld [tilespmem:s9+$0x200];
	s9 =	sld [smem:$0x7D4]  }
0x30d: {  	s1 =	sor.u32 $0x430, s3;
	s6 =	smov.u32 s0;
	[tilespmem:s10+$0xA0] =	vst v20;
	v22 =	vmul.f32 v5, v22;
	(erf) = vpow2.f32 v4;
	v4 =	vld [tilespmem:s28+$0x200];
	s28 =	sld [smem:$0x7D6]  }
0x30e: {  	s3 =	sor.u32 $0x470, s3;
	[dreg:$0xd] =	wrdreg s6;
	s6 =	smov.u32 s18;
	v60 =	vld [tilespmem:s19+$0xB0];
	[tilespmem:s20+$0xFFFFFF70] =	vst v19;
	v19 =	vsub.f32 $0.0e+00, v19  }
0x30f: {  	v18 =	vadd.f32 v50, v18;
	v5 =	vld [tilespmem:s7+$0x200];
	s7 =	smov.u32 s3;
	s3 =	rddreg [dreg:$0x1f];
	v54 =	vpop (erf);
	[tilespmem:s15+$0xFFFFFF50] =	vst v22;
	v22 =	vsub.f32 $0.0e+00, v13;
	s18 =	smov.u32 s9  }
0x310: {  	v19 =	vmul.f32 $1.442695020e+00, v19;
	v7 =	vadd.f32 v51, v7;
	s9 =	smov.u32 s3;
	v24 =	vadd.f32 $1.000000000e+00, v54;
	v55 =	vpop (erf);
	v56 =	vld [tilespmem:s23+$0x60];
	s3 =	smov.u32 s28;
	s28 =	sld [smem:$0x7D7]  }
0x311: {  	v9 =	vld [tilespmem:s15+$0x60];
	[tilespmem:s20+$0xFFFFFFF0] =	vst v18;
	v25 =	vmul.f32 v55, v53;
	v22 =	vmul.f32 $1.442695020e+00, v22;
	v58 =	vpop (erf)  }
0x312: {  	v18 =	vsub.f32 $0.0e+00, v18;
	v57 =	vld [tilespmem:s4+$0xFFFFFF60];
	[tilespmem:s20+$0x70] =	vst v7;
	(erf) = vrcp.f32 v24;
	v8 =	vmul.f32 v58, v8  }
0x313: {  	v59 =	vsub.f32 $0.0e+00, v7;
	[tilespmem:s19+$0xA0] =	vst v25;
	v7 =	vld [tilespmem:s28+$0x200];
	s28 =	sld [smem:$0x7D8]  }
0x314: {  	v18 =	vmul.f32 $1.442695020e+00, v18;
	(erf) = vpow2.f32 v22;
	v22 =	vld [tilespmem:s22+$0x30];
	[tilespmem:s15+$0xFFFFFFD0] =	vst v8  }
0x315: {  	s5 =	sadd.s32 $0x4, s5;
	v8 =	vmul.f32 $1.442695020e+00, v59;
	(erf) = vpow2.f32 v19;
	v19 =	vpop (erf);
	v27 =	vadd.f32 v23, v56;
	v23 =	vld [tilespmem:s24+$0x60]  }
0x316: {  	p1 =	slt.u32 s5, $0x24;
	(erf) = vpow2.f32 v18;
	v18 =	vmul.f32 v19, v14;
	v19 =	vld [tilespmem:s10+$0xB0];
	v14 =	vpop (erf);
	s31 =	smov.u32 s28;
	s28 =	rddreg [dreg:$0xc]  }
.Ltmp3:
0x317: {  	s20 =	smov.u32 s4;
	(erf) = vpow2.f32 v8;
	v16 =	vmul.f32 v14, v16;
	v61 =	vadd.f32 v57, v27;
	v20 =	vpop (erf);
	v8 =	vld [tilespmem:s28+$0x200];
	s28 =	sld [smem:$0x7D9];
	(pc) =	sbr.rel @p1 .LBB2_5-.Ltmp3, $4  }
0x318: {  	v14 =	vld [tilespmem:s20+$0xFFFFFFE0];
	[tilespmem:s19+$0xFFFFFF20] =	vst v18;
	v62 =	vadd.f32 $1.000000000e+00, v20  }
0x319: {  	v20 =	vld [tilespmem:s30+$0x30];
	[tilespmem:s19+$0xFFFFFFA0] =	vst v16;
	v16 =	vadd.f32 v60, v22;
	v63 =	vsub.f32 $0.0e+00, v61  }
0x31a: {  	s13 =	sadd.s32 $0x2, s13;
	p0 =	por !p0, !p0;
	[tilespmem:s20+$0xFFFFFF60] =	vst v61;
	v22 =	vld [tilespmem:s25+$0x30];
	v18 =	vadd.f32 v21, v23;
	s0 =	smov.u32 s28  }
0x31b: {  	s12 =	smov.u32 s19;
	s4 =	smov.u32 s10;
	(erf) = vrcp.f32 v62;
	v21 =	vld [tilespmem:s10+$0xFFFFFF30];
	v16 =	vadd.f32 v19, v16;
	v19 =	vpop (erf);
	v23 =	vmul.f32 $1.442695020e+00, v63;
	[dreg:$0xc] =	wrdreg s0  }
0x31c: {  	_ = 	snop  }
0x31d: {  	v24 =	vpop (erf);
	v25 =	vsub.f32 $0.0e+00, v16  }
0x31e: {  	v24 =	vadd.f32 $1.000000000e+00, v24  }
0x31f: {  	v26 =	vld [tilespmem:s10+$0xFFFFFFB0];
	(erf) = vpow2.f32 v23;
	v38 =	vmul.f32 $1.442695020e+00, v25  }
0x320: {  	v18 =	vadd.f32 v14, v18;
	(erf) = vrcp.f32 v24  }
0x321: {  	v39 =	vadd.f32 v15, v20;
	(erf) = vpow2.f32 v38  }
0x322: {  	v40 =	vsub.f32 $0.0e+00, v18;
	v17 =	vadd.f32 v17, v22  }
0x323: {  	v20 =	vadd.f32 v21, v39  }
0x324: {  	s0 =	sor.u32 $0x460, s17;
	v41 =	vpop (erf);
	v15 =	vmul.f32 $1.442695020e+00, v40;
	v42 =	vadd.f32 v26, v17  }
0x325: {  	v43 =	vld [tilespmem:s0+$0x200];
	v44 =	vpop (erf);
	v14 =	vadd.f32 $1.000000000e+00, v41;
	v45 =	vsub.f32 $0.0e+00, v20  }
0x326: {  	v46 =	vpop (erf);
	v22 =	vadd.f32 $1.000000000e+00, v44;
	(erf) = vpow2.f32 v15;
	v47 =	vsub.f32 $0.0e+00, v42  }
0x327: {  	v48 =	vpop (erf);
	(erf) = vrcp.f32 v14;
	v49 =	vmul.f32 $1.442695020e+00, v45  }
0x328: {  	v15 =	vmul.f32 $1.442695020e+00, v47;
	(erf) = vrcp.f32 v22;
	v50 =	vpop (erf)  }
0x329: {  	v51 =	vadd.f32 $1.000000000e+00, v46;
	(erf) = vpow2.f32 v49;
	v52 =	vpop (erf)  }
0x32a: {  	(erf) = vpow2.f32 v15;
	v53 =	vadd.f32 $1.000000000e+00, v50;
	v14 =	vmul.f32 v52, v43;
	v54 =	vpop (erf)  }
0x32b: {  	[tilespmem:s20+$0xE0] =	vst v13;
	(erf) = vrcp.f32 v51;
	v55 =	vadd.f32 $1.000000000e+00, v54  }
0x32c: {  	v57 =	vld [tilespmem:s15+$0xF0];
	(erf) = vrcp.f32 v53;
	[tilespmem:s15+$0xE0] =	vst v14  }
0x32d: {  	v56 =	vld [tilespmem:s26+$0x70];
	(erf) = vrcp.f32 v55;
	_ =	sdelay $0x1  }
0x32e: {  	v58 =	vpop (erf);
	v59 =	vld [tilespmem:s20+$0xF0]  }
0x32f: {  	v13 =	vpop (erf)  }
0x330: {  	s10 =	sor.u32 $0x430, s11;
	v14 =	vpop (erf)  }
0x331: {  	v60 =	vld [tilespmem:s10+$0x200];
	v61 =	vpop (erf);
	v28 =	vadd.f32 v57, v56  }
0x332: {  	v27 =	vpop (erf)  }
0x333: {  	v19 =	vmul.f32 v19, v12;
	v22 =	vadd.f32 $1.000000000e+00, v58;
	v15 =	vpop (erf);
	v12 =	vadd.f32 v59, v28  }
0x334: {  	v62 =	vadd.f32 $1.000000000e+00, v61;
	v17 =	vpop (erf)  }
0x335: {  	[tilespmem:s12+$0x20] =	vst v19;
	(erf) = vrcp.f32 v22;
	v28 =	vadd.f32 $1.000000000e+00, v27;
	v63 =	vpop (erf);
	v29 =	vsub.f32 $0.0e+00, v12  }
0x336: {  	[tilespmem:s4+$0xB0] =	vst v16;
	v30 =	vld [tilespmem:s14+$0x30];
	(erf) = vrcp.f32 v62;
	v23 =	vmul.f32 v63, v60  }
0x337: {  	v33 =	vld [tilespmem:s12+$0xC0];
	(erf) = vrcp.f32 v28;
	v32 =	vmul.f32 $1.442695020e+00, v29  }
0x338: {  	v31 =	vld [tilespmem:s4+$0x30];
	[tilespmem:s12+$0xB0] =	vst v23  }
0x339: {  	(erf) = vpow2.f32 v32;
	v34 =	vld [tilespmem:s22+$0x40]  }
0x33a: {  	s13 =	rddreg [dreg:$0x1e];
	v36 =	vld [tilespmem:s4+$0xC0]  }
0x33b: {  	v10 =	vadd.f32 v10, v30;
	v35 =	vld [tilespmem:s13+$0x200]  }
0x33c: {  	v37 =	vld [tilespmem:s1+$0x200]  }
0x33d: {  	v11 =	vmul.f32 v48, v11;
	v10 =	vadd.f32 v31, v10  }
0x33e: {  	v16 =	vpop (erf);
	[tilespmem:s4+$0xFFFFFFB0] =	vst v42;
	v19 =	vadd.f32 v33, v34  }
0x33f: {  	v38 =	vsub.f32 $0.0e+00, v10;
	[tilespmem:s15+$0x50] =	vst v11;
	v39 =	vpop (erf);
	v40 =	vld [tilespmem:s12+$0xFFFFFFC0]  }
0x340: {  	v42 =	vld [tilespmem:s29+$0x60];
	v41 =	vpop (erf);
	v22 =	vmul.f32 v39, v35;
	v19 =	vadd.f32 v36, v19  }
0x341: {  	v21 =	vmul.f32 $1.442695020e+00, v38;
	[tilespmem:s4+$0xFFFFFF30] =	vst v20;
	v43 =	vld [tilespmem:s20+$0x60];
	v23 =	vmul.f32 v41, v37  }
0x342: {  	v20 =	vld [tilespmem:s12+$0xFFFFFF40];
	[tilespmem:s12+$0xFFFFFF30] =	vst v22;
	v44 =	vpop (erf);
	v45 =	vsub.f32 $0.0e+00, v19  }
0x343: {  	(erf) = vpow2.f32 v21;
	[tilespmem:s12+$0xFFFFFFB0] =	vst v23;
	v46 =	vld [tilespmem:s30+$0x40];
	v47 =	vadd.f32 $1.000000000e+00, v44  }
0x344: {  	v48 =	vld [tilespmem:s25+$0x40];
	v49 =	vmul.f32 $1.442695020e+00, v45  }
0x345: {  	v50 =	vld [tilespmem:s4+$0xFFFFFF40];
	(erf) = vrcp.f32 v47  }
0x346: {  	v9 =	vadd.f32 v9, v42;
	v51 =	vld [tilespmem:s4+$0xFFFFFFC0];
	(erf) = vpow2.f32 v49;
	_ =	sdelay $0x1  }
0x347: {  	v23 =	vadd.f32 v43, v9;
	v52 =	vadd.f32 v20, v46  }
0x348: {  	v11 =	vadd.f32 v40, v48  }
0x349: {  	v53 =	vsub.f32 $0.0e+00, v23;
	v54 =	vadd.f32 v50, v52  }
0x34a: {  	v11 =	vadd.f32 v51, v11  }
0x34b: {  	v57 =	vpop (erf);
	v55 =	vmul.f32 $1.442695020e+00, v53;
	v56 =	vsub.f32 $0.0e+00, v54  }
0x34c: {  	v21 =	vadd.f32 $1.000000000e+00, v57;
	v58 =	vsub.f32 $0.0e+00, v11  }
0x34d: {  	(erf) = vpow2.f32 v55;
	v20 =	vmul.f32 $1.442695020e+00, v56;
	v9 =	vpop (erf)  }
0x34e: {  	(erf) = vrcp.f32 v21;
	v59 =	vmul.f32 $1.442695020e+00, v58;
	v60 =	vpop (erf)  }
0x34f: {  	(erf) = vpow2.f32 v20;
	v61 =	vadd.f32 $1.000000000e+00, v60  }
0x350: {  	(erf) = vpow2.f32 v59  }
0x351: {  	(erf) = vrcp.f32 v61;
	_ =	sdelay $0x1  }
0x352: {  	s19 =	rddreg [dreg:$0x1b]  }
0x353: {  	v62 =	vld [tilespmem:s19+$0x200]  }
0x354: {  	s21 =	sor.u32 $0x440, s11  }
0x355: {  	v63 =	vld [tilespmem:s21+$0x200];
	v30 =	vpop (erf)  }
0x356: {  	v31 =	vpop (erf)  }
0x357: {  	v32 =	vpop (erf)  }
0x358: {  	[tilespmem:s4+$0x30] =	vst v10;
	v24 =	vadd.f32 $1.000000000e+00, v30;
	v33 =	vmul.f32 v31, v62;
	v34 =	vpop (erf)  }
0x359: {  	[tilespmem:s4+$0xC0] =	vst v19;
	v35 =	vld [tilespmem:s12+$0x40];
	v26 =	vadd.f32 $1.000000000e+00, v32;
	v36 =	vpop (erf)  }
0x35a: {  	v40 =	vld [tilespmem:s12+$0xD0];
	(erf) = vrcp.f32 v24;
	[tilespmem:s12+$0x30] =	vst v33;
	v37 =	vmul.f32 v36, v63  }
0x35b: {  	v38 =	vld [tilespmem:s14+$0x40];
	(erf) = vrcp.f32 v26  }
0x35c: {  	v39 =	vld [tilespmem:s4+$0x40];
	[tilespmem:s12+$0xC0] =	vst v37  }
0x35d: {  	v41 =	vld [tilespmem:s22+$0x50];
	_ =	sdelay $0x1  }
0x35e: {  	v42 =	vld [tilespmem:s4+$0xD0];
	s26 =	rddreg [dreg:$0x17]  }
0x35f: {  	v21 =	vadd.f32 v35, v38;
	v43 =	vld [tilespmem:s26+$0x200];
	_ =	sdelay $0x1  }
0x360: {  	v19 =	vadd.f32 v39, v21;
	v10 =	vadd.f32 v40, v41  }
0x361: {  	v20 =	vadd.f32 $1.000000000e+00, v34;
	v44 =	vpop (erf)  }
0x362: {  	v45 =	vsub.f32 $0.0e+00, v19;
	v46 =	vpop (erf);
	v10 =	vadd.f32 v42, v10  }
0x363: {  	v47 =	vmul.f32 v46, v43  }
0x364: {  	(erf) = vrcp.f32 v20;
	[tilespmem:s4+$0xFFFFFF40] =	vst v54;
	v24 =	vmul.f32 $1.442695020e+00, v45;
	v26 =	vsub.f32 $0.0e+00, v10  }
0x365: {  	v48 =	vld [tilespmem:s12+$0xFFFFFF50];
	[tilespmem:s12+$0xFFFFFF40] =	vst v47  }
0x366: {  	(erf) = vpow2.f32 v24;
	v49 =	vld [tilespmem:s30+$0x50];
	v50 =	vmul.f32 $1.442695020e+00, v26;
	_ =	sdelay $0x1  }
0x367: {  	v51 =	vld [tilespmem:s4+$0xFFFFFF50];
	s28 =	rddreg [dreg:$0x19];
	(erf) = vpow2.f32 v50  }
0x368: {  	v52 =	vld [tilespmem:s28+$0x200];
	_ =	sdelay $0x1  }
0x369: {  	v20 =	vadd.f32 v48, v49;
	_ =	sdelay $0x1  }
0x36a: {  	v53 =	vpop (erf);
	v20 =	vadd.f32 v51, v20  }
0x36b: {  	v54 =	vmul.f32 v53, v52  }
0x36c: {  	[tilespmem:s4+$0xFFFFFFC0] =	vst v11;
	v55 =	vpop (erf);
	v56 =	vsub.f32 $0.0e+00, v20  }
0x36d: {  	v57 =	vld [tilespmem:s12+$0xFFFFFFD0];
	v22 =	vadd.f32 $1.000000000e+00, v55;
	[tilespmem:s12+$0xFFFFFFC0] =	vst v54  }
0x36e: {  	v60 =	vld [tilespmem:s25+$0x50];
	v58 =	vmul.f32 $1.442695020e+00, v56;
	v59 =	vpop (erf)  }
0x36f: {  	(erf) = vrcp.f32 v22;
	v61 =	vadd.f32 $1.000000000e+00, v59  }
0x370: {  	v62 =	vld [tilespmem:s4+$0xFFFFFFD0];
	(erf) = vpow2.f32 v58  }
0x371: {  	(erf) = vrcp.f32 v61;
	_ =	sdelay $0x1  }
0x372: {  	s1 =	rddreg [dreg:$0x15];
	[tilespmem:s20+$0xFFFFFFE0] =	vst v18;
	v28 =	vadd.f32 v57, v60  }
0x373: {  	v63 =	vld [tilespmem:s1+$0x200];
	s8 =	rddreg [dreg:$0x14]  }
0x374: {  	s5 =	sor.u32 $0x450, s11;
	v30 =	vld [tilespmem:s8+$0x200];
	v11 =	vadd.f32 v62, v28  }
0x375: {  	v7 =	vmul.f32 v17, v7;
	v29 =	vld [tilespmem:s5+$0x200]  }
0x376: {  	v32 =	vsub.f32 $0.0e+00, v11  }
0x377: {  	v31 =	vmul.f32 v16, v8;
	v49 =	vld [tilespmem:s15+$0xFFFFFF70];
	[tilespmem:s15+$0xFFFFFF60] =	vst v7;
	v33 =	vpop (erf)  }
0x378: {  	[tilespmem:s4+$0x40] =	vst v19;
	v50 =	vld [tilespmem:s15+$0xFFFFFFF0];
	v16 =	vmul.f32 v33, v63;
	v8 =	vmul.f32 $1.442695020e+00, v32;
	v35 =	vpop (erf)  }
0x379: {  	[tilespmem:s4+$0xD0] =	vst v10;
	v36 =	vld [tilespmem:s12+$0x50];
	v42 =	vmul.f32 v44, v30;
	v39 =	vadd.f32 $1.000000000e+00, v35;
	v37 =	vpop (erf)  }
0x37a: {  	v44 =	vld [tilespmem:s12+$0xE0];
	[tilespmem:s12+$0x40] =	vst v16;
	(erf) = vpow2.f32 v8;
	v40 =	vmul.f32 v37, v29  }
0x37b: {  	[tilespmem:s15+$0xFFFFFFE0] =	vst v31;
	v41 =	vld [tilespmem:s14+$0x50];
	(erf) = vrcp.f32 v39  }
0x37c: {  	v43 =	vld [tilespmem:s4+$0x50];
	[tilespmem:s12+$0xD0] =	vst v40  }
0x37d: {  	[tilespmem:s20+$0x60] =	vst v23;
	v45 =	vld [tilespmem:s22+$0x60]  }
0x37e: {  	v34 =	vld [tilespmem:s23+$0x70];
	[tilespmem:s15+$0x60] =	vst v42  }
0x37f: {  	v47 =	vld [tilespmem:s4+$0xE0];
	s10 =	rddreg [dreg:$0x11]  }
0x380: {  	v7 =	vadd.f32 v36, v41;
	v48 =	vld [tilespmem:s10+$0x200]  }
0x381: {  	v38 =	vld [tilespmem:s24+$0x70]  }
0x382: {  	v52 =	vld [tilespmem:s15+$0x70];
	v17 =	vadd.f32 v43, v7;
	v51 =	vadd.f32 v44, v45  }
0x383: {  	v58 =	vld [tilespmem:s20+$0xFFFFFFF0];
	v53 =	vpop (erf)  }
0x384: {  	v57 =	vld [tilespmem:s20+$0xFFFFFF70];
	v54 =	vsub.f32 $0.0e+00, v17;
	v55 =	vpop (erf);
	v21 =	vadd.f32 v47, v51  }
0x385: {  	v46 =	vld [tilespmem:s29+$0x70];
	v56 =	vadd.f32 $1.000000000e+00, v53;
	v22 =	vmul.f32 v55, v48  }
0x386: {  	v60 =	vld [tilespmem:s20+$0x70];
	[tilespmem:s4+$0xFFFFFF50] =	vst v20;
	v25 =	vmul.f32 $1.442695020e+00, v54;
	v59 =	vsub.f32 $0.0e+00, v21  }
0x387: {  	v20 =	vld [tilespmem:s12+$0xFFFFFF60];
	(erf) = vrcp.f32 v56;
	[tilespmem:s12+$0xFFFFFF50] =	vst v22  }
0x388: {  	v8 =	vadd.f32 v49, v34;
	(erf) = vpow2.f32 v25;
	v61 =	vld [tilespmem:s30+$0x60];
	v62 =	vmul.f32 $1.442695020e+00, v59;
	_ =	sdelay $0x1  }
0x389: {  	v23 =	vadd.f32 v50, v38;
	v10 =	vadd.f32 v57, v8;
	v63 =	vld [tilespmem:s4+$0xFFFFFF60];
	(erf) = vpow2.f32 v62  }
0x38a: {  	v16 =	vadd.f32 v52, v46  }
0x38b: {  	v8 =	vadd.f32 v58, v23;
	v28 =	vsub.f32 $0.0e+00, v10;
	s13 =	rddreg [dreg:$0xf]  }
0x38c: {  	v7 =	vadd.f32 v60, v16;
	v31 =	vld [tilespmem:s13+$0x200];
	v29 =	vadd.f32 v20, v61  }
0x38d: {  	v30 =	vsub.f32 $0.0e+00, v8  }
0x38e: {  	v19 =	vmul.f32 $1.442695020e+00, v28;
	v32 =	vsub.f32 $0.0e+00, v7;
	v16 =	vadd.f32 v63, v29  }
0x38f: {  	v18 =	vmul.f32 $1.442695020e+00, v30;
	v33 =	vpop (erf)  }
0x390: {  	v22 =	vmul.f32 $1.442695020e+00, v32;
	(erf) = vpow2.f32 v19;
	v34 =	vpop (erf);
	v24 =	vsub.f32 $0.0e+00, v16  }
0x391: {  	(erf) = vpow2.f32 v18;
	v38 =	vmul.f32 v33, v31;
	v35 =	vadd.f32 $1.000000000e+00, v34  }
0x392: {  	(erf) = vpow2.f32 v22;
	v36 =	vmul.f32 $1.442695020e+00, v24;
	v37 =	vpop (erf)  }
0x393: {  	[tilespmem:s4+$0xFFFFFFD0] =	vst v11;
	(erf) = vrcp.f32 v35;
	v39 =	vadd.f32 $1.000000000e+00, v37  }
0x394: {  	v40 =	vld [tilespmem:s12+$0xFFFFFFE0];
	[tilespmem:s12+$0xFFFFFFD0] =	vst v38;
	(erf) = vpow2.f32 v36  }
0x395: {  	v11 =	vld [tilespmem:s25+$0x60];
	(erf) = vrcp.f32 v39;
	_ =	sdelay $0x1  }
0x396: {  	v41 =	vld [tilespmem:s4+$0xFFFFFFE0];
	_ =	sdelay $0x1  }
0x397: {  	s19 =	sor.u32 $0x460, s11;
	v42 =	vpop (erf)  }
0x398: {  	v43 =	vld [tilespmem:s19+$0x200];
	v11 =	vadd.f32 v40, v11;
	v44 =	vpop (erf)  }
0x399: {  	v45 =	vpop (erf)  }
0x39a: {  	v11 =	vadd.f32 v41, v11;
	v46 =	vpop (erf)  }
0x39b: {  	v47 =	vpop (erf)  }
0x39c: {  	v49 =	vsub.f32 $0.0e+00, v11;
	v48 =	vpop (erf)  }
0x39d: {  	v22 =	vmul.f32 v48, v43  }
0x39e: {  	[tilespmem:s4+$0xE0] =	vst v21;
	v50 =	vmul.f32 $1.442695020e+00, v49  }
0x39f: {  	v51 =	vld [tilespmem:s12+$0xF0];
	[tilespmem:s12+$0xE0] =	vst v22  }
0x3a0: {  	(erf) = vpow2.f32 v50;
	v22 =	vld [tilespmem:s22+$0x70];
	_ =	sdelay $0x1  }
0x3a1: {  	v52 =	vld [tilespmem:s4+$0xF0];
	_ =	sdelay $0x1  }
0x3a2: {  	s21 =	rddreg [dreg:$0xd]  }
0x3a3: {  	v53 =	vld [tilespmem:s21+$0x200];
	v21 =	vadd.f32 v51, v22  }
0x3a4: {  	v19 =	vadd.f32 $1.000000000e+00, v42  }
0x3a5: {  	v54 =	vadd.f32 $1.000000000e+00, v44;
	v21 =	vadd.f32 v52, v21  }
0x3a6: {  	v20 =	vadd.f32 $1.000000000e+00, v45;
	(erf) = vrcp.f32 v19  }
0x3a7: {  	v18 =	vadd.f32 $1.000000000e+00, v47;
	(erf) = vrcp.f32 v54;
	v55 =	vpop (erf);
	v56 =	vsub.f32 $0.0e+00, v21  }
0x3a8: {  	(erf) = vrcp.f32 v20;
	v57 =	vmul.f32 v46, v53;
	v19 =	vadd.f32 $1.000000000e+00, v55  }
0x3a9: {  	(erf) = vrcp.f32 v18;
	[tilespmem:s4+$0x50] =	vst v17;
	v59 =	vmul.f32 $1.442695020e+00, v56  }
0x3aa: {  	v58 =	vld [tilespmem:s12+$0x60];
	[tilespmem:s12+$0x50] =	vst v57;
	(erf) = vrcp.f32 v19  }
0x3ab: {  	v17 =	vld [tilespmem:s14+$0x60];
	(erf) = vpow2.f32 v59;
	_ =	sdelay $0x1  }
0x3ac: {  	v60 =	vld [tilespmem:s4+$0x60];
	_ =	sdelay $0x1  }
0x3ad: {  	v61 =	vpop (erf)  }
0x3ae: {  	v62 =	vpop (erf);
	v17 =	vadd.f32 v58, v17  }
0x3af: {  	v63 =	vpop (erf)  }
0x3b0: {  	v31 =	vpop (erf);
	v17 =	vadd.f32 v60, v17  }
0x3b1: {  	v32 =	vpop (erf)  }
0x3b2: {  	v34 =	vsub.f32 $0.0e+00, v17;
	v33 =	vpop (erf)  }
0x3b3: {  	v24 =	vadd.f32 $1.000000000e+00, v33  }
0x3b4: {  	v25 =	vmul.f32 $1.442695020e+00, v34  }
0x3b5: {  	(erf) = vrcp.f32 v24  }
0x3b6: {  	(erf) = vpow2.f32 v25;
	_ =	sdelay $0x7  }
0x3b7: {  	v24 =	vpop (erf)  }
0x3b8: {  	v25 =	vpop (erf)  }
0x3b9: {  	v35 =	vld [tilespmem:s31+$0x200];
	v25 =	vadd.f32 $1.000000000e+00, v25;
	_ =	sdelay $0x1  }
0x3ba: {  	(erf) = vrcp.f32 v25;
	_ =	sdelay $0x1  }
0x3bb: {  	s22 =	rddreg [dreg:$0xc]  }
0x3bc: {  	s23 =	rddreg [dreg:$0xa];
	v36 =	vld [tilespmem:s22+$0x200];
	v38 =	vmul.f32 v31, v35  }
0x3bd: {  	[tilespmem:s4+$0xFFFFFF60] =	vst v16;
	v37 =	vld [tilespmem:s23+$0x200]  }
0x3be: {  	v44 =	vld [tilespmem:s12+$0xFFFFFF70];
	[tilespmem:s12+$0xFFFFFF60] =	vst v38  }
0x3bf: {  	v42 =	vld [tilespmem:s30+$0x70];
	_ =	sdelay $0x1  }
0x3c0: {  	v47 =	vld [tilespmem:s4+$0xFFFFFF70]  }
0x3c1: {  	[tilespmem:s4+$0xFFFFFFE0] =	vst v11;
	v39 =	vmul.f32 v32, v36;
	v40 =	vpop (erf)  }
0x3c2: {  	v45 =	vld [tilespmem:s12+$0xFFFFFFF0];
	[tilespmem:s4+$0x60] =	vst v17;
	v41 =	vmul.f32 v40, v37  }
0x3c3: {  	v16 =	vadd.f32 v44, v42;
	v46 =	vld [tilespmem:s12+$0x70];
	[tilespmem:s12+$0xFFFFFFE0] =	vst v39  }
0x3c4: {  	v43 =	vld [tilespmem:s25+$0x70];
	[tilespmem:s12+$0x60] =	vst v41  }
0x3c5: {  	v16 =	vadd.f32 v47, v16;
	v11 =	vld [tilespmem:s14+$0x70]  }
0x3c6: {  	v48 =	vld [tilespmem:s4+$0xFFFFFFF0]  }
0x3c7: {  	v50 =	vsub.f32 $0.0e+00, v16;
	v49 =	vld [tilespmem:s4+$0x70];
	_ =	sdelay $0x1  }
0x3c8: {  	v18 =	vmul.f32 $1.442695020e+00, v50;
	v17 =	vadd.f32 v45, v43  }
0x3c9: {  	v11 =	vadd.f32 v46, v11  }
0x3ca: {  	v17 =	vadd.f32 v48, v17;
	(erf) = vpow2.f32 v18  }
0x3cb: {  	v11 =	vadd.f32 v49, v11  }
0x3cc: {  	v51 =	vsub.f32 $0.0e+00, v17  }
0x3cd: {  	v52 =	vsub.f32 $0.0e+00, v11  }
0x3ce: {  	v23 =	vmul.f32 $1.442695020e+00, v51  }
0x3cf: {  	v5 =	vmul.f32 v14, v5;
	v25 =	vmul.f32 $1.442695020e+00, v52  }
0x3d0: {  	v6 =	vmul.f32 v13, v6;
	(erf) = vpow2.f32 v23  }
0x3d1: {  	(erf) = vpow2.f32 v25  }
0x3d2: {  	v4 =	vmul.f32 v15, v4;
	s24 =	sor.u32 $0x470, s17;
	v54 =	vld [tilespmem:s6+$0x200];
	[tilespmem:s16+$0xFFFFFF70] =	vst v6  }
0x3d3: {  	v53 =	vld [tilespmem:s24+$0x200];
	[tilespmem:s16+$0xFFFFFFF0] =	vst v5;
	v5 =	vpop (erf)  }
0x3d4: {  	[tilespmem:s16+$0x70] =	vst v4;
	v4 =	vld [tilespmem:s18+$0x200];
	v5 =	vadd.f32 $1.000000000e+00, v5  }
0x3d5: {  	[tilespmem:s20+$0xF0] =	vst v12;
	v56 =	vld [tilespmem:s9+$0x200];
	s25 =	sor.u32 $0x470, s11  }
0x3d6: {  	[tilespmem:s20+$0xFFFFFF70] =	vst v10;
	(erf) = vrcp.f32 v5;
	v5 =	vld [tilespmem:s25+$0x200]  }
0x3d7: {  	[tilespmem:s20+$0xFFFFFFF0] =	vst v8;
	v6 =	vmul.f32 v61, v54  }
0x3d8: {  	v9 =	vmul.f32 v9, v53;
	[tilespmem:s20+$0x70] =	vst v7  }
0x3d9: {  	[tilespmem:s15+$0xFFFFFF70] =	vst v6;
	v4 =	vmul.f32 v62, v4;
	v55 =	vpop (erf)  }
0x3da: {  	[tilespmem:s15+$0xF0] =	vst v9;
	v59 =	vmul.f32 v63, v56;
	v14 =	vadd.f32 $1.000000000e+00, v55;
	v57 =	vpop (erf)  }
0x3db: {  	v60 =	vld [tilespmem:s2+$0x200];
	[tilespmem:s15+$0xFFFFFFF0] =	vst v4;
	v5 =	vmul.f32 v24, v5;
	v58 =	vadd.f32 $1.000000000e+00, v57  }
0x3dc: {  	[tilespmem:s15+$0x70] =	vst v59;
	(erf) = vrcp.f32 v14  }
0x3dd: {  	[tilespmem:s4+$0xFFFFFF70] =	vst v16;
	(erf) = vrcp.f32 v58  }
0x3de: {  	[tilespmem:s4+$0xF0] =	vst v21  }
0x3df: {  	[tilespmem:s12+$0xF0] =	vst v5;
	v5 =	vpop (erf)  }
0x3e0: {  	v4 =	vld [tilespmem:s7+$0x200];
	[tilespmem:s4+$0xFFFFFFF0] =	vst v17;
	v5 =	vmul.f32 v5, v60  }
0x3e1: {  	v61 =	vld [tilespmem:s3+$0x200];
	[tilespmem:s4+$0x70] =	vst v11  }
0x3e2: {  	[tilespmem:s12+$0xFFFFFF70] =	vst v5  }
0x3e3: {  	s26 =	sld [smem:$0x7EA]  }
0x3e4: {  	s2 =	sld [smem:$0x7DB]  }
0x3e5: {  	v62 =	vpop (erf)  }
0x3e6: {  	v4 =	vmul.f32 v62, v4;
	v63 =	vpop (erf)  }
0x3e7: {  	s28 =	rddreg [dreg:$0x2];
	s0 =	sadd.s32 s26, s2;
	v5 =	vmul.f32 v63, v61  }
0x3e8: {  	s5 =	simm.s32 $0x100;
	s29 =	rddreg [dreg:$0x3];
	[tilespmem:s12+$0xFFFFFFF0] =	vst v4;
	s0 =	sshll.u32 s0, $0x4  }
0x3e9: {  	s7 =	simm.s32 $0x5200;
	s3 =	simm.s32 $0x0;
	s0 =	sadd.s32 s28, s0;
	[tilespmem:s12+$0x70] =	vst v5  }
0x3ea: {  	[hbm4b:s0+s3] =	stream.linear.scatter [tilespmem:s7], [sflag:$0x3], $0x1400, $0x38;
	[tilespmem:$0x1E200] =	vst v63  }
0x3eb: {  	s6 =	simm.s32 $0x28;
	s30 =	simm.s32 $0x7;
	s4 =	simm.s32 $0x7A00  }
0x3ec: {  	[spmem:s29] =	stream.indirect.scatter.add.f32 [tilespmem:s4], [sflag:$0x7], $0x80, s5, s6, $0xb8;
	[tilespmem:$0x1E200] =	vst v63  }
0x3ed: {  	_ =	swait.ge [sflag:s30], $0x1400  }
0x3ee: {  	s31 =	sld [smem:$0x7DA];
	_ =	sdelay $0x2  }
0x3ef: {  	p0 =	sne.s32 s31, $0x7C  }
.Ltmp4:
0x3f0: {  	_ = 	snop;
	(pc) =	sbr.rel @p0 .LBB2_8-.Ltmp4, $3  }
0x3f1: {  	_ =	sdelay $0x1  }
0x3f2: {  	[sflag:s30] =	ssyncset.done $0x0  }
0x3f3: {  	[sflag:s30] =	ssyncadd.s32 $0xFFFFEC00  }
.Ltmp5:
0x3f4: {  	(pc) =	sbr.rel .LBB2_9-.Ltmp5, $4  }
0x3f5: {  	s0 =	simm.s32 $0x3  }
0x3f6: {  	_ =	swait.ge [sflag:s0], $0x1400  }
0x3f7: {  	[sflag:s0] =	ssyncset.done $0x0  }
0x3f8: {  	[sflag:s0] =	ssyncadd.s32 $0xFFFFEC00  }
.LBB2_8:
0x3f9: {  	s0 =	sld [smem:$0x7E9];
	_ =	sdelay $0x1  }
0x3fa: {  	s19 =	sld [smem:$0x7E5]  }
0x3fb: {  	s0 =	sadd.s32 s2, s0  }
0x3fc: {  	s20 =	sld [smem:$0x7E7];
	s1 =	sshrl.u32 s0, $0x3  }
0x3fd: {  	s2 =	sadd.s32 s19, s1  }
0x3fe: {  	[tilespmem:s3], [sflag:$0x5] =	stream.linear.gather [hbm4b:s2+s3], $0x28, $0x38;
	[tilespmem:$0x1E200] =	vst v63  }
0x3ff: {  	s21 =	simm.s32 $0x3;
	s1 =	sadd.s32 s20, s1  }
0x400: {  	[tilespmem:s5], [sflag:$0x5] =	stream.linear.gather [hbm4b:s1+s3], $0x28, $0x38;
	[tilespmem:$0x1E200] =	vst v63  }
0x401: {  	_ =	swait.ge [sflag:s21], $0x1400  }
0x402: {  	[sflag:s21] =	ssyncset.done $0x0  }
0x403: {  	s22 =	simm.s32 $0x5;
	[sflag:s21] =	ssyncadd.s32 $0xFFFFEC00  }
0x404: {  	_ =	swait.ge [sflag:s22], $0x28  }
0x405: {  	[sflag:s22] =	ssyncset.done $0x0  }
0x406: {  	[sflag:s22] =	ssyncadd.s32 $0xFFFFFFD8  }
0x407: {  	_ =	swait.ge [sflag:s22], $0x28  }
0x408: {  	[sflag:s22] =	ssyncset.done $0x0  }
0x409: {  	[sflag:s22] =	ssyncadd.s32 $0xFFFFFFD8  }
0x40a: {  	v4 =	vld [tilespmem:$0x0];
	_ =	sdelay $0x4  }
0x40b: {  	v5 =	vshll.u32 v4, $0x1  }
0x40c: {  	v4 =	vand.u32 $0x7, v4;
	v5 =	vand.u32 $0xFFFFFFF0, v5  }
0x40d: {  	v4 =	vor.u32 v4, v5  }
0x40e: {  	v5 =	vperm.xlane v4, v1;
	_ =	sdelay $0x1  }
0x40f: {  	v4 =	vperm.xlane v4, v3;
	v5 =	vadd.s32 v2, v5;
	_ =	sdelay $0x1  }
0x410: {  	s23 =	sld [smem:$0x7DF];
	v4 =	vadd.s32 v2, v4;
	_ =	sdelay $0x1  }
0x411: {  	s24 =	simm.s32 $0x200  }
0x412: {  	[tilespmem:s24], [sflag:$0x1] =	stream.indirect_vreg.gather [hbm4b:s23+s3], $0x80, v5, vm0, $0xb8;
	[tilespmem:$0x1E200] =	vst v63  }
0x413: {  	s25 =	simm.s32 $0xA00  }
0x414: {  	[tilespmem:s25], [sflag:$0x1] =	stream.indirect_vreg.gather [hbm4b:s23+s3], $0x80, v4, vm0, $0xb8;
	[tilespmem:$0x1E200] =	vst v63  }
0x415: {  	v4 =	vld [tilespmem:$0x10];
	_ =	sdelay $0x4  }
0x416: {  	v5 =	vshll.u32 v4, $0x1  }
0x417: {  	v4 =	vand.u32 $0x7, v4;
	v5 =	vand.u32 $0xFFFFFFF0, v5  }
0x418: {  	v4 =	vor.u32 v4, v5  }
0x419: {  	v5 =	vperm.xlane v4, v1;
	_ =	sdelay $0x1  }
0x41a: {  	v4 =	vperm.xlane v4, v3;
	v5 =	vadd.s32 v2, v5;
	_ =	sdelay $0x1  }
0x41b: {  	v4 =	vadd.s32 v2, v4;
	_ =	sdelay $0x1  }
0x41c: {  	s26 =	simm.s32 $0x1200  }
0x41d: {  	[tilespmem:s26], [sflag:$0x1] =	stream.indirect_vreg.gather [hbm4b:s23+s3], $0x80, v5, vm0, $0xb8;
	[tilespmem:$0x1E200] =	vst v63  }
0x41e: {  	s28 =	simm.s32 $0x1A00  }
0x41f: {  	[tilespmem:s28], [sflag:$0x1] =	stream.indirect_vreg.gather [hbm4b:s23+s3], $0x80, v4, vm0, $0xb8;
	[tilespmem:$0x1E200] =	vst v63  }
0x420: {  	v4 =	vld.msk [tilespmem:$0x20], $0xff;
	_ =	sdelay $0x4  }
0x421: {  	v5 =	vshll.u32 v4, $0x1  }
0x422: {  	v4 =	vand.u32 $0x7, v4;
	v5 =	vand.u32 $0xFFFFFFF0, v5  }
0x423: {  	v4 =	vor.u32 v4, v5  }
0x424: {  	v4 =	vperm.xlane v4, v1;
	_ =	sdelay $0x1  }
0x425: {  	v4 =	vadd.s32 v2, v4;
	_ =	sdelay $0x3  }
0x426: {  	s29 =	simm.s32 $0x2200;
	s31 =	sld [smem:$0x7E3]  }
0x427: {  	[tilespmem:s29], [sflag:$0x1] =	stream.indirect_vreg.gather [hbm4b:s23+s3], $0x80, v4, vm0, $0xb8;
	[tilespmem:$0x1E200] =	vst v63  }
0x428: {  	s0 =	sshll.u32 s0, $0x4;
	s30 =	rddreg [dreg:$0x1]  }
0x429: {  	[tilespmem:s4], [sflag:$0x1] =	stream.indirect.gather [hbm4b:s30+s6], $0x80, s5, s6, $0xb8;
	[tilespmem:$0x1E200] =	vst v63  }
0x42a: {  	s0 =	sadd.s32 s31, s0  }
0x42b: {  	[tilespmem:s7], [sflag:$0x1] =	stream.linear.gather [hbm4b:s0+s3], $0x1400, $0x38;
	[tilespmem:$0x1E200] =	vst v63  }
.LBB2_9:
0x42c: {  	s1 =	simm.s32 $0x2  }
0x42d: {  	_ =	swait.ge [sflag:s1], $0x2800  }
0x42e: {  	[sflag:s1] =	ssyncset.done $0x0  }
0x42f: {  	[sflag:s1] =	ssyncadd.s32 $0xFFFFD800  }
0x430: {  	_ =	swait.ge [sflag:s1], $0x1400  }
0x431: {  	[sflag:s1] =	ssyncset.done $0x0  }
0x432: {  	[sflag:s1] =	ssyncadd.s32 $0xFFFFEC00  }
0x433: {  	s0 =	simm.s32 $0x0;
	s8 =	simm.s32 $0x180;
	_ =	swait.ge [sflag:s1], $0x1400  }
0x434: {  	s6 =	simm.s32 $0x8F00;
	s2 =	sand.u32 $0x3800, s0;
	[sflag:s1] =	ssyncset.done $0x0  }
0x435: {  	s2 =	sadd.s32 $0x2A00, s2;
	[sflag:s1] =	ssyncadd.s32 $0xFFFFEC00;
	s1 =	sand.u32 $0x380, s8  }
0x436: {  	s17 =	sadd.s32 s1, s2;
	v4 =	vld [tilespmem:s6+$0x80]  }
0x437: {  	v5 =	vld [tilespmem:s17+$0x0]  }
0x438: {  	s26 =	simm.s32 $0x6700;
	s4 =	simm.s32 $0x100  }
0x439: {  	s9 =	simm.s32 $0x0;
	s10 =	sand.u32 $0x300, s4;
	v6 =	vld [tilespmem:s26+$0x80]  }
0x43a: {  	s16 =	sadd.s32 s10, s2;
	v7 =	vld [tilespmem:s6+$0xFFFFFF00];
	s1 =	sand.u32 $0x200, s9  }
0x43b: {  	v9 =	vld [tilespmem:s16+$0x0];
	s13 =	sadd.s32 s1, s2  }
0x43c: {  	s3 =	simm.s32 $0x80;
	v8 =	vld [tilespmem:s13+$0x0];
	v4 =	vadd.f32 v4, v5  }
0x43d: {  	s3 =	sand.u32 $0x280, s3;
	v12 =	vld [tilespmem:s26+$0xFFFFFF00]  }
0x43e: {  	s14 =	sadd.s32 s3, s2;
	v5 =	vld [tilespmem:s6+$0xFFFFFF80];
	v4 =	vadd.f32 v6, v4  }
0x43f: {  	v6 =	vld [tilespmem:s14+$0x0]  }
0x440: {  	v11 =	vld [tilespmem:s6+$0x0];
	v10 =	vsub.f32 $0.0e+00, v4  }
0x441: {  	v13 =	vld [tilespmem:s26+$0xFFFFFF80];
	v7 =	vadd.f32 v7, v8  }
0x442: {  	v14 =	vld [tilespmem:s26+$0x0];
	v10 =	vmul.f32 $1.442695020e+00, v10  }
0x443: {  	v7 =	vadd.f32 v12, v7  }
0x444: {  	v5 =	vadd.f32 v5, v6;
	(erf) = vpow2.f32 v10  }
0x445: {  	v8 =	vsub.f32 $0.0e+00, v7;
	v6 =	vadd.f32 v11, v9  }
0x446: {  	v5 =	vadd.f32 v13, v5  }
0x447: {  	v8 =	vmul.f32 $1.442695020e+00, v8;
	v6 =	vadd.f32 v14, v6  }
0x448: {  	v9 =	vsub.f32 $0.0e+00, v5  }
0x449: {  	(erf) = vpow2.f32 v8;
	v10 =	vsub.f32 $0.0e+00, v6  }
0x44a: {  	v9 =	vmul.f32 $1.442695020e+00, v9;
	_ =	sdelay $0x1  }
0x44b: {  	v8 =	vmul.f32 $1.442695020e+00, v10;
	(erf) = vpow2.f32 v9  }
0x44c: {  	v10 =	vpop (erf)  }
0x44d: {  	(erf) = vpow2.f32 v8;
	v9 =	vadd.f32 $1.000000000e+00, v10;
	_ =	sdelay $0x2  }
0x44e: {  	s11 =	sand.u32 $0x7, s0;
	(erf) = vrcp.f32 v9  }
0x44f: {  	s1 =	sshll.u32 s11, $0x7;
	v9 =	vpop (erf)  }
0x450: {  	s1 =	sadd.s32 $0x0, s1;
	v9 =	vadd.f32 $1.000000000e+00, v9  }
0x451: {  	s19 =	sadd.s32 $0x180, s1  }
0x452: {  	p0 =	por $0x0, $0x0;
	s2 =	simm.s32 $0x1;
	s12 =	sor.u32 $0x400, s19;
	v10 =	vpop (erf);
	(erf) = vrcp.f32 v9  }
0x453: {  	s2 =	simm.s32 @!p0 $0x0;
	v8 =	vld [tilespmem:s12+$0x2A00];
	v10 =	vadd.f32 $1.000000000e+00, v10  }
0x454: {  	s2 =	sshll.u32 s2, $0x9;
	v11 =	vpop (erf)  }
0x455: {  	s5 =	sadd.s32 $0x0, s2;
	(erf) = vrcp.f32 v10;
	v10 =	vadd.f32 $1.000000000e+00, v11  }
0x456: {  	s2 =	sor.u32 $0x400, s5  }
0x457: {  	s0 =	sand.u32 $0x3, s0;
	s8 =	sadd.s32 $0x80, s1;
	[tilespmem:s26+$0x80] =	vst v4;
	v4 =	vld [tilespmem:s2+$0x2A00];
	v9 =	vpop (erf);
	(erf) = vrcp.f32 v10  }
0x458: {  	s0 =	sshll.u32 s0, $0x8;
	s1 =	sor.u32 $0x400, s8;
	v8 =	vmul.f32 v9, v8  }
0x459: {  	s0 =	sadd.s32 $0x0, s0;
	v10 =	vld [tilespmem:s1+$0x2A00]  }
0x45a: {  	s15 =	sadd.s32 $0x100, s0;
	[tilespmem:s6+$0x80] =	vst v8;
	v8 =	vld [tilespmem:s6+$0x90]  }
0x45b: {  	s0 =	sor.u32 $0x400, s15;
	[tilespmem:s26+$0xFFFFFF00] =	vst v7;
	v9 =	vld [tilespmem:s17+$0x10];
	v7 =	vpop (erf)  }
0x45c: {  	v12 =	vld [tilespmem:s0+$0x2A00];
	v4 =	vmul.f32 v7, v4  }
0x45d: {  	[tilespmem:s26+$0x0] =	vst v6;
	v11 =	vld [tilespmem:s26+$0x90]  }
0x45e: {  	v13 =	vld [tilespmem:s6+$0xFFFFFF10];
	[tilespmem:s26+$0xFFFFFF80] =	vst v5;
	v6 =	vpop (erf)  }
0x45f: {  	v5 =	vmul.f32 v6, v10;
	v6 =	vld [tilespmem:s6+$0xFFFFFF90]  }
0x460: {  	[tilespmem:s6+$0xFFFFFF00] =	vst v4;
	v7 =	vadd.f32 v8, v9;
	v8 =	vld [tilespmem:s6+$0x10];
	v4 =	vpop (erf)  }
0x461: {  	v9 =	vld [tilespmem:s13+$0x10];
	[tilespmem:s6+$0xFFFFFF80] =	vst v5;
	v4 =	vmul.f32 v4, v12  }
0x462: {  	v7 =	vadd.f32 v11, v7;
	v5 =	vld [tilespmem:s14+$0x10]  }
0x463: {  	v11 =	vld [tilespmem:s26+$0xFFFFFF10];
	[tilespmem:s6+$0x0] =	vst v4  }
0x464: {  	v10 =	vsub.f32 $0.0e+00, v7;
	v4 =	vld [tilespmem:s16+$0x10];
	_ =	sdelay $0x1  }
0x465: {  	v14 =	vld [tilespmem:s26+$0x10];
	v10 =	vmul.f32 $1.442695020e+00, v10  }
0x466: {  	v12 =	vld [tilespmem:s26+$0xFFFFFF90];
	v9 =	vadd.f32 v13, v9  }
0x467: {  	v5 =	vadd.f32 v6, v5;
	(erf) = vpow2.f32 v10  }
0x468: {  	v6 =	vadd.f32 v11, v9;
	v4 =	vadd.f32 v8, v4;
	_ =	sdelay $0x1  }
0x469: {  	v8 =	vsub.f32 $0.0e+00, v6;
	v4 =	vadd.f32 v14, v4  }
0x46a: {  	v5 =	vadd.f32 v12, v5  }
0x46b: {  	v8 =	vmul.f32 $1.442695020e+00, v8;
	v10 =	vsub.f32 $0.0e+00, v4  }
0x46c: {  	v9 =	vsub.f32 $0.0e+00, v5  }
0x46d: {  	(erf) = vpow2.f32 v8  }
0x46e: {  	v9 =	vmul.f32 $1.442695020e+00, v9  }
0x46f: {  	v8 =	vmul.f32 $1.442695020e+00, v10;
	v10 =	vpop (erf)  }
0x470: {  	(erf) = vpow2.f32 v9;
	v9 =	vadd.f32 $1.000000000e+00, v10  }
0x471: {  	(erf) = vpow2.f32 v8  }
0x472: {  	(erf) = vrcp.f32 v9;
	_ =	sdelay $0x3  }
0x473: {  	s18 =	sor.u32 $0x410, s19;
	v9 =	vpop (erf)  }
0x474: {  	v8 =	vld [tilespmem:s18+$0x2A00];
	v9 =	vadd.f32 $1.000000000e+00, v9;
	_ =	sdelay $0x1  }
0x475: {  	v10 =	vpop (erf)  }
0x476: {  	(erf) = vrcp.f32 v9;
	v11 =	vpop (erf)  }
0x477: {  	v10 =	vadd.f32 $1.000000000e+00, v10;
	v9 =	vpop (erf)  }
0x478: {  	s20 =	sor.u32 $0x410, s5;
	v8 =	vmul.f32 v9, v8  }
0x479: {  	[tilespmem:s26+$0x90] =	vst v7;
	v7 =	vld [tilespmem:s20+$0x2A00];
	(erf) = vrcp.f32 v10;
	v10 =	vadd.f32 $1.000000000e+00, v11  }
0x47a: {  	[tilespmem:s6+$0x90] =	vst v8;
	v8 =	vld [tilespmem:s6+$0xA0]  }
0x47b: {  	(erf) = vrcp.f32 v10;
	v9 =	vld [tilespmem:s17+$0x20];
	_ =	sdelay $0x1  }
0x47c: {  	s21 =	sor.u32 $0x410, s8  }
0x47d: {  	v10 =	vld [tilespmem:s21+$0x2A00]  }
0x47e: {  	s22 =	sor.u32 $0x410, s15;
	[tilespmem:s26+$0xFFFFFF10] =	vst v6;
	v11 =	vld [tilespmem:s26+$0xA0];
	v6 =	vpop (erf)  }
0x47f: {  	v12 =	vld [tilespmem:s22+$0x2A00];
	[tilespmem:s26+$0xFFFFFF90] =	vst v5;
	v5 =	vmul.f32 v6, v7;
	v7 =	vadd.f32 v8, v9;
	_ =	sdelay $0x1  }
0x480: {  	[tilespmem:s26+$0x10] =	vst v4;
	v13 =	vld [tilespmem:s6+$0xFFFFFF20];
	v6 =	vpop (erf)  }
0x481: {  	v4 =	vmul.f32 v6, v10;
	v6 =	vld [tilespmem:s6+$0x20]  }
0x482: {  	[tilespmem:s6+$0xFFFFFF10] =	vst v5;
	v8 =	vld [tilespmem:s6+$0xFFFFFFA0];
	v5 =	vadd.f32 v11, v7;
	v7 =	vpop (erf)  }
0x483: {  	v9 =	vld [tilespmem:s13+$0x20];
	[tilespmem:s6+$0xFFFFFF90] =	vst v4;
	v4 =	vmul.f32 v7, v12  }
0x484: {  	v11 =	vld [tilespmem:s26+$0xFFFFFF20]  }
0x485: {  	v7 =	vld [tilespmem:s14+$0x20];
	[tilespmem:s6+$0x10] =	vst v4  }
0x486: {  	v10 =	vsub.f32 $0.0e+00, v5;
	v4 =	vld [tilespmem:s16+$0x20]  }
0x487: {  	v12 =	vld [tilespmem:s26+$0xFFFFFFA0]  }
0x488: {  	v10 =	vmul.f32 $1.442695020e+00, v10;
	v14 =	vld [tilespmem:s26+$0x20]  }
0x489: {  	v9 =	vadd.f32 v13, v9  }
0x48a: {  	(erf) = vpow2.f32 v10;
	v7 =	vadd.f32 v8, v7  }
0x48b: {  	v8 =	vadd.f32 v11, v9;
	v4 =	vadd.f32 v6, v4  }
0x48c: {  	v6 =	vadd.f32 v12, v7  }
0x48d: {  	v7 =	vsub.f32 $0.0e+00, v8;
	v4 =	vadd.f32 v14, v4;
	_ =	sdelay $0x1  }
0x48e: {  	v9 =	vsub.f32 $0.0e+00, v6;
	v7 =	vmul.f32 $1.442695020e+00, v7;
	v10 =	vsub.f32 $0.0e+00, v4;
	_ =	sdelay $0x1  }
0x48f: {  	v9 =	vmul.f32 $1.442695020e+00, v9;
	(erf) = vpow2.f32 v7;
	_ =	sdelay $0x1  }
0x490: {  	v7 =	vmul.f32 $1.442695020e+00, v10;
	(erf) = vpow2.f32 v9;
	v10 =	vpop (erf)  }
0x491: {  	v9 =	vadd.f32 $1.000000000e+00, v10  }
0x492: {  	(erf) = vpow2.f32 v7  }
0x493: {  	(erf) = vrcp.f32 v9;
	_ =	sdelay $0x3  }
0x494: {  	s23 =	sor.u32 $0x420, s19;
	v9 =	vpop (erf)  }
0x495: {  	v7 =	vld [tilespmem:s23+$0x2A00];
	v9 =	vadd.f32 $1.000000000e+00, v9  }
0x496: {  	v10 =	vpop (erf)  }
0x497: {  	(erf) = vrcp.f32 v9;
	v10 =	vadd.f32 $1.000000000e+00, v10  }
0x498: {  	v11 =	vpop (erf)  }
0x499: {  	(erf) = vrcp.f32 v10;
	v9 =	vpop (erf)  }
0x49a: {  	s24 =	sor.u32 $0x420, s5;
	v7 =	vmul.f32 v9, v7  }
0x49b: {  	[tilespmem:s26+$0xA0] =	vst v5;
	v5 =	vld [tilespmem:s24+$0x2A00]  }
0x49c: {  	[tilespmem:s6+$0xA0] =	vst v7;
	v7 =	vld [tilespmem:s6+$0xB0]  }
0x49d: {  	s25 =	sor.u32 $0x420, s8;
	v9 =	vld [tilespmem:s17+$0x30]  }
0x49e: {  	v12 =	vld [tilespmem:s25+$0x2A00]  }
0x49f: {  	v10 =	vld [tilespmem:s26+$0xB0]  }
0x4a0: {  	v13 =	vpop (erf)  }
0x4a1: {  	[tilespmem:s26+$0xFFFFFF20] =	vst v8;
	v5 =	vmul.f32 v13, v5  }
0x4a2: {  	[tilespmem:s26+$0xFFFFFFA0] =	vst v6;
	v8 =	vld [tilespmem:s6+$0xFFFFFF30];
	v7 =	vadd.f32 v7, v9;
	v9 =	vpop (erf)  }
0x4a3: {  	[tilespmem:s6+$0xFFFFFF20] =	vst v5;
	v6 =	vmul.f32 v9, v12;
	v9 =	vld [tilespmem:s6+$0xFFFFFFB0]  }
0x4a4: {  	v5 =	vadd.f32 v10, v7;
	v7 =	vld [tilespmem:s13+$0x30]  }
0x4a5: {  	[tilespmem:s6+$0xFFFFFFA0] =	vst v6;
	v6 =	vld [tilespmem:s26+$0xFFFFFF30]  }
0x4a6: {  	v11 =	vadd.f32 $1.000000000e+00, v11;
	v10 =	vsub.f32 $0.0e+00, v5;
	v12 =	vld [tilespmem:s14+$0x30];
	_ =	sdelay $0x1  }
0x4a7: {  	s3 =	simm.s32 $0x400;
	(erf) = vrcp.f32 v11;
	v11 =	vld [tilespmem:s26+$0xFFFFFFB0];
	v10 =	vmul.f32 $1.442695020e+00, v10  }
0x4a8: {  	s7 =	sand.u32 $0x3800, s3;
	v7 =	vadd.f32 v8, v7  }
0x4a9: {  	s4 =	smov.u32 s15;
	s9 =	simm.s32 $0x380;
	s1 =	sor.u32 $0x420, s15;
	(erf) = vpow2.f32 v10  }
0x4aa: {  	s0 =	sadd.s32 $0x2A00, s7;
	s15 =	simm.s32 $0x9100;
	v8 =	vld [tilespmem:s1+$0x2A00];
	s1 =	sand.u32 $0x380, s9;
	v6 =	vadd.f32 v6, v7;
	v7 =	vadd.f32 v9, v12  }
0x4ab: {  	s28 =	sadd.s32 s1, s0;
	v9 =	vld [tilespmem:s15+$0x80]  }
0x4ac: {  	v12 =	vld [tilespmem:s28+$0x0];
	v7 =	vadd.f32 v11, v7  }
0x4ad: {  	s20 =	simm.s32 $0x6900  }
0x4ae: {  	s10 =	simm.s32 $0x200;
	v14 =	vld [tilespmem:s20+$0x80];
	v13 =	vsub.f32 $0.0e+00, v6;
	v15 =	vsub.f32 $0.0e+00, v7  }
0x4af: {  	s11 =	simm.s32 $0x280;
	v19 =	vld [tilespmem:s20+$0xFFFFFF00];
	s1 =	sand.u32 $0x200, s10  }
0x4b0: {  	s2 =	sand.u32 $0x280, s11;
	v10 =	vld [tilespmem:s15+$0xFFFFFF00];
	s24 =	sadd.s32 s1, s0;
	v13 =	vmul.f32 $1.442695020e+00, v13  }
0x4b1: {  	v17 =	vpop (erf);
	s9 =	sadd.s32 s2, s0;
	v16 =	vld [tilespmem:s24+$0x0];
	v9 =	vadd.f32 v9, v12  }
0x4b2: {  	v18 =	vld [tilespmem:s9+$0x0];
	(erf) = vpow2.f32 v13;
	v13 =	vmul.f32 $1.442695020e+00, v15;
	v15 =	vpop (erf)  }
0x4b3: {  	s12 =	simm.s32 $0x300;
	v11 =	vld [tilespmem:s15+$0xFFFFFF80];
	v9 =	vadd.f32 v14, v9;
	v15 =	vadd.f32 $1.000000000e+00, v15  }
0x4b4: {  	s18 =	sand.u32 $0x300, s12;
	[tilespmem:s26+$0x20] =	vst v4;
	v4 =	vld [tilespmem:s15+$0x0];
	(erf) = vpow2.f32 v13  }
0x4b5: {  	s12 =	sadd.s32 s18, s0;
	v13 =	vld [tilespmem:s20+$0xFFFFFF80];
	(erf) = vrcp.f32 v15;
	v15 =	vsub.f32 $0.0e+00, v9  }
0x4b6: {  	v12 =	vld [tilespmem:s12+$0x0];
	v10 =	vadd.f32 v10, v16  }
0x4b7: {  	v15 =	vmul.f32 $1.442695020e+00, v15  }
0x4b8: {  	p0 =	por !p0, !p0;
	s2 =	simm.s32 $0x1;
	v11 =	vadd.f32 v11, v18;
	v10 =	vadd.f32 v19, v10  }
0x4b9: {  	s2 =	simm.s32 @!p0 $0x0;
	v18 =	vld [tilespmem:s20+$0x0];
	(erf) = vpow2.f32 v15  }
0x4ba: {  	s21 =	simm.s32 $0x2;
	s25 =	sshll.u32 s2, $0x9;
	v11 =	vadd.f32 v13, v11;
	v13 =	vsub.f32 $0.0e+00, v10  }
0x4bb: {  	s0 =	sand.u32 $0x3, s21;
	s2 =	sor.u32 $0x430, s19;
	s18 =	sadd.s32 $0x400, s25;
	v8 =	vmul.f32 v17, v8;
	v4 =	vadd.f32 v4, v12;
	v12 =	vpop (erf)  }
0x4bc: {  	s0 =	sshll.u32 s0, $0x8;
	s11 =	sor.u32 $0x400, s18;
	v15 =	vld [tilespmem:s2+$0x2A00];
	v13 =	vmul.f32 $1.442695020e+00, v13;
	v12 =	vadd.f32 $1.000000000e+00, v12  }
0x4bd: {  	s22 =	sor.u32 $0x430, s5;
	s0 =	sadd.s32 $0x400, s0;
	[tilespmem:s6+$0x20] =	vst v8;
	v8 =	vld [tilespmem:s11+$0x2A00];
	v20 =	vsub.f32 $0.0e+00, v11  }
0x4be: {  	s7 =	sadd.s32 $0x100, s0;
	v16 =	vld [tilespmem:s22+$0x2A00];
	v4 =	vadd.f32 v18, v4;
	(erf) = vrcp.f32 v12  }
0x4bf: {  	s10 =	sor.u32 $0x400, s7;
	v14 =	vld [tilespmem:s6+$0x30];
	[tilespmem:s20+$0xFFFFFF00] =	vst v10;
	v10 =	vpop (erf);
	v18 =	vmul.f32 $1.442695020e+00, v20  }
0x4c0: {  	v19 =	vld [tilespmem:s10+$0x2A00];
	[tilespmem:s20+$0x0] =	vst v4;
	v4 =	vsub.f32 $0.0e+00, v4;
	(erf) = vpow2.f32 v13;
	v13 =	vpop (erf)  }
0x4c1: {  	[tilespmem:s26+$0xFFFFFF30] =	vst v6;
	v20 =	vld [tilespmem:s16+$0x30];
	v10 =	vadd.f32 $1.000000000e+00, v10;
	(erf) = vpow2.f32 v18;
	v13 =	vmul.f32 v13, v15  }
0x4c2: {  	v21 =	vld [tilespmem:s26+$0x30];
	[tilespmem:s26+$0xB0] =	vst v5;
	v4 =	vmul.f32 $1.442695020e+00, v4;
	v6 =	vpop (erf)  }
0x4c3: {  	s22 =	simm.s32 $0x4;
	(erf) = vrcp.f32 v10;
	[tilespmem:s6+$0xB0] =	vst v13;
	v13 =	vld [tilespmem:s6+$0xC0];
	v6 =	vadd.f32 $1.000000000e+00, v6  }
0x4c4: {  	s23 =	sor.u32 $0x430, s8;
	s0 =	sand.u32 $0x7, s22;
	(erf) = vpow2.f32 v4;
	v4 =	vld [tilespmem:s17+$0x40]  }
0x4c5: {  	v17 =	vld [tilespmem:s23+$0x2A00];
	s0 =	sshll.u32 s0, $0x7  }
0x4c6: {  	[tilespmem:s26+$0xFFFFFFB0] =	vst v7;
	s0 =	sadd.s32 $0x400, s0;
	v10 =	vadd.f32 v14, v20;
	v7 =	vld [tilespmem:s26+$0xC0]  }
0x4c7: {  	s11 =	sadd.s32 $0x180, s0;
	(erf) = vrcp.f32 v6;
	v6 =	vpop (erf)  }
0x4c8: {  	s23 =	sor.u32 $0x400, s11;
	v10 =	vadd.f32 v21, v10;
	v6 =	vmul.f32 v6, v16  }
0x4c9: {  	s21 =	sor.u32 $0x430, s4;
	v22 =	vld [tilespmem:s23+$0x2A00];
	v4 =	vadd.f32 v13, v4;
	v20 =	vpop (erf)  }
0x4ca: {  	s22 =	sadd.s32 $0x80, s0;
	v5 =	vld [tilespmem:s21+$0x2A00];
	[tilespmem:s26+$0x30] =	vst v10;
	v10 =	vsub.f32 $0.0e+00, v10;
	v21 =	vpop (erf);
	v13 =	vadd.f32 $1.000000000e+00, v20  }
0x4cb: {  	s25 =	sor.u32 $0x400, s22;
	v14 =	vld [tilespmem:s6+$0xFFFFFF40];
	v4 =	vadd.f32 v7, v4;
	v21 =	vadd.f32 $1.000000000e+00, v21  }
0x4cc: {  	v10 =	vmul.f32 $1.442695020e+00, v10;
	v20 =	vld [tilespmem:s25+$0x2A00];
	[tilespmem:s6+$0xFFFFFF30] =	vst v6;
	(erf) = vrcp.f32 v13;
	v6 =	vpop (erf)  }
0x4cd: {  	[tilespmem:s20+$0xFFFFFF80] =	vst v11;
	v11 =	vsub.f32 $0.0e+00, v4;
	v13 =	vld [tilespmem:s13+$0x40];
	(erf) = vrcp.f32 v21;
	v6 =	vmul.f32 v6, v17  }
0x4ce: {  	v12 =	vld [tilespmem:s15+$0xFFFFFF10];
	v7 =	vpop (erf)  }
0x4cf: {  	v18 =	vld [tilespmem:s6+$0xFFFFFFC0];
	(erf) = vpow2.f32 v10;
	v7 =	vadd.f32 $1.000000000e+00, v7;
	[tilespmem:s6+$0xFFFFFFB0] =	vst v6  }
0x4d0: {  	v6 =	vld [tilespmem:s14+$0x40]  }
0x4d1: {  	v10 =	vmul.f32 $1.442695020e+00, v11;
	v11 =	vpop (erf);
	(erf) = vrcp.f32 v7;
	v7 =	vld [tilespmem:s26+$0xFFFFFF40]  }
0x4d2: {  	[tilespmem:s20+$0x80] =	vst v9;
	v15 =	vld [tilespmem:s15+$0x10];
	v9 =	vadd.f32 v14, v13  }
0x4d3: {  	v11 =	vmul.f32 v11, v22;
	v17 =	vld [tilespmem:s26+$0xFFFFFFC0]  }
0x4d4: {  	v16 =	vld [tilespmem:s6+$0x40];
	(erf) = vpow2.f32 v10  }
0x4d5: {  	v10 =	vld [tilespmem:s15+$0x90];
	[tilespmem:s15+$0x80] =	vst v11;
	v13 =	vpop (erf)  }
0x4d6: {  	v11 =	vld [tilespmem:s28+$0x10];
	v6 =	vadd.f32 v18, v6;
	v7 =	vadd.f32 v7, v9;
	v9 =	vpop (erf)  }
0x4d7: {  	v8 =	vmul.f32 v13, v8;
	v9 =	vmul.f32 v9, v20  }
0x4d8: {  	v13 =	vld [tilespmem:s20+$0x90];
	v6 =	vadd.f32 v17, v6;
	v17 =	vpop (erf)  }
0x4d9: {  	[tilespmem:s15+$0xFFFFFF00] =	vst v8;
	v17 =	vadd.f32 $1.000000000e+00, v17  }
0x4da: {  	v14 =	vsub.f32 $0.0e+00, v7;
	v20 =	vld [tilespmem:s24+$0x10]  }
0x4db: {  	[tilespmem:s15+$0xFFFFFF80] =	vst v9;
	v10 =	vadd.f32 v10, v11;
	v8 =	vsub.f32 $0.0e+00, v6;
	v9 =	vpop (erf)  }
0x4dc: {  	v14 =	vmul.f32 $1.442695020e+00, v14;
	v9 =	vmul.f32 v9, v19;
	v19 =	vld [tilespmem:s20+$0xFFFFFF10]  }
0x4dd: {  	v18 =	vld [tilespmem:s15+$0xFFFFFF90];
	(erf) = vrcp.f32 v17;
	v8 =	vmul.f32 $1.442695020e+00, v8;
	v10 =	vadd.f32 v13, v10;
	v17 =	vpop (erf)  }
0x4de: {  	v11 =	vld [tilespmem:s9+$0x10];
	(erf) = vpow2.f32 v14;
	v14 =	vadd.f32 $1.000000000e+00, v17  }
0x4df: {  	(erf) = vpow2.f32 v8;
	[tilespmem:s15+$0x0] =	vst v9;
	v9 =	vsub.f32 $0.0e+00, v10;
	v12 =	vadd.f32 v12, v20  }
0x4e0: {  	v8 =	vld [tilespmem:s20+$0xFFFFFF90];
	(erf) = vrcp.f32 v14  }
0x4e1: {  	v13 =	vld [tilespmem:s12+$0x10];
	v9 =	vmul.f32 $1.442695020e+00, v9;
	v12 =	vadd.f32 v19, v12;
	_ =	sdelay $0x1  }
0x4e2: {  	v11 =	vadd.f32 v18, v11;
	v14 =	vld [tilespmem:s20+$0x10];
	(erf) = vpow2.f32 v9;
	v9 =	vsub.f32 $0.0e+00, v12  }
0x4e3: {  	s1 =	sor.u32 $0x440, s19  }
0x4e4: {  	v8 =	vadd.f32 v8, v11;
	v11 =	vld [tilespmem:s1+$0x2A00];
	v9 =	vmul.f32 $1.442695020e+00, v9  }
0x4e5: {  	v17 =	vpop (erf);
	v13 =	vadd.f32 v15, v13  }
0x4e6: {  	v18 =	vpop (erf)  }
0x4e7: {  	v15 =	vsub.f32 $0.0e+00, v8;
	v13 =	vadd.f32 v14, v13;
	v14 =	vpop (erf)  }
0x4e8: {  	v5 =	vmul.f32 v17, v5;
	(erf) = vpow2.f32 v9;
	v9 =	vpop (erf)  }
0x4e9: {  	v15 =	vmul.f32 $1.442695020e+00, v15;
	v9 =	vmul.f32 v9, v11;
	v11 =	vadd.f32 $1.000000000e+00, v14  }
0x4ea: {  	v17 =	vadd.f32 $1.000000000e+00, v18;
	[tilespmem:s6+$0x30] =	vst v5  }
0x4eb: {  	(erf) = vpow2.f32 v15;
	v14 =	vld [tilespmem:s16+$0x40]  }
0x4ec: {  	v5 =	vsub.f32 $0.0e+00, v13;
	(erf) = vrcp.f32 v17  }
0x4ed: {  	(erf) = vrcp.f32 v11;
	v11 =	vpop (erf)  }
0x4ee: {  	[tilespmem:s26+$0xC0] =	vst v4;
	v4 =	vld [tilespmem:s26+$0x40];
	v5 =	vmul.f32 $1.442695020e+00, v5;
	v11 =	vadd.f32 $1.000000000e+00, v11  }
0x4ef: {  	[tilespmem:s6+$0xC0] =	vst v9;
	v9 =	vld [tilespmem:s6+$0xD0]  }
0x4f0: {  	(erf) = vpow2.f32 v5;
	v5 =	vld [tilespmem:s17+$0x50];
	[smem:$0x7C4] =	sst s5;
	v14 =	vadd.f32 v16, v14  }
0x4f1: {  	s2 =	sor.u32 $0x440, s5;
	v15 =	vld [tilespmem:s26+$0xD0]  }
0x4f2: {  	v16 =	vld [tilespmem:s2+$0x2A00];
	(erf) = vrcp.f32 v11;
	v11 =	vpop (erf)  }
0x4f3: {  	v11 =	vadd.f32 $1.000000000e+00, v11  }
0x4f4: {  	s3 =	sor.u32 $0x440, s8;
	v4 =	vadd.f32 v4, v14;
	v14 =	vpop (erf)  }
0x4f5: {  	s10 =	sor.u32 $0x410, s18;
	[tilespmem:s26+$0xFFFFFF40] =	vst v7;
	v7 =	vld [tilespmem:s3+$0x2A00];
	v5 =	vadd.f32 v9, v5;
	v14 =	vadd.f32 $1.000000000e+00, v14  }
0x4f6: {  	s25 =	sor.u32 $0x410, s7;
	v18 =	vld [tilespmem:s10+$0x2A00];
	v17 =	vsub.f32 $0.0e+00, v4;
	v19 =	vpop (erf);
	(erf) = vrcp.f32 v11  }
0x4f7: {  	v21 =	vld [tilespmem:s25+$0x2A00];
	v5 =	vadd.f32 v15, v5;
	v16 =	vmul.f32 v19, v16;
	v11 =	vpop (erf);
	(erf) = vrcp.f32 v14  }
0x4f8: {  	s21 =	sor.u32 $0x410, s11;
	v9 =	vld [tilespmem:s6+$0xFFFFFF50]  }
0x4f9: {  	v15 =	vld [tilespmem:s21+$0x2A00];
	v17 =	vmul.f32 $1.442695020e+00, v17;
	v20 =	vsub.f32 $0.0e+00, v5;
	[tilespmem:s6+$0xFFFFFF40] =	vst v16;
	v14 =	vpop (erf)  }
0x4fa: {  	[tilespmem:s26+$0xFFFFFFC0] =	vst v6;
	v7 =	vmul.f32 v11, v7;
	v6 =	vld [tilespmem:s13+$0x50];
	v11 =	vadd.f32 $1.000000000e+00, v14  }
0x4fb: {  	s23 =	sor.u32 $0x410, s22;
	[tilespmem:s20+$0xFFFFFF10] =	vst v12;
	v12 =	vld [tilespmem:s6+$0xFFFFFFD0];
	(erf) = vpow2.f32 v17;
	v14 =	vmul.f32 $1.442695020e+00, v20  }
0x4fc: {  	v19 =	vld [tilespmem:s23+$0x2A00];
	(erf) = vrcp.f32 v11  }
0x4fd: {  	[tilespmem:s20+$0xFFFFFF90] =	vst v8;
	v16 =	vpop (erf);
	v11 =	vld [tilespmem:s26+$0xFFFFFF50];
	(erf) = vpow2.f32 v14  }
0x4fe: {  	[tilespmem:s6+$0xFFFFFFC0] =	vst v7;
	v7 =	vmul.f32 v16, v15;
	v15 =	vld [tilespmem:s15+$0xFFFFFFA0]  }
0x4ff: {  	[tilespmem:s20+$0x90] =	vst v10;
	v10 =	vld [tilespmem:s14+$0x50];
	v6 =	vadd.f32 v9, v6;
	v9 =	vpop (erf)  }
0x500: {  	v14 =	vld [tilespmem:s15+$0xFFFFFF20];
	v16 =	vpop (erf)  }
0x501: {  	[tilespmem:s15+$0x90] =	vst v7;
	v7 =	vld [tilespmem:s15+$0xA0];
	v16 =	vmul.f32 v16, v19  }
0x502: {  	v8 =	vld [tilespmem:s28+$0x20];
	v9 =	vmul.f32 v9, v18;
	v11 =	vadd.f32 v11, v6  }
0x503: {  	v6 =	vld [tilespmem:s26+$0xFFFFFFD0]  }
0x504: {  	v17 =	vld [tilespmem:s20+$0xA0];
	v18 =	vpop (erf);
	[tilespmem:s15+$0xFFFFFF10] =	vst v9;
	v9 =	vsub.f32 $0.0e+00, v11  }
0x505: {  	v18 =	vadd.f32 $1.000000000e+00, v18;
	v19 =	vld [tilespmem:s24+$0x20];
	[tilespmem:s15+$0xFFFFFF90] =	vst v16;
	v16 =	vpop (erf)  }
0x506: {  	[tilespmem:s20+$0x10] =	vst v13;
	v10 =	vadd.f32 v12, v10;
	v13 =	vld [tilespmem:s20+$0xFFFFFF20];
	v9 =	vmul.f32 $1.442695020e+00, v9;
	v12 =	vpop (erf);
	v16 =	vmul.f32 v16, v21  }
0x507: {  	v7 =	vadd.f32 v7, v8;
	v8 =	vld [tilespmem:s9+$0x20];
	(erf) = vrcp.f32 v18;
	v12 =	vadd.f32 $1.000000000e+00, v12  }
0x508: {  	v18 =	vld [tilespmem:s15+$0x20];
	v10 =	vadd.f32 v6, v10;
	(erf) = vpow2.f32 v9;
	[tilespmem:s15+$0x10] =	vst v16  }
0x509: {  	v6 =	vld [tilespmem:s20+$0xFFFFFFA0];
	v9 =	vadd.f32 v17, v7;
	(erf) = vrcp.f32 v12;
	[smem:$0x7C5] =	sst s4  }
0x50a: {  	s3 =	sor.u32 $0x440, s4;
	v7 =	vsub.f32 $0.0e+00, v10;
	v12 =	vadd.f32 v14, v19;
	v14 =	vld [tilespmem:s12+$0x20]  }
0x50b: {  	v17 =	vsub.f32 $0.0e+00, v9;
	v16 =	vld [tilespmem:s3+$0x2A00]  }
0x50c: {  	v7 =	vmul.f32 $1.442695020e+00, v7;
	v8 =	vadd.f32 v15, v8;
	v12 =	vadd.f32 v13, v12;
	v13 =	vld [tilespmem:s20+$0x20]  }
0x50d: {  	s21 =	smov.u32 s4;
	s4 =	sor.u32 $0x450, s19;
	v15 =	vmul.f32 $1.442695020e+00, v17  }
0x50e: {  	(erf) = vpow2.f32 v7;
	v8 =	vadd.f32 v6, v8;
	v7 =	vld [tilespmem:s4+$0x2A00];
	v6 =	vsub.f32 $0.0e+00, v12  }
0x50f: {  	v14 =	vadd.f32 v18, v14  }
0x510: {  	(erf) = vpow2.f32 v15;
	v15 =	vsub.f32 $0.0e+00, v8;
	v17 =	vpop (erf);
	v18 =	vmul.f32 $1.442695020e+00, v6  }
0x511: {  	[tilespmem:s26+$0x40] =	vst v4;
	v4 =	vmul.f32 v17, v16;
	v6 =	vadd.f32 v13, v14;
	v13 =	vpop (erf)  }
0x512: {  	v15 =	vmul.f32 $1.442695020e+00, v15;
	(erf) = vpow2.f32 v18;
	v16 =	vpop (erf)  }
0x513: {  	[tilespmem:s6+$0x40] =	vst v4;
	v4 =	vadd.f32 $1.000000000e+00, v13;
	v13 =	vsub.f32 $0.0e+00, v6;
	v7 =	vmul.f32 v16, v7  }
0x514: {  	v14 =	vld [tilespmem:s6+$0x50];
	(erf) = vpow2.f32 v15  }
0x515: {  	v15 =	vld [tilespmem:s16+$0x50];
	(erf) = vrcp.f32 v4;
	v4 =	vmul.f32 $1.442695020e+00, v13  }
0x516: {  	[tilespmem:s26+$0xD0] =	vst v5;
	v5 =	vld [tilespmem:s26+$0x50]  }
0x517: {  	[tilespmem:s6+$0xD0] =	vst v7;
	v13 =	vld [tilespmem:s6+$0xE0];
	v7 =	vpop (erf);
	(erf) = vpow2.f32 v4  }
0x518: {  	s10 =	sor.u32 $0x450, s5;
	v4 =	vld [tilespmem:s17+$0x60]  }
0x519: {  	v18 =	vld [tilespmem:s10+$0x2A00];
	v16 =	vpop (erf)  }
0x51a: {  	v17 =	vld [tilespmem:s26+$0xE0];
	v14 =	vadd.f32 v14, v15;
	v16 =	vadd.f32 $1.000000000e+00, v16  }
0x51b: {  	v15 =	vadd.f32 $1.000000000e+00, v7  }
0x51c: {  	v7 =	vadd.f32 v5, v14;
	v5 =	vpop (erf);
	(erf) = vrcp.f32 v16  }
0x51d: {  	v5 =	vadd.f32 $1.000000000e+00, v5;
	v4 =	vadd.f32 v13, v4;
	(erf) = vrcp.f32 v15;
	v13 =	vpop (erf)  }
0x51e: {  	[tilespmem:s26+$0xFFFFFF50] =	vst v11;
	v11 =	vsub.f32 $0.0e+00, v7;
	v14 =	vpop (erf)  }
0x51f: {  	s25 =	sor.u32 $0x450, s8;
	(erf) = vrcp.f32 v5;
	v15 =	vadd.f32 v17, v4;
	v4 =	vld [tilespmem:s6+$0xFFFFFF60];
	v5 =	vmul.f32 v14, v18  }
0x520: {  	s23 =	sor.u32 $0x420, s11;
	v13 =	vadd.f32 $1.000000000e+00, v13;
	v18 =	vld [tilespmem:s25+$0x2A00];
	[tilespmem:s26+$0xFFFFFFD0] =	vst v10;
	v16 =	vpop (erf)  }
0x521: {  	v11 =	vmul.f32 $1.442695020e+00, v11;
	v14 =	vld [tilespmem:s23+$0x2A00];
	[tilespmem:s6+$0xFFFFFF50] =	vst v5;
	v5 =	vadd.f32 $1.000000000e+00, v16  }
0x522: {  	[tilespmem:s20+$0xA0] =	vst v9;
	(erf) = vrcp.f32 v13;
	v9 =	vld [tilespmem:s6+$0xFFFFFFE0];
	v17 =	vsub.f32 $0.0e+00, v15  }
0x523: {  	s1 =	sor.u32 $0x420, s18;
	(erf) = vpow2.f32 v11;
	v11 =	vld [tilespmem:s13+$0x60]  }
0x524: {  	v16 =	vld [tilespmem:s1+$0x2A00];
	v13 =	vmul.f32 $1.442695020e+00, v17  }
0x525: {  	v10 =	vld [tilespmem:s26+$0xFFFFFF60];
	[tilespmem:s20+$0xFFFFFF20] =	vst v12;
	(erf) = vrcp.f32 v5;
	v5 =	vpop (erf)  }
0x526: {  	s3 =	sor.u32 $0x420, s22;
	v12 =	vld [tilespmem:s15+$0xFFFFFF30];
	(erf) = vpow2.f32 v13;
	v5 =	vmul.f32 v5, v14;
	v14 =	vpop (erf)  }
0x527: {  	v13 =	vld [tilespmem:s3+$0x2A00];
	v14 =	vmul.f32 v14, v18  }
0x528: {  	v4 =	vadd.f32 v4, v11;
	v11 =	vpop (erf);
	[tilespmem:s15+$0xA0] =	vst v5;
	v5 =	vld [tilespmem:s15+$0xB0]  }
0x529: {  	v11 =	vmul.f32 v11, v16;
	v17 =	vld [tilespmem:s28+$0x30]  }
0x52a: {  	v4 =	vadd.f32 v10, v4;
	[tilespmem:s6+$0xFFFFFFD0] =	vst v14;
	v16 =	vld [tilespmem:s20+$0xB0]  }
0x52b: {  	v10 =	vld [tilespmem:s14+$0x60];
	[tilespmem:s15+$0xFFFFFF20] =	vst v11;
	v14 =	vpop (erf)  }
0x52c: {  	v11 =	vsub.f32 $0.0e+00, v4;
	v19 =	vld [tilespmem:s24+$0x30];
	v18 =	vpop (erf)  }
0x52d: {  	v21 =	vld [tilespmem:s26+$0xFFFFFFE0];
	v18 =	vadd.f32 $1.000000000e+00, v18  }
0x52e: {  	v11 =	vmul.f32 $1.442695020e+00, v11;
	v20 =	vpop (erf);
	v5 =	vadd.f32 v5, v17;
	v17 =	vld [tilespmem:s20+$0xFFFFFF30]  }
0x52f: {  	[tilespmem:s20+$0xFFFFFFA0] =	vst v8;
	v8 =	vmul.f32 v14, v13;
	v22 =	vpop (erf);
	(erf) = vrcp.f32 v18  }
0x530: {  	v18 =	vadd.f32 $1.000000000e+00, v22;
	(erf) = vpow2.f32 v11;
	v11 =	vadd.f32 v16, v5  }
0x531: {  	v13 =	vld [tilespmem:s15+$0xFFFFFFB0];
	[tilespmem:s15+$0xFFFFFFA0] =	vst v8;
	v9 =	vadd.f32 v9, v10;
	v8 =	vadd.f32 v12, v19  }
0x532: {  	s2 =	smov.u32 s8;
	s25 =	simm.s32 $0x800;
	v10 =	vld [tilespmem:s9+$0x30];
	(erf) = vrcp.f32 v18;
	v12 =	vsub.f32 $0.0e+00, v11  }
0x533: {  	s8 =	simm.s32 $0x580;
	s4 =	sor.u32 $0x420, s7;
	s5 =	sand.u32 $0x3800, s25;
	v14 =	vld [tilespmem:s20+$0xFFFFFFB0];
	v5 =	vadd.f32 v21, v9;
	v9 =	vadd.f32 v17, v8  }
0x534: {  	s10 =	sand.u32 $0x380, s8;
	s23 =	sor.u32 $0x460, s19;
	s0 =	sadd.s32 $0x2A00, s5;
	v16 =	vld [tilespmem:s4+$0x2A00];
	v12 =	vmul.f32 $1.442695020e+00, v12  }
0x535: {  	s5 =	sadd.s32 s10, s0;
	v19 =	vld [tilespmem:s23+$0x2A00];
	v18 =	vsub.f32 $0.0e+00, v9  }
0x536: {  	s10 =	simm.s32 $0x400;
	s4 =	simm.s32 $0x9300;
	v21 =	vld [tilespmem:s5+$0x0];
	v8 =	vsub.f32 $0.0e+00, v5;
	(erf) = vpow2.f32 v12  }
0x537: {  	s1 =	sand.u32 $0x200, s10;
	v22 =	vld [tilespmem:s4+$0xFFFFFF00];
	v10 =	vadd.f32 v13, v10;
	v12 =	vmul.f32 $1.442695020e+00, v18  }
0x538: {  	s30 =	sadd.s32 s1, s0;
	v17 =	vld [tilespmem:s4+$0x80];
	v8 =	vmul.f32 $1.442695020e+00, v8  }
0x539: {  	s10 =	simm.s32 $0x6B00;
	s23 =	simm.s32 $0x480;
	v14 =	vadd.f32 v14, v10;
	v10 =	vld [tilespmem:s30+$0x0];
	v23 =	vpop (erf)  }
0x53a: {  	s1 =	sand.u32 $0x280, s23;
	(erf) = vpow2.f32 v8;
	v8 =	vld [tilespmem:s10+$0x80];
	v13 =	vpop (erf)  }
0x53b: {  	s29 =	sadd.s32 s1, s0;
	(erf) = vpow2.f32 v12;
	v12 =	vpop (erf)  }
0x53c: {  	[tilespmem:s26+$0xE0] =	vst v15;
	v15 =	vld [tilespmem:s29+$0x0];
	v12 =	vmul.f32 v12, v19;
	v19 =	vsub.f32 $0.0e+00, v14  }
0x53d: {  	v17 =	vadd.f32 v17, v21;
	v21 =	vld [tilespmem:s10+$0xFFFFFF00]  }
0x53e: {  	s3 =	simm.s32 $0x500;
	v18 =	vld [tilespmem:s4+$0xFFFFFF80];
	v19 =	vmul.f32 $1.442695020e+00, v19  }
0x53f: {  	v25 =	vld [tilespmem:s4+$0x0];
	s1 =	sand.u32 $0x300, s3;
	v10 =	vadd.f32 v22, v10;
	[tilespmem:s6+$0xE0] =	vst v12;
	v12 =	vadd.f32 v8, v17;
	v22 =	vpop (erf)  }
0x540: {  	s0 =	sadd.s32 s1, s0;
	v17 =	vld [tilespmem:s10+$0xFFFFFF80];
	(erf) = vpow2.f32 v19;
	v22 =	vadd.f32 $1.000000000e+00, v22  }
0x541: {  	v13 =	vadd.f32 $1.000000000e+00, v13;
	v8 =	vld [tilespmem:s0+$0x0];
	v19 =	vsub.f32 $0.0e+00, v12  }
0x542: {  	v21 =	vadd.f32 v21, v10;
	v24 =	vld [tilespmem:s17+$0x70]  }
0x543: {  	v10 =	vadd.f32 v18, v15;
	v15 =	vpop (erf);
	(erf) = vrcp.f32 v13;
	v13 =	vld [tilespmem:s6+$0xF0];
	v18 =	vmul.f32 $1.442695020e+00, v19  }
0x544: {  	s21 =	sor.u32 $0x450, s21;
	v26 =	vsub.f32 $0.0e+00, v21;
	v15 =	vadd.f32 $1.000000000e+00, v15;
	v19 =	vld [tilespmem:s10+$0x0];
	(erf) = vrcp.f32 v22;
	v22 =	vpop (erf)  }
0x545: {  	v10 =	vadd.f32 v17, v10;
	v17 =	vld [tilespmem:s21+$0x2A00];
	(erf) = vpow2.f32 v18;
	v22 =	vadd.f32 $1.000000000e+00, v22  }
0x546: {  	s23 =	sor.u32 $0x430, s18;
	v18 =	vld [tilespmem:s26+$0xF0];
	(erf) = vrcp.f32 v15;
	v15 =	vmul.f32 $1.442695020e+00, v26  }
0x547: {  	s3 =	sor.u32 $0x430, s11;
	(erf) = vrcp.f32 v22;
	v22 =	vld [tilespmem:s23+$0x2A00];
	s23 =	simm.s32 $0x8  }
0x548: {  	v8 =	vadd.f32 v25, v8;
	(erf) = vpow2.f32 v15;
	v15 =	vld [tilespmem:s3+$0x2A00];
	[dreg:$0x6] =	wrdreg s23  }
0x549: {  	v45 =	vsub.f32 $0.0e+00, v10;
	v24 =	vadd.f32 v13, v24;
	[tilespmem:s20+$0x20] =	vst v6;
	v6 =	vmul.f32 v20, v16;
	v16 =	vpop (erf)  }
0x54a: {  	v13 =	vadd.f32 v19, v8;
	v16 =	vadd.f32 $1.000000000e+00, v16  }
0x54b: {  	p0 =	por !p0, !p0;
	s1 =	simm.s32 $0x1;
	v20 =	vmul.f32 $1.442695020e+00, v45;
	v8 =	vadd.f32 v18, v24  }
0x54c: {  	s1 =	simm.s32 @!p0 $0x0;
	v46 =	vsub.f32 $0.0e+00, v13;
	v18 =	vld [tilespmem:s15+$0x30];
	[tilespmem:s15+$0x20] =	vst v6  }
0x54d: {  	s17 =	smov.u32 s0;
	s0 =	sshll.u32 s1, $0x9;
	s1 =	sor.u32 $0x430, s22;
	v48 =	vld [tilespmem:s12+$0x30];
	v6 =	vpop (erf);
	(erf) = vpow2.f32 v20;
	v20 =	vsub.f32 $0.0e+00, v8  }
0x54e: {  	v19 =	vld [tilespmem:s1+$0x2A00];
	[tilespmem:s26+$0x50] =	vst v7;
	v24 =	vmul.f32 $1.442695020e+00, v46;
	(erf) = vrcp.f32 v16;
	v16 =	vpop (erf)  }
0x54f: {  	[tilespmem:s20+$0xB0] =	vst v11;
	v15 =	vmul.f32 v16, v15;
	v16 =	vmul.f32 $1.442695020e+00, v20;
	v20 =	vld [tilespmem:s20+$0x30]  }
0x550: {  	v17 =	vmul.f32 v23, v17;
	[tilespmem:s20+$0xFFFFFF30] =	vst v9;
	v11 =	vld [tilespmem:s6+$0x60];
	v7 =	vpop (erf);
	(erf) = vpow2.f32 v24  }
0x551: {  	v28 =	vadd.f32 $1.000000000e+00, v7;
	v7 =	vpop (erf);
	[tilespmem:s15+$0xB0] =	vst v15;
	(erf) = vpow2.f32 v16;
	v16 =	vld [tilespmem:s15+$0xC0]  }
0x552: {  	s21 =	simm.s32 $0x8;
	[tilespmem:s6+$0x50] =	vst v17;
	v17 =	vadd.f32 v18, v48;
	v18 =	vld [tilespmem:s28+$0x40]  }
0x553: {  	s23 =	sand.u32 $0x7, s21;
	v52 =	vld [tilespmem:s15+$0xFFFFFF40];
	(erf) = vrcp.f32 v28;
	v15 =	vpop (erf)  }
0x554: {  	s1 =	sadd.s32 $0x800, s0;
	s3 =	sshll.u32 s23, $0x7;
	v49 =	vld [tilespmem:s16+$0x60];
	v23 =	vpop (erf);
	v17 =	vadd.f32 v20, v17  }
0x555: {  	s0 =	sadd.s32 $0x800, s3;
	s21 =	sor.u32 $0x400, s1;
	v20 =	vld [tilespmem:s20+$0xC0];
	v23 =	vadd.f32 $1.000000000e+00, v23  }
0x556: {  	v47 =	vld [tilespmem:s21+$0x2A00];
	s31 =	sadd.s32 $0x180, s0;
	[tilespmem:s10+$0xFFFFFF00] =	vst v21;
	v21 =	vsub.f32 $0.0e+00, v17  }
0x557: {  	v51 =	vld [tilespmem:s26+$0x60];
	s23 =	sor.u32 $0x400, s31;
	v15 =	vmul.f32 v15, v22;
	v50 =	vpop (erf);
	(erf) = vrcp.f32 v23;
	v16 =	vadd.f32 v16, v18  }
0x558: {  	[tilespmem:s20+$0xFFFFFFB0] =	vst v14;
	v27 =	vld [tilespmem:s23+$0x2A00];
	s23 =	sadd.s32 $0x80, s0;
	v22 =	vadd.f32 $1.000000000e+00, v50;
	v14 =	vmul.f32 $1.442695020e+00, v21  }
0x559: {  	v9 =	vld [tilespmem:s4+$0xFFFFFF10];
	s0 =	sor.u32 $0x400, s23;
	[tilespmem:s15+$0xFFFFFF30] =	vst v15;
	v15 =	vadd.f32 v11, v49;
	v18 =	vpop (erf)  }
0x55a: {  	v23 =	vld [tilespmem:s0+$0x2A00];
	v18 =	vmul.f32 v18, v19;
	v19 =	vpop (erf);
	(erf) = vrcp.f32 v22;
	v11 =	vadd.f32 v20, v16  }
0x55b: {  	v21 =	vld [tilespmem:s15+$0xFFFFFFC0];
	v16 =	vpop (erf);
	(erf) = vpow2.f32 v14  }
0x55c: {  	v19 =	vadd.f32 $1.000000000e+00, v19;
	v20 =	vld [tilespmem:s24+$0x40];
	[tilespmem:s15+$0xFFFFFFB0] =	vst v18;
	v22 =	vsub.f32 $0.0e+00, v11;
	v14 =	vpop (erf)  }
0x55d: {  	s3 =	simm.s32 $0x4;
	v18 =	vld [tilespmem:s9+$0x40];
	v53 =	vmul.f32 v14, v27;
	v14 =	vadd.f32 v51, v15;
	v15 =	vadd.f32 $1.000000000e+00, v16  }
0x55e: {  	[tilespmem:s10+$0x80] =	vst v12;
	s0 =	sand.u32 $0x3, s3;
	(erf) = vrcp.f32 v19;
	v16 =	vld [tilespmem:s20+$0xFFFFFF40];
	v19 =	vmul.f32 $1.442695020e+00, v22  }
0x55f: {  	v55 =	vld [tilespmem:s4+$0x90];
	s0 =	sshll.u32 s0, $0x8;
	(erf) = vrcp.f32 v15  }
0x560: {  	s0 =	sadd.s32 $0x800, s0;
	v12 =	vld [tilespmem:s20+$0xFFFFFFC0];
	v22 =	vsub.f32 $0.0e+00, v14;
	[tilespmem:s4+$0x80] =	vst v53;
	v54 =	vpop (erf);
	(erf) = vpow2.f32 v19  }
0x561: {  	s3 =	sadd.s32 $0x100, s0;
	v20 =	vadd.f32 v52, v20;
	v19 =	vld [tilespmem:s5+$0x10];
	v15 =	vmul.f32 v54, v47  }
0x562: {  	s0 =	sor.u32 $0x400, s3;
	v56 =	vld [tilespmem:s10+$0x90];
	v22 =	vmul.f32 $1.442695020e+00, v22  }
0x563: {  	v20 =	vadd.f32 v16, v20;
	v16 =	vpop (erf);
	[tilespmem:s4+$0xFFFFFF00] =	vst v15;
	v15 =	vadd.f32 v21, v18;
	v21 =	vld [tilespmem:s0+$0x2A00]  }
0x564: {  	[tilespmem:s10+$0xFFFFFF80] =	vst v10;
	(erf) = vpow2.f32 v22;
	v10 =	vmul.f32 v16, v23;
	v18 =	vld [tilespmem:s30+$0x10];
	v57 =	vpop (erf)  }
0x565: {  	v15 =	vadd.f32 v12, v15;
	v23 =	vadd.f32 $1.000000000e+00, v57  }
0x566: {  	v22 =	vld [tilespmem:s10+$0xFFFFFF10];
	v12 =	vsub.f32 $0.0e+00, v20;
	v19 =	vadd.f32 v55, v19  }
0x567: {  	s21 =	sld [smem:$0x7C4];
	v59 =	vpop (erf);
	v16 =	vsub.f32 $0.0e+00, v15;
	(erf) = vrcp.f32 v23  }
0x568: {  	v58 =	vld [tilespmem:s4+$0xFFFFFF90];
	[tilespmem:s4+$0xFFFFFF80] =	vst v10;
	v60 =	vmul.f32 $1.442695020e+00, v12;
	v12 =	vadd.f32 v56, v19;
	v10 =	vpop (erf)  }
0x569: {  	[tilespmem:s10+$0x0] =	vst v13;
	v13 =	vld [tilespmem:s29+$0x10];
	v19 =	vmul.f32 v59, v21;
	v9 =	vadd.f32 v9, v18;
	v16 =	vmul.f32 $1.442695020e+00, v16;
	v21 =	vpop (erf)  }
0x56a: {  	v61 =	vld [tilespmem:s10+$0xFFFFFF90];
	s0 =	sor.u32 $0x460, s21;
	(erf) = vpow2.f32 v60;
	v21 =	vadd.f32 $1.000000000e+00, v21  }
0x56b: {  	v18 =	vld [tilespmem:s0+$0x2A00];
	v23 =	vsub.f32 $0.0e+00, v12;
	s0 =	sor.u32 $0x430, s7;
	v22 =	vadd.f32 v22, v9;
	(erf) = vpow2.f32 v16  }
0x56c: {  	(erf) = vrcp.f32 v21;
	v21 =	vld [tilespmem:s0+$0x2A00]  }
0x56d: {  	[tilespmem:s4+$0x0] =	vst v19;
	v9 =	vld [tilespmem:s4+$0x10];
	v16 =	vmul.f32 $1.442695020e+00, v23;
	v19 =	vpop (erf);
	v23 =	vsub.f32 $0.0e+00, v22  }
0x56e: {  	v62 =	vld [tilespmem:s17+$0x10];
	v19 =	vadd.f32 $1.000000000e+00, v19  }
0x56f: {  	s0 =	sor.u32 $0x460, s2;
	(erf) = vpow2.f32 v16;
	v16 =	vmul.f32 $1.442695020e+00, v23;
	v23 =	vld [tilespmem:s10+$0x10]  }
0x570: {  	s19 =	sor.u32 $0x470, s19;
	v13 =	vadd.f32 v58, v13;
	(erf) = vrcp.f32 v19;
	v19 =	vld [tilespmem:s0+$0x2A00];
	v37 =	vpop (erf)  }
0x571: {  	[tilespmem:s20+$0x30] =	vst v17;
	(erf) = vpow2.f32 v16;
	v16 =	vld [tilespmem:s19+$0x2A00];
	s19 =	sor.u32 $0x440, s22;
	v17 =	vmul.f32 v37, v21  }
0x572: {  	v24 =	vadd.f32 v61, v13;
	v36 =	vld [tilespmem:s19+$0x2A00];
	s19 =	sor.u32 $0x410, s1  }
0x573: {  	v38 =	vld [tilespmem:s19+$0x2A00];
	s19 =	sor.u32 $0x440, s11;
	[tilespmem:s15+$0x30] =	vst v17  }
0x574: {  	v13 =	vsub.f32 $0.0e+00, v24;
	v29 =	vld [tilespmem:s19+$0x2A00];
	s19 =	sld [smem:$0x7C5]  }
0x575: {  	s0 =	sor.u32 $0x440, s18;
	v9 =	vadd.f32 v9, v62  }
0x576: {  	v63 =	vld [tilespmem:s0+$0x2A00];
	v13 =	vmul.f32 $1.442695020e+00, v13  }
0x577: {  	v21 =	vpop (erf);
	v23 =	vadd.f32 v23, v9;
	v9 =	vld [tilespmem:s15+$0x40];
	s0 =	sor.u32 $0x460, s19  }
0x578: {  	v21 =	vadd.f32 $1.000000000e+00, v21;
	(erf) = vpow2.f32 v13;
	[tilespmem:s26+$0xFFFFFF60] =	vst v4;
	v32 =	vld [tilespmem:s0+$0x2A00]  }
0x579: {  	v39 =	vpop (erf);
	v40 =	vld [tilespmem:s12+$0x40];
	[tilespmem:s26+$0xFFFFFFE0] =	vst v5;
	v5 =	vmul.f32 v7, v19;
	v17 =	vsub.f32 $0.0e+00, v23  }
0x57a: {  	v4 =	vmul.f32 v6, v18;
	[tilespmem:s20+$0xC0] =	vst v11;
	v30 =	vpop (erf);
	v13 =	vadd.f32 $1.000000000e+00, v39;
	(erf) = vrcp.f32 v21  }
0x57b: {  	v6 =	vld [tilespmem:s20+$0x40];
	v31 =	vpop (erf);
	[tilespmem:s6+$0xFFFFFFE0] =	vst v5;
	v17 =	vmul.f32 $1.442695020e+00, v17;
	v5 =	vmul.f32 v30, v29  }
0x57c: {  	[tilespmem:s20+$0xFFFFFF40] =	vst v20;
	(erf) = vrcp.f32 v13;
	v21 =	vpop (erf)  }
0x57d: {  	v11 =	vld [tilespmem:s15+$0xD0];
	v13 =	vadd.f32 $1.000000000e+00, v31;
	v18 =	vpop (erf);
	(erf) = vpow2.f32 v17;
	[tilespmem:s15+$0xC0] =	vst v5;
	v5 =	vmul.f32 v21, v32  }
0x57e: {  	[tilespmem:s10+$0xFFFFFF10] =	vst v22;
	v42 =	vld [tilespmem:s15+$0xFFFFFF50];
	v17 =	vadd.f32 v9, v40;
	v7 =	vadd.f32 $1.000000000e+00, v18  }
0x57f: {  	v22 =	vld [tilespmem:s4+$0xFFFFFF20];
	(erf) = vrcp.f32 v13  }
0x580: {  	s0 =	sor.u32 $0x410, s23;
	[tilespmem:s26+$0x60] =	vst v14;
	v14 =	vld [tilespmem:s28+$0x50];
	(erf) = vrcp.f32 v7;
	v7 =	vadd.f32 v6, v17  }
0x581: {  	v41 =	vld [tilespmem:s0+$0x2A00];
	[tilespmem:s6+$0x60] =	vst v5;
	v5 =	vpop (erf)  }
0x582: {  	v20 =	vld [tilespmem:s20+$0xD0];
	v6 =	vsub.f32 $0.0e+00, v7;
	v5 =	vadd.f32 $1.000000000e+00, v5  }
0x583: {  	[tilespmem:s6+$0xFFFFFF60] =	vst v4;
	v34 =	vld [tilespmem:s6+$0x70]  }
0x584: {  	v9 =	vld [tilespmem:s13+$0x70];
	s13 =	sor.u32 $0x410, s31;
	v6 =	vmul.f32 $1.442695020e+00, v6;
	v17 =	vpop (erf)  }
0x585: {  	s0 =	sor.u32 $0x410, s3;
	v43 =	vld [tilespmem:s13+$0x2A00];
	v11 =	vadd.f32 v11, v14;
	v21 =	vpop (erf);
	(erf) = vrcp.f32 v5  }
0x586: {  	[tilespmem:s10+$0xFFFFFF90] =	vst v24;
	v19 =	vld [tilespmem:s0+$0x2A00];
	(erf) = vpow2.f32 v6;
	v5 =	vpop (erf)  }
0x587: {  	[tilespmem:s20+$0xFFFFFFC0] =	vst v15;
	s0 =	sor.u32 $0x440, s7;
	v50 =	vld [tilespmem:s4+$0xFFFFFFA0];
	v45 =	vadd.f32 v20, v11;
	v5 =	vadd.f32 $1.000000000e+00, v5  }
0x588: {  	[tilespmem:s10+$0x10] =	vst v23;
	v4 =	vld [tilespmem:s0+$0x2A00];
	v14 =	vmul.f32 v21, v36  }
0x589: {  	v13 =	vld [tilespmem:s14+$0x70];
	[tilespmem:s10+$0x90] =	vst v12;
	v44 =	vpop (erf);
	(erf) = vrcp.f32 v5;
	v5 =	vsub.f32 $0.0e+00, v45  }
0x58a: {  	v23 =	vld [tilespmem:s4+$0x20];
	[tilespmem:s15+$0xFFFFFFC0] =	vst v14;
	v14 =	vmul.f32 v44, v43  }
0x58b: {  	v46 =	vld [tilespmem:s4+$0xA0];
	v17 =	vmul.f32 v17, v63;
	v5 =	vmul.f32 $1.442695020e+00, v5  }
0x58c: {  	v18 =	vld [tilespmem:s16+$0x70]  }
0x58d: {  	v21 =	vld [tilespmem:s15+$0xFFFFFFD0];
	[tilespmem:s15+$0xFFFFFF40] =	vst v17;
	v15 =	vpop (erf)  }
0x58e: {  	v11 =	vld [tilespmem:s24+$0x50];
	v15 =	vmul.f32 v15, v38;
	[tilespmem:s4+$0x90] =	vst v14;
	v14 =	vpop (erf)  }
0x58f: {  	v12 =	vld [tilespmem:s20+$0xFFFFFF50];
	(erf) = vpow2.f32 v5;
	v5 =	vpop (erf)  }
0x590: {  	[tilespmem:s4+$0xFFFFFF10] =	vst v15;
	v15 =	vld [tilespmem:s9+$0x50];
	v5 =	vadd.f32 $1.000000000e+00, v5  }
0x591: {  	v47 =	vld [tilespmem:s5+$0x20]  }
0x592: {  	v48 =	vld [tilespmem:s20+$0xFFFFFFD0]  }
0x593: {  	[tilespmem:s20+$0x40] =	vst v7;
	v11 =	vadd.f32 v42, v11;
	v49 =	vld [tilespmem:s10+$0xA0]  }
0x594: {  	v58 =	vld [tilespmem:s15+$0x50];
	v14 =	vmul.f32 v14, v41;
	(erf) = vrcp.f32 v5;
	v5 =	vpop (erf)  }
0x595: {  	v37 =	vld [tilespmem:s26+$0x70];
	v15 =	vadd.f32 v21, v15;
	v21 =	vadd.f32 v12, v11;
	v5 =	vmul.f32 v5, v19  }
0x596: {  	s14 =	sor.u32 $0x450, s18;
	v63 =	vld [tilespmem:s6+$0xFFFFFFF0];
	[tilespmem:s4+$0xFFFFFF90] =	vst v14;
	v11 =	vadd.f32 v46, v47  }
0x597: {  	v6 =	vld [tilespmem:s14+$0x2A00];
	v14 =	vadd.f32 v48, v15;
	[tilespmem:s4+$0x10] =	vst v5;
	v5 =	vsub.f32 $0.0e+00, v21  }
0x598: {  	v53 =	vld [tilespmem:s10+$0xFFFFFF20];
	v24 =	vadd.f32 v49, v11  }
0x599: {  	v15 =	vld [tilespmem:s30+$0x20];
	v51 =	vsub.f32 $0.0e+00, v14;
	v52 =	vpop (erf);
	v5 =	vmul.f32 $1.442695020e+00, v5  }
0x59a: {  	v11 =	vld [tilespmem:s29+$0x20];
	v54 =	vsub.f32 $0.0e+00, v24;
	v28 =	vadd.f32 $1.000000000e+00, v52  }
0x59b: {  	v55 =	vld [tilespmem:s10+$0xFFFFFFA0];
	(erf) = vpow2.f32 v5;
	v5 =	vmul.f32 $1.442695020e+00, v51  }
0x59c: {  	s16 =	sor.u32 $0x450, s22;
	v56 =	vmul.f32 $1.442695020e+00, v54;
	v7 =	vld [tilespmem:s17+$0x20];
	(erf) = vrcp.f32 v28  }
0x59d: {  	v20 =	vld [tilespmem:s16+$0x2A00];
	(erf) = vpow2.f32 v5  }
0x59e: {  	s13 =	sor.u32 $0x420, s1;
	v15 =	vadd.f32 v22, v15;
	v22 =	vld [tilespmem:s10+$0x20];
	v57 =	vpop (erf);
	(erf) = vpow2.f32 v56  }
0x59f: {  	v17 =	vld [tilespmem:s13+$0x2A00];
	v5 =	vadd.f32 v50, v11  }
0x5a0: {  	v46 =	vld [tilespmem:s26+$0xFFFFFF70];
	[tilespmem:s20+$0xFFFFFF50] =	vst v21;
	v15 =	vadd.f32 v53, v15  }
0x5a1: {  	s14 =	sor.u32 $0x420, s23;
	v36 =	vld [tilespmem:s15+$0xFFFFFF60];
	v7 =	vadd.f32 v23, v7;
	v60 =	vadd.f32 v55, v5  }
0x5a2: {  	[tilespmem:s20+$0xFFFFFFD0] =	vst v14;
	v19 =	vld [tilespmem:s14+$0x2A00];
	v29 =	vsub.f32 $0.0e+00, v15  }
0x5a3: {  	s16 =	sor.u32 $0x420, s3;
	v43 =	vld [tilespmem:s15+$0xFFFFFFE0];
	v7 =	vadd.f32 v22, v7;
	v23 =	vsub.f32 $0.0e+00, v60  }
0x5a4: {  	s14 =	smov.u32 s17;
	v12 =	vld [tilespmem:s16+$0x2A00];
	s17 =	sor.u32 $0x450, s11;
	v29 =	vmul.f32 $1.442695020e+00, v29;
	v62 =	vpop (erf)  }
0x5a5: {  	s16 =	sor.u32 $0x420, s31;
	v59 =	vld [tilespmem:s17+$0x2A00];
	v40 =	vsub.f32 $0.0e+00, v7;
	v23 =	vmul.f32 $1.442695020e+00, v23;
	v33 =	vpop (erf)  }
0x5a6: {  	v61 =	vld [tilespmem:s16+$0x2A00];
	[tilespmem:s10+$0xFFFFFF20] =	vst v15;
	v4 =	vmul.f32 v57, v4;
	(erf) = vpow2.f32 v29;
	v31 =	vadd.f32 $1.000000000e+00, v62;
	v35 =	vpop (erf)  }
0x5a7: {  	v14 =	vld [tilespmem:s4+$0xFFFFFF30];
	(erf) = vpow2.f32 v23;
	v23 =	vmul.f32 $1.442695020e+00, v40;
	v41 =	vpop (erf)  }
0x5a8: {  	s2 =	sor.u32 $0x470, s2;
	v50 =	vld [tilespmem:s26+$0xFFFFFFF0];
	(erf) = vrcp.f32 v31;
	v29 =	vadd.f32 $1.000000000e+00, v41  }
0x5a9: {  	s13 =	sor.u32 $0x450, s7;
	[tilespmem:s15+$0x40] =	vst v4;
	v4 =	vld [tilespmem:s2+$0x2A00];
	v35 =	vadd.f32 $1.000000000e+00, v35;
	(erf) = vpow2.f32 v23  }
0x5aa: {  	s21 =	sor.u32 $0x470, s21;
	v11 =	vld [tilespmem:s13+$0x2A00];
	v23 =	vmul.f32 v33, v59;
	(erf) = vrcp.f32 v29  }
0x5ab: {  	[tilespmem:s20+$0xD0] =	vst v45;
	v5 =	vld [tilespmem:s21+$0x2A00];
	(erf) = vrcp.f32 v35  }
0x5ac: {  	[tilespmem:s15+$0xD0] =	vst v23;
	v23 =	vld [tilespmem:s15+$0xE0]  }
0x5ad: {  	v45 =	vld [tilespmem:s28+$0x60]  }
0x5ae: {  	v22 =	vld [tilespmem:s6+$0xFFFFFF70]  }
0x5af: {  	v44 =	vpop (erf);
	v48 =	vld [tilespmem:s20+$0xE0]  }
0x5b0: {  	v21 =	vld [tilespmem:s12+$0x50];
	v47 =	vpop (erf)  }
0x5b1: {  	v42 =	vld [tilespmem:s20+$0x50];
	[tilespmem:s10+$0xFFFFFFA0] =	vst v60;
	v49 =	vpop (erf)  }
0x5b2: {  	[tilespmem:s10+$0x20] =	vst v7;
	v15 =	vld [tilespmem:s4+$0xFFFFFFB0];
	v23 =	vadd.f32 v23, v45;
	v6 =	vmul.f32 v49, v6;
	v51 =	vpop (erf)  }
0x5b3: {  	[tilespmem:s26+$0xF0] =	vst v8;
	s13 =	sor.u32 $0x470, s19;
	v7 =	vld [tilespmem:s4+$0x30];
	v9 =	vadd.f32 v22, v9;
	v52 =	vpop (erf)  }
0x5b4: {  	v22 =	vadd.f32 v63, v13;
	v13 =	vadd.f32 v48, v23;
	[tilespmem:s15+$0xFFFFFF50] =	vst v6;
	v6 =	vld [tilespmem:s13+$0x2A00];
	v53 =	vpop (erf);
	v23 =	vmul.f32 v52, v61  }
0x5b5: {  	s16 =	sor.u32 $0x460, s18;
	[tilespmem:s10+$0xA0] =	vst v24;
	v54 =	vld [tilespmem:s24+$0x60];
	v20 =	vmul.f32 v53, v20  }
0x5b6: {  	v21 =	vadd.f32 v58, v21;
	v26 =	vadd.f32 $1.000000000e+00, v44;
	v8 =	vld [tilespmem:s16+$0x2A00];
	[tilespmem:s4+$0xA0] =	vst v23  }
0x5b7: {  	s19 =	sor.u32 $0x460, s22;
	s21 =	sor.u32 $0x460, s7;
	v55 =	vadd.f32 v46, v9;
	v30 =	vadd.f32 $1.000000000e+00, v47;
	[tilespmem:s15+$0xFFFFFFD0] =	vst v20;
	v20 =	vld [tilespmem:s20+$0xFFFFFF60]  }
0x5b8: {  	(erf) = vrcp.f32 v26;
	v9 =	vld [tilespmem:s19+$0x2A00];
	[dreg:$0x13] =	wrdreg s21  }
0x5b9: {  	v18 =	vadd.f32 v34, v18;
	s2 =	sor.u32 $0x470, s18;
	v21 =	vadd.f32 v42, v21;
	(erf) = vrcp.f32 v30;
	[tilespmem:s26+$0xFFFFFF70] =	vst v55  }
0x5ba: {  	s18 =	sor.u32 $0x470, s7;
	s7 =	sor.u32 $0x470, s22;
	v22 =	vadd.f32 v50, v22;
	v57 =	vld [tilespmem:s4+$0xB0];
	[dreg:$0x9] =	wrdreg s2  }
0x5bb: {  	v18 =	vadd.f32 v37, v18;
	v31 =	vsub.f32 $0.0e+00, v21;
	[dreg:$0x8] =	wrdreg s7  }
0x5bc: {  	v56 =	vsub.f32 $0.0e+00, v13;
	[tilespmem:s26+$0xFFFFFFF0] =	vst v22  }
0x5bd: {  	s17 =	smov.u32 s31;
	s31 =	smov.u32 s12;
	s12 =	sor.u32 $0x430, s1;
	v31 =	vmul.f32 $1.442695020e+00, v31;
	[tilespmem:s26+$0x70] =	vst v18  }
0x5be: {  	v16 =	vmul.f32 v10, v16;
	s13 =	sor.u32 $0x440, s1;
	v10 =	vmul.f32 $1.442695020e+00, v56;
	v58 =	vld [tilespmem:s5+$0x30];
	[dreg:$0x1d] =	wrdreg s12  }
0x5bf: {  	(erf) = vpow2.f32 v31;
	v26 =	vadd.f32 $1.000000000e+00, v51;
	v60 =	vld [tilespmem:s9+$0x60];
	[dreg:$0x18] =	wrdreg s13  }
0x5c0: {  	s19 =	sor.u32 $0x450, s1;
	[tilespmem:s20+$0x50] =	vst v21  }
0x5c1: {  	(erf) = vrcp.f32 v26;
	v59 =	vpop (erf);
	[dreg:$0x12] =	wrdreg s19  }
0x5c2: {  	s21 =	smov.u32 s5;
	(erf) = vpow2.f32 v10;
	v10 =	vpop (erf);
	s5 =	sor.u32 $0x440, s3;
	v61 =	vld [tilespmem:s10+$0xB0]  }
0x5c3: {  	s7 =	sor.u32 $0x450, s3;
	v62 =	vmul.f32 v10, v19;
	v10 =	vld [tilespmem:s15+$0x60];
	[dreg:$0x16] =	wrdreg s5  }
0x5c4: {  	v23 =	vsub.f32 $0.0e+00, v55;
	s26 =	smov.u32 s11;
	v22 =	vsub.f32 $0.0e+00, v22;
	s11 =	sor.u32 $0x460, s3;
	[dreg:$0xe] =	wrdreg s7  }
0x5c5: {  	s12 =	sor.u32 $0x430, s3;
	v21 =	vmul.f32 v59, v17;
	[dreg:$0xb] =	wrdreg s11  }
0x5c6: {  	v23 =	vmul.f32 $1.442695020e+00, v23;
	v27 =	vadd.f32 v36, v54;
	[dreg:$0x1c] =	wrdreg s12  }
0x5c7: {  	p0 =	por !p0, !p0;
	s22 =	smov.u32 s28;
	s28 =	sor.u32 $0x460, s1;
	v18 =	vsub.f32 $0.0e+00, v18;
	v19 =	vmul.f32 $1.442695020e+00, v22;
	[tilespmem:s4+$0xFFFFFF20] =	vst v21  }
0x5c8: {  	s16 =	smov.u32 s9;
	v20 =	vadd.f32 v20, v27;
	s13 =	sor.u32 $0x440, s23;
	v22 =	vpop (erf);
	(erf) = vpow2.f32 v23;
	s19 =	sor.u32 $0x450, s23;
	v17 =	vld [tilespmem:s20+$0xFFFFFFE0];
	[tilespmem:s4+$0xFFFFFFA0] =	vst v62  }
0x5c9: {  	v18 =	vmul.f32 $1.442695020e+00, v18;
	s5 =	sor.u32 $0x430, s23;
	(erf) = vpow2.f32 v19;
	s12 =	sor.u32 $0x460, s23;
	v19 =	vld [tilespmem:s30+$0x30];
	[dreg:$0x1a] =	wrdreg s13  }
0x5ca: {  	v63 =	vsub.f32 $0.0e+00, v20;
	s11 =	sor.u32 $0x470, s23;
	s23 =	simm.s32 $0x8F00;
	[dreg:$0x10] =	wrdreg s19  }
0x5cb: {  	s2 =	smov.u32 s29;
	s3 =	sor.u32 $0x470, s3;
	v23 =	vadd.f32 $1.000000000e+00, v22;
	v24 =	vadd.f32 v57, v58;
	[dreg:$0x5] =	wrdreg s23  }
0x5cc: {  	s9 =	sor.u32 $0x470, s1;
	s7 =	simm.s32 $0x9300;
	(erf) = vpow2.f32 v18;
	s4 =	simm.s32 $0x6B00;
	v22 =	vadd.f32 v43, v60;
	[tilespmem:s6+$0xF0] =	vst v16;
	v21 =	vld [tilespmem:s29+$0x30]  }
0x5cd: {  	v18 =	vpop (erf);
	(erf) = vrcp.f32 v23;
	v23 =	vmul.f32 $1.442695020e+00, v63;
	s13 =	simm.s32 $0x6;
	s19 =	simm.s32 $0x9300;
	s29 =	simm.s32 $0x8;
	[tilespmem:s20+$0xFFFFFF60] =	vst v20;
	v20 =	vld [tilespmem:s10+$0xFFFFFF30];
	v16 =	vadd.f32 v61, v24  }
.LBB2_10:
0x5ce: {  	[smem:$0x7AF] =	sst s2  }
0x5cf: {  	[smem:$0x7B3] =	sst s16  }
0x5d0: {  	[smem:$0x7B2] =	sst s24  }
0x5d1: {  	[smem:$0x7C2] =	sst s12;
	v24 =	vld [tilespmem:s10+$0xFFFFFFB0];
	v18 =	vmul.f32 v18, v12;
	s19 =	sadd.s32 $0x200, s19;
	v12 =	vpop (erf);
	v28 =	vadd.f32 v17, v22  }
0x5d2: {  	[smem:$0x7BD] =	sst s18;
	s25 =	sadd.s32 $0x400, s25;
	v25 =	vsub.f32 $0.0e+00, v16;
	v27 =	vld [tilespmem:s19+$0xFFFFFF00];
	v26 =	vadd.f32 $1.000000000e+00, v12  }
0x5d3: {  	s6 =	rddreg [dreg:$0x1d];
	s8 =	sadd.s32 $0x200, s8;
	(erf) = vpow2.f32 v23;
	s12 =	sand.u32 $0x3800, s25;
	v41 =	vld [tilespmem:s19+$0x80];
	v23 =	vpop (erf);
	[tilespmem:s7+$0x20] =	vst v18;
	v14 =	vadd.f32 v14, v19;
	v18 =	vsub.f32 $0.0e+00, v28  }
0x5d4: {  	[smem:$0x7BE] =	sst s3;
	s1 =	sand.u32 $0x380, s8;
	v17 =	vld [tilespmem:s6+$0x2A00];
	s3 =	sadd.s32 $0x2A00, s12;
	v19 =	vpop (erf);
	v15 =	vadd.f32 v15, v21;
	v21 =	vmul.f32 $1.442695020e+00, v25;
	(erf) = vrcp.f32 v26  }
0x5d5: {  	[smem:$0x7B8] =	sst s9;
	v12 =	vld [tilespmem:s5+$0x2A00];
	s1 =	sadd.s32 s1, s3;
	v14 =	vadd.f32 v20, v14;
	v18 =	vmul.f32 $1.442695020e+00, v18  }
0x5d6: {  	[smem:$0x7BA] =	sst s11;
	s11 =	sand.u32 $0x3, s13;
	[tilespmem:s20+$0xFFFFFFE0] =	vst v28;
	v22 =	vpop (erf);
	v20 =	vadd.f32 $1.000000000e+00, v23;
	v23 =	vld [tilespmem:s1+$0x0];
	(erf) = vpow2.f32 v21  }
0x5d7: {  	s10 =	sadd.s32 $0x200, s10;
	s2 =	sshll.u32 s11, $0x8;
	s16 =	sadd.s32 $0xFFFFFE80, s8;
	v15 =	vadd.f32 v24, v15;
	v21 =	vld [tilespmem:s19+$0xFFFFFF80];
	[tilespmem:s4+$0xFFFFFF30] =	vst v14;
	v14 =	vsub.f32 $0.0e+00, v14;
	(erf) = vpow2.f32 v18  }
0x5d8: {  	s18 =	sadd.s32 $0xFFFFFF00, s8;
	s11 =	sor.u32 $0x460, s26;
	s5 =	sand.u32 $0x200, s16;
	v19 =	vadd.f32 $1.000000000e+00, v19;
	v18 =	vadd.f32 $1.000000000e+00, v22;
	v22 =	vld [tilespmem:s10+$0x80];
	v42 =	vpop (erf);
	(erf) = vrcp.f32 v20  }
0x5d9: {  	s23 =	sadd.s32 $0xFFFFFF80, s8;
	s24 =	sand.u32 $0x280, s18;
	s6 =	sadd.s32 s5, s3;
	[tilespmem:s4+$0xFFFFFFB0] =	vst v15;
	v15 =	vsub.f32 $0.0e+00, v15;
	v14 =	vmul.f32 $1.442695020e+00, v14;
	v43 =	vmul.f32 v42, v11;
	v20 =	vld [tilespmem:s11+$0x2A00]  }
0x5da: {  	[smem:$0x7C0] =	sst s28;
	s9 =	sand.u32 $0x300, s23;
	s28 =	sadd.s32 s24, s3;
	v44 =	vld [tilespmem:s6+$0x0];
	(erf) = vrcp.f32 v19  }
0x5db: {  	s0 =	simm.s32 $0x1;
	s3 =	sadd.s32 s9, s3;
	v15 =	vmul.f32 $1.442695020e+00, v15;
	v19 =	vld [tilespmem:s28+$0x0];
	v23 =	vadd.f32 v41, v23;
	(erf) = vpow2.f32 v14;
	[tilespmem:s15+$0x50] =	vst v43  }
0x5dc: {  	s0 =	simm.s32 @!p0 $0x0;
	s2 =	sadd.s32 s25, s2;
	v11 =	vpop (erf);
	v45 =	vld [tilespmem:s3+$0x0]  }
0x5dd: {  	s0 =	sshll.u32 s0, $0x9;
	s23 =	sadd.s32 $0x100, s2;
	v11 =	vadd.f32 $1.000000000e+00, v11;
	(erf) = vpow2.f32 v15;
	v15 =	vld [tilespmem:s19+$0x0];
	v14 =	vadd.f32 v22, v23;
	v22 =	vpop (erf)  }
0x5de: {  	s18 =	sadd.s32 s0, s25;
	s12 =	sor.u32 $0x420, s23;
	(erf) = vrcp.f32 v18;
	v18 =	vld [tilespmem:s10+$0xFFFFFF00];
	v20 =	vmul.f32 v22, v20  }
0x5df: {  	s16 =	sor.u32 $0x420, s18;
	[smem:$0x7B6] =	sst s12;
	[tilespmem:s20+$0xE0] =	vst v13;
	(erf) = vrcp.f32 v11;
	v22 =	vld [tilespmem:s10+$0xFFFFFF80];
	v23 =	vsub.f32 $0.0e+00, v14;
	v46 =	vpop (erf)  }
0x5e0: {  	[smem:$0x7B5] =	sst s16;
	s12 =	sor.u32 $0x440, s23;
	v13 =	vadd.f32 v21, v19;
	v19 =	vadd.f32 $1.000000000e+00, v46;
	[tilespmem:s15+$0xE0] =	vst v20;
	v20 =	vld [tilespmem:s15+$0xF0]  }
0x5e1: {  	[smem:$0x7B1] =	sst s12;
	s12 =	sor.u32 $0x450, s23;
	v11 =	vadd.f32 v27, v44;
	v21 =	vpop (erf);
	v47 =	vmul.f32 $1.442695020e+00, v23;
	v48 =	vld [tilespmem:s22+$0x70]  }
0x5e2: {  	s9 =	sor.u32 $0x400, s18;
	[smem:$0x7B7] =	sst s12;
	s12 =	sor.u32 $0x450, s18;
	v50 =	vld [tilespmem:s10+$0x0];
	v21 =	vadd.f32 $1.000000000e+00, v21;
	v49 =	vpop (erf);
	(erf) = vrcp.f32 v19  }
0x5e3: {  	s5 =	sor.u32 $0x430, s18;
	s16 =	smov.u32 s26;
	[smem:$0x7B4] =	sst s12;
	v11 =	vadd.f32 v18, v11;
	v5 =	vmul.f32 v49, v5;
	(erf) = vpow2.f32 v47;
	v18 =	vpop (erf)  }
0x5e4: {  	s26 =	sor.u32 $0x440, s18;
	s22 =	smov.u32 s21;
	v15 =	vadd.f32 v15, v45;
	s21 =	rddreg [dreg:$0x5];
	v19 =	vld [tilespmem:s20+$0xF0];
	v22 =	vadd.f32 v22, v13;
	v23 =	vpop (erf);
	(erf) = vrcp.f32 v21  }
0x5e5: {  	s12 =	sor.u32 $0x460, s18;
	s11 =	sor.u32 $0x410, s18;
	s18 =	sor.u32 $0x470, s18;
	v4 =	vmul.f32 v18, v4;
	[tilespmem:s21+$0xFFFFFF70] =	vst v5;
	v5 =	vsub.f32 $0.0e+00, v11;
	v21 =	vadd.f32 $1.000000000e+00, v23  }
0x5e6: {  	[smem:$0x7B9] =	sst s18;
	s18 =	smov.u32 s17;
	s17 =	sor.u32 $0x430, s17;
	v55 =	vld [tilespmem:s14+$0x30];
	v23 =	vpop (erf);
	v51 =	vsub.f32 $0.0e+00, v22;
	v20 =	vadd.f32 v20, v48  }
0x5e7: {  	s24 =	sor.u32 $0x400, s23;
	v53 =	vld [tilespmem:s17+$0x2A00];
	[tilespmem:s21+$0xFFFFFFF0] =	vst v4;
	v52 =	vpop (erf);
	v23 =	vadd.f32 $1.000000000e+00, v23;
	v4 =	vmul.f32 $1.442695020e+00, v5;
	v5 =	vadd.f32 v50, v15  }
0x5e8: {  	v13 =	vld [tilespmem:s24+$0x2A00];
	v54 =	vpop (erf);
	v25 =	vmul.f32 $1.442695020e+00, v51;
	(erf) = vrcp.f32 v21  }
0x5e9: {  	[dreg:$0x1d] =	wrdreg s5;
	v18 =	vld [tilespmem:s9+$0x2A00];
	v15 =	vadd.f32 v19, v20;
	[tilespmem:s10+$0x0] =	vst v5;
	(erf) = vpow2.f32 v4  }
0x5ea: {  	[smem:$0x7C1] =	sst s12;
	s12 =	sor.u32 $0x460, s23;
	[tilespmem:s10+$0xFFFFFF00] =	vst v11;
	v27 =	vmul.f32 v54, v8;
	v5 =	vsub.f32 $0.0e+00, v5;
	v19 =	vld [tilespmem:s4+$0x30];
	(erf) = vpow2.f32 v25  }
0x5eb: {  	s2 =	sor.u32 $0x410, s23;
	s0 =	sor.u32 $0x430, s23;
	[smem:$0x7B0] =	sst s12;
	[tilespmem:s4+$0xB0] =	vst v16;
	v11 =	vld [tilespmem:s19+$0xFFFFFF10];
	v6 =	vmul.f32 v52, v6;
	(erf) = vrcp.f32 v23;
	v23 =	vpop (erf)  }
0x5ec: {  	s5 =	smov.u32 s14;
	s12 =	sor.u32 $0x470, s23;
	s23 =	rddreg [dreg:$0x1c];
	v4 =	vld [tilespmem:s19+$0x10];
	v20 =	vsub.f32 $0.0e+00, v15;
	[tilespmem:s15+$0xFFFFFF60] =	vst v27;
	v21 =	vmul.f32 $1.442695020e+00, v5;
	v8 =	vpop (erf);
	v23 =	vmul.f32 v23, v53  }
0x5ed: {  	s14 =	smov.u32 s15;
	v7 =	vadd.f32 v7, v55;
	s17 =	rddreg [dreg:$0x6];
	s15 =	smov.u32 s7;
	v5 =	vld [tilespmem:s23+$0x2A00];
	[tilespmem:s21+$0x70] =	vst v6;
	v6 =	vadd.f32 $1.000000000e+00, v8  }
0x5ee: {  	s24 =	smov.u32 s0;
	s0 =	sadd.s32 $0x4, s17;
	v16 =	vld [tilespmem:s15+$0xC0];
	v20 =	vmul.f32 $1.442695020e+00, v20;
	(erf) = vpow2.f32 v21;
	[tilespmem:s15+$0xB0] =	vst v23  }
0x5ef: {  	[dreg:$0x6] =	wrdreg s0;
	s0 =	sand.u32 $0x7, s0;
	v8 =	vpop (erf);
	v23 =	vadd.f32 v19, v7;
	v7 =	vld [tilespmem:s22+$0x40]  }
0x5f0: {  	s0 =	sshll.u32 s0, $0x7;
	v21 =	vld [tilespmem:s15+$0xFFFFFFC0];
	v8 =	vmul.f32 v8, v9;
	(erf) = vpow2.f32 v20  }
0x5f1: {  	s0 =	sadd.s32 s0, s25;
	(erf) = vrcp.f32 v6;
	v19 =	vld [tilespmem:s4+$0xC0];
	v6 =	vpop (erf)  }
0x5f2: {  	[smem:$0x7BF] =	sst s12;
	s23 =	sadd.s32 $0x180, s0;
	[tilespmem:s14+$0xFFFFFFE0] =	vst v8;
	v8 =	vld [tilespmem:s31+$0x60];
	v20 =	vpop (erf)  }
0x5f3: {  	s12 =	smov.u32 s1;
	s1 =	smov.u32 s31;
	v56 =	vld [tilespmem:s7+$0xFFFFFF40];
	s17 =	sor.u32 $0x400, s23;
	[tilespmem:s4+$0x30] =	vst v23;
	v9 =	vsub.f32 $0.0e+00, v23;
	v17 =	vmul.f32 v6, v17;
	v57 =	vadd.f32 $1.000000000e+00, v20;
	v23 =	vpop (erf)  }
0x5f4: {  	[dreg:$0x1c] =	wrdreg s24;
	s9 =	smov.u32 s19;
	v59 =	vld [tilespmem:s17+$0x2A00];
	s31 =	sadd.s32 $0x80, s0;
	v23 =	vadd.f32 $1.000000000e+00, v23;
	v7 =	vadd.f32 v16, v7  }
0x5f5: {  	[smem:$0x7BC] =	sst s9;
	s7 =	smov.u32 s5;
	s9 =	sor.u32 $0x400, s31;
	v58 =	vld [tilespmem:s20+$0x60];
	v9 =	vmul.f32 $1.442695020e+00, v9;
	[tilespmem:s15+$0xFFFFFF30] =	vst v17;
	v16 =	vpop (erf);
	(erf) = vrcp.f32 v57  }
0x5f6: {  	s0 =	sor.u32 $0x410, s31;
	s21 =	sor.u32 $0x420, s31;
	s17 =	sor.u32 $0x460, s31;
	v17 =	vld [tilespmem:s9+$0x2A00];
	[tilespmem:s10+$0xFFFFFF80] =	vst v22;
	v22 =	vmul.f32 v16, v12;
	(erf) = vrcp.f32 v23;
	v16 =	vadd.f32 v19, v7  }
0x5f7: {  	s5 =	sor.u32 $0x430, s31;
	s24 =	sor.u32 $0x440, s31;
	[smem:$0x7C3] =	sst s17;
	v8 =	vadd.f32 v10, v8;
	v10 =	vld [tilespmem:s19+$0xFFFFFF90];
	v20 =	vpop (erf);
	(erf) = vpow2.f32 v9  }
0x5f8: {  	s17 =	sor.u32 $0x470, s31;
	s9 =	sor.u32 $0x450, s31;
	s31 =	sld [smem:$0x7AF];
	v19 =	vld [tilespmem:s30+$0x40];
	v7 =	vadd.f32 $1.000000000e+00, v20;
	[tilespmem:s15+$0xFFFFFFB0] =	vst v22;
	v22 =	vsub.f32 $0.0e+00, v16  }
0x5f9: {  	v6 =	vld [tilespmem:s15+$0x40];
	v9 =	vpop (erf)  }
0x5fa: {  	v12 =	vpop (erf);
	(erf) = vrcp.f32 v7;
	v7 =	vld [tilespmem:s4+$0xFFFFFF40];
	v22 =	vmul.f32 $1.442695020e+00, v22  }
0x5fb: {  	v23 =	vadd.f32 v58, v8;
	v20 =	vld [tilespmem:s31+$0x40];
	v9 =	vadd.f32 $1.000000000e+00, v9;
	v12 =	vmul.f32 v12, v59  }
0x5fc: {  	[tilespmem:s10+$0x80] =	vst v14;
	v60 =	vld [tilespmem:s4+$0xFFFFFFC0]  }
0x5fd: {  	[smem:$0x7BB] =	sst s17;
	(erf) = vrcp.f32 v9;
	v9 =	vsub.f32 $0.0e+00, v23;
	[tilespmem:s19+$0x80] =	vst v12;
	v12 =	vld [tilespmem:s19+$0x90];
	v14 =	vadd.f32 v56, v19  }
0x5fe: {  	s17 =	rddreg [dreg:$0x18];
	(erf) = vpow2.f32 v22;
	v19 =	vld [tilespmem:s12+$0x10];
	v22 =	vpop (erf)  }
0x5ff: {  	v8 =	vld [tilespmem:s17+$0x2A00];
	s17 =	smov.u32 s26;
	v9 =	vmul.f32 $1.442695020e+00, v9;
	v7 =	vadd.f32 v7, v14;
	v14 =	vmul.f32 v22, v18;
	v18 =	vpop (erf)  }
0x600: {  	[dreg:$0x18] =	wrdreg s17;
	s17 =	sor.u32 $0x470, s16;
	v20 =	vadd.f32 v21, v20;
	v21 =	vld [tilespmem:s10+$0x90];
	v61 =	vpop (erf)  }
0x601: {  	s26 =	smov.u32 s18;
	s18 =	rddreg [dreg:$0x1a];
	v22 =	vld [tilespmem:s17+$0x2A00];
	(erf) = vpow2.f32 v9;
	v9 =	vmul.f32 v18, v17;
	[tilespmem:s4+$0xFFFFFF40] =	vst v7;
	v24 =	vadd.f32 $1.000000000e+00, v61  }
0x602: {  	v20 =	vadd.f32 v60, v20;
	v17 =	vld [tilespmem:s18+$0x2A00];
	[tilespmem:s19+$0xFFFFFF00] =	vst v14  }
0x603: {  	v18 =	vsub.f32 $0.0e+00, v7;
	v62 =	vld [tilespmem:s6+$0x10];
	[tilespmem:s19+$0xFFFFFF80] =	vst v9;
	v9 =	vadd.f32 v12, v19;
	v12 =	vpop (erf);
	(erf) = vrcp.f32 v24  }
0x604: {  	v14 =	vsub.f32 $0.0e+00, v20;
	v28 =	vld [tilespmem:s28+$0x10]  }
0x605: {  	v63 =	vmul.f32 $1.442695020e+00, v18;
	[tilespmem:s4+$0xFFFFFFC0] =	vst v20;
	v20 =	vld [tilespmem:s10+$0xFFFFFF10];
	v18 =	vadd.f32 v21, v9  }
0x606: {  	v13 =	vmul.f32 v12, v13;
	v12 =	vpop (erf);
	v9 =	vmul.f32 $1.442695020e+00, v14;
	v21 =	vld [tilespmem:s10+$0xFFFFFF90]  }
0x607: {  	v7 =	vld [tilespmem:s15+$0xFFFFFF50];
	v14 =	vmul.f32 v12, v22;
	(erf) = vpow2.f32 v63;
	v19 =	vpop (erf);
	v22 =	vsub.f32 $0.0e+00, v18  }
0x608: {  	v12 =	vld [tilespmem:s11+$0x2A00];
	[tilespmem:s19+$0x0] =	vst v13;
	v19 =	vadd.f32 $1.000000000e+00, v19;
	(erf) = vpow2.f32 v9;
	v9 =	vadd.f32 v11, v62  }
0x609: {  	[tilespmem:s20+$0xF0] =	vst v15;
	v11 =	vld [tilespmem:s3+$0x10];
	v10 =	vadd.f32 v10, v28  }
0x60a: {  	[tilespmem:s14+$0xF0] =	vst v14;
	v14 =	vld [tilespmem:s0+$0x2A00];
	v13 =	vmul.f32 $1.442695020e+00, v22;
	(erf) = vrcp.f32 v19;
	v15 =	vpop (erf);
	v9 =	vadd.f32 v20, v9  }
0x60b: {  	v19 =	vld [tilespmem:s10+$0x10];
	v20 =	vadd.f32 $1.000000000e+00, v15;
	v22 =	vadd.f32 v21, v10  }
0x60c: {  	v15 =	vld [tilespmem:s15+$0xFFFFFFD0];
	(erf) = vpow2.f32 v13;
	v13 =	vsub.f32 $0.0e+00, v9;
	v21 =	vpop (erf)  }
0x60d: {  	v10 =	vld [tilespmem:s2+$0x2A00];
	[tilespmem:s10+$0xFFFFFF10] =	vst v9;
	(erf) = vrcp.f32 v20;
	v20 =	vsub.f32 $0.0e+00, v22;
	v29 =	vmul.f32 v21, v5  }
0x60e: {  	s17 =	sor.u32 $0x440, s26;
	v9 =	vld [tilespmem:s19+$0xFFFFFF20];
	v4 =	vadd.f32 v4, v11;
	v13 =	vmul.f32 $1.442695020e+00, v13  }
0x60f: {  	s16 =	smov.u32 s23;
	s23 =	smov.u32 s24;
	s18 =	rddreg [dreg:$0x13];
	v21 =	vld [tilespmem:s17+$0x2A00];
	v20 =	vmul.f32 $1.442695020e+00, v20;
	[tilespmem:s15+$0x30] =	vst v29  }
0x610: {  	[dreg:$0x1a] =	wrdreg s23;
	[tilespmem:s10+$0xFFFFFF90] =	vst v22;
	v22 =	vpop (erf);
	v4 =	vadd.f32 v19, v4;
	(erf) = vpow2.f32 v13;
	v19 =	vld [tilespmem:s18+$0x2A00]  }
0x611: {  	s23 =	rddreg [dreg:$0xb];
	v11 =	vpop (erf);
	(erf) = vpow2.f32 v20;
	v20 =	vld [tilespmem:s7+$0x40];
	[tilespmem:s20+$0x60] =	vst v23  }
0x612: {  	s24 =	smov.u32 s23;
	s23 =	sld [smem:$0x7B1];
	v5 =	vld [tilespmem:s19+$0xFFFFFFA0];
	v30 =	vadd.f32 $1.000000000e+00, v22;
	[tilespmem:s10+$0x10] =	vst v4  }
0x613: {  	s11 =	sld [smem:$0x7B0];
	v11 =	vadd.f32 $1.000000000e+00, v11;
	v31 =	vsub.f32 $0.0e+00, v4;
	v23 =	vld [tilespmem:s4+$0x40];
	v13 =	vpop (erf)  }
0x614: {  	s18 =	rddreg [dreg:$0x16];
	(erf) = vrcp.f32 v30;
	v4 =	vld [tilespmem:s19+$0x20];
	v32 =	vmul.f32 v13, v21  }
0x615: {  	[dreg:$0x13] =	wrdreg s24;
	[tilespmem:s4+$0xC0] =	vst v16;
	(erf) = vrcp.f32 v11;
	v21 =	vmul.f32 $1.442695020e+00, v31;
	v11 =	vld [tilespmem:s18+$0x2A00];
	v22 =	vpop (erf)  }
0x616: {  	s24 =	smov.u32 s23;
	s2 =	sld [smem:$0x7B2];
	v16 =	vadd.f32 $1.000000000e+00, v22;
	[tilespmem:s15+$0xC0] =	vst v32;
	v22 =	vld [tilespmem:s15+$0xD0]  }
0x617: {  	s17 =	smov.u32 s11;
	s11 =	sor.u32 $0x410, s16;
	[dreg:$0x16] =	wrdreg s24;
	v13 =	vpop (erf);
	(erf) = vpow2.f32 v21;
	v6 =	vadd.f32 v6, v20;
	v20 =	vld [tilespmem:s22+$0x50]  }
0x618: {  	s24 =	smov.u32 s30;
	s30 =	smov.u32 s6;
	s6 =	sld [smem:$0x7B3];
	v21 =	vmul.f32 v13, v19;
	v19 =	vld [tilespmem:s4+$0xD0];
	(erf) = vrcp.f32 v16  }
0x619: {  	v35 =	vld [tilespmem:s11+$0x2A00];
	v6 =	vadd.f32 v23, v6  }
0x61a: {  	v16 =	vld [tilespmem:s2+$0x70];
	[tilespmem:s14+$0x60] =	vst v21;
	v13 =	vpop (erf)  }
0x61b: {  	v23 =	vld [tilespmem:s6+$0x70];
	v21 =	vadd.f32 $1.000000000e+00, v13;
	v13 =	vpop (erf);
	[tilespmem:s4+$0x40] =	vst v6;
	v6 =	vsub.f32 $0.0e+00, v6  }
0x61c: {  	v33 =	vld [tilespmem:s1+$0x70];
	v34 =	vadd.f32 $1.000000000e+00, v13;
	v20 =	vadd.f32 v22, v20  }
0x61d: {  	v13 =	vld [tilespmem:s15+$0x50];
	v22 =	vpop (erf);
	(erf) = vrcp.f32 v21;
	v6 =	vmul.f32 $1.442695020e+00, v6  }
0x61e: {  	v36 =	vpop (erf);
	v8 =	vmul.f32 v22, v8;
	v22 =	vld [tilespmem:s14+$0x70];
	(erf) = vrcp.f32 v34;
	v21 =	vadd.f32 v19, v20  }
0x61f: {  	v19 =	vld [tilespmem:s14+$0xFFFFFF70];
	v17 =	vmul.f32 v36, v17;
	(erf) = vpow2.f32 v6  }
0x620: {  	v6 =	vld [tilespmem:s14+$0xFFFFFFF0];
	[tilespmem:s15+$0xFFFFFF40] =	vst v8;
	v20 =	vpop (erf);
	v8 =	vsub.f32 $0.0e+00, v21  }
0x621: {  	s6 =	smov.u32 s31;
	v38 =	vld [tilespmem:s24+$0x50];
	[tilespmem:s15+$0xFFFFFFC0] =	vst v17;
	v20 =	vadd.f32 $1.000000000e+00, v20;
	v37 =	vpop (erf)  }
0x622: {  	v39 =	vld [tilespmem:s6+$0x50];
	v17 =	vmul.f32 v37, v35;
	v8 =	vmul.f32 $1.442695020e+00, v8  }
0x623: {  	[tilespmem:s10+$0x90] =	vst v18;
	(erf) = vrcp.f32 v20;
	v20 =	vld [tilespmem:s4+$0xFFFFFF50]  }
0x624: {  	[tilespmem:s19+$0x90] =	vst v17;
	v17 =	vld [tilespmem:s19+$0xA0];
	(erf) = vpow2.f32 v8  }
0x625: {  	v18 =	vadd.f32 v19, v16;
	v19 =	vld [tilespmem:s12+$0x20]  }
0x626: {  	[dreg:$0x5] =	wrdreg s14;
	v6 =	vadd.f32 v6, v23;
	v23 =	vld [tilespmem:s4+$0xFFFFFFD0];
	v7 =	vadd.f32 v7, v38;
	v16 =	vpop (erf)  }
0x627: {  	s14 =	rddreg [dreg:$0x12];
	v40 =	vld [tilespmem:s10+$0xA0];
	v12 =	vmul.f32 v16, v12;
	v16 =	vpop (erf)  }
0x628: {  	s23 =	rddreg [dreg:$0x10];
	v8 =	vadd.f32 v22, v33;
	v22 =	vld [tilespmem:s14+$0x2A00];
	v14 =	vmul.f32 v16, v14;
	v7 =	vadd.f32 v20, v7;
	v20 =	vpop (erf)  }
0x629: {  	v15 =	vadd.f32 v15, v39;
	v16 =	vld [tilespmem:s23+$0x2A00];
	[tilespmem:s19+$0xFFFFFF10] =	vst v12;
	v12 =	vadd.f32 $1.000000000e+00, v20  }
0x62a: {  	s2 =	smov.u32 s28;
	s1 =	smov.u32 s7;
	v20 =	vld [tilespmem:s30+$0x20];
	[tilespmem:s19+$0xFFFFFF90] =	vst v14;
	v41 =	vadd.f32 v17, v19;
	v17 =	vsub.f32 $0.0e+00, v7  }
0x62b: {  	s7 =	smov.u32 s3;
	s3 =	smov.u32 s9;
	s9 =	sld [smem:$0x7B5];
	[tilespmem:s4+$0xFFFFFF50] =	vst v7;
	v7 =	vadd.f32 v23, v15;
	v42 =	vld [tilespmem:s2+$0x20];
	(erf) = vrcp.f32 v12  }
0x62c: {  	v12 =	vld [tilespmem:s10+$0xFFFFFF20];
	v19 =	vadd.f32 v40, v41;
	v14 =	vpop (erf);
	v15 =	vmul.f32 $1.442695020e+00, v17  }
0x62d: {  	v23 =	vld [tilespmem:s10+$0xFFFFFFA0];
	[tilespmem:s4+$0xFFFFFFD0] =	vst v7;
	v7 =	vsub.f32 $0.0e+00, v7;
	v10 =	vmul.f32 v14, v10;
	v14 =	vpop (erf)  }
0x62e: {  	v17 =	vld [tilespmem:s9+$0x2A00];
	v24 =	vsub.f32 $0.0e+00, v19;
	v14 =	vadd.f32 $1.000000000e+00, v14;
	(erf) = vpow2.f32 v15  }
0x62f: {  	[dreg:$0xb] =	wrdreg s17;
	v51 =	vld [tilespmem:s20+$0xFFFFFFF0];
	v7 =	vmul.f32 $1.442695020e+00, v7;
	v15 =	vadd.f32 v9, v20;
	[tilespmem:s19+$0x10] =	vst v10  }
0x630: {  	s11 =	sld [smem:$0x7B6];
	v5 =	vadd.f32 v5, v42;
	v10 =	vld [tilespmem:s7+$0x20];
	v20 =	vmul.f32 $1.442695020e+00, v24;
	(erf) = vrcp.f32 v14  }
0x631: {  	s17 =	sld [smem:$0x7B4];
	v9 =	vld [tilespmem:s21+$0x2A00];
	v14 =	vadd.f32 v12, v15;
	(erf) = vpow2.f32 v7  }
0x632: {  	v43 =	vld [tilespmem:s10+$0x20];
	v5 =	vadd.f32 v23, v5;
	(erf) = vpow2.f32 v20  }
0x633: {  	v12 =	vld [tilespmem:s11+$0x2A00];
	[tilespmem:s10+$0xFFFFFF20] =	vst v14;
	v7 =	vsub.f32 $0.0e+00, v14  }
0x634: {  	s18 =	smov.u32 s17;
	s17 =	sor.u32 $0x450, s26;
	v23 =	vld [tilespmem:s15+$0xFFFFFF60];
	[tilespmem:s10+$0xFFFFFFA0] =	vst v5;
	v5 =	vsub.f32 $0.0e+00, v5;
	v15 =	vpop (erf)  }
0x635: {  	v44 =	vmul.f32 $1.442695020e+00, v7;
	v4 =	vadd.f32 v4, v10;
	v10 =	vmul.f32 v15, v11;
	v11 =	vld [tilespmem:s17+$0x2A00]  }
0x636: {  	v14 =	vld [tilespmem:s19+$0xFFFFFF30];
	v5 =	vmul.f32 $1.442695020e+00, v5  }
0x637: {  	v15 =	vld [tilespmem:s19+$0xFFFFFFB0];
	v4 =	vadd.f32 v43, v4;
	(erf) = vpow2.f32 v44;
	[tilespmem:s15+$0x40] =	vst v10;
	v7 =	vpop (erf)  }
0x638: {  	(erf) = vpow2.f32 v5;
	v45 =	vadd.f32 $1.000000000e+00, v7;
	v10 =	vld [tilespmem:s1+$0x50]  }
0x639: {  	v20 =	vld [tilespmem:s15+$0xFFFFFFE0];
	[tilespmem:s10+$0x20] =	vst v4;
	v4 =	vsub.f32 $0.0e+00, v4;
	v47 =	vpop (erf)  }
0x63a: {  	[tilespmem:s4+$0xD0] =	vst v21;
	v46 =	vld [tilespmem:s4+$0x50];
	v25 =	vmul.f32 v47, v11;
	(erf) = vrcp.f32 v45;
	v5 =	vpop (erf)  }
0x63b: {  	v49 =	vld [tilespmem:s15+$0xE0];
	v4 =	vmul.f32 $1.442695020e+00, v4;
	v48 =	vpop (erf)  }
0x63c: {  	[dreg:$0x10] =	wrdreg s3;
	v7 =	vld [tilespmem:s19+$0x30];
	v5 =	vadd.f32 $1.000000000e+00, v5;
	v21 =	vadd.f32 $1.000000000e+00, v48;
	[tilespmem:s15+$0xD0] =	vst v25  }
0x63d: {  	[dreg:$0x12] =	wrdreg s18;
	(erf) = vpow2.f32 v4;
	v4 =	vadd.f32 v13, v10;
	v13 =	vld [tilespmem:s22+$0x60]  }
0x63e: {  	s18 =	rddreg [dreg:$0xe];
	(erf) = vrcp.f32 v21;
	v21 =	vld [tilespmem:s20+$0xFFFFFF70]  }
0x63f: {  	s21 =	sld [smem:$0x7B7];
	v50 =	vld [tilespmem:s4+$0xE0];
	v4 =	vadd.f32 v46, v4;
	(erf) = vrcp.f32 v5  }
0x640: {  	s3 =	sor.u32 $0x420, s16;
	s9 =	sld [smem:$0x7B8];
	v11 =	vld [tilespmem:s18+$0x2A00];
	v5 =	vpop (erf)  }
0x641: {  	s14 =	smov.u32 s7;
	s7 =	rddreg [dreg:$0x9];
	v54 =	vld [tilespmem:s3+$0x2A00];
	v29 =	vadd.f32 $1.000000000e+00, v5;
	v10 =	vpop (erf);
	[tilespmem:s4+$0x50] =	vst v4;
	v4 =	vsub.f32 $0.0e+00, v4  }
0x642: {  	s23 =	smov.u32 s21;
	s21 =	sld [smem:$0x7BA];
	[tilespmem:s10+$0xA0] =	vst v19;
	v52 =	vld [tilespmem:s20+$0x70];
	v53 =	vadd.f32 $1.000000000e+00, v10;
	v13 =	vadd.f32 v49, v13  }
0x643: {  	s3 =	sld [smem:$0x7BD];
	v61 =	vld [tilespmem:s19+$0xB0];
	(erf) = vrcp.f32 v29;
	v4 =	vmul.f32 $1.442695020e+00, v4;
	v5 =	vpop (erf);
	v18 =	vadd.f32 v21, v18  }
0x644: {  	[dreg:$0xe] =	wrdreg s23;
	v10 =	vld [tilespmem:s15+$0x60];
	(erf) = vrcp.f32 v53;
	v21 =	vmul.f32 v5, v22;
	v13 =	vadd.f32 v50, v13  }
0x645: {  	s23 =	smov.u32 s21;
	s18 =	rddreg [dreg:$0x8];
	v5 =	vld [tilespmem:s7+$0x2A00];
	(erf) = vpow2.f32 v4;
	[tilespmem:s20+$0xFFFFFF70] =	vst v18;
	v18 =	vsub.f32 $0.0e+00, v18  }
0x646: {  	[dreg:$0x8] =	wrdreg s23;
	v22 =	vadd.f32 v51, v6;
	v6 =	vld [tilespmem:s3+$0x2A00];
	v55 =	vpop (erf);
	[tilespmem:s15+$0xFFFFFF50] =	vst v21;
	v21 =	vsub.f32 $0.0e+00, v13  }
0x647: {  	s11 =	smov.u32 s9;
	s23 =	sld [smem:$0x7C0];
	v8 =	vadd.f32 v52, v8;
	v24 =	vadd.f32 $1.000000000e+00, v55;
	v56 =	vpop (erf);
	v57 =	vld [tilespmem:s24+$0x60];
	v18 =	vmul.f32 $1.442695020e+00, v18  }
0x648: {  	[dreg:$0x9] =	wrdreg s11;
	v4 =	vld [tilespmem:s18+$0x2A00];
	[tilespmem:s20+$0xFFFFFFF0] =	vst v22;
	v22 =	vsub.f32 $0.0e+00, v22;
	v25 =	vmul.f32 v56, v54;
	v21 =	vmul.f32 $1.442695020e+00, v21;
	v59 =	vpop (erf)  }
0x649: {  	s21 =	sld [smem:$0x7BF];
	v58 =	vld [tilespmem:s4+$0xFFFFFF60];
	[tilespmem:s20+$0x70] =	vst v8;
	(erf) = vrcp.f32 v24;
	v16 =	vmul.f32 v59, v16  }
0x64a: {  	s29 =	sadd.s32 $0x4, s29;
	s17 =	smov.u32 s16;
	s16 =	sld [smem:$0x7B9];
	v19 =	vmul.f32 $1.442695020e+00, v22;
	v60 =	vsub.f32 $0.0e+00, v8;
	v8 =	vld [tilespmem:s23+$0x2A00];
	[tilespmem:s19+$0xA0] =	vst v25  }
0x64b: {  	p1 =	slt.u32 s29, $0x24;
	s31 =	smov.u32 s1;
	s1 =	sld [smem:$0x7BB];
	(erf) = vpow2.f32 v21;
	v21 =	vld [tilespmem:s12+$0x30];
	[tilespmem:s15+$0xFFFFFFD0] =	vst v16  }
0x64c: {  	s3 =	smov.u32 s21;
	s21 =	smov.u32 s12;
	v16 =	vmul.f32 $1.442695020e+00, v60;
	(erf) = vpow2.f32 v18;
	s12 =	sld [smem:$0x7C2];
	v18 =	vpop (erf);
	v22 =	vadd.f32 v23, v57;
	v23 =	vld [tilespmem:s6+$0x60]  }
0x64d: {  	s9 =	smov.u32 s16;
	s16 =	sld [smem:$0x7BE];
	s20 =	smov.u32 s4;
	v25 =	vld [tilespmem:s10+$0xB0];
	(erf) = vpow2.f32 v19;
	v18 =	vmul.f32 v18, v17;
	v17 =	vpop (erf)  }
.Ltmp6:
0x64e: {  	s11 =	smov.u32 s1;
	s1 =	sld [smem:$0x7C1];
	(erf) = vpow2.f32 v16;
	v16 =	vmul.f32 v17, v9;
	v22 =	vadd.f32 v58, v22;
	v17 =	vld [tilespmem:s20+$0xFFFFFFE0];
	v19 =	vpop (erf);
	(pc) =	sbr.rel @p1 .LBB2_10-.Ltmp6, $4  }
0x64f: {  	s23 =	sld [smem:$0x7C3];
	v9 =	vld [tilespmem:s12+$0x2A00];
	[tilespmem:s19+$0xFFFFFF20] =	vst v18;
	v62 =	vadd.f32 $1.000000000e+00, v19  }
0x650: {  	s13 =	sadd.s32 $0x2, s13;
	p0 =	por !p0, !p0;
	v19 =	vld [tilespmem:s30+$0x30];
	[tilespmem:s19+$0xFFFFFFA0] =	vst v16;
	v16 =	vadd.f32 v61, v21;
	v63 =	vsub.f32 $0.0e+00, v22  }
0x651: {  	s28 =	smov.u32 s1;
	s7 =	sld [smem:$0x7BC];
	s18 =	smov.u32 s16;
	[tilespmem:s20+$0xFFFFFF60] =	vst v22;
	v21 =	vld [tilespmem:s2+$0x30];
	v22 =	vadd.f32 v20, v23  }
0x652: {  	s16 =	smov.u32 s6;
	s4 =	smov.u32 s10;
	s12 =	smov.u32 s23;
	(erf) = vrcp.f32 v62;
	v20 =	vld [tilespmem:s10+$0xFFFFFF30];
	v16 =	vadd.f32 v25, v16;
	v18 =	vpop (erf);
	v23 =	vmul.f32 $1.442695020e+00, v63  }
0x653: {  	_ = 	snop  }
0x654: {  	v24 =	vpop (erf);
	v25 =	vsub.f32 $0.0e+00, v16  }
0x655: {  	v24 =	vadd.f32 $1.000000000e+00, v24  }
0x656: {  	v26 =	vld [tilespmem:s10+$0xFFFFFFB0];
	(erf) = vpow2.f32 v23;
	v40 =	vmul.f32 $1.442695020e+00, v25  }
0x657: {  	v17 =	vadd.f32 v17, v22;
	(erf) = vrcp.f32 v24  }
0x658: {  	v14 =	vadd.f32 v14, v19;
	(erf) = vpow2.f32 v40  }
0x659: {  	v41 =	vsub.f32 $0.0e+00, v17;
	v15 =	vadd.f32 v15, v21  }
0x65a: {  	v20 =	vadd.f32 v20, v14  }
0x65b: {  	s0 =	sor.u32 $0x460, s26;
	v42 =	vpop (erf);
	v19 =	vmul.f32 $1.442695020e+00, v41;
	v21 =	vadd.f32 v26, v15  }
0x65c: {  	v43 =	vld [tilespmem:s0+$0x2A00];
	v44 =	vpop (erf);
	v14 =	vadd.f32 $1.000000000e+00, v42;
	v45 =	vsub.f32 $0.0e+00, v20  }
0x65d: {  	v46 =	vpop (erf);
	v22 =	vadd.f32 $1.000000000e+00, v44;
	(erf) = vpow2.f32 v19;
	v47 =	vsub.f32 $0.0e+00, v21  }
0x65e: {  	v48 =	vpop (erf);
	(erf) = vrcp.f32 v14;
	v49 =	vmul.f32 $1.442695020e+00, v45  }
0x65f: {  	v19 =	vmul.f32 $1.442695020e+00, v47;
	(erf) = vrcp.f32 v22;
	v50 =	vpop (erf)  }
0x660: {  	v51 =	vadd.f32 $1.000000000e+00, v46;
	(erf) = vpow2.f32 v49;
	v52 =	vpop (erf)  }
0x661: {  	(erf) = vpow2.f32 v19;
	v53 =	vadd.f32 $1.000000000e+00, v50;
	v14 =	vmul.f32 v52, v43;
	v54 =	vpop (erf)  }
0x662: {  	[tilespmem:s20+$0xE0] =	vst v13;
	(erf) = vrcp.f32 v51;
	v55 =	vadd.f32 $1.000000000e+00, v54  }
0x663: {  	v57 =	vld [tilespmem:s15+$0xF0];
	(erf) = vrcp.f32 v53;
	[tilespmem:s15+$0xE0] =	vst v14  }
0x664: {  	v56 =	vld [tilespmem:s22+$0x70];
	(erf) = vrcp.f32 v55;
	_ =	sdelay $0x1  }
0x665: {  	v58 =	vpop (erf);
	v59 =	vld [tilespmem:s20+$0xF0]  }
0x666: {  	v13 =	vpop (erf)  }
0x667: {  	s22 =	sor.u32 $0x430, s17;
	v14 =	vpop (erf)  }
0x668: {  	v60 =	vld [tilespmem:s22+$0x2A00];
	v61 =	vpop (erf);
	v19 =	vadd.f32 v57, v56  }
0x669: {  	v27 =	vpop (erf)  }
0x66a: {  	v28 =	vmul.f32 v18, v12;
	v22 =	vadd.f32 $1.000000000e+00, v58;
	v15 =	vpop (erf);
	v12 =	vadd.f32 v59, v19  }
0x66b: {  	v62 =	vadd.f32 $1.000000000e+00, v61;
	v18 =	vpop (erf)  }
0x66c: {  	[tilespmem:s7+$0x20] =	vst v28;
	(erf) = vrcp.f32 v22;
	v29 =	vadd.f32 $1.000000000e+00, v27;
	v63 =	vpop (erf);
	v30 =	vsub.f32 $0.0e+00, v12  }
0x66d: {  	v31 =	vld [tilespmem:s14+$0x30];
	(erf) = vrcp.f32 v62;
	v22 =	vmul.f32 v63, v60  }
0x66e: {  	v32 =	vld [tilespmem:s4+$0x30];
	[tilespmem:s4+$0xB0] =	vst v16;
	(erf) = vrcp.f32 v29;
	v33 =	vmul.f32 $1.442695020e+00, v30  }
0x66f: {  	v34 =	vld [tilespmem:s7+$0xC0];
	[tilespmem:s7+$0xB0] =	vst v22  }
0x670: {  	(erf) = vpow2.f32 v33;
	v35 =	vld [tilespmem:s21+$0x40]  }
0x671: {  	s23 =	rddreg [dreg:$0x1d];
	v37 =	vld [tilespmem:s4+$0xC0]  }
0x672: {  	v7 =	vadd.f32 v7, v31;
	v36 =	vld [tilespmem:s23+$0x2A00]  }
0x673: {  	v38 =	vld [tilespmem:s5+$0x2A00]  }
0x674: {  	v39 =	vmul.f32 v48, v11;
	v16 =	vadd.f32 v32, v7  }
0x675: {  	v11 =	vpop (erf);
	[tilespmem:s4+$0xFFFFFFB0] =	vst v21;
	v19 =	vadd.f32 v34, v35  }
0x676: {  	v40 =	vsub.f32 $0.0e+00, v16;
	[tilespmem:s15+$0x50] =	vst v39;
	v41 =	vpop (erf);
	v42 =	vld [tilespmem:s7+$0xFFFFFFC0]  }
0x677: {  	v44 =	vld [tilespmem:s31+$0x60];
	v43 =	vpop (erf);
	v22 =	vmul.f32 v41, v36;
	v19 =	vadd.f32 v37, v19  }
0x678: {  	v21 =	vmul.f32 $1.442695020e+00, v40;
	[tilespmem:s4+$0xFFFFFF30] =	vst v20;
	v45 =	vld [tilespmem:s20+$0x60];
	v23 =	vmul.f32 v43, v38  }
0x679: {  	v20 =	vld [tilespmem:s7+$0xFFFFFF40];
	[tilespmem:s7+$0xFFFFFF30] =	vst v22;
	v46 =	vpop (erf);
	v47 =	vsub.f32 $0.0e+00, v19  }
0x67a: {  	(erf) = vpow2.f32 v21;
	[tilespmem:s7+$0xFFFFFFB0] =	vst v23;
	v48 =	vld [tilespmem:s30+$0x40];
	v49 =	vadd.f32 $1.000000000e+00, v46  }
0x67b: {  	v50 =	vld [tilespmem:s2+$0x40];
	v51 =	vmul.f32 $1.442695020e+00, v47  }
0x67c: {  	v52 =	vld [tilespmem:s4+$0xFFFFFF40];
	(erf) = vrcp.f32 v49  }
0x67d: {  	v10 =	vadd.f32 v10, v44;
	v53 =	vld [tilespmem:s4+$0xFFFFFFC0];
	(erf) = vpow2.f32 v51;
	_ =	sdelay $0x1  }
0x67e: {  	v10 =	vadd.f32 v45, v10;
	v20 =	vadd.f32 v20, v48  }
0x67f: {  	v7 =	vadd.f32 v42, v50  }
0x680: {  	v54 =	vsub.f32 $0.0e+00, v10;
	v20 =	vadd.f32 v52, v20  }
0x681: {  	v21 =	vadd.f32 v53, v7  }
0x682: {  	v57 =	vpop (erf);
	v55 =	vmul.f32 $1.442695020e+00, v54;
	v56 =	vsub.f32 $0.0e+00, v20  }
0x683: {  	v23 =	vadd.f32 $1.000000000e+00, v57;
	v58 =	vsub.f32 $0.0e+00, v21  }
0x684: {  	(erf) = vpow2.f32 v55;
	v22 =	vmul.f32 $1.442695020e+00, v56;
	v7 =	vpop (erf)  }
0x685: {  	(erf) = vrcp.f32 v23;
	v59 =	vmul.f32 $1.442695020e+00, v58;
	v60 =	vpop (erf)  }
0x686: {  	(erf) = vpow2.f32 v22;
	v61 =	vadd.f32 $1.000000000e+00, v60  }
0x687: {  	(erf) = vpow2.f32 v59  }
0x688: {  	(erf) = vrcp.f32 v61;
	_ =	sdelay $0x1  }
0x689: {  	s25 =	rddreg [dreg:$0x1c]  }
0x68a: {  	v62 =	vld [tilespmem:s25+$0x2A00]  }
0x68b: {  	s29 =	sor.u32 $0x440, s17  }
0x68c: {  	v63 =	vld [tilespmem:s29+$0x2A00];
	v30 =	vpop (erf)  }
0x68d: {  	v31 =	vpop (erf)  }
0x68e: {  	v32 =	vpop (erf)  }
0x68f: {  	[tilespmem:s4+$0xC0] =	vst v19;
	v24 =	vadd.f32 $1.000000000e+00, v30;
	v33 =	vmul.f32 v31, v62;
	v34 =	vpop (erf)  }
0x690: {  	[tilespmem:s4+$0x30] =	vst v16;
	v40 =	vld [tilespmem:s7+$0xD0];
	v26 =	vadd.f32 $1.000000000e+00, v32;
	v36 =	vpop (erf)  }
0x691: {  	v35 =	vld [tilespmem:s7+$0x40];
	(erf) = vrcp.f32 v24;
	[tilespmem:s7+$0x30] =	vst v33;
	v37 =	vmul.f32 v36, v63  }
0x692: {  	v38 =	vld [tilespmem:s14+$0x40];
	(erf) = vrcp.f32 v26  }
0x693: {  	v39 =	vld [tilespmem:s4+$0x40];
	[tilespmem:s7+$0xC0] =	vst v37  }
0x694: {  	v41 =	vld [tilespmem:s21+$0x50];
	_ =	sdelay $0x1  }
0x695: {  	v42 =	vld [tilespmem:s4+$0xD0];
	s1 =	rddreg [dreg:$0x18]  }
0x696: {  	v23 =	vadd.f32 v35, v38;
	v43 =	vld [tilespmem:s1+$0x2A00];
	_ =	sdelay $0x1  }
0x697: {  	v19 =	vadd.f32 v39, v23;
	v16 =	vadd.f32 v40, v41  }
0x698: {  	v47 =	vadd.f32 $1.000000000e+00, v34;
	v44 =	vpop (erf)  }
0x699: {  	v45 =	vsub.f32 $0.0e+00, v19;
	v46 =	vpop (erf);
	v16 =	vadd.f32 v42, v16  }
0x69a: {  	v48 =	vmul.f32 v46, v43  }
0x69b: {  	(erf) = vrcp.f32 v47;
	[tilespmem:s4+$0xFFFFFF40] =	vst v20;
	v24 =	vmul.f32 $1.442695020e+00, v45;
	v26 =	vsub.f32 $0.0e+00, v16  }
0x69c: {  	v49 =	vld [tilespmem:s7+$0xFFFFFF50];
	[tilespmem:s7+$0xFFFFFF40] =	vst v48  }
0x69d: {  	(erf) = vpow2.f32 v24;
	v50 =	vld [tilespmem:s30+$0x50];
	v51 =	vmul.f32 $1.442695020e+00, v26;
	_ =	sdelay $0x1  }
0x69e: {  	v52 =	vld [tilespmem:s4+$0xFFFFFF50];
	s5 =	rddreg [dreg:$0x1a];
	(erf) = vpow2.f32 v51  }
0x69f: {  	v53 =	vld [tilespmem:s5+$0x2A00];
	_ =	sdelay $0x1  }
0x6a0: {  	v20 =	vadd.f32 v49, v50;
	_ =	sdelay $0x1  }
0x6a1: {  	v54 =	vpop (erf);
	v20 =	vadd.f32 v52, v20  }
0x6a2: {  	v55 =	vmul.f32 v54, v53  }
0x6a3: {  	[tilespmem:s4+$0xFFFFFFC0] =	vst v21;
	v56 =	vpop (erf);
	v57 =	vsub.f32 $0.0e+00, v20  }
0x6a4: {  	v58 =	vld [tilespmem:s7+$0xFFFFFFD0];
	v22 =	vadd.f32 $1.000000000e+00, v56;
	[tilespmem:s7+$0xFFFFFFC0] =	vst v55  }
0x6a5: {  	v61 =	vld [tilespmem:s2+$0x50];
	v59 =	vmul.f32 $1.442695020e+00, v57;
	v60 =	vpop (erf)  }
0x6a6: {  	(erf) = vrcp.f32 v22;
	v62 =	vadd.f32 $1.000000000e+00, v60  }
0x6a7: {  	v63 =	vld [tilespmem:s4+$0xFFFFFFD0];
	(erf) = vpow2.f32 v59  }
0x6a8: {  	(erf) = vrcp.f32 v62;
	_ =	sdelay $0x1  }
0x6a9: {  	s6 =	rddreg [dreg:$0x16];
	v29 =	vadd.f32 v58, v61  }
0x6aa: {  	v28 =	vld [tilespmem:s6+$0x2A00]  }
0x6ab: {  	s8 =	sor.u32 $0x450, s17;
	v8 =	vmul.f32 v18, v8;
	v18 =	vadd.f32 v63, v29  }
0x6ac: {  	v30 =	vld [tilespmem:s8+$0x2A00];
	[tilespmem:s20+$0xFFFFFFE0] =	vst v17  }
0x6ad: {  	v48 =	vld [tilespmem:s15+$0xFFFFFF70];
	s10 =	rddreg [dreg:$0x13];
	v33 =	vsub.f32 $0.0e+00, v18  }
0x6ae: {  	v32 =	vmul.f32 v11, v9;
	[tilespmem:s15+$0xFFFFFF60] =	vst v8;
	v31 =	vld [tilespmem:s10+$0x2A00];
	v34 =	vpop (erf)  }
0x6af: {  	[tilespmem:s4+$0x40] =	vst v19;
	v49 =	vld [tilespmem:s15+$0xFFFFFFF0];
	v11 =	vmul.f32 v34, v28;
	v9 =	vmul.f32 $1.442695020e+00, v33;
	v36 =	vpop (erf)  }
0x6b0: {  	[tilespmem:s4+$0xD0] =	vst v16;
	v37 =	vld [tilespmem:s7+$0x50];
	v40 =	vadd.f32 $1.000000000e+00, v36;
	v38 =	vpop (erf)  }
0x6b1: {  	v45 =	vld [tilespmem:s7+$0xE0];
	[tilespmem:s7+$0x40] =	vst v11;
	(erf) = vpow2.f32 v9;
	v41 =	vmul.f32 v38, v30  }
0x6b2: {  	[tilespmem:s15+$0xFFFFFFE0] =	vst v32;
	v42 =	vld [tilespmem:s14+$0x50];
	(erf) = vrcp.f32 v40  }
0x6b3: {  	v43 =	vmul.f32 v44, v31;
	v44 =	vld [tilespmem:s4+$0x50];
	[tilespmem:s7+$0xD0] =	vst v41  }
0x6b4: {  	[tilespmem:s20+$0x60] =	vst v10;
	v46 =	vld [tilespmem:s21+$0x60]  }
0x6b5: {  	v35 =	vld [tilespmem:s24+$0x70];
	[tilespmem:s15+$0x60] =	vst v43  }
0x6b6: {  	v19 =	vld [tilespmem:s4+$0xE0];
	s13 =	rddreg [dreg:$0x12]  }
0x6b7: {  	v8 =	vadd.f32 v37, v42;
	v47 =	vld [tilespmem:s13+$0x2A00]  }
0x6b8: {  	v39 =	vld [tilespmem:s16+$0x70]  }
0x6b9: {  	v56 =	vld [tilespmem:s20+$0xFFFFFF70];
	v17 =	vadd.f32 v44, v8;
	v50 =	vadd.f32 v45, v46  }
0x6ba: {  	v57 =	vld [tilespmem:s20+$0xFFFFFFF0];
	v52 =	vpop (erf)  }
0x6bb: {  	v51 =	vld [tilespmem:s15+$0x70];
	v53 =	vsub.f32 $0.0e+00, v17;
	v54 =	vpop (erf);
	v19 =	vadd.f32 v19, v50  }
0x6bc: {  	v16 =	vld [tilespmem:s31+$0x70];
	v55 =	vadd.f32 $1.000000000e+00, v52;
	v22 =	vmul.f32 v54, v47  }
0x6bd: {  	v59 =	vld [tilespmem:s20+$0x70];
	[tilespmem:s4+$0xFFFFFF50] =	vst v20;
	v25 =	vmul.f32 $1.442695020e+00, v53;
	v58 =	vsub.f32 $0.0e+00, v19  }
0x6be: {  	v20 =	vld [tilespmem:s7+$0xFFFFFF60];
	(erf) = vrcp.f32 v55;
	[tilespmem:s7+$0xFFFFFF50] =	vst v22  }
0x6bf: {  	v60 =	vadd.f32 v48, v35;
	(erf) = vpow2.f32 v25;
	v61 =	vld [tilespmem:s30+$0x60];
	v62 =	vmul.f32 $1.442695020e+00, v58;
	_ =	sdelay $0x1  }
0x6c0: {  	v63 =	vadd.f32 v49, v39;
	v8 =	vadd.f32 v56, v60;
	v24 =	vld [tilespmem:s4+$0xFFFFFF60];
	(erf) = vpow2.f32 v62  }
0x6c1: {  	v25 =	vadd.f32 v51, v16  }
0x6c2: {  	v10 =	vadd.f32 v57, v63;
	v27 =	vsub.f32 $0.0e+00, v8;
	s16 =	rddreg [dreg:$0x10]  }
0x6c3: {  	v9 =	vadd.f32 v59, v25;
	v30 =	vld [tilespmem:s16+$0x2A00];
	v20 =	vadd.f32 v20, v61  }
0x6c4: {  	v29 =	vsub.f32 $0.0e+00, v10  }
0x6c5: {  	v16 =	vmul.f32 $1.442695020e+00, v27;
	v31 =	vsub.f32 $0.0e+00, v9;
	v11 =	vadd.f32 v24, v20  }
0x6c6: {  	v21 =	vmul.f32 $1.442695020e+00, v29;
	v32 =	vpop (erf)  }
0x6c7: {  	v23 =	vmul.f32 $1.442695020e+00, v31;
	(erf) = vpow2.f32 v16;
	v33 =	vpop (erf);
	v34 =	vsub.f32 $0.0e+00, v11  }
0x6c8: {  	(erf) = vpow2.f32 v21;
	v37 =	vmul.f32 v32, v30;
	v16 =	vadd.f32 $1.000000000e+00, v33  }
0x6c9: {  	(erf) = vpow2.f32 v23;
	v35 =	vmul.f32 $1.442695020e+00, v34;
	v36 =	vpop (erf)  }
0x6ca: {  	[tilespmem:s4+$0xFFFFFFD0] =	vst v18;
	(erf) = vrcp.f32 v16;
	v38 =	vadd.f32 $1.000000000e+00, v36  }
0x6cb: {  	v39 =	vld [tilespmem:s7+$0xFFFFFFE0];
	[tilespmem:s7+$0xFFFFFFD0] =	vst v37;
	(erf) = vpow2.f32 v35  }
0x6cc: {  	v40 =	vld [tilespmem:s2+$0x60];
	(erf) = vrcp.f32 v38;
	_ =	sdelay $0x1  }
0x6cd: {  	v18 =	vld [tilespmem:s4+$0xFFFFFFE0];
	_ =	sdelay $0x1  }
0x6ce: {  	s19 =	sor.u32 $0x460, s17;
	v41 =	vpop (erf)  }
0x6cf: {  	v42 =	vld [tilespmem:s19+$0x2A00];
	v16 =	vadd.f32 v39, v40;
	v43 =	vpop (erf)  }
0x6d0: {  	v44 =	vpop (erf)  }
0x6d1: {  	v16 =	vadd.f32 v18, v16;
	v45 =	vpop (erf)  }
0x6d2: {  	v46 =	vpop (erf)  }
0x6d3: {  	v48 =	vsub.f32 $0.0e+00, v16;
	v47 =	vpop (erf)  }
0x6d4: {  	v22 =	vmul.f32 v47, v42  }
0x6d5: {  	[tilespmem:s4+$0xE0] =	vst v19;
	v49 =	vmul.f32 $1.442695020e+00, v48  }
0x6d6: {  	v50 =	vld [tilespmem:s7+$0xF0];
	[tilespmem:s7+$0xE0] =	vst v22  }
0x6d7: {  	(erf) = vpow2.f32 v49;
	v22 =	vld [tilespmem:s21+$0x70];
	_ =	sdelay $0x1  }
0x6d8: {  	v51 =	vld [tilespmem:s4+$0xF0];
	_ =	sdelay $0x1  }
0x6d9: {  	s22 =	rddreg [dreg:$0xe]  }
0x6da: {  	v52 =	vld [tilespmem:s22+$0x2A00];
	v19 =	vadd.f32 v50, v22  }
0x6db: {  	v21 =	vadd.f32 $1.000000000e+00, v41  }
0x6dc: {  	v53 =	vadd.f32 $1.000000000e+00, v43;
	v19 =	vadd.f32 v51, v19  }
0x6dd: {  	v20 =	vadd.f32 $1.000000000e+00, v44;
	(erf) = vrcp.f32 v21  }
0x6de: {  	v18 =	vadd.f32 $1.000000000e+00, v46;
	(erf) = vrcp.f32 v53;
	v54 =	vpop (erf);
	v55 =	vsub.f32 $0.0e+00, v19  }
0x6df: {  	(erf) = vrcp.f32 v20;
	v56 =	vmul.f32 v45, v52;
	v57 =	vadd.f32 $1.000000000e+00, v54  }
0x6e0: {  	(erf) = vrcp.f32 v18;
	[tilespmem:s4+$0x50] =	vst v17;
	v59 =	vmul.f32 $1.442695020e+00, v55  }
0x6e1: {  	v58 =	vld [tilespmem:s7+$0x60];
	[tilespmem:s7+$0x50] =	vst v56;
	(erf) = vrcp.f32 v57  }
0x6e2: {  	v17 =	vld [tilespmem:s14+$0x60];
	(erf) = vpow2.f32 v59;
	_ =	sdelay $0x1  }
0x6e3: {  	v60 =	vld [tilespmem:s4+$0x60];
	_ =	sdelay $0x1  }
0x6e4: {  	v61 =	vpop (erf)  }
0x6e5: {  	v62 =	vpop (erf);
	v17 =	vadd.f32 v58, v17  }
0x6e6: {  	v63 =	vpop (erf)  }
0x6e7: {  	v32 =	vpop (erf);
	v17 =	vadd.f32 v60, v17  }
0x6e8: {  	v33 =	vpop (erf)  }
0x6e9: {  	v35 =	vsub.f32 $0.0e+00, v17;
	v34 =	vpop (erf)  }
0x6ea: {  	v24 =	vadd.f32 $1.000000000e+00, v34  }
0x6eb: {  	v25 =	vmul.f32 $1.442695020e+00, v35  }
0x6ec: {  	(erf) = vrcp.f32 v24  }
0x6ed: {  	(erf) = vpow2.f32 v25;
	_ =	sdelay $0x7  }
0x6ee: {  	v24 =	vpop (erf)  }
0x6ef: {  	v25 =	vpop (erf)  }
0x6f0: {  	v25 =	vadd.f32 $1.000000000e+00, v25;
	_ =	sdelay $0x1  }
0x6f1: {  	(erf) = vrcp.f32 v25  }
0x6f2: {  	v36 =	vld [tilespmem:s28+$0x2A00];
	_ =	sdelay $0x2  }
0x6f3: {  	v37 =	vld [tilespmem:s12+$0x2A00];
	s23 =	rddreg [dreg:$0xb]  }
0x6f4: {  	v38 =	vld [tilespmem:s23+$0x2A00]  }
0x6f5: {  	[tilespmem:s4+$0xFFFFFF60] =	vst v11;
	v39 =	vmul.f32 v32, v36  }
0x6f6: {  	[tilespmem:s4+$0xFFFFFFE0] =	vst v16;
	v44 =	vld [tilespmem:s7+$0xFFFFFF70]  }
0x6f7: {  	v45 =	vld [tilespmem:s7+$0xFFFFFFF0];
	[tilespmem:s7+$0xFFFFFF60] =	vst v39  }
0x6f8: {  	v42 =	vld [tilespmem:s30+$0x70];
	v40 =	vmul.f32 v33, v37;
	v41 =	vpop (erf)  }
0x6f9: {  	v47 =	vld [tilespmem:s4+$0xFFFFFF70];
	[tilespmem:s4+$0x60] =	vst v17;
	v11 =	vmul.f32 v41, v38  }
0x6fa: {  	v46 =	vld [tilespmem:s7+$0x70];
	[tilespmem:s7+$0xFFFFFFE0] =	vst v40  }
0x6fb: {  	v43 =	vld [tilespmem:s2+$0x70];
	[tilespmem:s7+$0x60] =	vst v11  }
0x6fc: {  	v11 =	vld [tilespmem:s14+$0x70]  }
0x6fd: {  	v48 =	vld [tilespmem:s4+$0xFFFFFFF0]  }
0x6fe: {  	v49 =	vld [tilespmem:s4+$0x70]  }
0x6ff: {  	v16 =	vadd.f32 v44, v42  }
0x700: {  	v17 =	vadd.f32 v45, v43  }
0x701: {  	v16 =	vadd.f32 v47, v16;
	v11 =	vadd.f32 v46, v11  }
0x702: {  	v17 =	vadd.f32 v48, v17  }
0x703: {  	v50 =	vsub.f32 $0.0e+00, v16;
	v11 =	vadd.f32 v49, v11  }
0x704: {  	v51 =	vsub.f32 $0.0e+00, v17  }
0x705: {  	v18 =	vmul.f32 $1.442695020e+00, v50;
	v52 =	vsub.f32 $0.0e+00, v11  }
0x706: {  	v23 =	vmul.f32 $1.442695020e+00, v51  }
0x707: {  	(erf) = vpow2.f32 v18;
	v25 =	vmul.f32 $1.442695020e+00, v52  }
0x708: {  	(erf) = vpow2.f32 v23  }
0x709: {  	(erf) = vpow2.f32 v25  }
0x70a: {  	v5 =	vmul.f32 v13, v5  }
0x70b: {  	v4 =	vmul.f32 v14, v4;
	s25 =	rddreg [dreg:$0x5]  }
0x70c: {  	[tilespmem:s25+$0xFFFFFF70] =	vst v5;
	v5 =	vmul.f32 v15, v6  }
0x70d: {  	s24 =	sor.u32 $0x470, s26;
	s26 =	rddreg [dreg:$0x9];
	[tilespmem:s25+$0xFFFFFFF0] =	vst v4  }
0x70e: {  	v53 =	vld [tilespmem:s24+$0x2A00];
	[tilespmem:s25+$0x70] =	vst v5  }
0x70f: {  	s0 =	rddreg [dreg:$0x8]  }
0x710: {  	v4 =	vpop (erf);
	v5 =	vld [tilespmem:s0+$0x2A00]  }
0x711: {  	v56 =	vld [tilespmem:s18+$0x2A00];
	v55 =	vpop (erf);
	v4 =	vadd.f32 $1.000000000e+00, v4  }
0x712: {  	[tilespmem:s20+$0xF0] =	vst v12;
	v14 =	vadd.f32 $1.000000000e+00, v55;
	v57 =	vpop (erf)  }
0x713: {  	v54 =	vld [tilespmem:s26+$0x2A00];
	[tilespmem:s20+$0xFFFFFF70] =	vst v8;
	(erf) = vrcp.f32 v4;
	v4 =	vmul.f32 v7, v53;
	v58 =	vadd.f32 $1.000000000e+00, v57  }
0x714: {  	s28 =	sor.u32 $0x470, s17;
	[tilespmem:s20+$0x70] =	vst v9;
	(erf) = vrcp.f32 v14  }
0x715: {  	[tilespmem:s15+$0xF0] =	vst v4;
	v4 =	vmul.f32 v62, v5;
	v5 =	vld [tilespmem:s28+$0x2A00];
	(erf) = vrcp.f32 v58  }
0x716: {  	v59 =	vmul.f32 v63, v56;
	v60 =	vld [tilespmem:s9+$0x2A00];
	[tilespmem:s4+$0xFFFFFF70] =	vst v16  }
0x717: {  	[tilespmem:s20+$0xFFFFFFF0] =	vst v10  }
0x718: {  	[tilespmem:s15+$0x70] =	vst v59  }
0x719: {  	v6 =	vmul.f32 v61, v54;
	[tilespmem:s15+$0xFFFFFFF0] =	vst v4;
	v4 =	vld [tilespmem:s11+$0x2A00]  }
0x71a: {  	v61 =	vld [tilespmem:s3+$0x2A00];
	[tilespmem:s4+$0x70] =	vst v11;
	v5 =	vmul.f32 v24, v5  }
0x71b: {  	[tilespmem:s15+$0xFFFFFF70] =	vst v6  }
0x71c: {  	[tilespmem:s4+$0xF0] =	vst v19;
	v62 =	vpop (erf)  }
0x71d: {  	[tilespmem:s4+$0xFFFFFFF0] =	vst v17;
	v7 =	vmul.f32 v62, v60;
	v63 =	vpop (erf)  }
0x71e: {  	[tilespmem:s7+$0xF0] =	vst v5;
	v4 =	vmul.f32 v63, v4;
	v5 =	vpop (erf)  }
0x71f: {  	[tilespmem:s7+$0xFFFFFF70] =	vst v7;
	v5 =	vmul.f32 v5, v61  }
0x720: {  	[tilespmem:s7+$0xFFFFFFF0] =	vst v4  }
0x721: {  	[tilespmem:s7+$0x70] =	vst v5  }
0x722: {  	s1 =	sld [smem:$0x7DC];
	_ =	sdelay $0x1  }
0x723: {  	s29 =	rddreg [dreg:$0x2];
	s8 =	simm.s32 $0x8E00;
	s5 =	simm.s32 $0x28  }
0x724: {  	s9 =	simm.s32 $0x6600;
	s2 =	simm.s32 $0x0;
	s0 =	sadd.s32 s29, s1  }
0x725: {  	[hbm4b:s0+s2] =	stream.linear.scatter [tilespmem:s9], [sflag:$0x4], $0x1400, $0x38;
	[tilespmem:$0x1E200] =	vst v63  }
0x726: {  	s31 =	simm.s32 $0x7;
	s30 =	rddreg [dreg:$0x3];
	s7 =	simm.s32 $0x180  }
0x727: {  	[spmem:s30] =	stream.indirect.scatter.add.f32 [tilespmem:s8], [sflag:$0x7], $0x80, s7, s5, $0xb8;
	[tilespmem:$0x1E200] =	vst v63  }
0x728: {  	_ =	swait.ge [sflag:s31], $0x1400  }
0x729: {  	s4 =	sld [smem:$0x7DA];
	_ =	sdelay $0x2  }
0x72a: {  	p0 =	seq.s32 s4, $0x7C  }
.Ltmp7:
0x72b: {  	_ = 	snop;
	(pc) =	sbr.rel @p0 .LBB2_13-.Ltmp7, $3  }
0x72c: {  	_ =	sdelay $0x1  }
0x72d: {  	[sflag:s31] =	ssyncset.done $0x0  }
0x72e: {  	[sflag:s31] =	ssyncadd.s32 $0xFFFFEC00  }
0x72f: {  	s0 =	sld [smem:$0x7EB]  }
0x730: {  	s1 =	sld [smem:$0x7DB];
	_ =	sdelay $0x1  }
0x731: {  	s30 =	sld [smem:$0x7E5]  }
0x732: {  	s0 =	sadd.s32 s1, s0  }
.Ltmp8:
0x733: {  	s31 =	sld [smem:$0x7E7];
	s0 =	sshrl.u32 s0, $0x3;
	(pc) =	sbr.rel .LBB2_4-.Ltmp8, $4  }
0x734: {  	s3 =	simm.s32 $0x80;
	s1 =	sadd.s32 s30, s0  }
0x735: {  	[tilespmem:s3], [sflag:$0x6] =	stream.linear.gather [hbm4b:s1+s2], $0x28, $0x38;
	[tilespmem:$0x1E200] =	vst v63  }
0x736: {  	s4 =	sadd.s32 $0x1, s4;
	s0 =	sadd.s32 s31, s0  }
0x737: {  	[tilespmem:s7], [sflag:$0x6] =	stream.linear.gather [hbm4b:s0+s2], $0x28, $0x38;
	[tilespmem:$0x1E200] =	vst v63  }
.LBB2_14:
0x738: {  	_ =	sfence.sel $0x180000  }
0x739: {  	[bflag:$0x0] =	sbarrier.arrive $0xFFFF  }
0x73a: {  	_ =	strace $0x90000047  }
0x73b: {  	s0 =	stileid.u32;
	[bflag:$0x2] =	sbarrier.arrive $0xFFFF  }
0x73c: {  	p0 =	sne.s32 s0, $0x0;
	s0 =	rddreg [dreg:$0x4]  }
0x73d: {  	s0 =	sadd.s32 @!p0 $0x100000, s0  }
0x73e: {  	[sflag:s0] =	ssyncadd.tile.s32 @!p0 $0x1;
	_ =	shalt  }
.Lfunc_end2:
_tile_overlayer_lowered:
.L_overlay_start_2:
0x73f: {  	(tag) =	ssettag $0x2  }
0x740: {  	s0 =	rddreg [dreg:$0x0];
	s2 =	stileid.u32  }
0x741: {  	s1 =	rddreg [dreg:$0x1];
	p0 =	sne.s32 s2, $0x0  }
0x742: {  	s3 =	rddreg [dreg:$0x2];
	[bflag:$0x3] =	sbarrier.arrive $0xFFFF;
	s2 =	simm.s32 @!p0 $0x1C07  }
0x743: {  	[timem:s3], [sflag:s2] =	dma.local @!p0 [hbm:s0], s1  }
0x744: {  	s0 =	simm.s32 @!p0 $0x7  }
0x745: {  	_ =	swait.ge @!p0 [sflag:s0], s1  }
0x746: {  	s1 =	ssub.s32 @!p0 $0x0, s1;
	[sflag:s0] =	ssyncset.done @!p0 $0x0  }
0x747: {  	[sflag:s0] =	ssyncadd.s32 @!p0 s1  }
0x748: {  	[bflag:$0x3] =	sbarrier.arrive $0xFFFF  }
0x749: {  	_ =	shalt  }

// kernel: kernel.7.cloned.1.call-start
scs
__scs_entry_jumppad:
0x0: {  	(pc) =	sbr.rel $0x88, $3  }
0x1: {  	(tag) =	ssettag $0x0;
	lr =	simm.s32 $0x1  }
0x2: {  	[smem:$0x3F95] =	sst lr;
	_ =	strace $0xD0000000  }
0x3: {  	_ = 	snop  }
0x4: {  	_ = 	snop  }
0x5: {  	_ = 	snop  }
0x6: {  	_ = 	snop  }
0x7: {  	_ = 	snop  }
__scs_overlays_trampoline_lowered:
0x8: {  	[smem:$0x3FA4] =	sst s0  }
0x9: {  	[smem:$0x3FA5] =	sst s1  }
0xa: {  	[smem:$0x3FA6] =	sst s2  }
0xb: {  	[smem:$0x3FA7] =	sst s3  }
0xc: {  	[smem:$0x3FA8] =	sst s4  }
0xd: {  	[smem:$0x3FA9] =	sst s5  }
0xe: {  	[smem:$0x3FAA] =	sst s6  }
0xf: {  	[smem:$0x3FAB] =	sst s7  }
0x10: {  	[smem:$0x3FAC] =	sst s8  }
0x11: {  	[smem:$0x3FAD] =	sst s9;
	s0 =	simm.s32 @!p0 $0x0  }
0x12: {  	s1 =	sld [smem:$0x3F93];
	s0 =	simm.s32 @p0 $0x1  }
0x13: {  	[smem:$0x3FAE] =	sst s0;
	s0 =	simm.s32 @!p1 $0x0  }
0x14: {  	s2 =	sld [smem:$0x3F92];
	s0 =	simm.s32 @p1 $0x1  }
0x15: {  	[smem:$0x3FAF] =	sst s0;
	s0 =	simm.s32 @!p2 $0x0  }
0x16: {  	s3 =	sld [smem:$0x3FDB];
	s0 =	simm.s32 @p2 $0x1  }
0x17: {  	s4 =	simm.s32 $0x1BF5;
	[smem:$0x3FB1] =	sst s0  }
0x18: {  	s0 =	sld [smem:$0x3F94];
	_ =	swait.ge [sflag:s4], $0x0  }
0x19: {  	s7 =	sld [smem:$0x3F95]  }
0x1a: {  	s8 =	sadd.s32 $0xFFFFE003, lr  }
0x1b: {  	s9 =	sadd.s32 $0xFFFFFEF7, lr;
	s5 =	simm.s32 $0xFFFFFFFF;
	p2 =	slt.u32 s8, $0xFFFFF086  }
0x1c: {  	p1 =	slt.u32 s9, $0xF7A;
	s5 =	simm.s32 @!p2 $0x0  }
0x1d: {  	s5 =	simm.s32 @p1 $0x1;
	p0 =	seq.s32 s7, s2  }
0x1e: {  	s7 =	smul.u32 @!p0 $0xF7A, s2;
	p2 =	seq.s32 @!p0 s5, $0x0  }
0x1f: {  	s9 =	smul.u32 $0xF7A, s1;
	s8 =	simm.s32 @!p0 $0x1BF5;
	p2 =	por !p2, p0  }
0x20: {  	[sflag:s8] =	ssyncset.s32 @!p0 $0xFFFFF086;
	s6 =	sadd.s32 @!p0 s3, s7;
	s7 =	simm.s32 @!p0 $0x108  }
0x21: {  	s3 =	sadd.s32 s3, s9;
	s6 =	sadd.s32 @!p0 $0x88, s6;
	s7 =	simm.s32 @p2 $0x1082  }
0x22: {  	[simem:s7], [sflag:s8] =	dma.local @!p0 [hbm:s6], $0xF7A  }
0x23: {  	s9 =	sor.u32 $0xD0000000, s2;
	s6 =	simm.s32 $0x108;
	_ =	swait.ge @!p0 [sflag:s8], $0x0  }
0x24: {  	s3 =	sadd.s32 $0x88, s3;
	s6 =	simm.s32 @!p1 $0x1082;
	[sflag:s4] =	ssyncset.s32 $0xFFFFF086  }
0x25: {  	[simem:s6], [sflag:s4] =	dma.local [hbm:s3], $0xF7A  }
0x26: {  	[smem:$0x3F95] =	sst s1;
	(tag) =	ssettag s2;
	_ =	strace s9  }
0x27: {  	s1 =	sld [smem:$0x3FA5]  }
0x28: {  	s2 =	sld [smem:$0x3FA6]  }
0x29: {  	s4 =	sld [smem:$0x3FA8]  }
0x2a: {  	p0 =	seq.s32 s5, $0x0;
	s5 =	sld [smem:$0x3FA9]  }
0x2b: {  	s6 =	sld [smem:$0x3FAA]  }
0x2c: {  	s7 =	sld [smem:$0x3FAB]  }
0x2d: {  	s3 =	simm.s32 $0x108;
	s8 =	sld [smem:$0x3FAC]  }
0x2e: {  	s3 =	simm.s32 @!p0 $0x1082;
	s9 =	sld [smem:$0x3FAD]  }
0x2f: {  	lr =	sadd.s32 s0, s3;
	s0 =	sld [smem:$0x3FA4]  }
0x30: {  	s3 =	sld [smem:$0x3FA7]  }
0x31: {  	[smem:$0x3FB0] =	sst s10  }
0x32: {  	s10 =	sld [smem:$0x3FAE];
	_ =	sdelay $0x3  }
0x33: {  	p0 =	seq.s32 s10, $0x1;
	s10 =	sld [smem:$0x3FB0];
	_ =	sdelay $0x3  }
0x34: {  	[smem:$0x3FB0] =	sst s10  }
0x35: {  	s10 =	sld [smem:$0x3FAF];
	_ =	sdelay $0x3  }
0x36: {  	p1 =	seq.s32 s10, $0x1;
	s10 =	sld [smem:$0x3FB0];
	_ =	sdelay $0x3  }
0x37: {  	[smem:$0x3FB0] =	sst s10  }
0x38: {  	s10 =	sld [smem:$0x3FB1]  }
0x39: {  	_ = 	snop;
	(pc) =	sbr.ind lr, $3  }
0x3a: {  	_ = 	snop  }
0x3b: {  	_ = 	snop  }
0x3c: {  	p2 =	seq.s32 s10, $0x1;
	s10 =	sld [smem:$0x3FB0]  }
0x3d: {  	_ =	shalt  }
0x3e: {  	_ =	shalt  }
0x3f: {  	_ =	shalt  }
0x40: {  	_ =	shalt  }
0x41: {  	_ =	shalt  }
0x42: {  	_ =	shalt  }
0x43: {  	_ =	shalt  }
0x44: {  	_ =	shalt  }
0x45: {  	_ =	shalt  }
0x46: {  	_ =	shalt  }
0x47: {  	_ =	shalt  }
0x48: {  	_ =	shalt  }
0x49: {  	_ =	shalt  }
0x4a: {  	_ =	shalt  }
0x4b: {  	_ =	shalt  }
0x4c: {  	_ =	shalt  }
0x4d: {  	_ =	shalt  }
0x4e: {  	_ =	shalt  }
0x4f: {  	_ =	shalt  }
0x50: {  	_ =	shalt  }
0x51: {  	_ =	shalt  }
0x52: {  	_ =	shalt  }
0x53: {  	_ =	shalt  }
0x54: {  	_ =	shalt  }
0x55: {  	_ =	shalt  }
0x56: {  	_ =	shalt  }
0x57: {  	_ =	shalt  }
0x58: {  	_ =	shalt  }
0x59: {  	_ =	shalt  }
0x5a: {  	_ =	shalt  }
0x5b: {  	_ =	shalt  }
0x5c: {  	_ =	shalt  }
0x5d: {  	_ =	shalt  }
0x5e: {  	_ =	shalt  }
0x5f: {  	_ =	shalt  }
0x60: {  	_ =	shalt  }
0x61: {  	_ =	shalt  }
0x62: {  	_ =	shalt  }
0x63: {  	_ =	shalt  }
0x64: {  	_ =	shalt  }
0x65: {  	_ =	shalt  }
0x66: {  	_ =	shalt  }
0x67: {  	_ =	shalt  }
0x68: {  	_ =	shalt  }
0x69: {  	_ =	shalt  }
0x6a: {  	_ =	shalt  }
0x6b: {  	_ =	shalt  }
0x6c: {  	_ =	shalt  }
0x6d: {  	_ =	shalt  }
0x6e: {  	_ =	shalt  }
0x6f: {  	_ =	shalt  }
0x70: {  	_ =	shalt  }
0x71: {  	_ =	shalt  }
0x72: {  	_ =	shalt  }
0x73: {  	_ =	shalt  }
0x74: {  	_ =	shalt  }
0x75: {  	_ =	shalt  }
0x76: {  	_ =	shalt  }
0x77: {  	_ =	shalt  }
0x78: {  	_ =	shalt  }
0x79: {  	_ =	shalt  }
0x7a: {  	_ =	shalt  }
0x7b: {  	_ =	shalt  }
0x7c: {  	_ =	shalt  }
0x7d: {  	_ =	shalt  }
0x7e: {  	_ =	shalt  }
0x7f: {  	_ =	shalt  }
0x80: {  	_ =	shalt  }
0x81: {  	_ =	shalt  }
0x82: {  	_ =	shalt  }
0x83: {  	_ =	shalt  }
0x84: {  	_ =	shalt  }
0x85: {  	_ =	shalt  }
0x86: {  	_ =	shalt  }
0x87: {  	_ =	shalt  }
.Lfunc_end0:
.L_simem_size_0:
called_computation_lowered:
.L_overlay_start_0:
0x88: {  	s2 =	sld [smem:$0x3FD9]  }
0x89: {  	s3 =	sld [smem:$0x3FFE];
	_ =	sdelay $0x1  }
0x8a: {  	s1 =	srdreg.scid  }
0x8b: {  	s0 =	sand.u32 $0x1, s1  }
0x8c: {  	s17 =	sshll.u32 s0, $0xA;
	s2 =	sadd.s32 s3, s2  }
0x8d: {  	s2 =	sadd.s32 s2, s17  }
0x8e: {  	[smem:$0x3FBC] =	sst s2  }
0x8f: {  	_ = 	snop  }
0x90: {  	(tm) =	ssettm $0x1  }
0x91: {  	s18 =	sld [smem:$0x3FFB];
	_ =	sdelay $0x3  }
0x92: {  	_ =	strace s18  }
0x93: {  	s2 =	sld [smem:$0x3FFC];
	_ =	sdelay $0x3  }
0x94: {  	_ =	strace s2  }
0x95: {  	s2 =	sld [smem:$0x3FFD];
	_ =	sdelay $0x3  }
0x96: {  	_ =	strace s2  }
0x97: {  	_ =	strace $0x8FFFFFFF  }
0x98: {  	s19 =	sld [smem:$0x3FDB];
	_ =	sdelay $0x1  }
0x99: {  	s20 =	simm.s32 $_scs_section_size  }
0x9a: {  	s4 =	simm.s32 $_size__tile_overlayer_lowered;
	s5 =	simm.s32 $_tile_overlayer_lowered  }
0x9b: {  	s6 =	simm.s32 $0x1BFF;
	s21 =	sshll.u32 s5, $0x1;
	s3 =	sadd.s32 s20, s19  }
0x9c: {  	s22 =	simm.s32 $0x0;
	s4 =	sshll.u32 s4, $0x1;
	s5 =	sadd.s32 s21, s3  }
0x9d: {  	[timem:s22], [sflag:s6] =	dma.local [hbm:s5], s4  }
0x9e: {  	_ =	swait.ge [sflag:s6], s4  }
0x9f: {  	s4 =	ssub.s32 $0x0, s4;
	[sflag:s6] =	ssyncset.done $0x0  }
0xa0: {  	[sflag:s6] =	ssyncadd.s32 s4;
	_ =	sdelay $0x1  }
0xa1: {  	s23 =	simm.s32 $0x1B8B  }
0xa2: {  	_ =	swait.ge [sflag:s23], $0x1  }
0xa3: {  	[sflag:s23] =	ssyncset.done $0x0  }
0xa4: {  	[sflag:s23] =	ssyncadd.s32 $0xFFFFFFFF  }
0xa5: {  	s4 =	sld [smem:$0x0]  }
0xa6: {  	s5 =	sand.u32 $0xFFFFFFFE, s1  }
0xa7: {  	p0 =	sne.s32 s1, s5  }
0xa8: {  	s5 =	sshll.u32 @p0 s5, $0xE  }
0xa9: {  	s5 =	sadd.s32 @p0 $0x11B8D, s5;
	s6 =	sshll.u32 @p0 s4, $0x11  }
0xaa: {  	s5 =	sor.u32 @p0 s6, s5  }
0xab: {  	[sflag:s5] =	ssyncadd.remote.s32 @p0 $0x1;
	_ =	sdelay $0x1  }
0xac: {  	s5 =	simm.s32 @p0 $0x1B8D  }
0xad: {  	_ =	swait.eq @p0 [sflag:s5], $0x1  }
0xae: {  	[sflag:s5] =	ssyncadd.s32 @p0 $0xFFFFFFFF  }
0xaf: {  	s6 =	sshll.u32 @!p0 s1, $0xE  }
0xb0: {  	s6 =	sor.u32 @!p0 $0x4000, s6;
	s5 =	simm.s32 @!p0 $0x1B8D  }
0xb1: {  	s4 =	sshll.u32 @!p0 s4, $0x11;
	s6 =	sadd.s32 @!p0 $0x11B8D, s6;
	_ =	swait.eq @!p0 [sflag:s5], $0x1  }
0xb2: {  	s4 =	sor.u32 @!p0 s4, s6;
	[sflag:s5] =	ssyncadd.s32 @!p0 $0xFFFFFFFF  }
0xb3: {  	s25 =	simm.s32 $0x1B8E;
	s24 =	sld [smem:$0x3FFE];
	[sflag:s4] =	ssyncadd.remote.s32 @!p0 $0x1  }
0xb4: {  	s26 =	simm.s32 $execute0_lowered;
	[smem:$0x3FD2] =	sst s25  }
0xb5: {  	s5 =	sshll.u32 s26, $0x1;
	_ =	strace $0x80000049;
	[dreg:$0x1] =	wrdreg $0xFFFFFFFF  }
0xb6: {  	s28 =	simm.s32 $_size_execute0_lowered;
	s3 =	sadd.s32 s3, s5;
	[dreg:$0x0] =	wrdreg $0x0  }
0xb7: {  	s5 =	sshll.u32 s28, $0x1;
	[dreg:$0x2] =	wrdreg s3  }
0xb8: {  	[dreg:$0x3] =	wrdreg s5  }
0xb9: {  	[dreg:$0x4] =	wrdreg $0xC0  }
0xba: {  	_ =	task [dreg:s22], $0x5FFFF  }
0xbb: {  	[dreg:$0x1] =	wrdreg $0xFFFFFFFF  }
0xbc: {  	[dreg:$0x0] =	wrdreg $0x60  }
0xbd: {  	[dreg:$0x2] =	wrdreg s24  }
0xbe: {  	[dreg:$0x3] =	wrdreg $0x9  }
0xbf: {  	_ =	task.clear_ibuf [dreg:s22], $0x4FFFF;
	_ =	strace $0x90000049  }
0xc0: {  	s29 =	simm.s32 $0x9;
	_ =	strace $0x8000004B  }
0xc1: {  	_ =	swait.ge [sflag:s29], $0x1  }
0xc2: {  	[sflag:s29] =	ssyncadd.s32 $0xFFFFFFFF  }
0xc3: {  	_ =	strace $0x9000004B  }
0xc4: {  	_ =	sfence  }
0xc5: {  	s30 =	sld [smem:$0x0];
	_ =	sdelay $0x2  }
0xc6: {  	s31 =	sshll.u32 s1, $0xD;
	s1 =	sshrl.u32 s1, $0x2  }
0xc7: {  	s4 =	sand.u32 $0x4000, s31;
	s1 =	sadd.s32 s1, s30  }
0xc8: {  	s0 =	sor.u32 s4, s0;
	s1 =	sshll.u32 s1, $0x11  }
0xc9: {  	s0 =	sor.u32 s1, s0  }
0xca: {  	s0 =	sadd.s32 $0x8F2B, s0  }
0xcb: {  	[sflag:s0] =	ssyncadd.remote.s32 $0x1  }
0xcc: {  	_ =	sfence.sel $0xFFFF  }
0xcd: {  	[dreg:$0x0] =	wrdreg $0xFFFFFFFF;
	(pc) =	sbr.abs _section_cstart, $3  }
0xce: {  	[dreg:$0x1] =	wrdreg $0xFFFFFFFF  }
0xcf: {  	_ =	task.clear_ibuf [dreg:s22], $0x2FFFF;
	_ =	strace $0x9FFFFFFF  }
0xd0: {  	(tm) =	ssettm $0x7FFFFFFF  }
0xd1: {  	_ =	shalt  }
tec
execute0_lowered:
.L_overlay_start_1:
0x0: {  	(tag) =	ssettag $0x1  }
0x1: {  	s3 =	rddreg [dreg:$0x0]  }
0x2: {  	s0 =	rddreg [dreg:$0x1];
	s2 =	simm.s32 $0x0;
	s4 =	srdreg.scid  }
0x3: {  	s1 =	stileid.u32;
	s9 =	simm.s32 $0x2780;
	s4 =	sand.u32 $0x1, s4  }
0x4: {  	s5 =	sshrl.u32 s1, $0x2;
	s6 =	sshll.u32 s1, $0x8;
	[smem:$0x7FF] =	sst s2  }
0x5: {  	s7 =	sshll.u32 s4, $0x7;
	s6 =	sand.u32 $0x300, s6;
	s8 =	smul.u32 $0x13C00, s5  }
0x6: {  	s5 =	smul.u32 $0x14000, s5;
	s4 =	ssub.s32 $0x2, s4;
	s6 =	sor.u32 s7, s6  }
0x7: {  	_ =	strace $0x8000004A;
	s31 =	sshrl.u32 s4, $0x1;
	s7 =	sor.u32 s8, s6  }
0x8: {  	s5 =	sor.u32 s5, s6;
	s6 =	simm.s32 $0x80;
	s7 =	sshrl.u32 s7, $0x3  }
0x9: {  	s8 =	simm.s32 $0x1;
	s5 =	sshrl.u32 s5, $0x3;
	s30 =	sadd.s32 s7, s3  }
0xa: {  	v0 =	vimm.f32 $0.0e+00;
	vm0 =	vcmask $0x300;
	s5 =	sadd.s32 s5, s3;
	s7 =	ssub.s32 s4, s31;
	s3 =	sadd.s32 $0x597000, s30  }
0xb: {  	v1 =	vsel vm0, $0x3F800000, v0;
	s4 =	sadd.s32 $0x5A0E00, s5;
	s5 =	smax.u32 s7, $0x1;
	s7 =	simm.s32 $0x400  }
.LBB2_1:
0xc: {  	s10 =	simm.s32 $0x40;
	s11 =	simm.s32 $0x0  }
.LBB2_2:
0xd: {  	p0 =	sne.s32 s10, $0x9FC0;
	[tilespmem:s11+$0x2780] =	vst v0;
	s11 =	smov.u32 s10;
	s10 =	sadd.s32 $0x40, s10  }
.Ltmp0:
0xe: {  	(pc) =	sbr.rel @p0 .LBB2_2-.Ltmp0, $2  }
0xf: {  	_ =	sdelay $0x2  }
0x10: {  	s11 =	sshra.s32 s11, $0x2  }
0x11: {  	[tilespmem:s11+$0x2780] =	vst v0;
	s10 =	simm.s32 $0x0  }
0x12: {  	[tilespmem:s10], [sflag:$0x1] =	stream.strided.gather [hbm4b:s3+s6], $0x2780, s7, s6, $0x38;
	[tilespmem:$0x4F80] =	vst v63  }
0x13: {  	_ =	swait.ge [sflag:s8], $0x2780  }
0x14: {  	[sflag:s8] =	ssyncset.done $0x0  }
0x15: {  	s15 =	simm.s32 $0x0;
	[sflag:s8] =	ssyncadd.s32 $0xFFFFD880  }
0x16: {  	v2 =	vld [tilespmem:s15+$0x0];
	_ =	sdelay $0x4  }
0x17: {  	v2 =	vadd.s32 $0x2780, v2  }
0x18: {  	(v2sf) =	vpush v2, $0x0;
	_ =	sdelay $0x7  }
0x19: {  	(v2sf) =	vpush v2, $0x1;
	_ =	sdelay $0x6  }
0x1a: {  	s16 =	spop (v2sf)  }
0x1b: {  	(v2sf) =	vpush v2, $0x2;
	v3 =	vld [tilespmem:s16+$0x0];
	_ =	sdelay $0x4  }
0x1c: {  	v3 =	vadd.f32 v1, v3;
	_ =	sdelay $0x1  }
0x1d: {  	s17 =	spop (v2sf);
	[tilespmem:s16+$0x0] =	vst v3  }
0x1e: {  	(v2sf) =	vpush v2, $0x3;
	v3 =	vld [tilespmem:s17+$0x0];
	_ =	sdelay $0x4  }
0x1f: {  	v3 =	vadd.f32 v1, v3;
	_ =	sdelay $0x1  }
0x20: {  	s18 =	spop (v2sf);
	[tilespmem:s17+$0x0] =	vst v3  }
0x21: {  	(v2sf) =	vpush v2, $0x4;
	v3 =	vld [tilespmem:s18+$0x0];
	_ =	sdelay $0x4  }
0x22: {  	v3 =	vadd.f32 v1, v3;
	_ =	sdelay $0x1  }
0x23: {  	s19 =	spop (v2sf);
	[tilespmem:s18+$0x0] =	vst v3  }
0x24: {  	(v2sf) =	vpush v2, $0x5;
	v3 =	vld [tilespmem:s19+$0x0];
	_ =	sdelay $0x4  }
0x25: {  	v3 =	vadd.f32 v1, v3;
	_ =	sdelay $0x1  }
0x26: {  	s20 =	spop (v2sf);
	[tilespmem:s19+$0x0] =	vst v3  }
0x27: {  	(v2sf) =	vpush v2, $0x6;
	v3 =	vld [tilespmem:s20+$0x0];
	_ =	sdelay $0x4  }
0x28: {  	v3 =	vadd.f32 v1, v3;
	_ =	sdelay $0x1  }
0x29: {  	s21 =	spop (v2sf);
	[tilespmem:s20+$0x0] =	vst v3  }
0x2a: {  	(v2sf) =	vpush v2, $0x7;
	v3 =	vld [tilespmem:s21+$0x0];
	_ =	sdelay $0x4  }
0x2b: {  	v3 =	vadd.f32 v1, v3;
	_ =	sdelay $0x1  }
0x2c: {  	s22 =	spop (v2sf);
	[tilespmem:s21+$0x0] =	vst v3  }
0x2d: {  	(v2sf) =	vpush v2, $0x8;
	v3 =	vld [tilespmem:s22+$0x0];
	_ =	sdelay $0x4  }
0x2e: {  	v3 =	vadd.f32 v1, v3;
	_ =	sdelay $0x1  }
0x2f: {  	s23 =	spop (v2sf);
	[tilespmem:s22+$0x0] =	vst v3  }
0x30: {  	(v2sf) =	vpush v2, $0x9;
	v3 =	vld [tilespmem:s23+$0x0];
	_ =	sdelay $0x4  }
0x31: {  	v3 =	vadd.f32 v1, v3;
	_ =	sdelay $0x1  }
0x32: {  	s24 =	spop (v2sf);
	[tilespmem:s23+$0x0] =	vst v3  }
0x33: {  	(v2sf) =	vpush v2, $0xA;
	v3 =	vld [tilespmem:s24+$0x0];
	_ =	sdelay $0x4  }
0x34: {  	v3 =	vadd.f32 v1, v3;
	_ =	sdelay $0x1  }
0x35: {  	s25 =	spop (v2sf);
	[tilespmem:s24+$0x0] =	vst v3  }
0x36: {  	(v2sf) =	vpush v2, $0xB;
	v3 =	vld [tilespmem:s25+$0x0];
	_ =	sdelay $0x4  }
0x37: {  	v3 =	vadd.f32 v1, v3;
	_ =	sdelay $0x1  }
0x38: {  	s26 =	spop (v2sf);
	[tilespmem:s25+$0x0] =	vst v3  }
0x39: {  	(v2sf) =	vpush v2, $0xC;
	v3 =	vld [tilespmem:s26+$0x0];
	_ =	sdelay $0x4  }
0x3a: {  	v3 =	vadd.f32 v1, v3;
	_ =	sdelay $0x1  }
0x3b: {  	s28 =	spop (v2sf);
	[tilespmem:s26+$0x0] =	vst v3  }
0x3c: {  	(v2sf) =	vpush v2, $0xD;
	v3 =	vld [tilespmem:s28+$0x0];
	_ =	sdelay $0x4  }
0x3d: {  	v3 =	vadd.f32 v1, v3;
	_ =	sdelay $0x1  }
0x3e: {  	s29 =	spop (v2sf);
	[tilespmem:s28+$0x0] =	vst v3  }
0x3f: {  	(v2sf) =	vpush v2, $0xE;
	v3 =	vld [tilespmem:s29+$0x0];
	_ =	sdelay $0x4  }
0x40: {  	v3 =	vadd.f32 v1, v3;
	_ =	sdelay $0x1  }
0x41: {  	s30 =	spop (v2sf);
	[tilespmem:s29+$0x0] =	vst v3  }
0x42: {  	(v2sf) =	vpush v2, $0xF;
	v3 =	vld [tilespmem:s30+$0x0];
	_ =	sdelay $0x4  }
0x43: {  	v2 =	vadd.f32 v1, v3;
	_ =	sdelay $0x1  }
0x44: {  	s31 =	spop (v2sf);
	[tilespmem:s30+$0x0] =	vst v2  }
0x45: {  	v2 =	vld [tilespmem:s31+$0x0];
	_ =	sdelay $0x4  }
0x46: {  	v2 =	vadd.f32 v1, v2;
	_ =	sdelay $0x1  }
0x47: {  	s12 =	spop (v2sf);
	[tilespmem:s31+$0x0] =	vst v2  }
0x48: {  	v2 =	vld [tilespmem:s12+$0x0];
	_ =	sdelay $0x4  }
0x49: {  	s11 =	simm.s32 $0x80;
	s10 =	simm.s32 $0x40;
	v2 =	vadd.f32 v1, v2  }
.LBB2_4:
0x4a: {  	p0 =	sne.s32 s11, $0x9C00  }
0x4b: {  	s13 =	sshra.s32 s10, $0x2;
	s10 =	smov.u32 s11;
	s11 =	sadd.s32 $0x40, s11;
	[tilespmem:s12+$0x0] =	vst v2  }
0x4c: {  	v2 =	vld [tilespmem:s13+$0x0];
	_ =	sdelay $0x4  }
0x4d: {  	v2 =	vadd.s32 $0x2780, v2  }
0x4e: {  	(v2sf) =	vpush v2, $0x0;
	_ =	sdelay $0x7  }
0x4f: {  	(v2sf) =	vpush v2, $0x1;
	_ =	sdelay $0x6  }
0x50: {  	s12 =	spop (v2sf)  }
0x51: {  	v3 =	vld [tilespmem:s12+$0x0];
	(v2sf) =	vpush v2, $0x2;
	_ =	sdelay $0x4  }
0x52: {  	v3 =	vadd.f32 v1, v3;
	_ =	sdelay $0x1  }
0x53: {  	[tilespmem:s12+$0x0] =	vst v3;
	s12 =	spop (v2sf)  }
0x54: {  	v3 =	vld [tilespmem:s12+$0x0];
	(v2sf) =	vpush v2, $0x3;
	_ =	sdelay $0x4  }
0x55: {  	v3 =	vadd.f32 v1, v3;
	_ =	sdelay $0x1  }
0x56: {  	[tilespmem:s12+$0x0] =	vst v3;
	s12 =	spop (v2sf)  }
0x57: {  	v3 =	vld [tilespmem:s12+$0x0];
	(v2sf) =	vpush v2, $0x4;
	_ =	sdelay $0x4  }
0x58: {  	v3 =	vadd.f32 v1, v3;
	_ =	sdelay $0x1  }
0x59: {  	[tilespmem:s12+$0x0] =	vst v3;
	s12 =	spop (v2sf)  }
0x5a: {  	v3 =	vld [tilespmem:s12+$0x0];
	(v2sf) =	vpush v2, $0x5;
	_ =	sdelay $0x4  }
0x5b: {  	v3 =	vadd.f32 v1, v3;
	_ =	sdelay $0x1  }
0x5c: {  	[tilespmem:s12+$0x0] =	vst v3;
	s12 =	spop (v2sf)  }
0x5d: {  	v3 =	vld [tilespmem:s12+$0x0];
	(v2sf) =	vpush v2, $0x6;
	_ =	sdelay $0x4  }
0x5e: {  	v3 =	vadd.f32 v1, v3;
	_ =	sdelay $0x1  }
0x5f: {  	[tilespmem:s12+$0x0] =	vst v3;
	s12 =	spop (v2sf)  }
0x60: {  	v3 =	vld [tilespmem:s12+$0x0];
	(v2sf) =	vpush v2, $0x7;
	_ =	sdelay $0x4  }
0x61: {  	v3 =	vadd.f32 v1, v3;
	_ =	sdelay $0x1  }
0x62: {  	[tilespmem:s12+$0x0] =	vst v3;
	s12 =	spop (v2sf)  }
0x63: {  	v3 =	vld [tilespmem:s12+$0x0];
	(v2sf) =	vpush v2, $0x8;
	_ =	sdelay $0x4  }
0x64: {  	v3 =	vadd.f32 v1, v3;
	_ =	sdelay $0x1  }
0x65: {  	[tilespmem:s12+$0x0] =	vst v3;
	s12 =	spop (v2sf)  }
0x66: {  	v3 =	vld [tilespmem:s12+$0x0];
	(v2sf) =	vpush v2, $0x9;
	_ =	sdelay $0x4  }
0x67: {  	v3 =	vadd.f32 v1, v3;
	_ =	sdelay $0x1  }
0x68: {  	[tilespmem:s12+$0x0] =	vst v3;
	s12 =	spop (v2sf)  }
0x69: {  	v3 =	vld [tilespmem:s12+$0x0];
	(v2sf) =	vpush v2, $0xA;
	_ =	sdelay $0x4  }
0x6a: {  	v3 =	vadd.f32 v1, v3;
	_ =	sdelay $0x1  }
0x6b: {  	[tilespmem:s12+$0x0] =	vst v3;
	s12 =	spop (v2sf)  }
0x6c: {  	v3 =	vld [tilespmem:s12+$0x0];
	(v2sf) =	vpush v2, $0xB;
	_ =	sdelay $0x4  }
0x6d: {  	v3 =	vadd.f32 v1, v3;
	_ =	sdelay $0x1  }
0x6e: {  	[tilespmem:s12+$0x0] =	vst v3;
	s12 =	spop (v2sf)  }
0x6f: {  	v3 =	vld [tilespmem:s12+$0x0];
	(v2sf) =	vpush v2, $0xC;
	_ =	sdelay $0x4  }
0x70: {  	v3 =	vadd.f32 v1, v3;
	_ =	sdelay $0x1  }
0x71: {  	[tilespmem:s12+$0x0] =	vst v3;
	s12 =	spop (v2sf)  }
0x72: {  	v3 =	vld [tilespmem:s12+$0x0];
	(v2sf) =	vpush v2, $0xD;
	_ =	sdelay $0x4  }
0x73: {  	v3 =	vadd.f32 v1, v3;
	_ =	sdelay $0x1  }
0x74: {  	[tilespmem:s12+$0x0] =	vst v3;
	s12 =	spop (v2sf)  }
0x75: {  	v3 =	vld [tilespmem:s12+$0x0];
	(v2sf) =	vpush v2, $0xE;
	_ =	sdelay $0x4  }
0x76: {  	v3 =	vadd.f32 v1, v3;
	_ =	sdelay $0x1  }
0x77: {  	[tilespmem:s12+$0x0] =	vst v3;
	s12 =	spop (v2sf)  }
0x78: {  	v3 =	vld [tilespmem:s12+$0x0];
	(v2sf) =	vpush v2, $0xF;
	_ =	sdelay $0x4  }
0x79: {  	v2 =	vadd.f32 v1, v3;
	_ =	sdelay $0x1  }
0x7a: {  	[tilespmem:s12+$0x0] =	vst v2;
	s12 =	spop (v2sf)  }
0x7b: {  	v2 =	vld [tilespmem:s12+$0x0];
	_ =	sdelay $0x4  }
0x7c: {  	v2 =	vadd.f32 v1, v2;
	_ =	sdelay $0x1  }
0x7d: {  	[tilespmem:s12+$0x0] =	vst v2;
	s12 =	spop (v2sf)  }
0x7e: {  	v2 =	vld [tilespmem:s12+$0x0]  }
.Ltmp1:
0x7f: {  	(pc) =	sbr.rel @p0 .LBB2_4-.Ltmp1, $2  }
0x80: {  	_ =	sdelay $0x2  }
0x81: {  	v2 =	vadd.f32 v1, v2  }
0x82: {  	_ = 	snop  }
0x83: {  	s10 =	sshra.s32 s10, $0x2;
	[tilespmem:s12+$0x0] =	vst v2  }
0x84: {  	v2 =	vld [tilespmem:s10+$0x0];
	_ =	sdelay $0x4  }
0x85: {  	v2 =	vadd.s32 $0x2780, v2  }
0x86: {  	(v2sf) =	vpush v2, $0x0;
	_ =	sdelay $0x7  }
0x87: {  	(v2sf) =	vpush v2, $0x1;
	_ =	sdelay $0x6  }
0x88: {  	s15 =	spop (v2sf)  }
0x89: {  	(v2sf) =	vpush v2, $0x2;
	v3 =	vld [tilespmem:s15+$0x0];
	_ =	sdelay $0x4  }
0x8a: {  	v3 =	vadd.f32 v1, v3;
	_ =	sdelay $0x1  }
0x8b: {  	s16 =	spop (v2sf);
	[tilespmem:s15+$0x0] =	vst v3  }
0x8c: {  	(v2sf) =	vpush v2, $0x3;
	v3 =	vld [tilespmem:s16+$0x0];
	_ =	sdelay $0x4  }
0x8d: {  	v3 =	vadd.f32 v1, v3;
	_ =	sdelay $0x1  }
0x8e: {  	s17 =	spop (v2sf);
	[tilespmem:s16+$0x0] =	vst v3  }
0x8f: {  	(v2sf) =	vpush v2, $0x4;
	v3 =	vld [tilespmem:s17+$0x0];
	_ =	sdelay $0x4  }
0x90: {  	v3 =	vadd.f32 v1, v3;
	_ =	sdelay $0x1  }
0x91: {  	s18 =	spop (v2sf);
	[tilespmem:s17+$0x0] =	vst v3  }
0x92: {  	(v2sf) =	vpush v2, $0x5;
	v3 =	vld [tilespmem:s18+$0x0];
	_ =	sdelay $0x4  }
0x93: {  	v3 =	vadd.f32 v1, v3;
	_ =	sdelay $0x1  }
0x94: {  	s19 =	spop (v2sf);
	[tilespmem:s18+$0x0] =	vst v3  }
0x95: {  	(v2sf) =	vpush v2, $0x6;
	v3 =	vld [tilespmem:s19+$0x0];
	_ =	sdelay $0x4  }
0x96: {  	v3 =	vadd.f32 v1, v3;
	_ =	sdelay $0x1  }
0x97: {  	s20 =	spop (v2sf);
	[tilespmem:s19+$0x0] =	vst v3  }
0x98: {  	(v2sf) =	vpush v2, $0x7;
	v3 =	vld [tilespmem:s20+$0x0];
	_ =	sdelay $0x4  }
0x99: {  	v3 =	vadd.f32 v1, v3;
	_ =	sdelay $0x1  }
0x9a: {  	s21 =	spop (v2sf);
	[tilespmem:s20+$0x0] =	vst v3  }
0x9b: {  	(v2sf) =	vpush v2, $0x8;
	v3 =	vld [tilespmem:s21+$0x0];
	_ =	sdelay $0x4  }
0x9c: {  	v3 =	vadd.f32 v1, v3;
	_ =	sdelay $0x1  }
0x9d: {  	s22 =	spop (v2sf);
	[tilespmem:s21+$0x0] =	vst v3  }
0x9e: {  	(v2sf) =	vpush v2, $0x9;
	v3 =	vld [tilespmem:s22+$0x0];
	_ =	sdelay $0x4  }
0x9f: {  	v3 =	vadd.f32 v1, v3;
	_ =	sdelay $0x1  }
0xa0: {  	s23 =	spop (v2sf);
	[tilespmem:s22+$0x0] =	vst v3  }
0xa1: {  	(v2sf) =	vpush v2, $0xA;
	v3 =	vld [tilespmem:s23+$0x0];
	_ =	sdelay $0x4  }
0xa2: {  	v3 =	vadd.f32 v1, v3;
	_ =	sdelay $0x1  }
0xa3: {  	s24 =	spop (v2sf);
	[tilespmem:s23+$0x0] =	vst v3  }
0xa4: {  	(v2sf) =	vpush v2, $0xB;
	v3 =	vld [tilespmem:s24+$0x0];
	_ =	sdelay $0x4  }
0xa5: {  	v3 =	vadd.f32 v1, v3;
	_ =	sdelay $0x1  }
0xa6: {  	s25 =	spop (v2sf);
	[tilespmem:s24+$0x0] =	vst v3  }
0xa7: {  	(v2sf) =	vpush v2, $0xC;
	v3 =	vld [tilespmem:s25+$0x0];
	_ =	sdelay $0x4  }
0xa8: {  	v3 =	vadd.f32 v1, v3;
	_ =	sdelay $0x1  }
0xa9: {  	s26 =	spop (v2sf);
	[tilespmem:s25+$0x0] =	vst v3  }
0xaa: {  	(v2sf) =	vpush v2, $0xD;
	v3 =	vld [tilespmem:s26+$0x0];
	_ =	sdelay $0x4  }
0xab: {  	v3 =	vadd.f32 v1, v3;
	_ =	sdelay $0x1  }
0xac: {  	s28 =	spop (v2sf);
	[tilespmem:s26+$0x0] =	vst v3  }
0xad: {  	(v2sf) =	vpush v2, $0xE;
	v3 =	vld [tilespmem:s28+$0x0];
	_ =	sdelay $0x4  }
0xae: {  	v3 =	vadd.f32 v1, v3;
	_ =	sdelay $0x1  }
0xaf: {  	s29 =	spop (v2sf);
	[tilespmem:s28+$0x0] =	vst v3  }
0xb0: {  	(v2sf) =	vpush v2, $0xF;
	v3 =	vld [tilespmem:s29+$0x0];
	_ =	sdelay $0x4  }
0xb1: {  	v2 =	vadd.f32 v1, v3;
	_ =	sdelay $0x1  }
0xb2: {  	s30 =	spop (v2sf);
	[tilespmem:s29+$0x0] =	vst v2  }
0xb3: {  	v2 =	vld [tilespmem:s30+$0x0];
	_ =	sdelay $0x4  }
0xb4: {  	v2 =	vadd.f32 v1, v2;
	_ =	sdelay $0x1  }
0xb5: {  	s31 =	spop (v2sf);
	[tilespmem:s30+$0x0] =	vst v2  }
0xb6: {  	v2 =	vld [tilespmem:s31+$0x0];
	_ =	sdelay $0x4  }
0xb7: {  	s2 =	sadd.s32 $0x1, s2;
	v2 =	vadd.f32 v1, v2  }
0xb8: {  	p0 =	sne.s32 s2, s5  }
.Ltmp2:
0xb9: {  	[tilespmem:s31+$0x0] =	vst v2;
	(pc) =	sbr.rel @p0 .LBB2_1-.Ltmp2, $4  }
0xba: {  	[hbm4b:s4+s6] =	stream.strided.scatter [tilespmem:s9], [sflag:$0x1], $0x2800, s7, s6, $0x38;
	[tilespmem:$0x4F80] =	vst v63  }
0xbb: {  	_ =	swait.ge [sflag:s8], $0x2800  }
0xbc: {  	[sflag:s8] =	ssyncset.done $0x0  }
0xbd: {  	[sflag:s8] =	ssyncadd.s32 $0xFFFFD800  }
0xbe: {  	_ =	sfence.sel $0x180000  }
0xbf: {  	[bflag:$0x0] =	sbarrier.arrive $0xFFFF  }
0xc0: {  	p0 =	sne.s32 s1, $0x0;
	_ =	strace $0x9000004A  }
0xc1: {  	s0 =	sadd.s32 @!p0 $0x100000, s0;
	[bflag:$0x2] =	sbarrier.arrive $0xFFFF  }
0xc2: {  	[sflag:s0] =	ssyncadd.tile.s32 @!p0 $0x1;
	_ =	shalt  }
.Lfunc_end2:
_tile_overlayer_lowered:
.L_overlay_start_2:
0xc3: {  	(tag) =	ssettag $0x2  }
0xc4: {  	s0 =	rddreg [dreg:$0x0];
	s2 =	stileid.u32  }
0xc5: {  	s1 =	rddreg [dreg:$0x1];
	p0 =	sne.s32 s2, $0x0  }
0xc6: {  	s3 =	rddreg [dreg:$0x2];
	[bflag:$0x3] =	sbarrier.arrive $0xFFFF;
	s2 =	simm.s32 @!p0 $0x1C01  }
0xc7: {  	[timem:s3], [sflag:s2] =	dma.local @!p0 [hbm:s0], s1  }
0xc8: {  	s0 =	simm.s32 @!p0 $0x1  }
0xc9: {  	_ =	swait.ge @!p0 [sflag:s0], s1  }
0xca: {  	s1 =	ssub.s32 @!p0 $0x0, s1;
	[sflag:s0] =	ssyncset.done @!p0 $0x0  }
0xcb: {  	[sflag:s0] =	ssyncadd.s32 @!p0 s1  }
0xcc: {  	[bflag:$0x3] =	sbarrier.arrive $0xFFFF  }
0xcd: {  	_ =	shalt  }

</sc_bundles>
